<compile_context>
chip_gen: v7x
topology: tpu7x:2x2x1
jax: 0.10.2.dev20260603
libtpu: 0.0.44.dev20260713+nightly
codegen_flags: <defaults>
</compile_context>

<pallas_src>
import functools

import jax
import jax.numpy as jnp
from jax import lax
from jax.experimental import pallas as pl
from jax.experimental.pallas import tpu as pltpu
from jax.experimental.pallas import tpu_sc as plsc

_ROWS = 64
_COLS = 8192
_NC = 2
_NS = 16
_RPW = 2
_L = 16
_UNROLL = 8
_NACC = 4
_NSEG = 4
_SEG = _COLS // _NSEG
_SEG_GROUPS = _SEG // (_L * _UNROLL)

_INF = float("inf")


def _lex_better(ka, kb, bka, bkb):
    return (ka < bka) | ((ka == bka) & (kb < bkb))


def _combine(a, b):
    aka, akb, axl, axu = a
    bka, bkb, bxl, bxu = b
    better = _lex_better(bka, bkb, aka, akb)
    return (
        jnp.where(better, bka, aka),
        jnp.where(better, bkb, akb),
        jnp.where(better, bxl, axl),
        jnp.where(better, bxu, axu),
    )


def _fresh_accs():
    return tuple(
        (
            jnp.full((_L,), _INF, jnp.float32),
            jnp.full((_L,), _INF, jnp.float32),
            jnp.zeros((_L,), jnp.float32),
            jnp.zeros((_L,), jnp.float32),
        )
        for _ in range(_NACC)
    )


def _scan_segment(xlv, xuv, seg, accs):

    def body(g, carry):
        accs = list(carry)
        base = pl.multiple_of(seg * _SEG + g * (_L * _UNROLL), _L * _UNROLL)
        for j in range(_UNROLL):
            xlc = xlv[pl.ds(base + j * _L, _L)]
            xuc = xuv[pl.ds(base + j * _L, _L)]
            ka = jnp.float32(0.7) * xlc + jnp.float32(0.3) * xuc
            kb = (xlc + xuc) - ka
            bka, bkb, bxl, bxu = accs[j % _NACC]
            better = _lex_better(ka, kb, bka, bkb)
            accs[j % _NACC] = (
                jnp.where(better, ka, bka),
                jnp.where(better, kb, bkb),
                jnp.where(better, xlc, bxl),
                jnp.where(better, xuc, bxu),
            )
        return tuple(accs)

    return lax.fori_loop(0, _SEG_GROUPS, body, accs)


def _finish_row(accs, rot):
    accs = list(accs)
    while len(accs) > 1:
        accs = [_combine(accs[i], accs[i + 1]) for i in range(0, len(accs), 2)]
    bka, bkb, bxl, bxu = accs[0]
    for s in (1, 2, 4, 8):
        for i, v in enumerate((bka, bkb, bxl, bxu)):
            rot[pl.ds(32 * i, _L)] = v
            rot[pl.ds(32 * i + _L, _L)] = v
        w = (
            rot[pl.ds(s, _L)],
            rot[pl.ds(32 + s, _L)],
            rot[pl.ds(64 + s, _L)],
            rot[pl.ds(96 + s, _L)],
        )
        bka, bkb, bxl, bxu = _combine((bka, bkb, bxl, bxu), w)
    return bxl, bxu


def _sc_body(xl_hbm, xu_hbm, outl, outu, xl0, xu0, xl1, xu1, rot, resb, asm,
             shared, *sems):
    cc = lax.axis_index("c")
    ss = lax.axis_index("s")
    row0 = (cc * _NS + ss) * _RPW

    pairs = [(r, seg) for r in range(_RPW) for seg in range(_NSEG)]
    bufs = [(xl0, xu0), (xl1, xu1)]

    def fire(i):
        r, seg = pairs[i]
        xlb, xub = bufs[r]
        sl = pl.ds(seg * _SEG, _SEG)
        sem = sems[i % 4]
        return (
            pltpu.async_copy(xl_hbm.at[row0 + r, sl], xlb.at[sl], sem),
            pltpu.async_copy(xu_hbm.at[row0 + r, sl], xub.at[sl], sem),
        )

    inflight = {i: fire(i) for i in range(4)}

    lanes = lax.iota(jnp.int32, _L)
    winners = []
    accs = _fresh_accs()
    for i, (r, seg) in enumerate(pairs):
        cpa, cpb = inflight.pop(i)
        cpa.wait()
        cpb.wait()
        if i + 4 < len(pairs):
            inflight[i + 4] = fire(i + 4)
        xlb, xub = bufs[r]
        accs = _scan_segment(xlb, xub, seg, accs)
        if seg == _NSEG - 1:
            winners.append(_finish_row(accs, rot))
            accs = _fresh_accs()

    (xl_w0, xu_w0), (xl_w1, xu_w1) = winners

    acc = jnp.where(lanes == 0, xl_w0, jnp.zeros((_L,), jnp.float32))
    acc = jnp.where(lanes == 1, xl_w1, acc)
    acc = jnp.where(lanes == 2, xu_w0, acc)
    acc = jnp.where(lanes == 3, xu_w1, acc)
    resb[...] = acc
    pltpu.sync_copy(resb, shared.at[pl.ds(ss * _L, _L)])
    plsc.subcore_barrier()

    @pl.when(ss == 0)
    def _():
        pltpu.sync_copy(shared, asm.at[pl.ds(0, _NS * _L)])
        accl0 = jnp.zeros((_L,), jnp.float32)
        accl1 = jnp.zeros((_L,), jnp.float32)
        accu0 = jnp.zeros((_L,), jnp.float32)
        accu1 = jnp.zeros((_L,), jnp.float32)
        for r in range(_NS):
            vr = asm[pl.ds(r * _L, _L)]
            asm[pl.ds(256, _L)] = vr
            asm[pl.ds(256 + _L, _L)] = vr
            lane0 = (2 * r) % _L
            m = (lanes == lane0) | (lanes == lane0 + 1)
            rl = asm[pl.ds(256 + (_L - lane0) % _L, _L)]
            ru = asm[pl.ds(256 + (_L - lane0) % _L + 2, _L)]
            if r < 8:
                accl0 = jnp.where(m, rl, accl0)
                accu0 = jnp.where(m, ru, accu0)
            else:
                accl1 = jnp.where(m, rl, accl1)
                accu1 = jnp.where(m, ru, accu1)
        asm[pl.ds(0, _L)] = accl0
        asm[pl.ds(_L, _L)] = accl1
        asm[pl.ds(2 * _L, _L)] = accu0
        asm[pl.ds(3 * _L, _L)] = accu1
        base = cc * _NS * _RPW
        pltpu.sync_copy(asm.at[pl.ds(0, 2 * _L)], outl.at[pl.ds(base, 2 * _L)])
        pltpu.sync_copy(asm.at[pl.ds(2 * _L, 2 * _L)],
                        outu.at[pl.ds(base, 2 * _L)])


_sc_call = functools.partial(
    pl.kernel,
    mesh=plsc.VectorSubcoreMesh(core_axis_name="c", subcore_axis_name="s"),
    out_type=(
        jax.ShapeDtypeStruct((_ROWS,), jnp.float32),
        jax.ShapeDtypeStruct((_ROWS,), jnp.float32),
    ),
    scratch_types=[
        pltpu.VMEM((_COLS,), jnp.float32),
        pltpu.VMEM((_COLS,), jnp.float32),
        pltpu.VMEM((_COLS,), jnp.float32),
        pltpu.VMEM((_COLS,), jnp.float32),
        pltpu.VMEM((128,), jnp.float32),
        pltpu.VMEM((_L,), jnp.float32),
        pltpu.VMEM((256 + 2 * _L + 2,), jnp.float32),
        pltpu.VMEM_SHARED((_NS * _L,), jnp.float32),
        pltpu.SemaphoreType.DMA,
        pltpu.SemaphoreType.DMA,
        pltpu.SemaphoreType.DMA,
        pltpu.SemaphoreType.DMA,
    ],
)(_sc_body)


@jax.jit
def kernel(xl, xu):
    outl, outu = _sc_call(xl, xu)
    return outl.reshape(_ROWS, 1), outu.reshape(_ROWS, 1)

# --- scband reference (transcript-rebuilt; emitter-appended) ---
"""Pipeline reference for scband-ordered-66640712564828 (READ-ONLY COPY).

The authoritative reference and input builder live on the scoring server;
editing this copy changes nothing except your own understanding.
"""

import jax, jax.numpy as jnp
import numpy as np

ALPHA = 0.3
BETA = 0.7


def setup_inputs(seed: int = 0) -> dict:
    key = jax.random.key(seed)
    k1, k2 = jax.random.split(key)
    xl = jax.random.normal(k1, (64, 8192), dtype=jnp.float32)
    # ensure xu >= xl so (xl, xu) are valid intervals
    xu = xl + jax.random.uniform(k2, (64, 8192), dtype=jnp.float32)
    return {"xl": xl, "xu": xu}


def reference(xl, xu):
    k_alpha = (1.0 - ALPHA) * xl + ALPHA * xu
    min_k_alpha = jnp.min(k_alpha, axis=1, keepdims=True)
    k_beta = (1.0 - BETA) * xl + BETA * xu
    is_min_alpha = k_alpha == min_k_alpha
    k_beta_masked = jnp.where(is_min_alpha, k_beta, jnp.full_like(k_beta, jnp.inf))
    final_indices = jnp.argmin(k_beta_masked, axis=1, keepdims=True)
    resultl = jnp.take_along_axis(xl, final_indices, axis=1)
    resultu = jnp.take_along_axis(xu, final_indices, axis=1)
    return (resultl, resultu)

if __name__ == "__main__":
    import jax
    _d = setup_inputs()
    print(jax.jit(kernel)(*tuple(_d.values())))

</pallas_src>

<mosaic_0001>
#map = affine_map<(d0, d1) -> (0, 0)>
#map1 = affine_map<(d0, d1) -> (0)>
module attributes {stable_mosaic.version = 14 : i64} {
  func.func @_sc_body(%arg0: i32, %arg1: i32, %arg2: memref<64x8192xf32, #tpu.memory_space<hbm>>, %arg3: memref<64x8192xf32, #tpu.memory_space<hbm>>, %arg4: memref<64xf32, #tpu.memory_space<hbm>>, %arg5: memref<64xf32, #tpu.memory_space<hbm>>, %arg6: memref<8192xf32, #tpu.memory_space<vmem>>, %arg7: memref<8192xf32, #tpu.memory_space<vmem>>, %arg8: memref<8192xf32, #tpu.memory_space<vmem>>, %arg9: memref<8192xf32, #tpu.memory_space<vmem>>, %arg10: memref<128xf32, #tpu.memory_space<vmem>>, %arg11: memref<16xf32, #tpu.memory_space<vmem>>, %arg12: memref<290xf32, #tpu.memory_space<vmem>>, %arg13: memref<256xf32, #tpu.memory_space<vmem_shared>>, %arg14: memref<!tpu.dma_semaphore, #tpu.memory_space<semaphore_mem>>, %arg15: memref<!tpu.dma_semaphore, #tpu.memory_space<semaphore_mem>>, %arg16: memref<!tpu.dma_semaphore, #tpu.memory_space<semaphore_mem>>, %arg17: memref<!tpu.dma_semaphore, #tpu.memory_space<semaphore_mem>>) attributes {dimension_semantics = [#tpu.dimension_semantics<core_parallel>, #tpu.dimension_semantics<subcore_parallel>], iteration_bounds = array<i64: 2, 16>, scalar_prefetch = 0 : i64, scratch_operands = 12 : i64, tpu.core_type = #tpu.core_type<sc_vector_subcore>, window_params = [{transform_indices = #map}, {transform_indices = #map}, {transform_indices = #map1}, {transform_indices = #map1}]} {
    %mul3A = arith.constant 16 : i32
    %mul3A_0 = arith.muli %arg0, %mul3A : i32
    %add3A = arith.addi %mul3A_0, %arg1 : i32
    %mul3A_1 = arith.constant 2 : i32
    %mul3A_2 = arith.muli %add3A, %mul3A_1 : i32
    %add3A_3 = arith.constant 0 : i32
    %add3A_4 = arith.addi %mul3A_2, %add3A_3 : i32
    %dma_start3A = arith.constant 0 : i32
    %dma_start3A_5 = tpu.memref_slice %arg6[%dma_start3A] : memref<8192xf32, #tpu.memory_space<vmem>> -> memref<2048xf32, #tpu.memory_space<vmem>>
    %dma_start3A_6 = arith.constant 0 : i32
    %dma_start3A_7 = tpu.memref_slice %arg2[%add3A_4, %dma_start3A_6] : memref<64x8192xf32, #tpu.memory_space<hbm>> -> memref<1x2048xf32, #tpu.memory_space<hbm>>
    %dma_start3A_8 = tpu.memref_squeeze %dma_start3A_7 : memref<1x2048xf32, #tpu.memory_space<hbm>> -> memref<2048xf32, #tpu.memory_space<hbm>>
    %dma_start3A_9 = arith.constant 0 : i32
    %dma_start3A_10 = tpu.memref_slice %arg6[%dma_start3A_9] : memref<8192xf32, #tpu.memory_space<vmem>> -> memref<2048xf32, #tpu.memory_space<vmem>>
    %dma_start3A_11 = arith.constant 0 : i32
    %dma_start3A_12 = tpu.memref_slice %arg2[%add3A_4, %dma_start3A_11] : memref<64x8192xf32, #tpu.memory_space<hbm>> -> memref<1x2048xf32, #tpu.memory_space<hbm>>
    %dma_start3A_13 = tpu.memref_squeeze %dma_start3A_12 : memref<1x2048xf32, #tpu.memory_space<hbm>> -> memref<2048xf32, #tpu.memory_space<hbm>>
    tpu.enqueue_dma source(%dma_start3A_13 : memref<2048xf32, #tpu.memory_space<hbm>>) target(%dma_start3A_10 : memref<2048xf32, #tpu.memory_space<vmem>>) target_semaphore(%arg14 : memref<!tpu.dma_semaphore, #tpu.memory_space<semaphore_mem>>)
    %add3A_14 = arith.constant 0 : i32
    %add3A_15 = arith.addi %mul3A_2, %add3A_14 : i32
    %dma_start3A_16 = arith.constant 0 : i32
    %dma_start3A_17 = tpu.memref_slice %arg7[%dma_start3A_16] : memref<8192xf32, #tpu.memory_space<vmem>> -> memref<2048xf32, #tpu.memory_space<vmem>>
    %dma_start3A_18 = arith.constant 0 : i32
    %dma_start3A_19 = tpu.memref_slice %arg3[%add3A_15, %dma_start3A_18] : memref<64x8192xf32, #tpu.memory_space<hbm>> -> memref<1x2048xf32, #tpu.memory_space<hbm>>
    %dma_start3A_20 = tpu.memref_squeeze %dma_start3A_19 : memref<1x2048xf32, #tpu.memory_space<hbm>> -> memref<2048xf32, #tpu.memory_space<hbm>>
    %dma_start3A_21 = arith.constant 0 : i32
    %dma_start3A_22 = tpu.memref_slice %arg7[%dma_start3A_21] : memref<8192xf32, #tpu.memory_space<vmem>> -> memref<2048xf32, #tpu.memory_space<vmem>>
    %dma_start3A_23 = arith.constant 0 : i32
    %dma_start3A_24 = tpu.memref_slice %arg3[%add3A_15, %dma_start3A_23] : memref<64x8192xf32, #tpu.memory_space<hbm>> -> memref<1x2048xf32, #tpu.memory_space<hbm>>
    %dma_start3A_25 = tpu.memref_squeeze %dma_start3A_24 : memref<1x2048xf32, #tpu.memory_space<hbm>> -> memref<2048xf32, #tpu.memory_space<hbm>>
    tpu.enqueue_dma source(%dma_start3A_25 : memref<2048xf32, #tpu.memory_space<hbm>>) target(%dma_start3A_22 : memref<2048xf32, #tpu.memory_space<vmem>>) target_semaphore(%arg14 : memref<!tpu.dma_semaphore, #tpu.memory_space<semaphore_mem>>)
    %add3A_26 = arith.constant 0 : i32
    %add3A_27 = arith.addi %mul3A_2, %add3A_26 : i32
    %dma_start3A_28 = arith.constant 2048 : i32
    %dma_start3A_29 = tpu.memref_slice %arg6[%dma_start3A_28] : memref<8192xf32, #tpu.memory_space<vmem>> -> memref<2048xf32, #tpu.memory_space<vmem>>
    %dma_start3A_30 = arith.constant 2048 : i32
    %dma_start3A_31 = tpu.memref_slice %arg2[%add3A_27, %dma_start3A_30] : memref<64x8192xf32, #tpu.memory_space<hbm>> -> memref<1x2048xf32, #tpu.memory_space<hbm>>
    %dma_start3A_32 = tpu.memref_squeeze %dma_start3A_31 : memref<1x2048xf32, #tpu.memory_space<hbm>> -> memref<2048xf32, #tpu.memory_space<hbm>>
    %dma_start3A_33 = arith.constant 2048 : i32
    %dma_start3A_34 = tpu.memref_slice %arg6[%dma_start3A_33] : memref<8192xf32, #tpu.memory_space<vmem>> -> memref<2048xf32, #tpu.memory_space<vmem>>
    %dma_start3A_35 = arith.constant 2048 : i32
    %dma_start3A_36 = tpu.memref_slice %arg2[%add3A_27, %dma_start3A_35] : memref<64x8192xf32, #tpu.memory_space<hbm>> -> memref<1x2048xf32, #tpu.memory_space<hbm>>
    %dma_start3A_37 = tpu.memref_squeeze %dma_start3A_36 : memref<1x2048xf32, #tpu.memory_space<hbm>> -> memref<2048xf32, #tpu.memory_space<hbm>>
    tpu.enqueue_dma source(%dma_start3A_37 : memref<2048xf32, #tpu.memory_space<hbm>>) target(%dma_start3A_34 : memref<2048xf32, #tpu.memory_space<vmem>>) target_semaphore(%arg15 : memref<!tpu.dma_semaphore, #tpu.memory_space<semaphore_mem>>)
    %add3A_38 = arith.constant 0 : i32
    %add3A_39 = arith.addi %mul3A_2, %add3A_38 : i32
    %dma_start3A_40 = arith.constant 2048 : i32
    %dma_start3A_41 = tpu.memref_slice %arg7[%dma_start3A_40] : memref<8192xf32, #tpu.memory_space<vmem>> -> memref<2048xf32, #tpu.memory_space<vmem>>
    %dma_start3A_42 = arith.constant 2048 : i32
    %dma_start3A_43 = tpu.memref_slice %arg3[%add3A_39, %dma_start3A_42] : memref<64x8192xf32, #tpu.memory_space<hbm>> -> memref<1x2048xf32, #tpu.memory_space<hbm>>
    %dma_start3A_44 = tpu.memref_squeeze %dma_start3A_43 : memref<1x2048xf32, #tpu.memory_space<hbm>> -> memref<2048xf32, #tpu.memory_space<hbm>>
    %dma_start3A_45 = arith.constant 2048 : i32
    %dma_start3A_46 = tpu.memref_slice %arg7[%dma_start3A_45] : memref<8192xf32, #tpu.memory_space<vmem>> -> memref<2048xf32, #tpu.memory_space<vmem>>
    %dma_start3A_47 = arith.constant 2048 : i32
    %dma_start3A_48 = tpu.memref_slice %arg3[%add3A_39, %dma_start3A_47] : memref<64x8192xf32, #tpu.memory_space<hbm>> -> memref<1x2048xf32, #tpu.memory_space<hbm>>
    %dma_start3A_49 = tpu.memref_squeeze %dma_start3A_48 : memref<1x2048xf32, #tpu.memory_space<hbm>> -> memref<2048xf32, #tpu.memory_space<hbm>>
    tpu.enqueue_dma source(%dma_start3A_49 : memref<2048xf32, #tpu.memory_space<hbm>>) target(%dma_start3A_46 : memref<2048xf32, #tpu.memory_space<vmem>>) target_semaphore(%arg15 : memref<!tpu.dma_semaphore, #tpu.memory_space<semaphore_mem>>)
    %add3A_50 = arith.constant 0 : i32
    %add3A_51 = arith.addi %mul3A_2, %add3A_50 : i32
    %dma_start3A_52 = arith.constant 4096 : i32
    %dma_start3A_53 = tpu.memref_slice %arg6[%dma_start3A_52] : memref<8192xf32, #tpu.memory_space<vmem>> -> memref<2048xf32, #tpu.memory_space<vmem>>
    %dma_start3A_54 = arith.constant 4096 : i32
    %dma_start3A_55 = tpu.memref_slice %arg2[%add3A_51, %dma_start3A_54] : memref<64x8192xf32, #tpu.memory_space<hbm>> -> memref<1x2048xf32, #tpu.memory_space<hbm>>
    %dma_start3A_56 = tpu.memref_squeeze %dma_start3A_55 : memref<1x2048xf32, #tpu.memory_space<hbm>> -> memref<2048xf32, #tpu.memory_space<hbm>>
    %dma_start3A_57 = arith.constant 4096 : i32
    %dma_start3A_58 = tpu.memref_slice %arg6[%dma_start3A_57] : memref<8192xf32, #tpu.memory_space<vmem>> -> memref<2048xf32, #tpu.memory_space<vmem>>
    %dma_start3A_59 = arith.constant 4096 : i32
    %dma_start3A_60 = tpu.memref_slice %arg2[%add3A_51, %dma_start3A_59] : memref<64x8192xf32, #tpu.memory_space<hbm>> -> memref<1x2048xf32, #tpu.memory_space<hbm>>
    %dma_start3A_61 = tpu.memref_squeeze %dma_start3A_60 : memref<1x2048xf32, #tpu.memory_space<hbm>> -> memref<2048xf32, #tpu.memory_space<hbm>>
    tpu.enqueue_dma source(%dma_start3A_61 : memref<2048xf32, #tpu.memory_space<hbm>>) target(%dma_start3A_58 : memref<2048xf32, #tpu.memory_space<vmem>>) target_semaphore(%arg16 : memref<!tpu.dma_semaphore, #tpu.memory_space<semaphore_mem>>)
    %add3A_62 = arith.constant 0 : i32
    %add3A_63 = arith.addi %mul3A_2, %add3A_62 : i32
    %dma_start3A_64 = arith.constant 4096 : i32
    %dma_start3A_65 = tpu.memref_slice %arg7[%dma_start3A_64] : memref<8192xf32, #tpu.memory_space<vmem>> -> memref<2048xf32, #tpu.memory_space<vmem>>
    %dma_start3A_66 = arith.constant 4096 : i32
    %dma_start3A_67 = tpu.memref_slice %arg3[%add3A_63, %dma_start3A_66] : memref<64x8192xf32, #tpu.memory_space<hbm>> -> memref<1x2048xf32, #tpu.memory_space<hbm>>
    %dma_start3A_68 = tpu.memref_squeeze %dma_start3A_67 : memref<1x2048xf32, #tpu.memory_space<hbm>> -> memref<2048xf32, #tpu.memory_space<hbm>>
    %dma_start3A_69 = arith.constant 4096 : i32
    %dma_start3A_70 = tpu.memref_slice %arg7[%dma_start3A_69] : memref<8192xf32, #tpu.memory_space<vmem>> -> memref<2048xf32, #tpu.memory_space<vmem>>
    %dma_start3A_71 = arith.constant 4096 : i32
    %dma_start3A_72 = tpu.memref_slice %arg3[%add3A_63, %dma_start3A_71] : memref<64x8192xf32, #tpu.memory_space<hbm>> -> memref<1x2048xf32, #tpu.memory_space<hbm>>
    %dma_start3A_73 = tpu.memref_squeeze %dma_start3A_72 : memref<1x2048xf32, #tpu.memory_space<hbm>> -> memref<2048xf32, #tpu.memory_space<hbm>>
    tpu.enqueue_dma source(%dma_start3A_73 : memref<2048xf32, #tpu.memory_space<hbm>>) target(%dma_start3A_70 : memref<2048xf32, #tpu.memory_space<vmem>>) target_semaphore(%arg16 : memref<!tpu.dma_semaphore, #tpu.memory_space<semaphore_mem>>)
    %add3A_74 = arith.constant 0 : i32
    %add3A_75 = arith.addi %mul3A_2, %add3A_74 : i32
    %dma_start3A_76 = arith.constant 6144 : i32
    %dma_start3A_77 = tpu.memref_slice %arg6[%dma_start3A_76] : memref<8192xf32, #tpu.memory_space<vmem>> -> memref<2048xf32, #tpu.memory_space<vmem>>
    %dma_start3A_78 = arith.constant 6144 : i32
    %dma_start3A_79 = tpu.memref_slice %arg2[%add3A_75, %dma_start3A_78] : memref<64x8192xf32, #tpu.memory_space<hbm>> -> memref<1x2048xf32, #tpu.memory_space<hbm>>
    %dma_start3A_80 = tpu.memref_squeeze %dma_start3A_79 : memref<1x2048xf32, #tpu.memory_space<hbm>> -> memref<2048xf32, #tpu.memory_space<hbm>>
    %dma_start3A_81 = arith.constant 6144 : i32
    %dma_start3A_82 = tpu.memref_slice %arg6[%dma_start3A_81] : memref<8192xf32, #tpu.memory_space<vmem>> -> memref<2048xf32, #tpu.memory_space<vmem>>
    %dma_start3A_83 = arith.constant 6144 : i32
    %dma_start3A_84 = tpu.memref_slice %arg2[%add3A_75, %dma_start3A_83] : memref<64x8192xf32, #tpu.memory_space<hbm>> -> memref<1x2048xf32, #tpu.memory_space<hbm>>
    %dma_start3A_85 = tpu.memref_squeeze %dma_start3A_84 : memref<1x2048xf32, #tpu.memory_space<hbm>> -> memref<2048xf32, #tpu.memory_space<hbm>>
    tpu.enqueue_dma source(%dma_start3A_85 : memref<2048xf32, #tpu.memory_space<hbm>>) target(%dma_start3A_82 : memref<2048xf32, #tpu.memory_space<vmem>>) target_semaphore(%arg17 : memref<!tpu.dma_semaphore, #tpu.memory_space<semaphore_mem>>)
    %add3A_86 = arith.constant 0 : i32
    %add3A_87 = arith.addi %mul3A_2, %add3A_86 : i32
    %dma_start3A_88 = arith.constant 6144 : i32
    %dma_start3A_89 = tpu.memref_slice %arg7[%dma_start3A_88] : memref<8192xf32, #tpu.memory_space<vmem>> -> memref<2048xf32, #tpu.memory_space<vmem>>
    %dma_start3A_90 = arith.constant 6144 : i32
    %dma_start3A_91 = tpu.memref_slice %arg3[%add3A_87, %dma_start3A_90] : memref<64x8192xf32, #tpu.memory_space<hbm>> -> memref<1x2048xf32, #tpu.memory_space<hbm>>
    %dma_start3A_92 = tpu.memref_squeeze %dma_start3A_91 : memref<1x2048xf32, #tpu.memory_space<hbm>> -> memref<2048xf32, #tpu.memory_space<hbm>>
    %dma_start3A_93 = arith.constant 6144 : i32
    %dma_start3A_94 = tpu.memref_slice %arg7[%dma_start3A_93] : memref<8192xf32, #tpu.memory_space<vmem>> -> memref<2048xf32, #tpu.memory_space<vmem>>
    %dma_start3A_95 = arith.constant 6144 : i32
    %dma_start3A_96 = tpu.memref_slice %arg3[%add3A_87, %dma_start3A_95] : memref<64x8192xf32, #tpu.memory_space<hbm>> -> memref<1x2048xf32, #tpu.memory_space<hbm>>
    %dma_start3A_97 = tpu.memref_squeeze %dma_start3A_96 : memref<1x2048xf32, #tpu.memory_space<hbm>> -> memref<2048xf32, #tpu.memory_space<hbm>>
    tpu.enqueue_dma source(%dma_start3A_97 : memref<2048xf32, #tpu.memory_space<hbm>>) target(%dma_start3A_94 : memref<2048xf32, #tpu.memory_space<vmem>>) target_semaphore(%arg17 : memref<!tpu.dma_semaphore, #tpu.memory_space<semaphore_mem>>)
    %iota3A = tpu.iota {dimensions = array<i32: 0>} : vector<16xi32>
    %broadcast_in_dim3A = arith.constant 0x7F800000 : f32
    %broadcast_in_dim3A_98 = vector.broadcast %broadcast_in_dim3A : f32 to vector<16xf32>
    %broadcast_in_dim3A_99 = arith.constant 0x7F800000 : f32
    %broadcast_in_dim3A_100 = vector.broadcast %broadcast_in_dim3A_99 : f32 to vector<16xf32>
    %broadcast_in_dim3A_101 = arith.constant 0.000000e+00 : f32
    %broadcast_in_dim3A_102 = vector.broadcast %broadcast_in_dim3A_101 : f32 to vector<16xf32>
    %broadcast_in_dim3A_103 = arith.constant 0.000000e+00 : f32
    %broadcast_in_dim3A_104 = vector.broadcast %broadcast_in_dim3A_103 : f32 to vector<16xf32>
    %broadcast_in_dim3A_105 = arith.constant 0x7F800000 : f32
    %broadcast_in_dim3A_106 = vector.broadcast %broadcast_in_dim3A_105 : f32 to vector<16xf32>
    %broadcast_in_dim3A_107 = arith.constant 0x7F800000 : f32
    %broadcast_in_dim3A_108 = vector.broadcast %broadcast_in_dim3A_107 : f32 to vector<16xf32>
    %broadcast_in_dim3A_109 = arith.constant 0.000000e+00 : f32
    %broadcast_in_dim3A_110 = vector.broadcast %broadcast_in_dim3A_109 : f32 to vector<16xf32>
    %broadcast_in_dim3A_111 = arith.constant 0.000000e+00 : f32
    %broadcast_in_dim3A_112 = vector.broadcast %broadcast_in_dim3A_111 : f32 to vector<16xf32>
    %broadcast_in_dim3A_113 = arith.constant 0x7F800000 : f32
    %broadcast_in_dim3A_114 = vector.broadcast %broadcast_in_dim3A_113 : f32 to vector<16xf32>
    %broadcast_in_dim3A_115 = arith.constant 0x7F800000 : f32
    %broadcast_in_dim3A_116 = vector.broadcast %broadcast_in_dim3A_115 : f32 to vector<16xf32>
    %broadcast_in_dim3A_117 = arith.constant 0.000000e+00 : f32
    %broadcast_in_dim3A_118 = vector.broadcast %broadcast_in_dim3A_117 : f32 to vector<16xf32>
    %broadcast_in_dim3A_119 = arith.constant 0.000000e+00 : f32
    %broadcast_in_dim3A_120 = vector.broadcast %broadcast_in_dim3A_119 : f32 to vector<16xf32>
    %broadcast_in_dim3A_121 = arith.constant 0x7F800000 : f32
    %broadcast_in_dim3A_122 = vector.broadcast %broadcast_in_dim3A_121 : f32 to vector<16xf32>
    %broadcast_in_dim3A_123 = arith.constant 0x7F800000 : f32
    %broadcast_in_dim3A_124 = vector.broadcast %broadcast_in_dim3A_123 : f32 to vector<16xf32>
    %broadcast_in_dim3A_125 = arith.constant 0.000000e+00 : f32
    %broadcast_in_dim3A_126 = vector.broadcast %broadcast_in_dim3A_125 : f32 to vector<16xf32>
    %broadcast_in_dim3A_127 = arith.constant 0.000000e+00 : f32
    %broadcast_in_dim3A_128 = vector.broadcast %broadcast_in_dim3A_127 : f32 to vector<16xf32>
    %dma_wait3A = arith.constant 0 : i32
    %dma_wait3A_129 = tpu.memref_slice %arg6[%dma_wait3A] : memref<8192xf32, #tpu.memory_space<vmem>> -> memref<2048xf32, #tpu.memory_space<vmem>>
    %dma_wait3A_130 = arith.constant 0 : i32
    %dma_wait3A_131 = tpu.memref_slice %arg2[%add3A_4, %dma_wait3A_130] : memref<64x8192xf32, #tpu.memory_space<hbm>> -> memref<1x2048xf32, #tpu.memory_space<hbm>>
    %dma_wait3A_132 = tpu.memref_squeeze %dma_wait3A_131 : memref<1x2048xf32, #tpu.memory_space<hbm>> -> memref<2048xf32, #tpu.memory_space<hbm>>
    %dma_wait3A_133 = arith.constant 0 : i32
    %dma_wait3A_134 = tpu.memref_slice %arg6[%dma_wait3A_133] : memref<8192xf32, #tpu.memory_space<vmem>> -> memref<2048xf32, #tpu.memory_space<vmem>>
    %dma_wait3A_135 = arith.constant 0 : i32
    %dma_wait3A_136 = tpu.memref_slice %arg2[%add3A_4, %dma_wait3A_135] : memref<64x8192xf32, #tpu.memory_space<hbm>> -> memref<1x2048xf32, #tpu.memory_space<hbm>>
    %dma_wait3A_137 = tpu.memref_squeeze %dma_wait3A_136 : memref<1x2048xf32, #tpu.memory_space<hbm>> -> memref<2048xf32, #tpu.memory_space<hbm>>
    tpu.wait_dma2 semaphore(%arg14 : memref<!tpu.dma_semaphore, #tpu.memory_space<semaphore_mem>>) src(%dma_wait3A_137 : memref<2048xf32, #tpu.memory_space<hbm>>) dst(%dma_wait3A_134 : memref<2048xf32, #tpu.memory_space<vmem>>)
    %dma_wait3A_138 = arith.constant 0 : i32
    %dma_wait3A_139 = tpu.memref_slice %arg7[%dma_wait3A_138] : memref<8192xf32, #tpu.memory_space<vmem>> -> memref<2048xf32, #tpu.memory_space<vmem>>
    %dma_wait3A_140 = arith.constant 0 : i32
    %dma_wait3A_141 = tpu.memref_slice %arg3[%add3A_15, %dma_wait3A_140] : memref<64x8192xf32, #tpu.memory_space<hbm>> -> memref<1x2048xf32, #tpu.memory_space<hbm>>
    %dma_wait3A_142 = tpu.memref_squeeze %dma_wait3A_141 : memref<1x2048xf32, #tpu.memory_space<hbm>> -> memref<2048xf32, #tpu.memory_space<hbm>>
    %dma_wait3A_143 = arith.constant 0 : i32
    %dma_wait3A_144 = tpu.memref_slice %arg7[%dma_wait3A_143] : memref<8192xf32, #tpu.memory_space<vmem>> -> memref<2048xf32, #tpu.memory_space<vmem>>
    %dma_wait3A_145 = arith.constant 0 : i32
    %dma_wait3A_146 = tpu.memref_slice %arg3[%add3A_15, %dma_wait3A_145] : memref<64x8192xf32, #tpu.memory_space<hbm>> -> memref<1x2048xf32, #tpu.memory_space<hbm>>
    %dma_wait3A_147 = tpu.memref_squeeze %dma_wait3A_146 : memref<1x2048xf32, #tpu.memory_space<hbm>> -> memref<2048xf32, #tpu.memory_space<hbm>>
    tpu.wait_dma2 semaphore(%arg14 : memref<!tpu.dma_semaphore, #tpu.memory_space<semaphore_mem>>) src(%dma_wait3A_147 : memref<2048xf32, #tpu.memory_space<hbm>>) dst(%dma_wait3A_144 : memref<2048xf32, #tpu.memory_space<vmem>>)
    %add3A_148 = arith.constant 1 : i32
    %add3A_149 = arith.addi %mul3A_2, %add3A_148 : i32
    %dma_start3A_150 = arith.constant 0 : i32
    %dma_start3A_151 = tpu.memref_slice %arg8[%dma_start3A_150] : memref<8192xf32, #tpu.memory_space<vmem>> -> memref<2048xf32, #tpu.memory_space<vmem>>
    %dma_start3A_152 = arith.constant 0 : i32
    %dma_start3A_153 = tpu.memref_slice %arg2[%add3A_149, %dma_start3A_152] : memref<64x8192xf32, #tpu.memory_space<hbm>> -> memref<1x2048xf32, #tpu.memory_space<hbm>>
    %dma_start3A_154 = tpu.memref_squeeze %dma_start3A_153 : memref<1x2048xf32, #tpu.memory_space<hbm>> -> memref<2048xf32, #tpu.memory_space<hbm>>
    %dma_start3A_155 = arith.constant 0 : i32
    %dma_start3A_156 = tpu.memref_slice %arg8[%dma_start3A_155] : memref<8192xf32, #tpu.memory_space<vmem>> -> memref<2048xf32, #tpu.memory_space<vmem>>
    %dma_start3A_157 = arith.constant 0 : i32
    %dma_start3A_158 = tpu.memref_slice %arg2[%add3A_149, %dma_start3A_157] : memref<64x8192xf32, #tpu.memory_space<hbm>> -> memref<1x2048xf32, #tpu.memory_space<hbm>>
    %dma_start3A_159 = tpu.memref_squeeze %dma_start3A_158 : memref<1x2048xf32, #tpu.memory_space<hbm>> -> memref<2048xf32, #tpu.memory_space<hbm>>
    tpu.enqueue_dma source(%dma_start3A_159 : memref<2048xf32, #tpu.memory_space<hbm>>) target(%dma_start3A_156 : memref<2048xf32, #tpu.memory_space<vmem>>) target_semaphore(%arg14 : memref<!tpu.dma_semaphore, #tpu.memory_space<semaphore_mem>>)
    %add3A_160 = arith.constant 1 : i32
    %add3A_161 = arith.addi %mul3A_2, %add3A_160 : i32
    %dma_start3A_162 = arith.constant 0 : i32
    %dma_start3A_163 = tpu.memref_slice %arg9[%dma_start3A_162] : memref<8192xf32, #tpu.memory_space<vmem>> -> memref<2048xf32, #tpu.memory_space<vmem>>
    %dma_start3A_164 = arith.constant 0 : i32
    %dma_start3A_165 = tpu.memref_slice %arg3[%add3A_161, %dma_start3A_164] : memref<64x8192xf32, #tpu.memory_space<hbm>> -> memref<1x2048xf32, #tpu.memory_space<hbm>>
    %dma_start3A_166 = tpu.memref_squeeze %dma_start3A_165 : memref<1x2048xf32, #tpu.memory_space<hbm>> -> memref<2048xf32, #tpu.memory_space<hbm>>
    %dma_start3A_167 = arith.constant 0 : i32
    %dma_start3A_168 = tpu.memref_slice %arg9[%dma_start3A_167] : memref<8192xf32, #tpu.memory_space<vmem>> -> memref<2048xf32, #tpu.memory_space<vmem>>
    %dma_start3A_169 = arith.constant 0 : i32
    %dma_start3A_170 = tpu.memref_slice %arg3[%add3A_161, %dma_start3A_169] : memref<64x8192xf32, #tpu.memory_space<hbm>> -> memref<1x2048xf32, #tpu.memory_space<hbm>>
    %dma_start3A_171 = tpu.memref_squeeze %dma_start3A_170 : memref<1x2048xf32, #tpu.memory_space<hbm>> -> memref<2048xf32, #tpu.memory_space<hbm>>
    tpu.enqueue_dma source(%dma_start3A_171 : memref<2048xf32, #tpu.memory_space<hbm>>) target(%dma_start3A_168 : memref<2048xf32, #tpu.memory_space<vmem>>) target_semaphore(%arg14 : memref<!tpu.dma_semaphore, #tpu.memory_space<semaphore_mem>>)
    %scan3A = arith.constant 0 : i32
    %scan3A_172 = arith.constant 16 : i32
    %scan3A_173 = arith.addi %scan3A, %scan3A_172 : i32
    %scan3A_174 = arith.constant 1 : i32
    %scan3A_175:16 = scf.for %scan3A_993 = %scan3A to %scan3A_173 step %scan3A_174 iter_args(%scan3A_994 = %broadcast_in_dim3A_98, %scan3A_995 = %broadcast_in_dim3A_100, %scan3A_996 = %broadcast_in_dim3A_102, %scan3A_997 = %broadcast_in_dim3A_104, %scan3A_998 = %broadcast_in_dim3A_106, %scan3A_999 = %broadcast_in_dim3A_108, %scan3A_1000 = %broadcast_in_dim3A_110, %scan3A_1001 = %broadcast_in_dim3A_112, %scan3A_1002 = %broadcast_in_dim3A_114, %scan3A_1003 = %broadcast_in_dim3A_116, %scan3A_1004 = %broadcast_in_dim3A_118, %scan3A_1005 = %broadcast_in_dim3A_120, %scan3A_1006 = %broadcast_in_dim3A_122, %scan3A_1007 = %broadcast_in_dim3A_124, %scan3A_1008 = %broadcast_in_dim3A_126, %scan3A_1009 = %broadcast_in_dim3A_128) -> (vector<16xf32>, vector<16xf32>, vector<16xf32>, vector<16xf32>, vector<16xf32>, vector<16xf32>, vector<16xf32>, vector<16xf32>, vector<16xf32>, vector<16xf32>, vector<16xf32>, vector<16xf32>, vector<16xf32>, vector<16xf32>, vector<16xf32>, vector<16xf32>)  : i32 {
      %mul3A_1010 = arith.constant 128 : i32
      %mul3A_1011 = arith.muli %scan3A_993, %mul3A_1010 : i32
      %add3A_1012 = arith.constant 0 : i32
      %add3A_1013 = arith.addi %add3A_1012, %mul3A_1011 : i32
      %multiple_of3A = tpu.assume_multiple %add3A_1013, 128 : i32
      %add3A_1014 = arith.constant 0 : i32
      %add3A_1015 = arith.addi %multiple_of3A, %add3A_1014 : i32
      %get3A_1016 = arith.index_cast %add3A_1015 : i32 to index
      %get3A_1017 = tpu.vector_load %arg6[%get3A_1016] {strides = array<i32>} : memref<8192xf32, #tpu.memory_space<vmem>>, vector<16xf32>,
      %get3A_1018 = vector.shape_cast %get3A_1017 : vector<16xf32> to vector<16xf32>
      %add3A_1019 = arith.constant 0 : i32
      %add3A_1020 = arith.addi %multiple_of3A, %add3A_1019 : i32
      %get3A_1021 = arith.index_cast %add3A_1020 : i32 to index
      %get3A_1022 = tpu.vector_load %arg7[%get3A_1021] {strides = array<i32>} : memref<8192xf32, #tpu.memory_space<vmem>>, vector<16xf32>,
      %get3A_1023 = vector.shape_cast %get3A_1022 : vector<16xf32> to vector<16xf32>
      %mul3A_1024 = arith.constant 0.699999988 : f32
      %mul3A_1025 = vector.broadcast %mul3A_1024 : f32 to vector<16xf32>
      %mul3A_1026 = arith.mulf %mul3A_1025, %get3A_1018 : vector<16xf32>
      %mul3A_1027 = arith.constant 3.000000e-01 : f32
      %mul3A_1028 = vector.broadcast %mul3A_1027 : f32 to vector<16xf32>
      %mul3A_1029 = arith.mulf %mul3A_1028, %get3A_1023 : vector<16xf32>
      %add3A_1030 = arith.addf %mul3A_1026, %mul3A_1029 : vector<16xf32>
      %add3A_1031 = arith.addf %get3A_1018, %get3A_1023 : vector<16xf32>
      %sub3A = arith.subf %add3A_1031, %add3A_1030 : vector<16xf32>
      %lt3A_1032 = arith.cmpf olt, %add3A_1030, %scan3A_994 : vector<16xf32>
      %eq3A_1033 = arith.cmpf oeq, %add3A_1030, %scan3A_994 : vector<16xf32>
      %lt3A_1034 = arith.cmpf olt, %sub3A, %scan3A_995 : vector<16xf32>
      %and3A_1035 = arith.andi %eq3A_1033, %lt3A_1034 : vector<16xi1>
      %or3A_1036 = arith.ori %lt3A_1032, %and3A_1035 : vector<16xi1>
      %select_n3A_1037 = arith.select %or3A_1036, %add3A_1030, %scan3A_994 : vector<16xi1>, vector<16xf32>
      %select_n3A_1038 = arith.select %or3A_1036, %sub3A, %scan3A_995 : vector<16xi1>, vector<16xf32>
      %select_n3A_1039 = arith.select %or3A_1036, %get3A_1018, %scan3A_996 : vector<16xi1>, vector<16xf32>
      %select_n3A_1040 = arith.select %or3A_1036, %get3A_1023, %scan3A_997 : vector<16xi1>, vector<16xf32>
      %add3A_1041 = arith.constant 16 : i32
      %add3A_1042 = arith.addi %multiple_of3A, %add3A_1041 : i32
      %get3A_1043 = arith.index_cast %add3A_1042 : i32 to index
      %get3A_1044 = tpu.vector_load %arg6[%get3A_1043] {strides = array<i32>} : memref<8192xf32, #tpu.memory_space<vmem>>, vector<16xf32>,
      %get3A_1045 = vector.shape_cast %get3A_1044 : vector<16xf32> to vector<16xf32>
      %add3A_1046 = arith.constant 16 : i32
      %add3A_1047 = arith.addi %multiple_of3A, %add3A_1046 : i32
      %get3A_1048 = arith.index_cast %add3A_1047 : i32 to index
      %get3A_1049 = tpu.vector_load %arg7[%get3A_1048] {strides = array<i32>} : memref<8192xf32, #tpu.memory_space<vmem>>, vector<16xf32>,
      %get3A_1050 = vector.shape_cast %get3A_1049 : vector<16xf32> to vector<16xf32>
      %mul3A_1051 = arith.constant 0.699999988 : f32
      %mul3A_1052 = vector.broadcast %mul3A_1051 : f32 to vector<16xf32>
      %mul3A_1053 = arith.mulf %mul3A_1052, %get3A_1045 : vector<16xf32>
      %mul3A_1054 = arith.constant 3.000000e-01 : f32
      %mul3A_1055 = vector.broadcast %mul3A_1054 : f32 to vector<16xf32>
      %mul3A_1056 = arith.mulf %mul3A_1055, %get3A_1050 : vector<16xf32>
      %add3A_1057 = arith.addf %mul3A_1053, %mul3A_1056 : vector<16xf32>
      %add3A_1058 = arith.addf %get3A_1045, %get3A_1050 : vector<16xf32>
      %sub3A_1059 = arith.subf %add3A_1058, %add3A_1057 : vector<16xf32>
      %lt3A_1060 = arith.cmpf olt, %add3A_1057, %scan3A_998 : vector<16xf32>
      %eq3A_1061 = arith.cmpf oeq, %add3A_1057, %scan3A_998 : vector<16xf32>
      %lt3A_1062 = arith.cmpf olt, %sub3A_1059, %scan3A_999 : vector<16xf32>
      %and3A_1063 = arith.andi %eq3A_1061, %lt3A_1062 : vector<16xi1>
      %or3A_1064 = arith.ori %lt3A_1060, %and3A_1063 : vector<16xi1>
      %select_n3A_1065 = arith.select %or3A_1064, %add3A_1057, %scan3A_998 : vector<16xi1>, vector<16xf32>
      %select_n3A_1066 = arith.select %or3A_1064, %sub3A_1059, %scan3A_999 : vector<16xi1>, vector<16xf32>
      %select_n3A_1067 = arith.select %or3A_1064, %get3A_1045, %scan3A_1000 : vector<16xi1>, vector<16xf32>
      %select_n3A_1068 = arith.select %or3A_1064, %get3A_1050, %scan3A_1001 : vector<16xi1>, vector<16xf32>
      %add3A_1069 = arith.constant 32 : i32
      %add3A_1070 = arith.addi %multiple_of3A, %add3A_1069 : i32
      %get3A_1071 = arith.index_cast %add3A_1070 : i32 to index
      %get3A_1072 = tpu.vector_load %arg6[%get3A_1071] {strides = array<i32>} : memref<8192xf32, #tpu.memory_space<vmem>>, vector<16xf32>,
      %get3A_1073 = vector.shape_cast %get3A_1072 : vector<16xf32> to vector<16xf32>
      %add3A_1074 = arith.constant 32 : i32
      %add3A_1075 = arith.addi %multiple_of3A, %add3A_1074 : i32
      %get3A_1076 = arith.index_cast %add3A_1075 : i32 to index
      %get3A_1077 = tpu.vector_load %arg7[%get3A_1076] {strides = array<i32>} : memref<8192xf32, #tpu.memory_space<vmem>>, vector<16xf32>,
      %get3A_1078 = vector.shape_cast %get3A_1077 : vector<16xf32> to vector<16xf32>
      %mul3A_1079 = arith.constant 0.699999988 : f32
      %mul3A_1080 = vector.broadcast %mul3A_1079 : f32 to vector<16xf32>
      %mul3A_1081 = arith.mulf %mul3A_1080, %get3A_1073 : vector<16xf32>
      %mul3A_1082 = arith.constant 3.000000e-01 : f32
      %mul3A_1083 = vector.broadcast %mul3A_1082 : f32 to vector<16xf32>
      %mul3A_1084 = arith.mulf %mul3A_1083, %get3A_1078 : vector<16xf32>
      %add3A_1085 = arith.addf %mul3A_1081, %mul3A_1084 : vector<16xf32>
      %add3A_1086 = arith.addf %get3A_1073, %get3A_1078 : vector<16xf32>
      %sub3A_1087 = arith.subf %add3A_1086, %add3A_1085 : vector<16xf32>
      %lt3A_1088 = arith.cmpf olt, %add3A_1085, %scan3A_1002 : vector<16xf32>
      %eq3A_1089 = arith.cmpf oeq, %add3A_1085, %scan3A_1002 : vector<16xf32>
      %lt3A_1090 = arith.cmpf olt, %sub3A_1087, %scan3A_1003 : vector<16xf32>
      %and3A_1091 = arith.andi %eq3A_1089, %lt3A_1090 : vector<16xi1>
      %or3A_1092 = arith.ori %lt3A_1088, %and3A_1091 : vector<16xi1>
      %select_n3A_1093 = arith.select %or3A_1092, %add3A_1085, %scan3A_1002 : vector<16xi1>, vector<16xf32>
      %select_n3A_1094 = arith.select %or3A_1092, %sub3A_1087, %scan3A_1003 : vector<16xi1>, vector<16xf32>
      %select_n3A_1095 = arith.select %or3A_1092, %get3A_1073, %scan3A_1004 : vector<16xi1>, vector<16xf32>
      %select_n3A_1096 = arith.select %or3A_1092, %get3A_1078, %scan3A_1005 : vector<16xi1>, vector<16xf32>
      %add3A_1097 = arith.constant 48 : i32
      %add3A_1098 = arith.addi %multiple_of3A, %add3A_1097 : i32
      %get3A_1099 = arith.index_cast %add3A_1098 : i32 to index
      %get3A_1100 = tpu.vector_load %arg6[%get3A_1099] {strides = array<i32>} : memref<8192xf32, #tpu.memory_space<vmem>>, vector<16xf32>,
      %get3A_1101 = vector.shape_cast %get3A_1100 : vector<16xf32> to vector<16xf32>
      %add3A_1102 = arith.constant 48 : i32
      %add3A_1103 = arith.addi %multiple_of3A, %add3A_1102 : i32
      %get3A_1104 = arith.index_cast %add3A_1103 : i32 to index
      %get3A_1105 = tpu.vector_load %arg7[%get3A_1104] {strides = array<i32>} : memref<8192xf32, #tpu.memory_space<vmem>>, vector<16xf32>,
      %get3A_1106 = vector.shape_cast %get3A_1105 : vector<16xf32> to vector<16xf32>
      %mul3A_1107 = arith.constant 0.699999988 : f32
      %mul3A_1108 = vector.broadcast %mul3A_1107 : f32 to vector<16xf32>
      %mul3A_1109 = arith.mulf %mul3A_1108, %get3A_1101 : vector<16xf32>
      %mul3A_1110 = arith.constant 3.000000e-01 : f32
      %mul3A_1111 = vector.broadcast %mul3A_1110 : f32 to vector<16xf32>
      %mul3A_1112 = arith.mulf %mul3A_1111, %get3A_1106 : vector<16xf32>
      %add3A_1113 = arith.addf %mul3A_1109, %mul3A_1112 : vector<16xf32>
      %add3A_1114 = arith.addf %get3A_1101, %get3A_1106 : vector<16xf32>
      %sub3A_1115 = arith.subf %add3A_1114, %add3A_1113 : vector<16xf32>
      %lt3A_1116 = arith.cmpf olt, %add3A_1113, %scan3A_1006 : vector<16xf32>
      %eq3A_1117 = arith.cmpf oeq, %add3A_1113, %scan3A_1006 : vector<16xf32>
      %lt3A_1118 = arith.cmpf olt, %sub3A_1115, %scan3A_1007 : vector<16xf32>
      %and3A_1119 = arith.andi %eq3A_1117, %lt3A_1118 : vector<16xi1>
      %or3A_1120 = arith.ori %lt3A_1116, %and3A_1119 : vector<16xi1>
      %select_n3A_1121 = arith.select %or3A_1120, %add3A_1113, %scan3A_1006 : vector<16xi1>, vector<16xf32>
      %select_n3A_1122 = arith.select %or3A_1120, %sub3A_1115, %scan3A_1007 : vector<16xi1>, vector<16xf32>
      %select_n3A_1123 = arith.select %or3A_1120, %get3A_1101, %scan3A_1008 : vector<16xi1>, vector<16xf32>
      %select_n3A_1124 = arith.select %or3A_1120, %get3A_1106, %scan3A_1009 : vector<16xi1>, vector<16xf32>
      %add3A_1125 = arith.constant 64 : i32
      %add3A_1126 = arith.addi %multiple_of3A, %add3A_1125 : i32
      %get3A_1127 = arith.index_cast %add3A_1126 : i32 to index
      %get3A_1128 = tpu.vector_load %arg6[%get3A_1127] {strides = array<i32>} : memref<8192xf32, #tpu.memory_space<vmem>>, vector<16xf32>,
      %get3A_1129 = vector.shape_cast %get3A_1128 : vector<16xf32> to vector<16xf32>
      %add3A_1130 = arith.constant 64 : i32
      %add3A_1131 = arith.addi %multiple_of3A, %add3A_1130 : i32
      %get3A_1132 = arith.index_cast %add3A_1131 : i32 to index
      %get3A_1133 = tpu.vector_load %arg7[%get3A_1132] {strides = array<i32>} : memref<8192xf32, #tpu.memory_space<vmem>>, vector<16xf32>,
      %get3A_1134 = vector.shape_cast %get3A_1133 : vector<16xf32> to vector<16xf32>
      %mul3A_1135 = arith.constant 0.699999988 : f32
      %mul3A_1136 = vector.broadcast %mul3A_1135 : f32 to vector<16xf32>
      %mul3A_1137 = arith.mulf %mul3A_1136, %get3A_1129 : vector<16xf32>
      %mul3A_1138 = arith.constant 3.000000e-01 : f32
      %mul3A_1139 = vector.broadcast %mul3A_1138 : f32 to vector<16xf32>
      %mul3A_1140 = arith.mulf %mul3A_1139, %get3A_1134 : vector<16xf32>
      %add3A_1141 = arith.addf %mul3A_1137, %mul3A_1140 : vector<16xf32>
      %add3A_1142 = arith.addf %get3A_1129, %get3A_1134 : vector<16xf32>
      %sub3A_1143 = arith.subf %add3A_1142, %add3A_1141 : vector<16xf32>
      %lt3A_1144 = arith.cmpf olt, %add3A_1141, %select_n3A_1037 : vector<16xf32>
      %eq3A_1145 = arith.cmpf oeq, %add3A_1141, %select_n3A_1037 : vector<16xf32>
      %lt3A_1146 = arith.cmpf olt, %sub3A_1143, %select_n3A_1038 : vector<16xf32>
      %and3A_1147 = arith.andi %eq3A_1145, %lt3A_1146 : vector<16xi1>
      %or3A_1148 = arith.ori %lt3A_1144, %and3A_1147 : vector<16xi1>
      %select_n3A_1149 = arith.select %or3A_1148, %add3A_1141, %select_n3A_1037 : vector<16xi1>, vector<16xf32>
      %select_n3A_1150 = arith.select %or3A_1148, %sub3A_1143, %select_n3A_1038 : vector<16xi1>, vector<16xf32>
      %select_n3A_1151 = arith.select %or3A_1148, %get3A_1129, %select_n3A_1039 : vector<16xi1>, vector<16xf32>
      %select_n3A_1152 = arith.select %or3A_1148, %get3A_1134, %select_n3A_1040 : vector<16xi1>, vector<16xf32>
      %add3A_1153 = arith.constant 80 : i32
      %add3A_1154 = arith.addi %multiple_of3A, %add3A_1153 : i32
      %get3A_1155 = arith.index_cast %add3A_1154 : i32 to index
      %get3A_1156 = tpu.vector_load %arg6[%get3A_1155] {strides = array<i32>} : memref<8192xf32, #tpu.memory_space<vmem>>, vector<16xf32>,
      %get3A_1157 = vector.shape_cast %get3A_1156 : vector<16xf32> to vector<16xf32>
      %add3A_1158 = arith.constant 80 : i32
      %add3A_1159 = arith.addi %multiple_of3A, %add3A_1158 : i32
      %get3A_1160 = arith.index_cast %add3A_1159 : i32 to index
      %get3A_1161 = tpu.vector_load %arg7[%get3A_1160] {strides = array<i32>} : memref<8192xf32, #tpu.memory_space<vmem>>, vector<16xf32>,
      %get3A_1162 = vector.shape_cast %get3A_1161 : vector<16xf32> to vector<16xf32>
      %mul3A_1163 = arith.constant 0.699999988 : f32
      %mul3A_1164 = vector.broadcast %mul3A_1163 : f32 to vector<16xf32>
      %mul3A_1165 = arith.mulf %mul3A_1164, %get3A_1157 : vector<16xf32>
      %mul3A_1166 = arith.constant 3.000000e-01 : f32
      %mul3A_1167 = vector.broadcast %mul3A_1166 : f32 to vector<16xf32>
      %mul3A_1168 = arith.mulf %mul3A_1167, %get3A_1162 : vector<16xf32>
      %add3A_1169 = arith.addf %mul3A_1165, %mul3A_1168 : vector<16xf32>
      %add3A_1170 = arith.addf %get3A_1157, %get3A_1162 : vector<16xf32>
      %sub3A_1171 = arith.subf %add3A_1170, %add3A_1169 : vector<16xf32>
      %lt3A_1172 = arith.cmpf olt, %add3A_1169, %select_n3A_1065 : vector<16xf32>
      %eq3A_1173 = arith.cmpf oeq, %add3A_1169, %select_n3A_1065 : vector<16xf32>
      %lt3A_1174 = arith.cmpf olt, %sub3A_1171, %select_n3A_1066 : vector<16xf32>
      %and3A_1175 = arith.andi %eq3A_1173, %lt3A_1174 : vector<16xi1>
      %or3A_1176 = arith.ori %lt3A_1172, %and3A_1175 : vector<16xi1>
      %select_n3A_1177 = arith.select %or3A_1176, %add3A_1169, %select_n3A_1065 : vector<16xi1>, vector<16xf32>
      %select_n3A_1178 = arith.select %or3A_1176, %sub3A_1171, %select_n3A_1066 : vector<16xi1>, vector<16xf32>
      %select_n3A_1179 = arith.select %or3A_1176, %get3A_1157, %select_n3A_1067 : vector<16xi1>, vector<16xf32>
      %select_n3A_1180 = arith.select %or3A_1176, %get3A_1162, %select_n3A_1068 : vector<16xi1>, vector<16xf32>
      %add3A_1181 = arith.constant 96 : i32
      %add3A_1182 = arith.addi %multiple_of3A, %add3A_1181 : i32
      %get3A_1183 = arith.index_cast %add3A_1182 : i32 to index
      %get3A_1184 = tpu.vector_load %arg6[%get3A_1183] {strides = array<i32>} : memref<8192xf32, #tpu.memory_space<vmem>>, vector<16xf32>,
      %get3A_1185 = vector.shape_cast %get3A_1184 : vector<16xf32> to vector<16xf32>
      %add3A_1186 = arith.constant 96 : i32
      %add3A_1187 = arith.addi %multiple_of3A, %add3A_1186 : i32
      %get3A_1188 = arith.index_cast %add3A_1187 : i32 to index
      %get3A_1189 = tpu.vector_load %arg7[%get3A_1188] {strides = array<i32>} : memref<8192xf32, #tpu.memory_space<vmem>>, vector<16xf32>,
      %get3A_1190 = vector.shape_cast %get3A_1189 : vector<16xf32> to vector<16xf32>
      %mul3A_1191 = arith.constant 0.699999988 : f32
      %mul3A_1192 = vector.broadcast %mul3A_1191 : f32 to vector<16xf32>
      %mul3A_1193 = arith.mulf %mul3A_1192, %get3A_1185 : vector<16xf32>
      %mul3A_1194 = arith.constant 3.000000e-01 : f32
      %mul3A_1195 = vector.broadcast %mul3A_1194 : f32 to vector<16xf32>
      %mul3A_1196 = arith.mulf %mul3A_1195, %get3A_1190 : vector<16xf32>
      %add3A_1197 = arith.addf %mul3A_1193, %mul3A_1196 : vector<16xf32>
      %add3A_1198 = arith.addf %get3A_1185, %get3A_1190 : vector<16xf32>
      %sub3A_1199 = arith.subf %add3A_1198, %add3A_1197 : vector<16xf32>
      %lt3A_1200 = arith.cmpf olt, %add3A_1197, %select_n3A_1093 : vector<16xf32>
      %eq3A_1201 = arith.cmpf oeq, %add3A_1197, %select_n3A_1093 : vector<16xf32>
      %lt3A_1202 = arith.cmpf olt, %sub3A_1199, %select_n3A_1094 : vector<16xf32>
      %and3A_1203 = arith.andi %eq3A_1201, %lt3A_1202 : vector<16xi1>
      %or3A_1204 = arith.ori %lt3A_1200, %and3A_1203 : vector<16xi1>
      %select_n3A_1205 = arith.select %or3A_1204, %add3A_1197, %select_n3A_1093 : vector<16xi1>, vector<16xf32>
      %select_n3A_1206 = arith.select %or3A_1204, %sub3A_1199, %select_n3A_1094 : vector<16xi1>, vector<16xf32>
      %select_n3A_1207 = arith.select %or3A_1204, %get3A_1185, %select_n3A_1095 : vector<16xi1>, vector<16xf32>
      %select_n3A_1208 = arith.select %or3A_1204, %get3A_1190, %select_n3A_1096 : vector<16xi1>, vector<16xf32>
      %add3A_1209 = arith.constant 112 : i32
      %add3A_1210 = arith.addi %multiple_of3A, %add3A_1209 : i32
      %get3A_1211 = arith.index_cast %add3A_1210 : i32 to index
      %get3A_1212 = tpu.vector_load %arg6[%get3A_1211] {strides = array<i32>} : memref<8192xf32, #tpu.memory_space<vmem>>, vector<16xf32>,
      %get3A_1213 = vector.shape_cast %get3A_1212 : vector<16xf32> to vector<16xf32>
      %add3A_1214 = arith.constant 112 : i32
      %add3A_1215 = arith.addi %multiple_of3A, %add3A_1214 : i32
      %get3A_1216 = arith.index_cast %add3A_1215 : i32 to index
      %get3A_1217 = tpu.vector_load %arg7[%get3A_1216] {strides = array<i32>} : memref<8192xf32, #tpu.memory_space<vmem>>, vector<16xf32>,
      %get3A_1218 = vector.shape_cast %get3A_1217 : vector<16xf32> to vector<16xf32>
      %mul3A_1219 = arith.constant 0.699999988 : f32
      %mul3A_1220 = vector.broadcast %mul3A_1219 : f32 to vector<16xf32>
      %mul3A_1221 = arith.mulf %mul3A_1220, %get3A_1213 : vector<16xf32>
      %mul3A_1222 = arith.constant 3.000000e-01 : f32
      %mul3A_1223 = vector.broadcast %mul3A_1222 : f32 to vector<16xf32>
      %mul3A_1224 = arith.mulf %mul3A_1223, %get3A_1218 : vector<16xf32>
      %add3A_1225 = arith.addf %mul3A_1221, %mul3A_1224 : vector<16xf32>
      %add3A_1226 = arith.addf %get3A_1213, %get3A_1218 : vector<16xf32>
      %sub3A_1227 = arith.subf %add3A_1226, %add3A_1225 : vector<16xf32>
      %lt3A_1228 = arith.cmpf olt, %add3A_1225, %select_n3A_1121 : vector<16xf32>
      %eq3A_1229 = arith.cmpf oeq, %add3A_1225, %select_n3A_1121 : vector<16xf32>
      %lt3A_1230 = arith.cmpf olt, %sub3A_1227, %select_n3A_1122 : vector<16xf32>
      %and3A_1231 = arith.andi %eq3A_1229, %lt3A_1230 : vector<16xi1>
      %or3A_1232 = arith.ori %lt3A_1228, %and3A_1231 : vector<16xi1>
      %select_n3A_1233 = arith.select %or3A_1232, %add3A_1225, %select_n3A_1121 : vector<16xi1>, vector<16xf32>
      %select_n3A_1234 = arith.select %or3A_1232, %sub3A_1227, %select_n3A_1122 : vector<16xi1>, vector<16xf32>
      %select_n3A_1235 = arith.select %or3A_1232, %get3A_1213, %select_n3A_1123 : vector<16xi1>, vector<16xf32>
      %select_n3A_1236 = arith.select %or3A_1232, %get3A_1218, %select_n3A_1124 : vector<16xi1>, vector<16xf32>
      scf.yield %select_n3A_1149, %select_n3A_1150, %select_n3A_1151, %select_n3A_1152, %select_n3A_1177, %select_n3A_1178, %select_n3A_1179, %select_n3A_1180, %select_n3A_1205, %select_n3A_1206, %select_n3A_1207, %select_n3A_1208, %select_n3A_1233, %select_n3A_1234, %select_n3A_1235, %select_n3A_1236 : vector<16xf32>, vector<16xf32>, vector<16xf32>, vector<16xf32>, vector<16xf32>, vector<16xf32>, vector<16xf32>, vector<16xf32>, vector<16xf32>, vector<16xf32>, vector<16xf32>, vector<16xf32>, vector<16xf32>, vector<16xf32>, vector<16xf32>, vector<16xf32>
    }
    %scan3A_176 = arith.constant 16 : i32
    %dma_wait3A_177 = arith.constant 2048 : i32
    %dma_wait3A_178 = tpu.memref_slice %arg6[%dma_wait3A_177] : memref<8192xf32, #tpu.memory_space<vmem>> -> memref<2048xf32, #tpu.memory_space<vmem>>
    %dma_wait3A_179 = arith.constant 2048 : i32
    %dma_wait3A_180 = tpu.memref_slice %arg2[%add3A_27, %dma_wait3A_179] : memref<64x8192xf32, #tpu.memory_space<hbm>> -> memref<1x2048xf32, #tpu.memory_space<hbm>>
    %dma_wait3A_181 = tpu.memref_squeeze %dma_wait3A_180 : memref<1x2048xf32, #tpu.memory_space<hbm>> -> memref<2048xf32, #tpu.memory_space<hbm>>
    %dma_wait3A_182 = arith.constant 2048 : i32
    %dma_wait3A_183 = tpu.memref_slice %arg6[%dma_wait3A_182] : memref<8192xf32, #tpu.memory_space<vmem>> -> memref<2048xf32, #tpu.memory_space<vmem>>
    %dma_wait3A_184 = arith.constant 2048 : i32
    %dma_wait3A_185 = tpu.memref_slice %arg2[%add3A_27, %dma_wait3A_184] : memref<64x8192xf32, #tpu.memory_space<hbm>> -> memref<1x2048xf32, #tpu.memory_space<hbm>>
    %dma_wait3A_186 = tpu.memref_squeeze %dma_wait3A_185 : memref<1x2048xf32, #tpu.memory_space<hbm>> -> memref<2048xf32, #tpu.memory_space<hbm>>
    tpu.wait_dma2 semaphore(%arg15 : memref<!tpu.dma_semaphore, #tpu.memory_space<semaphore_mem>>) src(%dma_wait3A_186 : memref<2048xf32, #tpu.memory_space<hbm>>) dst(%dma_wait3A_183 : memref<2048xf32, #tpu.memory_space<vmem>>)
    %dma_wait3A_187 = arith.constant 2048 : i32
    %dma_wait3A_188 = tpu.memref_slice %arg7[%dma_wait3A_187] : memref<8192xf32, #tpu.memory_space<vmem>> -> memref<2048xf32, #tpu.memory_space<vmem>>
    %dma_wait3A_189 = arith.constant 2048 : i32
    %dma_wait3A_190 = tpu.memref_slice %arg3[%add3A_39, %dma_wait3A_189] : memref<64x8192xf32, #tpu.memory_space<hbm>> -> memref<1x2048xf32, #tpu.memory_space<hbm>>
    %dma_wait3A_191 = tpu.memref_squeeze %dma_wait3A_190 : memref<1x2048xf32, #tpu.memory_space<hbm>> -> memref<2048xf32, #tpu.memory_space<hbm>>
    %dma_wait3A_192 = arith.constant 2048 : i32
    %dma_wait3A_193 = tpu.memref_slice %arg7[%dma_wait3A_192] : memref<8192xf32, #tpu.memory_space<vmem>> -> memref<2048xf32, #tpu.memory_space<vmem>>
    %dma_wait3A_194 = arith.constant 2048 : i32
    %dma_wait3A_195 = tpu.memref_slice %arg3[%add3A_39, %dma_wait3A_194] : memref<64x8192xf32, #tpu.memory_space<hbm>> -> memref<1x2048xf32, #tpu.memory_space<hbm>>
    %dma_wait3A_196 = tpu.memref_squeeze %dma_wait3A_195 : memref<1x2048xf32, #tpu.memory_space<hbm>> -> memref<2048xf32, #tpu.memory_space<hbm>>
    tpu.wait_dma2 semaphore(%arg15 : memref<!tpu.dma_semaphore, #tpu.memory_space<semaphore_mem>>) src(%dma_wait3A_196 : memref<2048xf32, #tpu.memory_space<hbm>>) dst(%dma_wait3A_193 : memref<2048xf32, #tpu.memory_space<vmem>>)
    %add3A_197 = arith.constant 1 : i32
    %add3A_198 = arith.addi %mul3A_2, %add3A_197 : i32
    %dma_start3A_199 = arith.constant 2048 : i32
    %dma_start3A_200 = tpu.memref_slice %arg8[%dma_start3A_199] : memref<8192xf32, #tpu.memory_space<vmem>> -> memref<2048xf32, #tpu.memory_space<vmem>>
    %dma_start3A_201 = arith.constant 2048 : i32
    %dma_start3A_202 = tpu.memref_slice %arg2[%add3A_198, %dma_start3A_201] : memref<64x8192xf32, #tpu.memory_space<hbm>> -> memref<1x2048xf32, #tpu.memory_space<hbm>>
    %dma_start3A_203 = tpu.memref_squeeze %dma_start3A_202 : memref<1x2048xf32, #tpu.memory_space<hbm>> -> memref<2048xf32, #tpu.memory_space<hbm>>
    %dma_start3A_204 = arith.constant 2048 : i32
    %dma_start3A_205 = tpu.memref_slice %arg8[%dma_start3A_204] : memref<8192xf32, #tpu.memory_space<vmem>> -> memref<2048xf32, #tpu.memory_space<vmem>>
    %dma_start3A_206 = arith.constant 2048 : i32
    %dma_start3A_207 = tpu.memref_slice %arg2[%add3A_198, %dma_start3A_206] : memref<64x8192xf32, #tpu.memory_space<hbm>> -> memref<1x2048xf32, #tpu.memory_space<hbm>>
    %dma_start3A_208 = tpu.memref_squeeze %dma_start3A_207 : memref<1x2048xf32, #tpu.memory_space<hbm>> -> memref<2048xf32, #tpu.memory_space<hbm>>
    tpu.enqueue_dma source(%dma_start3A_208 : memref<2048xf32, #tpu.memory_space<hbm>>) target(%dma_start3A_205 : memref<2048xf32, #tpu.memory_space<vmem>>) target_semaphore(%arg15 : memref<!tpu.dma_semaphore, #tpu.memory_space<semaphore_mem>>)
    %add3A_209 = arith.constant 1 : i32
    %add3A_210 = arith.addi %mul3A_2, %add3A_209 : i32
    %dma_start3A_211 = arith.constant 2048 : i32
    %dma_start3A_212 = tpu.memref_slice %arg9[%dma_start3A_211] : memref<8192xf32, #tpu.memory_space<vmem>> -> memref<2048xf32, #tpu.memory_space<vmem>>
    %dma_start3A_213 = arith.constant 2048 : i32
    %dma_start3A_214 = tpu.memref_slice %arg3[%add3A_210, %dma_start3A_213] : memref<64x8192xf32, #tpu.memory_space<hbm>> -> memref<1x2048xf32, #tpu.memory_space<hbm>>
    %dma_start3A_215 = tpu.memref_squeeze %dma_start3A_214 : memref<1x2048xf32, #tpu.memory_space<hbm>> -> memref<2048xf32, #tpu.memory_space<hbm>>
    %dma_start3A_216 = arith.constant 2048 : i32
    %dma_start3A_217 = tpu.memref_slice %arg9[%dma_start3A_216] : memref<8192xf32, #tpu.memory_space<vmem>> -> memref<2048xf32, #tpu.memory_space<vmem>>
    %dma_start3A_218 = arith.constant 2048 : i32
    %dma_start3A_219 = tpu.memref_slice %arg3[%add3A_210, %dma_start3A_218] : memref<64x8192xf32, #tpu.memory_space<hbm>> -> memref<1x2048xf32, #tpu.memory_space<hbm>>
    %dma_start3A_220 = tpu.memref_squeeze %dma_start3A_219 : memref<1x2048xf32, #tpu.memory_space<hbm>> -> memref<2048xf32, #tpu.memory_space<hbm>>
    tpu.enqueue_dma source(%dma_start3A_220 : memref<2048xf32, #tpu.memory_space<hbm>>) target(%dma_start3A_217 : memref<2048xf32, #tpu.memory_space<vmem>>) target_semaphore(%arg15 : memref<!tpu.dma_semaphore, #tpu.memory_space<semaphore_mem>>)
    %scan3A_221 = arith.constant 0 : i32
    %scan3A_222 = arith.constant 16 : i32
    %scan3A_223 = arith.addi %scan3A_221, %scan3A_222 : i32
    %scan3A_224 = arith.constant 1 : i32
    %scan3A_225:16 = scf.for %scan3A_993 = %scan3A_221 to %scan3A_223 step %scan3A_224 iter_args(%scan3A_994 = %scan3A_175#0, %scan3A_995 = %scan3A_175#1, %scan3A_996 = %scan3A_175#2, %scan3A_997 = %scan3A_175#3, %scan3A_998 = %scan3A_175#4, %scan3A_999 = %scan3A_175#5, %scan3A_1000 = %scan3A_175#6, %scan3A_1001 = %scan3A_175#7, %scan3A_1002 = %scan3A_175#8, %scan3A_1003 = %scan3A_175#9, %scan3A_1004 = %scan3A_175#10, %scan3A_1005 = %scan3A_175#11, %scan3A_1006 = %scan3A_175#12, %scan3A_1007 = %scan3A_175#13, %scan3A_1008 = %scan3A_175#14, %scan3A_1009 = %scan3A_175#15) -> (vector<16xf32>, vector<16xf32>, vector<16xf32>, vector<16xf32>, vector<16xf32>, vector<16xf32>, vector<16xf32>, vector<16xf32>, vector<16xf32>, vector<16xf32>, vector<16xf32>, vector<16xf32>, vector<16xf32>, vector<16xf32>, vector<16xf32>, vector<16xf32>)  : i32 {
      %mul3A_1010 = arith.constant 128 : i32
      %mul3A_1011 = arith.muli %scan3A_993, %mul3A_1010 : i32
      %add3A_1012 = arith.constant 2048 : i32
      %add3A_1013 = arith.addi %add3A_1012, %mul3A_1011 : i32
      %multiple_of3A = tpu.assume_multiple %add3A_1013, 128 : i32
      %add3A_1014 = arith.constant 0 : i32
      %add3A_1015 = arith.addi %multiple_of3A, %add3A_1014 : i32
      %get3A_1016 = arith.index_cast %add3A_1015 : i32 to index
      %get3A_1017 = tpu.vector_load %arg6[%get3A_1016] {strides = array<i32>} : memref<8192xf32, #tpu.memory_space<vmem>>, vector<16xf32>,
      %get3A_1018 = vector.shape_cast %get3A_1017 : vector<16xf32> to vector<16xf32>
      %add3A_1019 = arith.constant 0 : i32
      %add3A_1020 = arith.addi %multiple_of3A, %add3A_1019 : i32
      %get3A_1021 = arith.index_cast %add3A_1020 : i32 to index
      %get3A_1022 = tpu.vector_load %arg7[%get3A_1021] {strides = array<i32>} : memref<8192xf32, #tpu.memory_space<vmem>>, vector<16xf32>,
      %get3A_1023 = vector.shape_cast %get3A_1022 : vector<16xf32> to vector<16xf32>
      %mul3A_1024 = arith.constant 0.699999988 : f32
      %mul3A_1025 = vector.broadcast %mul3A_1024 : f32 to vector<16xf32>
      %mul3A_1026 = arith.mulf %mul3A_1025, %get3A_1018 : vector<16xf32>
      %mul3A_1027 = arith.constant 3.000000e-01 : f32
      %mul3A_1028 = vector.broadcast %mul3A_1027 : f32 to vector<16xf32>
      %mul3A_1029 = arith.mulf %mul3A_1028, %get3A_1023 : vector<16xf32>
      %add3A_1030 = arith.addf %mul3A_1026, %mul3A_1029 : vector<16xf32>
      %add3A_1031 = arith.addf %get3A_1018, %get3A_1023 : vector<16xf32>
      %sub3A = arith.subf %add3A_1031, %add3A_1030 : vector<16xf32>
      %lt3A_1032 = arith.cmpf olt, %add3A_1030, %scan3A_994 : vector<16xf32>
      %eq3A_1033 = arith.cmpf oeq, %add3A_1030, %scan3A_994 : vector<16xf32>
      %lt3A_1034 = arith.cmpf olt, %sub3A, %scan3A_995 : vector<16xf32>
      %and3A_1035 = arith.andi %eq3A_1033, %lt3A_1034 : vector<16xi1>
      %or3A_1036 = arith.ori %lt3A_1032, %and3A_1035 : vector<16xi1>
      %select_n3A_1037 = arith.select %or3A_1036, %add3A_1030, %scan3A_994 : vector<16xi1>, vector<16xf32>
      %select_n3A_1038 = arith.select %or3A_1036, %sub3A, %scan3A_995 : vector<16xi1>, vector<16xf32>
      %select_n3A_1039 = arith.select %or3A_1036, %get3A_1018, %scan3A_996 : vector<16xi1>, vector<16xf32>
      %select_n3A_1040 = arith.select %or3A_1036, %get3A_1023, %scan3A_997 : vector<16xi1>, vector<16xf32>
      %add3A_1041 = arith.constant 16 : i32
      %add3A_1042 = arith.addi %multiple_of3A, %add3A_1041 : i32
      %get3A_1043 = arith.index_cast %add3A_1042 : i32 to index
      %get3A_1044 = tpu.vector_load %arg6[%get3A_1043] {strides = array<i32>} : memref<8192xf32, #tpu.memory_space<vmem>>, vector<16xf32>,
      %get3A_1045 = vector.shape_cast %get3A_1044 : vector<16xf32> to vector<16xf32>
      %add3A_1046 = arith.constant 16 : i32
      %add3A_1047 = arith.addi %multiple_of3A, %add3A_1046 : i32
      %get3A_1048 = arith.index_cast %add3A_1047 : i32 to index
      %get3A_1049 = tpu.vector_load %arg7[%get3A_1048] {strides = array<i32>} : memref<8192xf32, #tpu.memory_space<vmem>>, vector<16xf32>,
      %get3A_1050 = vector.shape_cast %get3A_1049 : vector<16xf32> to vector<16xf32>
      %mul3A_1051 = arith.constant 0.699999988 : f32
      %mul3A_1052 = vector.broadcast %mul3A_1051 : f32 to vector<16xf32>
      %mul3A_1053 = arith.mulf %mul3A_1052, %get3A_1045 : vector<16xf32>
      %mul3A_1054 = arith.constant 3.000000e-01 : f32
      %mul3A_1055 = vector.broadcast %mul3A_1054 : f32 to vector<16xf32>
      %mul3A_1056 = arith.mulf %mul3A_1055, %get3A_1050 : vector<16xf32>
      %add3A_1057 = arith.addf %mul3A_1053, %mul3A_1056 : vector<16xf32>
      %add3A_1058 = arith.addf %get3A_1045, %get3A_1050 : vector<16xf32>
      %sub3A_1059 = arith.subf %add3A_1058, %add3A_1057 : vector<16xf32>
      %lt3A_1060 = arith.cmpf olt, %add3A_1057, %scan3A_998 : vector<16xf32>
      %eq3A_1061 = arith.cmpf oeq, %add3A_1057, %scan3A_998 : vector<16xf32>
      %lt3A_1062 = arith.cmpf olt, %sub3A_1059, %scan3A_999 : vector<16xf32>
      %and3A_1063 = arith.andi %eq3A_1061, %lt3A_1062 : vector<16xi1>
      %or3A_1064 = arith.ori %lt3A_1060, %and3A_1063 : vector<16xi1>
      %select_n3A_1065 = arith.select %or3A_1064, %add3A_1057, %scan3A_998 : vector<16xi1>, vector<16xf32>
      %select_n3A_1066 = arith.select %or3A_1064, %sub3A_1059, %scan3A_999 : vector<16xi1>, vector<16xf32>
      %select_n3A_1067 = arith.select %or3A_1064, %get3A_1045, %scan3A_1000 : vector<16xi1>, vector<16xf32>
      %select_n3A_1068 = arith.select %or3A_1064, %get3A_1050, %scan3A_1001 : vector<16xi1>, vector<16xf32>
      %add3A_1069 = arith.constant 32 : i32
      %add3A_1070 = arith.addi %multiple_of3A, %add3A_1069 : i32
      %get3A_1071 = arith.index_cast %add3A_1070 : i32 to index
      %get3A_1072 = tpu.vector_load %arg6[%get3A_1071] {strides = array<i32>} : memref<8192xf32, #tpu.memory_space<vmem>>, vector<16xf32>,
      %get3A_1073 = vector.shape_cast %get3A_1072 : vector<16xf32> to vector<16xf32>
      %add3A_1074 = arith.constant 32 : i32
      %add3A_1075 = arith.addi %multiple_of3A, %add3A_1074 : i32
      %get3A_1076 = arith.index_cast %add3A_1075 : i32 to index
      %get3A_1077 = tpu.vector_load %arg7[%get3A_1076] {strides = array<i32>} : memref<8192xf32, #tpu.memory_space<vmem>>, vector<16xf32>,
      %get3A_1078 = vector.shape_cast %get3A_1077 : vector<16xf32> to vector<16xf32>
      %mul3A_1079 = arith.constant 0.699999988 : f32
      %mul3A_1080 = vector.broadcast %mul3A_1079 : f32 to vector<16xf32>
      %mul3A_1081 = arith.mulf %mul3A_1080, %get3A_1073 : vector<16xf32>
      %mul3A_1082 = arith.constant 3.000000e-01 : f32
      %mul3A_1083 = vector.broadcast %mul3A_1082 : f32 to vector<16xf32>
      %mul3A_1084 = arith.mulf %mul3A_1083, %get3A_1078 : vector<16xf32>
      %add3A_1085 = arith.addf %mul3A_1081, %mul3A_1084 : vector<16xf32>
      %add3A_1086 = arith.addf %get3A_1073, %get3A_1078 : vector<16xf32>
      %sub3A_1087 = arith.subf %add3A_1086, %add3A_1085 : vector<16xf32>
      %lt3A_1088 = arith.cmpf olt, %add3A_1085, %scan3A_1002 : vector<16xf32>
      %eq3A_1089 = arith.cmpf oeq, %add3A_1085, %scan3A_1002 : vector<16xf32>
      %lt3A_1090 = arith.cmpf olt, %sub3A_1087, %scan3A_1003 : vector<16xf32>
      %and3A_1091 = arith.andi %eq3A_1089, %lt3A_1090 : vector<16xi1>
      %or3A_1092 = arith.ori %lt3A_1088, %and3A_1091 : vector<16xi1>
      %select_n3A_1093 = arith.select %or3A_1092, %add3A_1085, %scan3A_1002 : vector<16xi1>, vector<16xf32>
      %select_n3A_1094 = arith.select %or3A_1092, %sub3A_1087, %scan3A_1003 : vector<16xi1>, vector<16xf32>
      %select_n3A_1095 = arith.select %or3A_1092, %get3A_1073, %scan3A_1004 : vector<16xi1>, vector<16xf32>
      %select_n3A_1096 = arith.select %or3A_1092, %get3A_1078, %scan3A_1005 : vector<16xi1>, vector<16xf32>
      %add3A_1097 = arith.constant 48 : i32
      %add3A_1098 = arith.addi %multiple_of3A, %add3A_1097 : i32
      %get3A_1099 = arith.index_cast %add3A_1098 : i32 to index
      %get3A_1100 = tpu.vector_load %arg6[%get3A_1099] {strides = array<i32>} : memref<8192xf32, #tpu.memory_space<vmem>>, vector<16xf32>,
      %get3A_1101 = vector.shape_cast %get3A_1100 : vector<16xf32> to vector<16xf32>
      %add3A_1102 = arith.constant 48 : i32
      %add3A_1103 = arith.addi %multiple_of3A, %add3A_1102 : i32
      %get3A_1104 = arith.index_cast %add3A_1103 : i32 to index
      %get3A_1105 = tpu.vector_load %arg7[%get3A_1104] {strides = array<i32>} : memref<8192xf32, #tpu.memory_space<vmem>>, vector<16xf32>,
      %get3A_1106 = vector.shape_cast %get3A_1105 : vector<16xf32> to vector<16xf32>
      %mul3A_1107 = arith.constant 0.699999988 : f32
      %mul3A_1108 = vector.broadcast %mul3A_1107 : f32 to vector<16xf32>
      %mul3A_1109 = arith.mulf %mul3A_1108, %get3A_1101 : vector<16xf32>
      %mul3A_1110 = arith.constant 3.000000e-01 : f32
      %mul3A_1111 = vector.broadcast %mul3A_1110 : f32 to vector<16xf32>
      %mul3A_1112 = arith.mulf %mul3A_1111, %get3A_1106 : vector<16xf32>
      %add3A_1113 = arith.addf %mul3A_1109, %mul3A_1112 : vector<16xf32>
      %add3A_1114 = arith.addf %get3A_1101, %get3A_1106 : vector<16xf32>
      %sub3A_1115 = arith.subf %add3A_1114, %add3A_1113 : vector<16xf32>
      %lt3A_1116 = arith.cmpf olt, %add3A_1113, %scan3A_1006 : vector<16xf32>
      %eq3A_1117 = arith.cmpf oeq, %add3A_1113, %scan3A_1006 : vector<16xf32>
      %lt3A_1118 = arith.cmpf olt, %sub3A_1115, %scan3A_1007 : vector<16xf32>
      %and3A_1119 = arith.andi %eq3A_1117, %lt3A_1118 : vector<16xi1>
      %or3A_1120 = arith.ori %lt3A_1116, %and3A_1119 : vector<16xi1>
      %select_n3A_1121 = arith.select %or3A_1120, %add3A_1113, %scan3A_1006 : vector<16xi1>, vector<16xf32>
      %select_n3A_1122 = arith.select %or3A_1120, %sub3A_1115, %scan3A_1007 : vector<16xi1>, vector<16xf32>
      %select_n3A_1123 = arith.select %or3A_1120, %get3A_1101, %scan3A_1008 : vector<16xi1>, vector<16xf32>
      %select_n3A_1124 = arith.select %or3A_1120, %get3A_1106, %scan3A_1009 : vector<16xi1>, vector<16xf32>
      %add3A_1125 = arith.constant 64 : i32
      %add3A_1126 = arith.addi %multiple_of3A, %add3A_1125 : i32
      %get3A_1127 = arith.index_cast %add3A_1126 : i32 to index
      %get3A_1128 = tpu.vector_load %arg6[%get3A_1127] {strides = array<i32>} : memref<8192xf32, #tpu.memory_space<vmem>>, vector<16xf32>,
      %get3A_1129 = vector.shape_cast %get3A_1128 : vector<16xf32> to vector<16xf32>
      %add3A_1130 = arith.constant 64 : i32
      %add3A_1131 = arith.addi %multiple_of3A, %add3A_1130 : i32
      %get3A_1132 = arith.index_cast %add3A_1131 : i32 to index
      %get3A_1133 = tpu.vector_load %arg7[%get3A_1132] {strides = array<i32>} : memref<8192xf32, #tpu.memory_space<vmem>>, vector<16xf32>,
      %get3A_1134 = vector.shape_cast %get3A_1133 : vector<16xf32> to vector<16xf32>
      %mul3A_1135 = arith.constant 0.699999988 : f32
      %mul3A_1136 = vector.broadcast %mul3A_1135 : f32 to vector<16xf32>
      %mul3A_1137 = arith.mulf %mul3A_1136, %get3A_1129 : vector<16xf32>
      %mul3A_1138 = arith.constant 3.000000e-01 : f32
      %mul3A_1139 = vector.broadcast %mul3A_1138 : f32 to vector<16xf32>
      %mul3A_1140 = arith.mulf %mul3A_1139, %get3A_1134 : vector<16xf32>
      %add3A_1141 = arith.addf %mul3A_1137, %mul3A_1140 : vector<16xf32>
      %add3A_1142 = arith.addf %get3A_1129, %get3A_1134 : vector<16xf32>
      %sub3A_1143 = arith.subf %add3A_1142, %add3A_1141 : vector<16xf32>
      %lt3A_1144 = arith.cmpf olt, %add3A_1141, %select_n3A_1037 : vector<16xf32>
      %eq3A_1145 = arith.cmpf oeq, %add3A_1141, %select_n3A_1037 : vector<16xf32>
      %lt3A_1146 = arith.cmpf olt, %sub3A_1143, %select_n3A_1038 : vector<16xf32>
      %and3A_1147 = arith.andi %eq3A_1145, %lt3A_1146 : vector<16xi1>
      %or3A_1148 = arith.ori %lt3A_1144, %and3A_1147 : vector<16xi1>
      %select_n3A_1149 = arith.select %or3A_1148, %add3A_1141, %select_n3A_1037 : vector<16xi1>, vector<16xf32>
      %select_n3A_1150 = arith.select %or3A_1148, %sub3A_1143, %select_n3A_1038 : vector<16xi1>, vector<16xf32>
      %select_n3A_1151 = arith.select %or3A_1148, %get3A_1129, %select_n3A_1039 : vector<16xi1>, vector<16xf32>
      %select_n3A_1152 = arith.select %or3A_1148, %get3A_1134, %select_n3A_1040 : vector<16xi1>, vector<16xf32>
      %add3A_1153 = arith.constant 80 : i32
      %add3A_1154 = arith.addi %multiple_of3A, %add3A_1153 : i32
      %get3A_1155 = arith.index_cast %add3A_1154 : i32 to index
      %get3A_1156 = tpu.vector_load %arg6[%get3A_1155] {strides = array<i32>} : memref<8192xf32, #tpu.memory_space<vmem>>, vector<16xf32>,
      %get3A_1157 = vector.shape_cast %get3A_1156 : vector<16xf32> to vector<16xf32>
      %add3A_1158 = arith.constant 80 : i32
      %add3A_1159 = arith.addi %multiple_of3A, %add3A_1158 : i32
      %get3A_1160 = arith.index_cast %add3A_1159 : i32 to index
      %get3A_1161 = tpu.vector_load %arg7[%get3A_1160] {strides = array<i32>} : memref<8192xf32, #tpu.memory_space<vmem>>, vector<16xf32>,
      %get3A_1162 = vector.shape_cast %get3A_1161 : vector<16xf32> to vector<16xf32>
      %mul3A_1163 = arith.constant 0.699999988 : f32
      %mul3A_1164 = vector.broadcast %mul3A_1163 : f32 to vector<16xf32>
      %mul3A_1165 = arith.mulf %mul3A_1164, %get3A_1157 : vector<16xf32>
      %mul3A_1166 = arith.constant 3.000000e-01 : f32
      %mul3A_1167 = vector.broadcast %mul3A_1166 : f32 to vector<16xf32>
      %mul3A_1168 = arith.mulf %mul3A_1167, %get3A_1162 : vector<16xf32>
      %add3A_1169 = arith.addf %mul3A_1165, %mul3A_1168 : vector<16xf32>
      %add3A_1170 = arith.addf %get3A_1157, %get3A_1162 : vector<16xf32>
      %sub3A_1171 = arith.subf %add3A_1170, %add3A_1169 : vector<16xf32>
      %lt3A_1172 = arith.cmpf olt, %add3A_1169, %select_n3A_1065 : vector<16xf32>
      %eq3A_1173 = arith.cmpf oeq, %add3A_1169, %select_n3A_1065 : vector<16xf32>
      %lt3A_1174 = arith.cmpf olt, %sub3A_1171, %select_n3A_1066 : vector<16xf32>
      %and3A_1175 = arith.andi %eq3A_1173, %lt3A_1174 : vector<16xi1>
      %or3A_1176 = arith.ori %lt3A_1172, %and3A_1175 : vector<16xi1>
      %select_n3A_1177 = arith.select %or3A_1176, %add3A_1169, %select_n3A_1065 : vector<16xi1>, vector<16xf32>
      %select_n3A_1178 = arith.select %or3A_1176, %sub3A_1171, %select_n3A_1066 : vector<16xi1>, vector<16xf32>
      %select_n3A_1179 = arith.select %or3A_1176, %get3A_1157, %select_n3A_1067 : vector<16xi1>, vector<16xf32>
      %select_n3A_1180 = arith.select %or3A_1176, %get3A_1162, %select_n3A_1068 : vector<16xi1>, vector<16xf32>
      %add3A_1181 = arith.constant 96 : i32
      %add3A_1182 = arith.addi %multiple_of3A, %add3A_1181 : i32
      %get3A_1183 = arith.index_cast %add3A_1182 : i32 to index
      %get3A_1184 = tpu.vector_load %arg6[%get3A_1183] {strides = array<i32>} : memref<8192xf32, #tpu.memory_space<vmem>>, vector<16xf32>,
      %get3A_1185 = vector.shape_cast %get3A_1184 : vector<16xf32> to vector<16xf32>
      %add3A_1186 = arith.constant 96 : i32
      %add3A_1187 = arith.addi %multiple_of3A, %add3A_1186 : i32
      %get3A_1188 = arith.index_cast %add3A_1187 : i32 to index
      %get3A_1189 = tpu.vector_load %arg7[%get3A_1188] {strides = array<i32>} : memref<8192xf32, #tpu.memory_space<vmem>>, vector<16xf32>,
      %get3A_1190 = vector.shape_cast %get3A_1189 : vector<16xf32> to vector<16xf32>
      %mul3A_1191 = arith.constant 0.699999988 : f32
      %mul3A_1192 = vector.broadcast %mul3A_1191 : f32 to vector<16xf32>
      %mul3A_1193 = arith.mulf %mul3A_1192, %get3A_1185 : vector<16xf32>
      %mul3A_1194 = arith.constant 3.000000e-01 : f32
      %mul3A_1195 = vector.broadcast %mul3A_1194 : f32 to vector<16xf32>
      %mul3A_1196 = arith.mulf %mul3A_1195, %get3A_1190 : vector<16xf32>
      %add3A_1197 = arith.addf %mul3A_1193, %mul3A_1196 : vector<16xf32>
      %add3A_1198 = arith.addf %get3A_1185, %get3A_1190 : vector<16xf32>
      %sub3A_1199 = arith.subf %add3A_1198, %add3A_1197 : vector<16xf32>
      %lt3A_1200 = arith.cmpf olt, %add3A_1197, %select_n3A_1093 : vector<16xf32>
      %eq3A_1201 = arith.cmpf oeq, %add3A_1197, %select_n3A_1093 : vector<16xf32>
      %lt3A_1202 = arith.cmpf olt, %sub3A_1199, %select_n3A_1094 : vector<16xf32>
      %and3A_1203 = arith.andi %eq3A_1201, %lt3A_1202 : vector<16xi1>
      %or3A_1204 = arith.ori %lt3A_1200, %and3A_1203 : vector<16xi1>
      %select_n3A_1205 = arith.select %or3A_1204, %add3A_1197, %select_n3A_1093 : vector<16xi1>, vector<16xf32>
      %select_n3A_1206 = arith.select %or3A_1204, %sub3A_1199, %select_n3A_1094 : vector<16xi1>, vector<16xf32>
      %select_n3A_1207 = arith.select %or3A_1204, %get3A_1185, %select_n3A_1095 : vector<16xi1>, vector<16xf32>
      %select_n3A_1208 = arith.select %or3A_1204, %get3A_1190, %select_n3A_1096 : vector<16xi1>, vector<16xf32>
      %add3A_1209 = arith.constant 112 : i32
      %add3A_1210 = arith.addi %multiple_of3A, %add3A_1209 : i32
      %get3A_1211 = arith.index_cast %add3A_1210 : i32 to index
      %get3A_1212 = tpu.vector_load %arg6[%get3A_1211] {strides = array<i32>} : memref<8192xf32, #tpu.memory_space<vmem>>, vector<16xf32>,
      %get3A_1213 = vector.shape_cast %get3A_1212 : vector<16xf32> to vector<16xf32>
      %add3A_1214 = arith.constant 112 : i32
      %add3A_1215 = arith.addi %multiple_of3A, %add3A_1214 : i32
      %get3A_1216 = arith.index_cast %add3A_1215 : i32 to index
      %get3A_1217 = tpu.vector_load %arg7[%get3A_1216] {strides = array<i32>} : memref<8192xf32, #tpu.memory_space<vmem>>, vector<16xf32>,
      %get3A_1218 = vector.shape_cast %get3A_1217 : vector<16xf32> to vector<16xf32>
      %mul3A_1219 = arith.constant 0.699999988 : f32
      %mul3A_1220 = vector.broadcast %mul3A_1219 : f32 to vector<16xf32>
      %mul3A_1221 = arith.mulf %mul3A_1220, %get3A_1213 : vector<16xf32>
      %mul3A_1222 = arith.constant 3.000000e-01 : f32
      %mul3A_1223 = vector.broadcast %mul3A_1222 : f32 to vector<16xf32>
      %mul3A_1224 = arith.mulf %mul3A_1223, %get3A_1218 : vector<16xf32>
      %add3A_1225 = arith.addf %mul3A_1221, %mul3A_1224 : vector<16xf32>
      %add3A_1226 = arith.addf %get3A_1213, %get3A_1218 : vector<16xf32>
      %sub3A_1227 = arith.subf %add3A_1226, %add3A_1225 : vector<16xf32>
      %lt3A_1228 = arith.cmpf olt, %add3A_1225, %select_n3A_1121 : vector<16xf32>
      %eq3A_1229 = arith.cmpf oeq, %add3A_1225, %select_n3A_1121 : vector<16xf32>
      %lt3A_1230 = arith.cmpf olt, %sub3A_1227, %select_n3A_1122 : vector<16xf32>
      %and3A_1231 = arith.andi %eq3A_1229, %lt3A_1230 : vector<16xi1>
      %or3A_1232 = arith.ori %lt3A_1228, %and3A_1231 : vector<16xi1>
      %select_n3A_1233 = arith.select %or3A_1232, %add3A_1225, %select_n3A_1121 : vector<16xi1>, vector<16xf32>
      %select_n3A_1234 = arith.select %or3A_1232, %sub3A_1227, %select_n3A_1122 : vector<16xi1>, vector<16xf32>
      %select_n3A_1235 = arith.select %or3A_1232, %get3A_1213, %select_n3A_1123 : vector<16xi1>, vector<16xf32>
      %select_n3A_1236 = arith.select %or3A_1232, %get3A_1218, %select_n3A_1124 : vector<16xi1>, vector<16xf32>
      scf.yield %select_n3A_1149, %select_n3A_1150, %select_n3A_1151, %select_n3A_1152, %select_n3A_1177, %select_n3A_1178, %select_n3A_1179, %select_n3A_1180, %select_n3A_1205, %select_n3A_1206, %select_n3A_1207, %select_n3A_1208, %select_n3A_1233, %select_n3A_1234, %select_n3A_1235, %select_n3A_1236 : vector<16xf32>, vector<16xf32>, vector<16xf32>, vector<16xf32>, vector<16xf32>, vector<16xf32>, vector<16xf32>, vector<16xf32>, vector<16xf32>, vector<16xf32>, vector<16xf32>, vector<16xf32>, vector<16xf32>, vector<16xf32>, vector<16xf32>, vector<16xf32>
    }
    %scan3A_226 = arith.constant 16 : i32
    %dma_wait3A_227 = arith.constant 4096 : i32
    %dma_wait3A_228 = tpu.memref_slice %arg6[%dma_wait3A_227] : memref<8192xf32, #tpu.memory_space<vmem>> -> memref<2048xf32, #tpu.memory_space<vmem>>
    %dma_wait3A_229 = arith.constant 4096 : i32
    %dma_wait3A_230 = tpu.memref_slice %arg2[%add3A_51, %dma_wait3A_229] : memref<64x8192xf32, #tpu.memory_space<hbm>> -> memref<1x2048xf32, #tpu.memory_space<hbm>>
    %dma_wait3A_231 = tpu.memref_squeeze %dma_wait3A_230 : memref<1x2048xf32, #tpu.memory_space<hbm>> -> memref<2048xf32, #tpu.memory_space<hbm>>
    %dma_wait3A_232 = arith.constant 4096 : i32
    %dma_wait3A_233 = tpu.memref_slice %arg6[%dma_wait3A_232] : memref<8192xf32, #tpu.memory_space<vmem>> -> memref<2048xf32, #tpu.memory_space<vmem>>
    %dma_wait3A_234 = arith.constant 4096 : i32
    %dma_wait3A_235 = tpu.memref_slice %arg2[%add3A_51, %dma_wait3A_234] : memref<64x8192xf32, #tpu.memory_space<hbm>> -> memref<1x2048xf32, #tpu.memory_space<hbm>>
    %dma_wait3A_236 = tpu.memref_squeeze %dma_wait3A_235 : memref<1x2048xf32, #tpu.memory_space<hbm>> -> memref<2048xf32, #tpu.memory_space<hbm>>
    tpu.wait_dma2 semaphore(%arg16 : memref<!tpu.dma_semaphore, #tpu.memory_space<semaphore_mem>>) src(%dma_wait3A_236 : memref<2048xf32, #tpu.memory_space<hbm>>) dst(%dma_wait3A_233 : memref<2048xf32, #tpu.memory_space<vmem>>)
    %dma_wait3A_237 = arith.constant 4096 : i32
    %dma_wait3A_238 = tpu.memref_slice %arg7[%dma_wait3A_237] : memref<8192xf32, #tpu.memory_space<vmem>> -> memref<2048xf32, #tpu.memory_space<vmem>>
    %dma_wait3A_239 = arith.constant 4096 : i32
    %dma_wait3A_240 = tpu.memref_slice %arg3[%add3A_63, %dma_wait3A_239] : memref<64x8192xf32, #tpu.memory_space<hbm>> -> memref<1x2048xf32, #tpu.memory_space<hbm>>
    %dma_wait3A_241 = tpu.memref_squeeze %dma_wait3A_240 : memref<1x2048xf32, #tpu.memory_space<hbm>> -> memref<2048xf32, #tpu.memory_space<hbm>>
    %dma_wait3A_242 = arith.constant 4096 : i32
    %dma_wait3A_243 = tpu.memref_slice %arg7[%dma_wait3A_242] : memref<8192xf32, #tpu.memory_space<vmem>> -> memref<2048xf32, #tpu.memory_space<vmem>>
    %dma_wait3A_244 = arith.constant 4096 : i32
    %dma_wait3A_245 = tpu.memref_slice %arg3[%add3A_63, %dma_wait3A_244] : memref<64x8192xf32, #tpu.memory_space<hbm>> -> memref<1x2048xf32, #tpu.memory_space<hbm>>
    %dma_wait3A_246 = tpu.memref_squeeze %dma_wait3A_245 : memref<1x2048xf32, #tpu.memory_space<hbm>> -> memref<2048xf32, #tpu.memory_space<hbm>>
    tpu.wait_dma2 semaphore(%arg16 : memref<!tpu.dma_semaphore, #tpu.memory_space<semaphore_mem>>) src(%dma_wait3A_246 : memref<2048xf32, #tpu.memory_space<hbm>>) dst(%dma_wait3A_243 : memref<2048xf32, #tpu.memory_space<vmem>>)
    %add3A_247 = arith.constant 1 : i32
    %add3A_248 = arith.addi %mul3A_2, %add3A_247 : i32
    %dma_start3A_249 = arith.constant 4096 : i32
    %dma_start3A_250 = tpu.memref_slice %arg8[%dma_start3A_249] : memref<8192xf32, #tpu.memory_space<vmem>> -> memref<2048xf32, #tpu.memory_space<vmem>>
    %dma_start3A_251 = arith.constant 4096 : i32
    %dma_start3A_252 = tpu.memref_slice %arg2[%add3A_248, %dma_start3A_251] : memref<64x8192xf32, #tpu.memory_space<hbm>> -> memref<1x2048xf32, #tpu.memory_space<hbm>>
    %dma_start3A_253 = tpu.memref_squeeze %dma_start3A_252 : memref<1x2048xf32, #tpu.memory_space<hbm>> -> memref<2048xf32, #tpu.memory_space<hbm>>
    %dma_start3A_254 = arith.constant 4096 : i32
    %dma_start3A_255 = tpu.memref_slice %arg8[%dma_start3A_254] : memref<8192xf32, #tpu.memory_space<vmem>> -> memref<2048xf32, #tpu.memory_space<vmem>>
    %dma_start3A_256 = arith.constant 4096 : i32
    %dma_start3A_257 = tpu.memref_slice %arg2[%add3A_248, %dma_start3A_256] : memref<64x8192xf32, #tpu.memory_space<hbm>> -> memref<1x2048xf32, #tpu.memory_space<hbm>>
    %dma_start3A_258 = tpu.memref_squeeze %dma_start3A_257 : memref<1x2048xf32, #tpu.memory_space<hbm>> -> memref<2048xf32, #tpu.memory_space<hbm>>
    tpu.enqueue_dma source(%dma_start3A_258 : memref<2048xf32, #tpu.memory_space<hbm>>) target(%dma_start3A_255 : memref<2048xf32, #tpu.memory_space<vmem>>) target_semaphore(%arg16 : memref<!tpu.dma_semaphore, #tpu.memory_space<semaphore_mem>>)
    %add3A_259 = arith.constant 1 : i32
    %add3A_260 = arith.addi %mul3A_2, %add3A_259 : i32
    %dma_start3A_261 = arith.constant 4096 : i32
    %dma_start3A_262 = tpu.memref_slice %arg9[%dma_start3A_261] : memref<8192xf32, #tpu.memory_space<vmem>> -> memref<2048xf32, #tpu.memory_space<vmem>>
    %dma_start3A_263 = arith.constant 4096 : i32
    %dma_start3A_264 = tpu.memref_slice %arg3[%add3A_260, %dma_start3A_263] : memref<64x8192xf32, #tpu.memory_space<hbm>> -> memref<1x2048xf32, #tpu.memory_space<hbm>>
    %dma_start3A_265 = tpu.memref_squeeze %dma_start3A_264 : memref<1x2048xf32, #tpu.memory_space<hbm>> -> memref<2048xf32, #tpu.memory_space<hbm>>
    %dma_start3A_266 = arith.constant 4096 : i32
    %dma_start3A_267 = tpu.memref_slice %arg9[%dma_start3A_266] : memref<8192xf32, #tpu.memory_space<vmem>> -> memref<2048xf32, #tpu.memory_space<vmem>>
    %dma_start3A_268 = arith.constant 4096 : i32
    %dma_start3A_269 = tpu.memref_slice %arg3[%add3A_260, %dma_start3A_268] : memref<64x8192xf32, #tpu.memory_space<hbm>> -> memref<1x2048xf32, #tpu.memory_space<hbm>>
    %dma_start3A_270 = tpu.memref_squeeze %dma_start3A_269 : memref<1x2048xf32, #tpu.memory_space<hbm>> -> memref<2048xf32, #tpu.memory_space<hbm>>
    tpu.enqueue_dma source(%dma_start3A_270 : memref<2048xf32, #tpu.memory_space<hbm>>) target(%dma_start3A_267 : memref<2048xf32, #tpu.memory_space<vmem>>) target_semaphore(%arg16 : memref<!tpu.dma_semaphore, #tpu.memory_space<semaphore_mem>>)
    %scan3A_271 = arith.constant 0 : i32
    %scan3A_272 = arith.constant 16 : i32
    %scan3A_273 = arith.addi %scan3A_271, %scan3A_272 : i32
    %scan3A_274 = arith.constant 1 : i32
    %scan3A_275:16 = scf.for %scan3A_993 = %scan3A_271 to %scan3A_273 step %scan3A_274 iter_args(%scan3A_994 = %scan3A_225#0, %scan3A_995 = %scan3A_225#1, %scan3A_996 = %scan3A_225#2, %scan3A_997 = %scan3A_225#3, %scan3A_998 = %scan3A_225#4, %scan3A_999 = %scan3A_225#5, %scan3A_1000 = %scan3A_225#6, %scan3A_1001 = %scan3A_225#7, %scan3A_1002 = %scan3A_225#8, %scan3A_1003 = %scan3A_225#9, %scan3A_1004 = %scan3A_225#10, %scan3A_1005 = %scan3A_225#11, %scan3A_1006 = %scan3A_225#12, %scan3A_1007 = %scan3A_225#13, %scan3A_1008 = %scan3A_225#14, %scan3A_1009 = %scan3A_225#15) -> (vector<16xf32>, vector<16xf32>, vector<16xf32>, vector<16xf32>, vector<16xf32>, vector<16xf32>, vector<16xf32>, vector<16xf32>, vector<16xf32>, vector<16xf32>, vector<16xf32>, vector<16xf32>, vector<16xf32>, vector<16xf32>, vector<16xf32>, vector<16xf32>)  : i32 {
      %mul3A_1010 = arith.constant 128 : i32
      %mul3A_1011 = arith.muli %scan3A_993, %mul3A_1010 : i32
      %add3A_1012 = arith.constant 4096 : i32
      %add3A_1013 = arith.addi %add3A_1012, %mul3A_1011 : i32
      %multiple_of3A = tpu.assume_multiple %add3A_1013, 128 : i32
      %add3A_1014 = arith.constant 0 : i32
      %add3A_1015 = arith.addi %multiple_of3A, %add3A_1014 : i32
      %get3A_1016 = arith.index_cast %add3A_1015 : i32 to index
      %get3A_1017 = tpu.vector_load %arg6[%get3A_1016] {strides = array<i32>} : memref<8192xf32, #tpu.memory_space<vmem>>, vector<16xf32>,
      %get3A_1018 = vector.shape_cast %get3A_1017 : vector<16xf32> to vector<16xf32>
      %add3A_1019 = arith.constant 0 : i32
      %add3A_1020 = arith.addi %multiple_of3A, %add3A_1019 : i32
      %get3A_1021 = arith.index_cast %add3A_1020 : i32 to index
      %get3A_1022 = tpu.vector_load %arg7[%get3A_1021] {strides = array<i32>} : memref<8192xf32, #tpu.memory_space<vmem>>, vector<16xf32>,
      %get3A_1023 = vector.shape_cast %get3A_1022 : vector<16xf32> to vector<16xf32>
      %mul3A_1024 = arith.constant 0.699999988 : f32
      %mul3A_1025 = vector.broadcast %mul3A_1024 : f32 to vector<16xf32>
      %mul3A_1026 = arith.mulf %mul3A_1025, %get3A_1018 : vector<16xf32>
      %mul3A_1027 = arith.constant 3.000000e-01 : f32
      %mul3A_1028 = vector.broadcast %mul3A_1027 : f32 to vector<16xf32>
      %mul3A_1029 = arith.mulf %mul3A_1028, %get3A_1023 : vector<16xf32>
      %add3A_1030 = arith.addf %mul3A_1026, %mul3A_1029 : vector<16xf32>
      %add3A_1031 = arith.addf %get3A_1018, %get3A_1023 : vector<16xf32>
      %sub3A = arith.subf %add3A_1031, %add3A_1030 : vector<16xf32>
      %lt3A_1032 = arith.cmpf olt, %add3A_1030, %scan3A_994 : vector<16xf32>
      %eq3A_1033 = arith.cmpf oeq, %add3A_1030, %scan3A_994 : vector<16xf32>
      %lt3A_1034 = arith.cmpf olt, %sub3A, %scan3A_995 : vector<16xf32>
      %and3A_1035 = arith.andi %eq3A_1033, %lt3A_1034 : vector<16xi1>
      %or3A_1036 = arith.ori %lt3A_1032, %and3A_1035 : vector<16xi1>
      %select_n3A_1037 = arith.select %or3A_1036, %add3A_1030, %scan3A_994 : vector<16xi1>, vector<16xf32>
      %select_n3A_1038 = arith.select %or3A_1036, %sub3A, %scan3A_995 : vector<16xi1>, vector<16xf32>
      %select_n3A_1039 = arith.select %or3A_1036, %get3A_1018, %scan3A_996 : vector<16xi1>, vector<16xf32>
      %select_n3A_1040 = arith.select %or3A_1036, %get3A_1023, %scan3A_997 : vector<16xi1>, vector<16xf32>
      %add3A_1041 = arith.constant 16 : i32
      %add3A_1042 = arith.addi %multiple_of3A, %add3A_1041 : i32
      %get3A_1043 = arith.index_cast %add3A_1042 : i32 to index
      %get3A_1044 = tpu.vector_load %arg6[%get3A_1043] {strides = array<i32>} : memref<8192xf32, #tpu.memory_space<vmem>>, vector<16xf32>,
      %get3A_1045 = vector.shape_cast %get3A_1044 : vector<16xf32> to vector<16xf32>
      %add3A_1046 = arith.constant 16 : i32
      %add3A_1047 = arith.addi %multiple_of3A, %add3A_1046 : i32
      %get3A_1048 = arith.index_cast %add3A_1047 : i32 to index
      %get3A_1049 = tpu.vector_load %arg7[%get3A_1048] {strides = array<i32>} : memref<8192xf32, #tpu.memory_space<vmem>>, vector<16xf32>,
      %get3A_1050 = vector.shape_cast %get3A_1049 : vector<16xf32> to vector<16xf32>
      %mul3A_1051 = arith.constant 0.699999988 : f32
      %mul3A_1052 = vector.broadcast %mul3A_1051 : f32 to vector<16xf32>
      %mul3A_1053 = arith.mulf %mul3A_1052, %get3A_1045 : vector<16xf32>
      %mul3A_1054 = arith.constant 3.000000e-01 : f32
      %mul3A_1055 = vector.broadcast %mul3A_1054 : f32 to vector<16xf32>
      %mul3A_1056 = arith.mulf %mul3A_1055, %get3A_1050 : vector<16xf32>
      %add3A_1057 = arith.addf %mul3A_1053, %mul3A_1056 : vector<16xf32>
      %add3A_1058 = arith.addf %get3A_1045, %get3A_1050 : vector<16xf32>
      %sub3A_1059 = arith.subf %add3A_1058, %add3A_1057 : vector<16xf32>
      %lt3A_1060 = arith.cmpf olt, %add3A_1057, %scan3A_998 : vector<16xf32>
      %eq3A_1061 = arith.cmpf oeq, %add3A_1057, %scan3A_998 : vector<16xf32>
      %lt3A_1062 = arith.cmpf olt, %sub3A_1059, %scan3A_999 : vector<16xf32>
      %and3A_1063 = arith.andi %eq3A_1061, %lt3A_1062 : vector<16xi1>
      %or3A_1064 = arith.ori %lt3A_1060, %and3A_1063 : vector<16xi1>
      %select_n3A_1065 = arith.select %or3A_1064, %add3A_1057, %scan3A_998 : vector<16xi1>, vector<16xf32>
      %select_n3A_1066 = arith.select %or3A_1064, %sub3A_1059, %scan3A_999 : vector<16xi1>, vector<16xf32>
      %select_n3A_1067 = arith.select %or3A_1064, %get3A_1045, %scan3A_1000 : vector<16xi1>, vector<16xf32>
      %select_n3A_1068 = arith.select %or3A_1064, %get3A_1050, %scan3A_1001 : vector<16xi1>, vector<16xf32>
      %add3A_1069 = arith.constant 32 : i32
      %add3A_1070 = arith.addi %multiple_of3A, %add3A_1069 : i32
      %get3A_1071 = arith.index_cast %add3A_1070 : i32 to index
      %get3A_1072 = tpu.vector_load %arg6[%get3A_1071] {strides = array<i32>} : memref<8192xf32, #tpu.memory_space<vmem>>, vector<16xf32>,
      %get3A_1073 = vector.shape_cast %get3A_1072 : vector<16xf32> to vector<16xf32>
      %add3A_1074 = arith.constant 32 : i32
      %add3A_1075 = arith.addi %multiple_of3A, %add3A_1074 : i32
      %get3A_1076 = arith.index_cast %add3A_1075 : i32 to index
      %get3A_1077 = tpu.vector_load %arg7[%get3A_1076] {strides = array<i32>} : memref<8192xf32, #tpu.memory_space<vmem>>, vector<16xf32>,
      %get3A_1078 = vector.shape_cast %get3A_1077 : vector<16xf32> to vector<16xf32>
      %mul3A_1079 = arith.constant 0.699999988 : f32
      %mul3A_1080 = vector.broadcast %mul3A_1079 : f32 to vector<16xf32>
      %mul3A_1081 = arith.mulf %mul3A_1080, %get3A_1073 : vector<16xf32>
      %mul3A_1082 = arith.constant 3.000000e-01 : f32
      %mul3A_1083 = vector.broadcast %mul3A_1082 : f32 to vector<16xf32>
      %mul3A_1084 = arith.mulf %mul3A_1083, %get3A_1078 : vector<16xf32>
      %add3A_1085 = arith.addf %mul3A_1081, %mul3A_1084 : vector<16xf32>
      %add3A_1086 = arith.addf %get3A_1073, %get3A_1078 : vector<16xf32>
      %sub3A_1087 = arith.subf %add3A_1086, %add3A_1085 : vector<16xf32>
      %lt3A_1088 = arith.cmpf olt, %add3A_1085, %scan3A_1002 : vector<16xf32>
      %eq3A_1089 = arith.cmpf oeq, %add3A_1085, %scan3A_1002 : vector<16xf32>
      %lt3A_1090 = arith.cmpf olt, %sub3A_1087, %scan3A_1003 : vector<16xf32>
      %and3A_1091 = arith.andi %eq3A_1089, %lt3A_1090 : vector<16xi1>
      %or3A_1092 = arith.ori %lt3A_1088, %and3A_1091 : vector<16xi1>
      %select_n3A_1093 = arith.select %or3A_1092, %add3A_1085, %scan3A_1002 : vector<16xi1>, vector<16xf32>
      %select_n3A_1094 = arith.select %or3A_1092, %sub3A_1087, %scan3A_1003 : vector<16xi1>, vector<16xf32>
      %select_n3A_1095 = arith.select %or3A_1092, %get3A_1073, %scan3A_1004 : vector<16xi1>, vector<16xf32>
      %select_n3A_1096 = arith.select %or3A_1092, %get3A_1078, %scan3A_1005 : vector<16xi1>, vector<16xf32>
      %add3A_1097 = arith.constant 48 : i32
      %add3A_1098 = arith.addi %multiple_of3A, %add3A_1097 : i32
      %get3A_1099 = arith.index_cast %add3A_1098 : i32 to index
      %get3A_1100 = tpu.vector_load %arg6[%get3A_1099] {strides = array<i32>} : memref<8192xf32, #tpu.memory_space<vmem>>, vector<16xf32>,
      %get3A_1101 = vector.shape_cast %get3A_1100 : vector<16xf32> to vector<16xf32>
      %add3A_1102 = arith.constant 48 : i32
      %add3A_1103 = arith.addi %multiple_of3A, %add3A_1102 : i32
      %get3A_1104 = arith.index_cast %add3A_1103 : i32 to index
      %get3A_1105 = tpu.vector_load %arg7[%get3A_1104] {strides = array<i32>} : memref<8192xf32, #tpu.memory_space<vmem>>, vector<16xf32>,
      %get3A_1106 = vector.shape_cast %get3A_1105 : vector<16xf32> to vector<16xf32>
      %mul3A_1107 = arith.constant 0.699999988 : f32
      %mul3A_1108 = vector.broadcast %mul3A_1107 : f32 to vector<16xf32>
      %mul3A_1109 = arith.mulf %mul3A_1108, %get3A_1101 : vector<16xf32>
      %mul3A_1110 = arith.constant 3.000000e-01 : f32
      %mul3A_1111 = vector.broadcast %mul3A_1110 : f32 to vector<16xf32>
      %mul3A_1112 = arith.mulf %mul3A_1111, %get3A_1106 : vector<16xf32>
      %add3A_1113 = arith.addf %mul3A_1109, %mul3A_1112 : vector<16xf32>
      %add3A_1114 = arith.addf %get3A_1101, %get3A_1106 : vector<16xf32>
      %sub3A_1115 = arith.subf %add3A_1114, %add3A_1113 : vector<16xf32>
      %lt3A_1116 = arith.cmpf olt, %add3A_1113, %scan3A_1006 : vector<16xf32>
      %eq3A_1117 = arith.cmpf oeq, %add3A_1113, %scan3A_1006 : vector<16xf32>
      %lt3A_1118 = arith.cmpf olt, %sub3A_1115, %scan3A_1007 : vector<16xf32>
      %and3A_1119 = arith.andi %eq3A_1117, %lt3A_1118 : vector<16xi1>
      %or3A_1120 = arith.ori %lt3A_1116, %and3A_1119 : vector<16xi1>
      %select_n3A_1121 = arith.select %or3A_1120, %add3A_1113, %scan3A_1006 : vector<16xi1>, vector<16xf32>
      %select_n3A_1122 = arith.select %or3A_1120, %sub3A_1115, %scan3A_1007 : vector<16xi1>, vector<16xf32>
      %select_n3A_1123 = arith.select %or3A_1120, %get3A_1101, %scan3A_1008 : vector<16xi1>, vector<16xf32>
      %select_n3A_1124 = arith.select %or3A_1120, %get3A_1106, %scan3A_1009 : vector<16xi1>, vector<16xf32>
      %add3A_1125 = arith.constant 64 : i32
      %add3A_1126 = arith.addi %multiple_of3A, %add3A_1125 : i32
      %get3A_1127 = arith.index_cast %add3A_1126 : i32 to index
      %get3A_1128 = tpu.vector_load %arg6[%get3A_1127] {strides = array<i32>} : memref<8192xf32, #tpu.memory_space<vmem>>, vector<16xf32>,
      %get3A_1129 = vector.shape_cast %get3A_1128 : vector<16xf32> to vector<16xf32>
      %add3A_1130 = arith.constant 64 : i32
      %add3A_1131 = arith.addi %multiple_of3A, %add3A_1130 : i32
      %get3A_1132 = arith.index_cast %add3A_1131 : i32 to index
      %get3A_1133 = tpu.vector_load %arg7[%get3A_1132] {strides = array<i32>} : memref<8192xf32, #tpu.memory_space<vmem>>, vector<16xf32>,
      %get3A_1134 = vector.shape_cast %get3A_1133 : vector<16xf32> to vector<16xf32>
      %mul3A_1135 = arith.constant 0.699999988 : f32
      %mul3A_1136 = vector.broadcast %mul3A_1135 : f32 to vector<16xf32>
      %mul3A_1137 = arith.mulf %mul3A_1136, %get3A_1129 : vector<16xf32>
      %mul3A_1138 = arith.constant 3.000000e-01 : f32
      %mul3A_1139 = vector.broadcast %mul3A_1138 : f32 to vector<16xf32>
      %mul3A_1140 = arith.mulf %mul3A_1139, %get3A_1134 : vector<16xf32>
      %add3A_1141 = arith.addf %mul3A_1137, %mul3A_1140 : vector<16xf32>
      %add3A_1142 = arith.addf %get3A_1129, %get3A_1134 : vector<16xf32>
      %sub3A_1143 = arith.subf %add3A_1142, %add3A_1141 : vector<16xf32>
      %lt3A_1144 = arith.cmpf olt, %add3A_1141, %select_n3A_1037 : vector<16xf32>
      %eq3A_1145 = arith.cmpf oeq, %add3A_1141, %select_n3A_1037 : vector<16xf32>
      %lt3A_1146 = arith.cmpf olt, %sub3A_1143, %select_n3A_1038 : vector<16xf32>
      %and3A_1147 = arith.andi %eq3A_1145, %lt3A_1146 : vector<16xi1>
      %or3A_1148 = arith.ori %lt3A_1144, %and3A_1147 : vector<16xi1>
      %select_n3A_1149 = arith.select %or3A_1148, %add3A_1141, %select_n3A_1037 : vector<16xi1>, vector<16xf32>
      %select_n3A_1150 = arith.select %or3A_1148, %sub3A_1143, %select_n3A_1038 : vector<16xi1>, vector<16xf32>
      %select_n3A_1151 = arith.select %or3A_1148, %get3A_1129, %select_n3A_1039 : vector<16xi1>, vector<16xf32>
      %select_n3A_1152 = arith.select %or3A_1148, %get3A_1134, %select_n3A_1040 : vector<16xi1>, vector<16xf32>
      %add3A_1153 = arith.constant 80 : i32
      %add3A_1154 = arith.addi %multiple_of3A, %add3A_1153 : i32
      %get3A_1155 = arith.index_cast %add3A_1154 : i32 to index
      %get3A_1156 = tpu.vector_load %arg6[%get3A_1155] {strides = array<i32>} : memref<8192xf32, #tpu.memory_space<vmem>>, vector<16xf32>,
      %get3A_1157 = vector.shape_cast %get3A_1156 : vector<16xf32> to vector<16xf32>
      %add3A_1158 = arith.constant 80 : i32
      %add3A_1159 = arith.addi %multiple_of3A, %add3A_1158 : i32
      %get3A_1160 = arith.index_cast %add3A_1159 : i32 to index
      %get3A_1161 = tpu.vector_load %arg7[%get3A_1160] {strides = array<i32>} : memref<8192xf32, #tpu.memory_space<vmem>>, vector<16xf32>,
      %get3A_1162 = vector.shape_cast %get3A_1161 : vector<16xf32> to vector<16xf32>
      %mul3A_1163 = arith.constant 0.699999988 : f32
      %mul3A_1164 = vector.broadcast %mul3A_1163 : f32 to vector<16xf32>
      %mul3A_1165 = arith.mulf %mul3A_1164, %get3A_1157 : vector<16xf32>
      %mul3A_1166 = arith.constant 3.000000e-01 : f32
      %mul3A_1167 = vector.broadcast %mul3A_1166 : f32 to vector<16xf32>
      %mul3A_1168 = arith.mulf %mul3A_1167, %get3A_1162 : vector<16xf32>
      %add3A_1169 = arith.addf %mul3A_1165, %mul3A_1168 : vector<16xf32>
      %add3A_1170 = arith.addf %get3A_1157, %get3A_1162 : vector<16xf32>
      %sub3A_1171 = arith.subf %add3A_1170, %add3A_1169 : vector<16xf32>
      %lt3A_1172 = arith.cmpf olt, %add3A_1169, %select_n3A_1065 : vector<16xf32>
      %eq3A_1173 = arith.cmpf oeq, %add3A_1169, %select_n3A_1065 : vector<16xf32>
      %lt3A_1174 = arith.cmpf olt, %sub3A_1171, %select_n3A_1066 : vector<16xf32>
      %and3A_1175 = arith.andi %eq3A_1173, %lt3A_1174 : vector<16xi1>
      %or3A_1176 = arith.ori %lt3A_1172, %and3A_1175 : vector<16xi1>
      %select_n3A_1177 = arith.select %or3A_1176, %add3A_1169, %select_n3A_1065 : vector<16xi1>, vector<16xf32>
      %select_n3A_1178 = arith.select %or3A_1176, %sub3A_1171, %select_n3A_1066 : vector<16xi1>, vector<16xf32>
      %select_n3A_1179 = arith.select %or3A_1176, %get3A_1157, %select_n3A_1067 : vector<16xi1>, vector<16xf32>
      %select_n3A_1180 = arith.select %or3A_1176, %get3A_1162, %select_n3A_1068 : vector<16xi1>, vector<16xf32>
      %add3A_1181 = arith.constant 96 : i32
      %add3A_1182 = arith.addi %multiple_of3A, %add3A_1181 : i32
      %get3A_1183 = arith.index_cast %add3A_1182 : i32 to index
      %get3A_1184 = tpu.vector_load %arg6[%get3A_1183] {strides = array<i32>} : memref<8192xf32, #tpu.memory_space<vmem>>, vector<16xf32>,
      %get3A_1185 = vector.shape_cast %get3A_1184 : vector<16xf32> to vector<16xf32>
      %add3A_1186 = arith.constant 96 : i32
      %add3A_1187 = arith.addi %multiple_of3A, %add3A_1186 : i32
      %get3A_1188 = arith.index_cast %add3A_1187 : i32 to index
      %get3A_1189 = tpu.vector_load %arg7[%get3A_1188] {strides = array<i32>} : memref<8192xf32, #tpu.memory_space<vmem>>, vector<16xf32>,
      %get3A_1190 = vector.shape_cast %get3A_1189 : vector<16xf32> to vector<16xf32>
      %mul3A_1191 = arith.constant 0.699999988 : f32
      %mul3A_1192 = vector.broadcast %mul3A_1191 : f32 to vector<16xf32>
      %mul3A_1193 = arith.mulf %mul3A_1192, %get3A_1185 : vector<16xf32>
      %mul3A_1194 = arith.constant 3.000000e-01 : f32
      %mul3A_1195 = vector.broadcast %mul3A_1194 : f32 to vector<16xf32>
      %mul3A_1196 = arith.mulf %mul3A_1195, %get3A_1190 : vector<16xf32>
      %add3A_1197 = arith.addf %mul3A_1193, %mul3A_1196 : vector<16xf32>
      %add3A_1198 = arith.addf %get3A_1185, %get3A_1190 : vector<16xf32>
      %sub3A_1199 = arith.subf %add3A_1198, %add3A_1197 : vector<16xf32>
      %lt3A_1200 = arith.cmpf olt, %add3A_1197, %select_n3A_1093 : vector<16xf32>
      %eq3A_1201 = arith.cmpf oeq, %add3A_1197, %select_n3A_1093 : vector<16xf32>
      %lt3A_1202 = arith.cmpf olt, %sub3A_1199, %select_n3A_1094 : vector<16xf32>
      %and3A_1203 = arith.andi %eq3A_1201, %lt3A_1202 : vector<16xi1>
      %or3A_1204 = arith.ori %lt3A_1200, %and3A_1203 : vector<16xi1>
      %select_n3A_1205 = arith.select %or3A_1204, %add3A_1197, %select_n3A_1093 : vector<16xi1>, vector<16xf32>
      %select_n3A_1206 = arith.select %or3A_1204, %sub3A_1199, %select_n3A_1094 : vector<16xi1>, vector<16xf32>
      %select_n3A_1207 = arith.select %or3A_1204, %get3A_1185, %select_n3A_1095 : vector<16xi1>, vector<16xf32>
      %select_n3A_1208 = arith.select %or3A_1204, %get3A_1190, %select_n3A_1096 : vector<16xi1>, vector<16xf32>
      %add3A_1209 = arith.constant 112 : i32
      %add3A_1210 = arith.addi %multiple_of3A, %add3A_1209 : i32
      %get3A_1211 = arith.index_cast %add3A_1210 : i32 to index
      %get3A_1212 = tpu.vector_load %arg6[%get3A_1211] {strides = array<i32>} : memref<8192xf32, #tpu.memory_space<vmem>>, vector<16xf32>,
      %get3A_1213 = vector.shape_cast %get3A_1212 : vector<16xf32> to vector<16xf32>
      %add3A_1214 = arith.constant 112 : i32
      %add3A_1215 = arith.addi %multiple_of3A, %add3A_1214 : i32
      %get3A_1216 = arith.index_cast %add3A_1215 : i32 to index
      %get3A_1217 = tpu.vector_load %arg7[%get3A_1216] {strides = array<i32>} : memref<8192xf32, #tpu.memory_space<vmem>>, vector<16xf32>,
      %get3A_1218 = vector.shape_cast %get3A_1217 : vector<16xf32> to vector<16xf32>
      %mul3A_1219 = arith.constant 0.699999988 : f32
      %mul3A_1220 = vector.broadcast %mul3A_1219 : f32 to vector<16xf32>
      %mul3A_1221 = arith.mulf %mul3A_1220, %get3A_1213 : vector<16xf32>
      %mul3A_1222 = arith.constant 3.000000e-01 : f32
      %mul3A_1223 = vector.broadcast %mul3A_1222 : f32 to vector<16xf32>
      %mul3A_1224 = arith.mulf %mul3A_1223, %get3A_1218 : vector<16xf32>
      %add3A_1225 = arith.addf %mul3A_1221, %mul3A_1224 : vector<16xf32>
      %add3A_1226 = arith.addf %get3A_1213, %get3A_1218 : vector<16xf32>
      %sub3A_1227 = arith.subf %add3A_1226, %add3A_1225 : vector<16xf32>
      %lt3A_1228 = arith.cmpf olt, %add3A_1225, %select_n3A_1121 : vector<16xf32>
      %eq3A_1229 = arith.cmpf oeq, %add3A_1225, %select_n3A_1121 : vector<16xf32>
      %lt3A_1230 = arith.cmpf olt, %sub3A_1227, %select_n3A_1122 : vector<16xf32>
      %and3A_1231 = arith.andi %eq3A_1229, %lt3A_1230 : vector<16xi1>
      %or3A_1232 = arith.ori %lt3A_1228, %and3A_1231 : vector<16xi1>
      %select_n3A_1233 = arith.select %or3A_1232, %add3A_1225, %select_n3A_1121 : vector<16xi1>, vector<16xf32>
      %select_n3A_1234 = arith.select %or3A_1232, %sub3A_1227, %select_n3A_1122 : vector<16xi1>, vector<16xf32>
      %select_n3A_1235 = arith.select %or3A_1232, %get3A_1213, %select_n3A_1123 : vector<16xi1>, vector<16xf32>
      %select_n3A_1236 = arith.select %or3A_1232, %get3A_1218, %select_n3A_1124 : vector<16xi1>, vector<16xf32>
      scf.yield %select_n3A_1149, %select_n3A_1150, %select_n3A_1151, %select_n3A_1152, %select_n3A_1177, %select_n3A_1178, %select_n3A_1179, %select_n3A_1180, %select_n3A_1205, %select_n3A_1206, %select_n3A_1207, %select_n3A_1208, %select_n3A_1233, %select_n3A_1234, %select_n3A_1235, %select_n3A_1236 : vector<16xf32>, vector<16xf32>, vector<16xf32>, vector<16xf32>, vector<16xf32>, vector<16xf32>, vector<16xf32>, vector<16xf32>, vector<16xf32>, vector<16xf32>, vector<16xf32>, vector<16xf32>, vector<16xf32>, vector<16xf32>, vector<16xf32>, vector<16xf32>
    }
    %scan3A_276 = arith.constant 16 : i32
    %dma_wait3A_277 = arith.constant 6144 : i32
    %dma_wait3A_278 = tpu.memref_slice %arg6[%dma_wait3A_277] : memref<8192xf32, #tpu.memory_space<vmem>> -> memref<2048xf32, #tpu.memory_space<vmem>>
    %dma_wait3A_279 = arith.constant 6144 : i32
    %dma_wait3A_280 = tpu.memref_slice %arg2[%add3A_75, %dma_wait3A_279] : memref<64x8192xf32, #tpu.memory_space<hbm>> -> memref<1x2048xf32, #tpu.memory_space<hbm>>
    %dma_wait3A_281 = tpu.memref_squeeze %dma_wait3A_280 : memref<1x2048xf32, #tpu.memory_space<hbm>> -> memref<2048xf32, #tpu.memory_space<hbm>>
    %dma_wait3A_282 = arith.constant 6144 : i32
    %dma_wait3A_283 = tpu.memref_slice %arg6[%dma_wait3A_282] : memref<8192xf32, #tpu.memory_space<vmem>> -> memref<2048xf32, #tpu.memory_space<vmem>>
    %dma_wait3A_284 = arith.constant 6144 : i32
    %dma_wait3A_285 = tpu.memref_slice %arg2[%add3A_75, %dma_wait3A_284] : memref<64x8192xf32, #tpu.memory_space<hbm>> -> memref<1x2048xf32, #tpu.memory_space<hbm>>
    %dma_wait3A_286 = tpu.memref_squeeze %dma_wait3A_285 : memref<1x2048xf32, #tpu.memory_space<hbm>> -> memref<2048xf32, #tpu.memory_space<hbm>>
    tpu.wait_dma2 semaphore(%arg17 : memref<!tpu.dma_semaphore, #tpu.memory_space<semaphore_mem>>) src(%dma_wait3A_286 : memref<2048xf32, #tpu.memory_space<hbm>>) dst(%dma_wait3A_283 : memref<2048xf32, #tpu.memory_space<vmem>>)
    %dma_wait3A_287 = arith.constant 6144 : i32
    %dma_wait3A_288 = tpu.memref_slice %arg7[%dma_wait3A_287] : memref<8192xf32, #tpu.memory_space<vmem>> -> memref<2048xf32, #tpu.memory_space<vmem>>
    %dma_wait3A_289 = arith.constant 6144 : i32
    %dma_wait3A_290 = tpu.memref_slice %arg3[%add3A_87, %dma_wait3A_289] : memref<64x8192xf32, #tpu.memory_space<hbm>> -> memref<1x2048xf32, #tpu.memory_space<hbm>>
    %dma_wait3A_291 = tpu.memref_squeeze %dma_wait3A_290 : memref<1x2048xf32, #tpu.memory_space<hbm>> -> memref<2048xf32, #tpu.memory_space<hbm>>
    %dma_wait3A_292 = arith.constant 6144 : i32
    %dma_wait3A_293 = tpu.memref_slice %arg7[%dma_wait3A_292] : memref<8192xf32, #tpu.memory_space<vmem>> -> memref<2048xf32, #tpu.memory_space<vmem>>
    %dma_wait3A_294 = arith.constant 6144 : i32
    %dma_wait3A_295 = tpu.memref_slice %arg3[%add3A_87, %dma_wait3A_294] : memref<64x8192xf32, #tpu.memory_space<hbm>> -> memref<1x2048xf32, #tpu.memory_space<hbm>>
    %dma_wait3A_296 = tpu.memref_squeeze %dma_wait3A_295 : memref<1x2048xf32, #tpu.memory_space<hbm>> -> memref<2048xf32, #tpu.memory_space<hbm>>
    tpu.wait_dma2 semaphore(%arg17 : memref<!tpu.dma_semaphore, #tpu.memory_space<semaphore_mem>>) src(%dma_wait3A_296 : memref<2048xf32, #tpu.memory_space<hbm>>) dst(%dma_wait3A_293 : memref<2048xf32, #tpu.memory_space<vmem>>)
    %add3A_297 = arith.constant 1 : i32
    %add3A_298 = arith.addi %mul3A_2, %add3A_297 : i32
    %dma_start3A_299 = arith.constant 6144 : i32
    %dma_start3A_300 = tpu.memref_slice %arg8[%dma_start3A_299] : memref<8192xf32, #tpu.memory_space<vmem>> -> memref<2048xf32, #tpu.memory_space<vmem>>
    %dma_start3A_301 = arith.constant 6144 : i32
    %dma_start3A_302 = tpu.memref_slice %arg2[%add3A_298, %dma_start3A_301] : memref<64x8192xf32, #tpu.memory_space<hbm>> -> memref<1x2048xf32, #tpu.memory_space<hbm>>
    %dma_start3A_303 = tpu.memref_squeeze %dma_start3A_302 : memref<1x2048xf32, #tpu.memory_space<hbm>> -> memref<2048xf32, #tpu.memory_space<hbm>>
    %dma_start3A_304 = arith.constant 6144 : i32
    %dma_start3A_305 = tpu.memref_slice %arg8[%dma_start3A_304] : memref<8192xf32, #tpu.memory_space<vmem>> -> memref<2048xf32, #tpu.memory_space<vmem>>
    %dma_start3A_306 = arith.constant 6144 : i32
    %dma_start3A_307 = tpu.memref_slice %arg2[%add3A_298, %dma_start3A_306] : memref<64x8192xf32, #tpu.memory_space<hbm>> -> memref<1x2048xf32, #tpu.memory_space<hbm>>
    %dma_start3A_308 = tpu.memref_squeeze %dma_start3A_307 : memref<1x2048xf32, #tpu.memory_space<hbm>> -> memref<2048xf32, #tpu.memory_space<hbm>>
    tpu.enqueue_dma source(%dma_start3A_308 : memref<2048xf32, #tpu.memory_space<hbm>>) target(%dma_start3A_305 : memref<2048xf32, #tpu.memory_space<vmem>>) target_semaphore(%arg17 : memref<!tpu.dma_semaphore, #tpu.memory_space<semaphore_mem>>)
    %add3A_309 = arith.constant 1 : i32
    %add3A_310 = arith.addi %mul3A_2, %add3A_309 : i32
    %dma_start3A_311 = arith.constant 6144 : i32
    %dma_start3A_312 = tpu.memref_slice %arg9[%dma_start3A_311] : memref<8192xf32, #tpu.memory_space<vmem>> -> memref<2048xf32, #tpu.memory_space<vmem>>
    %dma_start3A_313 = arith.constant 6144 : i32
    %dma_start3A_314 = tpu.memref_slice %arg3[%add3A_310, %dma_start3A_313] : memref<64x8192xf32, #tpu.memory_space<hbm>> -> memref<1x2048xf32, #tpu.memory_space<hbm>>
    %dma_start3A_315 = tpu.memref_squeeze %dma_start3A_314 : memref<1x2048xf32, #tpu.memory_space<hbm>> -> memref<2048xf32, #tpu.memory_space<hbm>>
    %dma_start3A_316 = arith.constant 6144 : i32
    %dma_start3A_317 = tpu.memref_slice %arg9[%dma_start3A_316] : memref<8192xf32, #tpu.memory_space<vmem>> -> memref<2048xf32, #tpu.memory_space<vmem>>
    %dma_start3A_318 = arith.constant 6144 : i32
    %dma_start3A_319 = tpu.memref_slice %arg3[%add3A_310, %dma_start3A_318] : memref<64x8192xf32, #tpu.memory_space<hbm>> -> memref<1x2048xf32, #tpu.memory_space<hbm>>
    %dma_start3A_320 = tpu.memref_squeeze %dma_start3A_319 : memref<1x2048xf32, #tpu.memory_space<hbm>> -> memref<2048xf32, #tpu.memory_space<hbm>>
    tpu.enqueue_dma source(%dma_start3A_320 : memref<2048xf32, #tpu.memory_space<hbm>>) target(%dma_start3A_317 : memref<2048xf32, #tpu.memory_space<vmem>>) target_semaphore(%arg17 : memref<!tpu.dma_semaphore, #tpu.memory_space<semaphore_mem>>)
    %scan3A_321 = arith.constant 0 : i32
    %scan3A_322 = arith.constant 16 : i32
    %scan3A_323 = arith.addi %scan3A_321, %scan3A_322 : i32
    %scan3A_324 = arith.constant 1 : i32
    %scan3A_325:16 = scf.for %scan3A_993 = %scan3A_321 to %scan3A_323 step %scan3A_324 iter_args(%scan3A_994 = %scan3A_275#0, %scan3A_995 = %scan3A_275#1, %scan3A_996 = %scan3A_275#2, %scan3A_997 = %scan3A_275#3, %scan3A_998 = %scan3A_275#4, %scan3A_999 = %scan3A_275#5, %scan3A_1000 = %scan3A_275#6, %scan3A_1001 = %scan3A_275#7, %scan3A_1002 = %scan3A_275#8, %scan3A_1003 = %scan3A_275#9, %scan3A_1004 = %scan3A_275#10, %scan3A_1005 = %scan3A_275#11, %scan3A_1006 = %scan3A_275#12, %scan3A_1007 = %scan3A_275#13, %scan3A_1008 = %scan3A_275#14, %scan3A_1009 = %scan3A_275#15) -> (vector<16xf32>, vector<16xf32>, vector<16xf32>, vector<16xf32>, vector<16xf32>, vector<16xf32>, vector<16xf32>, vector<16xf32>, vector<16xf32>, vector<16xf32>, vector<16xf32>, vector<16xf32>, vector<16xf32>, vector<16xf32>, vector<16xf32>, vector<16xf32>)  : i32 {
      %mul3A_1010 = arith.constant 128 : i32
      %mul3A_1011 = arith.muli %scan3A_993, %mul3A_1010 : i32
      %add3A_1012 = arith.constant 6144 : i32
      %add3A_1013 = arith.addi %add3A_1012, %mul3A_1011 : i32
      %multiple_of3A = tpu.assume_multiple %add3A_1013, 128 : i32
      %add3A_1014 = arith.constant 0 : i32
      %add3A_1015 = arith.addi %multiple_of3A, %add3A_1014 : i32
      %get3A_1016 = arith.index_cast %add3A_1015 : i32 to index
      %get3A_1017 = tpu.vector_load %arg6[%get3A_1016] {strides = array<i32>} : memref<8192xf32, #tpu.memory_space<vmem>>, vector<16xf32>,
      %get3A_1018 = vector.shape_cast %get3A_1017 : vector<16xf32> to vector<16xf32>
      %add3A_1019 = arith.constant 0 : i32
      %add3A_1020 = arith.addi %multiple_of3A, %add3A_1019 : i32
      %get3A_1021 = arith.index_cast %add3A_1020 : i32 to index
      %get3A_1022 = tpu.vector_load %arg7[%get3A_1021] {strides = array<i32>} : memref<8192xf32, #tpu.memory_space<vmem>>, vector<16xf32>,
      %get3A_1023 = vector.shape_cast %get3A_1022 : vector<16xf32> to vector<16xf32>
      %mul3A_1024 = arith.constant 0.699999988 : f32
      %mul3A_1025 = vector.broadcast %mul3A_1024 : f32 to vector<16xf32>
      %mul3A_1026 = arith.mulf %mul3A_1025, %get3A_1018 : vector<16xf32>
      %mul3A_1027 = arith.constant 3.000000e-01 : f32
      %mul3A_1028 = vector.broadcast %mul3A_1027 : f32 to vector<16xf32>
      %mul3A_1029 = arith.mulf %mul3A_1028, %get3A_1023 : vector<16xf32>
      %add3A_1030 = arith.addf %mul3A_1026, %mul3A_1029 : vector<16xf32>
      %add3A_1031 = arith.addf %get3A_1018, %get3A_1023 : vector<16xf32>
      %sub3A = arith.subf %add3A_1031, %add3A_1030 : vector<16xf32>
      %lt3A_1032 = arith.cmpf olt, %add3A_1030, %scan3A_994 : vector<16xf32>
      %eq3A_1033 = arith.cmpf oeq, %add3A_1030, %scan3A_994 : vector<16xf32>
      %lt3A_1034 = arith.cmpf olt, %sub3A, %scan3A_995 : vector<16xf32>
      %and3A_1035 = arith.andi %eq3A_1033, %lt3A_1034 : vector<16xi1>
      %or3A_1036 = arith.ori %lt3A_1032, %and3A_1035 : vector<16xi1>
      %select_n3A_1037 = arith.select %or3A_1036, %add3A_1030, %scan3A_994 : vector<16xi1>, vector<16xf32>
      %select_n3A_1038 = arith.select %or3A_1036, %sub3A, %scan3A_995 : vector<16xi1>, vector<16xf32>
      %select_n3A_1039 = arith.select %or3A_1036, %get3A_1018, %scan3A_996 : vector<16xi1>, vector<16xf32>
      %select_n3A_1040 = arith.select %or3A_1036, %get3A_1023, %scan3A_997 : vector<16xi1>, vector<16xf32>
      %add3A_1041 = arith.constant 16 : i32
      %add3A_1042 = arith.addi %multiple_of3A, %add3A_1041 : i32
      %get3A_1043 = arith.index_cast %add3A_1042 : i32 to index
      %get3A_1044 = tpu.vector_load %arg6[%get3A_1043] {strides = array<i32>} : memref<8192xf32, #tpu.memory_space<vmem>>, vector<16xf32>,
      %get3A_1045 = vector.shape_cast %get3A_1044 : vector<16xf32> to vector<16xf32>
      %add3A_1046 = arith.constant 16 : i32
      %add3A_1047 = arith.addi %multiple_of3A, %add3A_1046 : i32
      %get3A_1048 = arith.index_cast %add3A_1047 : i32 to index
      %get3A_1049 = tpu.vector_load %arg7[%get3A_1048] {strides = array<i32>} : memref<8192xf32, #tpu.memory_space<vmem>>, vector<16xf32>,
      %get3A_1050 = vector.shape_cast %get3A_1049 : vector<16xf32> to vector<16xf32>
      %mul3A_1051 = arith.constant 0.699999988 : f32
      %mul3A_1052 = vector.broadcast %mul3A_1051 : f32 to vector<16xf32>
      %mul3A_1053 = arith.mulf %mul3A_1052, %get3A_1045 : vector<16xf32>
      %mul3A_1054 = arith.constant 3.000000e-01 : f32
      %mul3A_1055 = vector.broadcast %mul3A_1054 : f32 to vector<16xf32>
      %mul3A_1056 = arith.mulf %mul3A_1055, %get3A_1050 : vector<16xf32>
      %add3A_1057 = arith.addf %mul3A_1053, %mul3A_1056 : vector<16xf32>
      %add3A_1058 = arith.addf %get3A_1045, %get3A_1050 : vector<16xf32>
      %sub3A_1059 = arith.subf %add3A_1058, %add3A_1057 : vector<16xf32>
      %lt3A_1060 = arith.cmpf olt, %add3A_1057, %scan3A_998 : vector<16xf32>
      %eq3A_1061 = arith.cmpf oeq, %add3A_1057, %scan3A_998 : vector<16xf32>
      %lt3A_1062 = arith.cmpf olt, %sub3A_1059, %scan3A_999 : vector<16xf32>
      %and3A_1063 = arith.andi %eq3A_1061, %lt3A_1062 : vector<16xi1>
      %or3A_1064 = arith.ori %lt3A_1060, %and3A_1063 : vector<16xi1>
      %select_n3A_1065 = arith.select %or3A_1064, %add3A_1057, %scan3A_998 : vector<16xi1>, vector<16xf32>
      %select_n3A_1066 = arith.select %or3A_1064, %sub3A_1059, %scan3A_999 : vector<16xi1>, vector<16xf32>
      %select_n3A_1067 = arith.select %or3A_1064, %get3A_1045, %scan3A_1000 : vector<16xi1>, vector<16xf32>
      %select_n3A_1068 = arith.select %or3A_1064, %get3A_1050, %scan3A_1001 : vector<16xi1>, vector<16xf32>
      %add3A_1069 = arith.constant 32 : i32
      %add3A_1070 = arith.addi %multiple_of3A, %add3A_1069 : i32
      %get3A_1071 = arith.index_cast %add3A_1070 : i32 to index
      %get3A_1072 = tpu.vector_load %arg6[%get3A_1071] {strides = array<i32>} : memref<8192xf32, #tpu.memory_space<vmem>>, vector<16xf32>,
      %get3A_1073 = vector.shape_cast %get3A_1072 : vector<16xf32> to vector<16xf32>
      %add3A_1074 = arith.constant 32 : i32
      %add3A_1075 = arith.addi %multiple_of3A, %add3A_1074 : i32
      %get3A_1076 = arith.index_cast %add3A_1075 : i32 to index
      %get3A_1077 = tpu.vector_load %arg7[%get3A_1076] {strides = array<i32>} : memref<8192xf32, #tpu.memory_space<vmem>>, vector<16xf32>,
      %get3A_1078 = vector.shape_cast %get3A_1077 : vector<16xf32> to vector<16xf32>
      %mul3A_1079 = arith.constant 0.699999988 : f32
      %mul3A_1080 = vector.broadcast %mul3A_1079 : f32 to vector<16xf32>
      %mul3A_1081 = arith.mulf %mul3A_1080, %get3A_1073 : vector<16xf32>
      %mul3A_1082 = arith.constant 3.000000e-01 : f32
      %mul3A_1083 = vector.broadcast %mul3A_1082 : f32 to vector<16xf32>
      %mul3A_1084 = arith.mulf %mul3A_1083, %get3A_1078 : vector<16xf32>
      %add3A_1085 = arith.addf %mul3A_1081, %mul3A_1084 : vector<16xf32>
      %add3A_1086 = arith.addf %get3A_1073, %get3A_1078 : vector<16xf32>
      %sub3A_1087 = arith.subf %add3A_1086, %add3A_1085 : vector<16xf32>
      %lt3A_1088 = arith.cmpf olt, %add3A_1085, %scan3A_1002 : vector<16xf32>
      %eq3A_1089 = arith.cmpf oeq, %add3A_1085, %scan3A_1002 : vector<16xf32>
      %lt3A_1090 = arith.cmpf olt, %sub3A_1087, %scan3A_1003 : vector<16xf32>
      %and3A_1091 = arith.andi %eq3A_1089, %lt3A_1090 : vector<16xi1>
      %or3A_1092 = arith.ori %lt3A_1088, %and3A_1091 : vector<16xi1>
      %select_n3A_1093 = arith.select %or3A_1092, %add3A_1085, %scan3A_1002 : vector<16xi1>, vector<16xf32>
      %select_n3A_1094 = arith.select %or3A_1092, %sub3A_1087, %scan3A_1003 : vector<16xi1>, vector<16xf32>
      %select_n3A_1095 = arith.select %or3A_1092, %get3A_1073, %scan3A_1004 : vector<16xi1>, vector<16xf32>
      %select_n3A_1096 = arith.select %or3A_1092, %get3A_1078, %scan3A_1005 : vector<16xi1>, vector<16xf32>
      %add3A_1097 = arith.constant 48 : i32
      %add3A_1098 = arith.addi %multiple_of3A, %add3A_1097 : i32
      %get3A_1099 = arith.index_cast %add3A_1098 : i32 to index
      %get3A_1100 = tpu.vector_load %arg6[%get3A_1099] {strides = array<i32>} : memref<8192xf32, #tpu.memory_space<vmem>>, vector<16xf32>,
      %get3A_1101 = vector.shape_cast %get3A_1100 : vector<16xf32> to vector<16xf32>
      %add3A_1102 = arith.constant 48 : i32
      %add3A_1103 = arith.addi %multiple_of3A, %add3A_1102 : i32
      %get3A_1104 = arith.index_cast %add3A_1103 : i32 to index
      %get3A_1105 = tpu.vector_load %arg7[%get3A_1104] {strides = array<i32>} : memref<8192xf32, #tpu.memory_space<vmem>>, vector<16xf32>,
      %get3A_1106 = vector.shape_cast %get3A_1105 : vector<16xf32> to vector<16xf32>
      %mul3A_1107 = arith.constant 0.699999988 : f32
      %mul3A_1108 = vector.broadcast %mul3A_1107 : f32 to vector<16xf32>
      %mul3A_1109 = arith.mulf %mul3A_1108, %get3A_1101 : vector<16xf32>
      %mul3A_1110 = arith.constant 3.000000e-01 : f32
      %mul3A_1111 = vector.broadcast %mul3A_1110 : f32 to vector<16xf32>
      %mul3A_1112 = arith.mulf %mul3A_1111, %get3A_1106 : vector<16xf32>
      %add3A_1113 = arith.addf %mul3A_1109, %mul3A_1112 : vector<16xf32>
      %add3A_1114 = arith.addf %get3A_1101, %get3A_1106 : vector<16xf32>
      %sub3A_1115 = arith.subf %add3A_1114, %add3A_1113 : vector<16xf32>
      %lt3A_1116 = arith.cmpf olt, %add3A_1113, %scan3A_1006 : vector<16xf32>
      %eq3A_1117 = arith.cmpf oeq, %add3A_1113, %scan3A_1006 : vector<16xf32>
      %lt3A_1118 = arith.cmpf olt, %sub3A_1115, %scan3A_1007 : vector<16xf32>
      %and3A_1119 = arith.andi %eq3A_1117, %lt3A_1118 : vector<16xi1>
      %or3A_1120 = arith.ori %lt3A_1116, %and3A_1119 : vector<16xi1>
      %select_n3A_1121 = arith.select %or3A_1120, %add3A_1113, %scan3A_1006 : vector<16xi1>, vector<16xf32>
      %select_n3A_1122 = arith.select %or3A_1120, %sub3A_1115, %scan3A_1007 : vector<16xi1>, vector<16xf32>
      %select_n3A_1123 = arith.select %or3A_1120, %get3A_1101, %scan3A_1008 : vector<16xi1>, vector<16xf32>
      %select_n3A_1124 = arith.select %or3A_1120, %get3A_1106, %scan3A_1009 : vector<16xi1>, vector<16xf32>
      %add3A_1125 = arith.constant 64 : i32
      %add3A_1126 = arith.addi %multiple_of3A, %add3A_1125 : i32
      %get3A_1127 = arith.index_cast %add3A_1126 : i32 to index
      %get3A_1128 = tpu.vector_load %arg6[%get3A_1127] {strides = array<i32>} : memref<8192xf32, #tpu.memory_space<vmem>>, vector<16xf32>,
      %get3A_1129 = vector.shape_cast %get3A_1128 : vector<16xf32> to vector<16xf32>
      %add3A_1130 = arith.constant 64 : i32
      %add3A_1131 = arith.addi %multiple_of3A, %add3A_1130 : i32
      %get3A_1132 = arith.index_cast %add3A_1131 : i32 to index
      %get3A_1133 = tpu.vector_load %arg7[%get3A_1132] {strides = array<i32>} : memref<8192xf32, #tpu.memory_space<vmem>>, vector<16xf32>,
      %get3A_1134 = vector.shape_cast %get3A_1133 : vector<16xf32> to vector<16xf32>
      %mul3A_1135 = arith.constant 0.699999988 : f32
      %mul3A_1136 = vector.broadcast %mul3A_1135 : f32 to vector<16xf32>
      %mul3A_1137 = arith.mulf %mul3A_1136, %get3A_1129 : vector<16xf32>
      %mul3A_1138 = arith.constant 3.000000e-01 : f32
      %mul3A_1139 = vector.broadcast %mul3A_1138 : f32 to vector<16xf32>
      %mul3A_1140 = arith.mulf %mul3A_1139, %get3A_1134 : vector<16xf32>
      %add3A_1141 = arith.addf %mul3A_1137, %mul3A_1140 : vector<16xf32>
      %add3A_1142 = arith.addf %get3A_1129, %get3A_1134 : vector<16xf32>
      %sub3A_1143 = arith.subf %add3A_1142, %add3A_1141 : vector<16xf32>
      %lt3A_1144 = arith.cmpf olt, %add3A_1141, %select_n3A_1037 : vector<16xf32>
      %eq3A_1145 = arith.cmpf oeq, %add3A_1141, %select_n3A_1037 : vector<16xf32>
      %lt3A_1146 = arith.cmpf olt, %sub3A_1143, %select_n3A_1038 : vector<16xf32>
      %and3A_1147 = arith.andi %eq3A_1145, %lt3A_1146 : vector<16xi1>
      %or3A_1148 = arith.ori %lt3A_1144, %and3A_1147 : vector<16xi1>
      %select_n3A_1149 = arith.select %or3A_1148, %add3A_1141, %select_n3A_1037 : vector<16xi1>, vector<16xf32>
      %select_n3A_1150 = arith.select %or3A_1148, %sub3A_1143, %select_n3A_1038 : vector<16xi1>, vector<16xf32>
      %select_n3A_1151 = arith.select %or3A_1148, %get3A_1129, %select_n3A_1039 : vector<16xi1>, vector<16xf32>
      %select_n3A_1152 = arith.select %or3A_1148, %get3A_1134, %select_n3A_1040 : vector<16xi1>, vector<16xf32>
      %add3A_1153 = arith.constant 80 : i32
      %add3A_1154 = arith.addi %multiple_of3A, %add3A_1153 : i32
      %get3A_1155 = arith.index_cast %add3A_1154 : i32 to index
      %get3A_1156 = tpu.vector_load %arg6[%get3A_1155] {strides = array<i32>} : memref<8192xf32, #tpu.memory_space<vmem>>, vector<16xf32>,
      %get3A_1157 = vector.shape_cast %get3A_1156 : vector<16xf32> to vector<16xf32>
      %add3A_1158 = arith.constant 80 : i32
      %add3A_1159 = arith.addi %multiple_of3A, %add3A_1158 : i32
      %get3A_1160 = arith.index_cast %add3A_1159 : i32 to index
      %get3A_1161 = tpu.vector_load %arg7[%get3A_1160] {strides = array<i32>} : memref<8192xf32, #tpu.memory_space<vmem>>, vector<16xf32>,
      %get3A_1162 = vector.shape_cast %get3A_1161 : vector<16xf32> to vector<16xf32>
      %mul3A_1163 = arith.constant 0.699999988 : f32
      %mul3A_1164 = vector.broadcast %mul3A_1163 : f32 to vector<16xf32>
      %mul3A_1165 = arith.mulf %mul3A_1164, %get3A_1157 : vector<16xf32>
      %mul3A_1166 = arith.constant 3.000000e-01 : f32
      %mul3A_1167 = vector.broadcast %mul3A_1166 : f32 to vector<16xf32>
      %mul3A_1168 = arith.mulf %mul3A_1167, %get3A_1162 : vector<16xf32>
      %add3A_1169 = arith.addf %mul3A_1165, %mul3A_1168 : vector<16xf32>
      %add3A_1170 = arith.addf %get3A_1157, %get3A_1162 : vector<16xf32>
      %sub3A_1171 = arith.subf %add3A_1170, %add3A_1169 : vector<16xf32>
      %lt3A_1172 = arith.cmpf olt, %add3A_1169, %select_n3A_1065 : vector<16xf32>
      %eq3A_1173 = arith.cmpf oeq, %add3A_1169, %select_n3A_1065 : vector<16xf32>
      %lt3A_1174 = arith.cmpf olt, %sub3A_1171, %select_n3A_1066 : vector<16xf32>
      %and3A_1175 = arith.andi %eq3A_1173, %lt3A_1174 : vector<16xi1>
      %or3A_1176 = arith.ori %lt3A_1172, %and3A_1175 : vector<16xi1>
      %select_n3A_1177 = arith.select %or3A_1176, %add3A_1169, %select_n3A_1065 : vector<16xi1>, vector<16xf32>
      %select_n3A_1178 = arith.select %or3A_1176, %sub3A_1171, %select_n3A_1066 : vector<16xi1>, vector<16xf32>
      %select_n3A_1179 = arith.select %or3A_1176, %get3A_1157, %select_n3A_1067 : vector<16xi1>, vector<16xf32>
      %select_n3A_1180 = arith.select %or3A_1176, %get3A_1162, %select_n3A_1068 : vector<16xi1>, vector<16xf32>
      %add3A_1181 = arith.constant 96 : i32
      %add3A_1182 = arith.addi %multiple_of3A, %add3A_1181 : i32
      %get3A_1183 = arith.index_cast %add3A_1182 : i32 to index
      %get3A_1184 = tpu.vector_load %arg6[%get3A_1183] {strides = array<i32>} : memref<8192xf32, #tpu.memory_space<vmem>>, vector<16xf32>,
      %get3A_1185 = vector.shape_cast %get3A_1184 : vector<16xf32> to vector<16xf32>
      %add3A_1186 = arith.constant 96 : i32
      %add3A_1187 = arith.addi %multiple_of3A, %add3A_1186 : i32
      %get3A_1188 = arith.index_cast %add3A_1187 : i32 to index
      %get3A_1189 = tpu.vector_load %arg7[%get3A_1188] {strides = array<i32>} : memref<8192xf32, #tpu.memory_space<vmem>>, vector<16xf32>,
      %get3A_1190 = vector.shape_cast %get3A_1189 : vector<16xf32> to vector<16xf32>
      %mul3A_1191 = arith.constant 0.699999988 : f32
      %mul3A_1192 = vector.broadcast %mul3A_1191 : f32 to vector<16xf32>
      %mul3A_1193 = arith.mulf %mul3A_1192, %get3A_1185 : vector<16xf32>
      %mul3A_1194 = arith.constant 3.000000e-01 : f32
      %mul3A_1195 = vector.broadcast %mul3A_1194 : f32 to vector<16xf32>
      %mul3A_1196 = arith.mulf %mul3A_1195, %get3A_1190 : vector<16xf32>
      %add3A_1197 = arith.addf %mul3A_1193, %mul3A_1196 : vector<16xf32>
      %add3A_1198 = arith.addf %get3A_1185, %get3A_1190 : vector<16xf32>
      %sub3A_1199 = arith.subf %add3A_1198, %add3A_1197 : vector<16xf32>
      %lt3A_1200 = arith.cmpf olt, %add3A_1197, %select_n3A_1093 : vector<16xf32>
      %eq3A_1201 = arith.cmpf oeq, %add3A_1197, %select_n3A_1093 : vector<16xf32>
      %lt3A_1202 = arith.cmpf olt, %sub3A_1199, %select_n3A_1094 : vector<16xf32>
      %and3A_1203 = arith.andi %eq3A_1201, %lt3A_1202 : vector<16xi1>
      %or3A_1204 = arith.ori %lt3A_1200, %and3A_1203 : vector<16xi1>
      %select_n3A_1205 = arith.select %or3A_1204, %add3A_1197, %select_n3A_1093 : vector<16xi1>, vector<16xf32>
      %select_n3A_1206 = arith.select %or3A_1204, %sub3A_1199, %select_n3A_1094 : vector<16xi1>, vector<16xf32>
      %select_n3A_1207 = arith.select %or3A_1204, %get3A_1185, %select_n3A_1095 : vector<16xi1>, vector<16xf32>
      %select_n3A_1208 = arith.select %or3A_1204, %get3A_1190, %select_n3A_1096 : vector<16xi1>, vector<16xf32>
      %add3A_1209 = arith.constant 112 : i32
      %add3A_1210 = arith.addi %multiple_of3A, %add3A_1209 : i32
      %get3A_1211 = arith.index_cast %add3A_1210 : i32 to index
      %get3A_1212 = tpu.vector_load %arg6[%get3A_1211] {strides = array<i32>} : memref<8192xf32, #tpu.memory_space<vmem>>, vector<16xf32>,
      %get3A_1213 = vector.shape_cast %get3A_1212 : vector<16xf32> to vector<16xf32>
      %add3A_1214 = arith.constant 112 : i32
      %add3A_1215 = arith.addi %multiple_of3A, %add3A_1214 : i32
      %get3A_1216 = arith.index_cast %add3A_1215 : i32 to index
      %get3A_1217 = tpu.vector_load %arg7[%get3A_1216] {strides = array<i32>} : memref<8192xf32, #tpu.memory_space<vmem>>, vector<16xf32>,
      %get3A_1218 = vector.shape_cast %get3A_1217 : vector<16xf32> to vector<16xf32>
      %mul3A_1219 = arith.constant 0.699999988 : f32
      %mul3A_1220 = vector.broadcast %mul3A_1219 : f32 to vector<16xf32>
      %mul3A_1221 = arith.mulf %mul3A_1220, %get3A_1213 : vector<16xf32>
      %mul3A_1222 = arith.constant 3.000000e-01 : f32
      %mul3A_1223 = vector.broadcast %mul3A_1222 : f32 to vector<16xf32>
      %mul3A_1224 = arith.mulf %mul3A_1223, %get3A_1218 : vector<16xf32>
      %add3A_1225 = arith.addf %mul3A_1221, %mul3A_1224 : vector<16xf32>
      %add3A_1226 = arith.addf %get3A_1213, %get3A_1218 : vector<16xf32>
      %sub3A_1227 = arith.subf %add3A_1226, %add3A_1225 : vector<16xf32>
      %lt3A_1228 = arith.cmpf olt, %add3A_1225, %select_n3A_1121 : vector<16xf32>
      %eq3A_1229 = arith.cmpf oeq, %add3A_1225, %select_n3A_1121 : vector<16xf32>
      %lt3A_1230 = arith.cmpf olt, %sub3A_1227, %select_n3A_1122 : vector<16xf32>
      %and3A_1231 = arith.andi %eq3A_1229, %lt3A_1230 : vector<16xi1>
      %or3A_1232 = arith.ori %lt3A_1228, %and3A_1231 : vector<16xi1>
      %select_n3A_1233 = arith.select %or3A_1232, %add3A_1225, %select_n3A_1121 : vector<16xi1>, vector<16xf32>
      %select_n3A_1234 = arith.select %or3A_1232, %sub3A_1227, %select_n3A_1122 : vector<16xi1>, vector<16xf32>
      %select_n3A_1235 = arith.select %or3A_1232, %get3A_1213, %select_n3A_1123 : vector<16xi1>, vector<16xf32>
      %select_n3A_1236 = arith.select %or3A_1232, %get3A_1218, %select_n3A_1124 : vector<16xi1>, vector<16xf32>
      scf.yield %select_n3A_1149, %select_n3A_1150, %select_n3A_1151, %select_n3A_1152, %select_n3A_1177, %select_n3A_1178, %select_n3A_1179, %select_n3A_1180, %select_n3A_1205, %select_n3A_1206, %select_n3A_1207, %select_n3A_1208, %select_n3A_1233, %select_n3A_1234, %select_n3A_1235, %select_n3A_1236 : vector<16xf32>, vector<16xf32>, vector<16xf32>, vector<16xf32>, vector<16xf32>, vector<16xf32>, vector<16xf32>, vector<16xf32>, vector<16xf32>, vector<16xf32>, vector<16xf32>, vector<16xf32>, vector<16xf32>, vector<16xf32>, vector<16xf32>, vector<16xf32>
    }
    %scan3A_326 = arith.constant 16 : i32
    %lt3A = arith.cmpf olt, %scan3A_325#4, %scan3A_325#0 : vector<16xf32>
    %eq3A = arith.cmpf oeq, %scan3A_325#4, %scan3A_325#0 : vector<16xf32>
    %lt3A_327 = arith.cmpf olt, %scan3A_325#5, %scan3A_325#1 : vector<16xf32>
    %and3A = arith.andi %eq3A, %lt3A_327 : vector<16xi1>
    %or3A = arith.ori %lt3A, %and3A : vector<16xi1>
    %select_n3A = arith.select %or3A, %scan3A_325#4, %scan3A_325#0 : vector<16xi1>, vector<16xf32>
    %select_n3A_328 = arith.select %or3A, %scan3A_325#5, %scan3A_325#1 : vector<16xi1>, vector<16xf32>
    %select_n3A_329 = arith.select %or3A, %scan3A_325#6, %scan3A_325#2 : vector<16xi1>, vector<16xf32>
    %select_n3A_330 = arith.select %or3A, %scan3A_325#7, %scan3A_325#3 : vector<16xi1>, vector<16xf32>
    %lt3A_331 = arith.cmpf olt, %scan3A_325#12, %scan3A_325#8 : vector<16xf32>
    %eq3A_332 = arith.cmpf oeq, %scan3A_325#12, %scan3A_325#8 : vector<16xf32>
    %lt3A_333 = arith.cmpf olt, %scan3A_325#13, %scan3A_325#9 : vector<16xf32>
    %and3A_334 = arith.andi %eq3A_332, %lt3A_333 : vector<16xi1>
    %or3A_335 = arith.ori %lt3A_331, %and3A_334 : vector<16xi1>
    %select_n3A_336 = arith.select %or3A_335, %scan3A_325#12, %scan3A_325#8 : vector<16xi1>, vector<16xf32>
    %select_n3A_337 = arith.select %or3A_335, %scan3A_325#13, %scan3A_325#9 : vector<16xi1>, vector<16xf32>
    %select_n3A_338 = arith.select %or3A_335, %scan3A_325#14, %scan3A_325#10 : vector<16xi1>, vector<16xf32>
    %select_n3A_339 = arith.select %or3A_335, %scan3A_325#15, %scan3A_325#11 : vector<16xi1>, vector<16xf32>
    %lt3A_340 = arith.cmpf olt, %select_n3A_336, %select_n3A : vector<16xf32>
    %eq3A_341 = arith.cmpf oeq, %select_n3A_336, %select_n3A : vector<16xf32>
    %lt3A_342 = arith.cmpf olt, %select_n3A_337, %select_n3A_328 : vector<16xf32>
    %and3A_343 = arith.andi %eq3A_341, %lt3A_342 : vector<16xi1>
    %or3A_344 = arith.ori %lt3A_340, %and3A_343 : vector<16xi1>
    %select_n3A_345 = arith.select %or3A_344, %select_n3A_336, %select_n3A : vector<16xi1>, vector<16xf32>
    %select_n3A_346 = arith.select %or3A_344, %select_n3A_337, %select_n3A_328 : vector<16xi1>, vector<16xf32>
    %select_n3A_347 = arith.select %or3A_344, %select_n3A_338, %select_n3A_329 : vector<16xi1>, vector<16xf32>
    %select_n3A_348 = arith.select %or3A_344, %select_n3A_339, %select_n3A_330 : vector<16xi1>, vector<16xf32>
    %swap3A = arith.constant 0 : index
    %swap3A_349 = tpu.vector_load %arg10[%swap3A] {strides = array<i32>} : memref<128xf32, #tpu.memory_space<vmem>>, vector<16xf32>,
    %swap3A_350 = vector.shape_cast %swap3A_349 : vector<16xf32> to vector<16xf32>
    %swap3A_351 = vector.shape_cast %select_n3A_345 : vector<16xf32> to vector<16xf32>
    tpu.vector_store %arg10[%swap3A], %swap3A_351 {strides = array<i32>} : memref<128xf32, #tpu.memory_space<vmem>>, vector<16xf32>,
    %swap3A_352 = arith.constant 16 : index
    %swap3A_353 = tpu.vector_load %arg10[%swap3A_352] {strides = array<i32>} : memref<128xf32, #tpu.memory_space<vmem>>, vector<16xf32>,
    %swap3A_354 = vector.shape_cast %swap3A_353 : vector<16xf32> to vector<16xf32>
    %swap3A_355 = vector.shape_cast %select_n3A_345 : vector<16xf32> to vector<16xf32>
    tpu.vector_store %arg10[%swap3A_352], %swap3A_355 {strides = array<i32>} : memref<128xf32, #tpu.memory_space<vmem>>, vector<16xf32>,
    %swap3A_356 = arith.constant 32 : index
    %swap3A_357 = tpu.vector_load %arg10[%swap3A_356] {strides = array<i32>} : memref<128xf32, #tpu.memory_space<vmem>>, vector<16xf32>,
    %swap3A_358 = vector.shape_cast %swap3A_357 : vector<16xf32> to vector<16xf32>
    %swap3A_359 = vector.shape_cast %select_n3A_346 : vector<16xf32> to vector<16xf32>
    tpu.vector_store %arg10[%swap3A_356], %swap3A_359 {strides = array<i32>} : memref<128xf32, #tpu.memory_space<vmem>>, vector<16xf32>,
    %swap3A_360 = arith.constant 48 : index
    %swap3A_361 = tpu.vector_load %arg10[%swap3A_360] {strides = array<i32>} : memref<128xf32, #tpu.memory_space<vmem>>, vector<16xf32>,
    %swap3A_362 = vector.shape_cast %swap3A_361 : vector<16xf32> to vector<16xf32>
    %swap3A_363 = vector.shape_cast %select_n3A_346 : vector<16xf32> to vector<16xf32>
    tpu.vector_store %arg10[%swap3A_360], %swap3A_363 {strides = array<i32>} : memref<128xf32, #tpu.memory_space<vmem>>, vector<16xf32>,
    %swap3A_364 = arith.constant 64 : index
    %swap3A_365 = tpu.vector_load %arg10[%swap3A_364] {strides = array<i32>} : memref<128xf32, #tpu.memory_space<vmem>>, vector<16xf32>,
    %swap3A_366 = vector.shape_cast %swap3A_365 : vector<16xf32> to vector<16xf32>
    %swap3A_367 = vector.shape_cast %select_n3A_347 : vector<16xf32> to vector<16xf32>
    tpu.vector_store %arg10[%swap3A_364], %swap3A_367 {strides = array<i32>} : memref<128xf32, #tpu.memory_space<vmem>>, vector<16xf32>,
    %swap3A_368 = arith.constant 80 : index
    %swap3A_369 = tpu.vector_load %arg10[%swap3A_368] {strides = array<i32>} : memref<128xf32, #tpu.memory_space<vmem>>, vector<16xf32>,
    %swap3A_370 = vector.shape_cast %swap3A_369 : vector<16xf32> to vector<16xf32>
    %swap3A_371 = vector.shape_cast %select_n3A_347 : vector<16xf32> to vector<16xf32>
    tpu.vector_store %arg10[%swap3A_368], %swap3A_371 {strides = array<i32>} : memref<128xf32, #tpu.memory_space<vmem>>, vector<16xf32>,
    %swap3A_372 = arith.constant 96 : index
    %swap3A_373 = tpu.vector_load %arg10[%swap3A_372] {strides = array<i32>} : memref<128xf32, #tpu.memory_space<vmem>>, vector<16xf32>,
    %swap3A_374 = vector.shape_cast %swap3A_373 : vector<16xf32> to vector<16xf32>
    %swap3A_375 = vector.shape_cast %select_n3A_348 : vector<16xf32> to vector<16xf32>
    tpu.vector_store %arg10[%swap3A_372], %swap3A_375 {strides = array<i32>} : memref<128xf32, #tpu.memory_space<vmem>>, vector<16xf32>,
    %swap3A_376 = arith.constant 112 : index
    %swap3A_377 = tpu.vector_load %arg10[%swap3A_376] {strides = array<i32>} : memref<128xf32, #tpu.memory_space<vmem>>, vector<16xf32>,
    %swap3A_378 = vector.shape_cast %swap3A_377 : vector<16xf32> to vector<16xf32>
    %swap3A_379 = vector.shape_cast %select_n3A_348 : vector<16xf32> to vector<16xf32>
    tpu.vector_store %arg10[%swap3A_376], %swap3A_379 {strides = array<i32>} : memref<128xf32, #tpu.memory_space<vmem>>, vector<16xf32>,
    %get3A = arith.constant 1 : index
    %get3A_380 = tpu.vector_load %arg10[%get3A] {strides = array<i32>} : memref<128xf32, #tpu.memory_space<vmem>>, vector<16xf32>,
    %get3A_381 = vector.shape_cast %get3A_380 : vector<16xf32> to vector<16xf32>
    %get3A_382 = arith.constant 33 : index
    %get3A_383 = tpu.vector_load %arg10[%get3A_382] {strides = array<i32>} : memref<128xf32, #tpu.memory_space<vmem>>, vector<16xf32>,
    %get3A_384 = vector.shape_cast %get3A_383 : vector<16xf32> to vector<16xf32>
    %get3A_385 = arith.constant 65 : index
    %get3A_386 = tpu.vector_load %arg10[%get3A_385] {strides = array<i32>} : memref<128xf32, #tpu.memory_space<vmem>>, vector<16xf32>,
    %get3A_387 = vector.shape_cast %get3A_386 : vector<16xf32> to vector<16xf32>
    %get3A_388 = arith.constant 97 : index
    %get3A_389 = tpu.vector_load %arg10[%get3A_388] {strides = array<i32>} : memref<128xf32, #tpu.memory_space<vmem>>, vector<16xf32>,
    %get3A_390 = vector.shape_cast %get3A_389 : vector<16xf32> to vector<16xf32>
    %lt3A_391 = arith.cmpf olt, %get3A_381, %select_n3A_345 : vector<16xf32>
    %eq3A_392 = arith.cmpf oeq, %get3A_381, %select_n3A_345 : vector<16xf32>
    %lt3A_393 = arith.cmpf olt, %get3A_384, %select_n3A_346 : vector<16xf32>
    %and3A_394 = arith.andi %eq3A_392, %lt3A_393 : vector<16xi1>
    %or3A_395 = arith.ori %lt3A_391, %and3A_394 : vector<16xi1>
    %select_n3A_396 = arith.select %or3A_395, %get3A_381, %select_n3A_345 : vector<16xi1>, vector<16xf32>
    %select_n3A_397 = arith.select %or3A_395, %get3A_384, %select_n3A_346 : vector<16xi1>, vector<16xf32>
    %select_n3A_398 = arith.select %or3A_395, %get3A_387, %select_n3A_347 : vector<16xi1>, vector<16xf32>
    %select_n3A_399 = arith.select %or3A_395, %get3A_390, %select_n3A_348 : vector<16xi1>, vector<16xf32>
    %swap3A_400 = arith.constant 0 : index
    %swap3A_401 = tpu.vector_load %arg10[%swap3A_400] {strides = array<i32>} : memref<128xf32, #tpu.memory_space<vmem>>, vector<16xf32>,
    %swap3A_402 = vector.shape_cast %swap3A_401 : vector<16xf32> to vector<16xf32>
    %swap3A_403 = vector.shape_cast %select_n3A_396 : vector<16xf32> to vector<16xf32>
    tpu.vector_store %arg10[%swap3A_400], %swap3A_403 {strides = array<i32>} : memref<128xf32, #tpu.memory_space<vmem>>, vector<16xf32>,
    %swap3A_404 = arith.constant 16 : index
    %swap3A_405 = tpu.vector_load %arg10[%swap3A_404] {strides = array<i32>} : memref<128xf32, #tpu.memory_space<vmem>>, vector<16xf32>,
    %swap3A_406 = vector.shape_cast %swap3A_405 : vector<16xf32> to vector<16xf32>
    %swap3A_407 = vector.shape_cast %select_n3A_396 : vector<16xf32> to vector<16xf32>
    tpu.vector_store %arg10[%swap3A_404], %swap3A_407 {strides = array<i32>} : memref<128xf32, #tpu.memory_space<vmem>>, vector<16xf32>,
    %swap3A_408 = arith.constant 32 : index
    %swap3A_409 = tpu.vector_load %arg10[%swap3A_408] {strides = array<i32>} : memref<128xf32, #tpu.memory_space<vmem>>, vector<16xf32>,
    %swap3A_410 = vector.shape_cast %swap3A_409 : vector<16xf32> to vector<16xf32>
    %swap3A_411 = vector.shape_cast %select_n3A_397 : vector<16xf32> to vector<16xf32>
    tpu.vector_store %arg10[%swap3A_408], %swap3A_411 {strides = array<i32>} : memref<128xf32, #tpu.memory_space<vmem>>, vector<16xf32>,
    %swap3A_412 = arith.constant 48 : index
    %swap3A_413 = tpu.vector_load %arg10[%swap3A_412] {strides = array<i32>} : memref<128xf32, #tpu.memory_space<vmem>>, vector<16xf32>,
    %swap3A_414 = vector.shape_cast %swap3A_413 : vector<16xf32> to vector<16xf32>
    %swap3A_415 = vector.shape_cast %select_n3A_397 : vector<16xf32> to vector<16xf32>
    tpu.vector_store %arg10[%swap3A_412], %swap3A_415 {strides = array<i32>} : memref<128xf32, #tpu.memory_space<vmem>>, vector<16xf32>,
    %swap3A_416 = arith.constant 64 : index
    %swap3A_417 = tpu.vector_load %arg10[%swap3A_416] {strides = array<i32>} : memref<128xf32, #tpu.memory_space<vmem>>, vector<16xf32>,
    %swap3A_418 = vector.shape_cast %swap3A_417 : vector<16xf32> to vector<16xf32>
    %swap3A_419 = vector.shape_cast %select_n3A_398 : vector<16xf32> to vector<16xf32>
    tpu.vector_store %arg10[%swap3A_416], %swap3A_419 {strides = array<i32>} : memref<128xf32, #tpu.memory_space<vmem>>, vector<16xf32>,
    %swap3A_420 = arith.constant 80 : index
    %swap3A_421 = tpu.vector_load %arg10[%swap3A_420] {strides = array<i32>} : memref<128xf32, #tpu.memory_space<vmem>>, vector<16xf32>,
    %swap3A_422 = vector.shape_cast %swap3A_421 : vector<16xf32> to vector<16xf32>
    %swap3A_423 = vector.shape_cast %select_n3A_398 : vector<16xf32> to vector<16xf32>
    tpu.vector_store %arg10[%swap3A_420], %swap3A_423 {strides = array<i32>} : memref<128xf32, #tpu.memory_space<vmem>>, vector<16xf32>,
    %swap3A_424 = arith.constant 96 : index
    %swap3A_425 = tpu.vector_load %arg10[%swap3A_424] {strides = array<i32>} : memref<128xf32, #tpu.memory_space<vmem>>, vector<16xf32>,
    %swap3A_426 = vector.shape_cast %swap3A_425 : vector<16xf32> to vector<16xf32>
    %swap3A_427 = vector.shape_cast %select_n3A_399 : vector<16xf32> to vector<16xf32>
    tpu.vector_store %arg10[%swap3A_424], %swap3A_427 {strides = array<i32>} : memref<128xf32, #tpu.memory_space<vmem>>, vector<16xf32>,
    %swap3A_428 = arith.constant 112 : index
    %swap3A_429 = tpu.vector_load %arg10[%swap3A_428] {strides = array<i32>} : memref<128xf32, #tpu.memory_space<vmem>>, vector<16xf32>,
    %swap3A_430 = vector.shape_cast %swap3A_429 : vector<16xf32> to vector<16xf32>
    %swap3A_431 = vector.shape_cast %select_n3A_399 : vector<16xf32> to vector<16xf32>
    tpu.vector_store %arg10[%swap3A_428], %swap3A_431 {strides = array<i32>} : memref<128xf32, #tpu.memory_space<vmem>>, vector<16xf32>,
    %get3A_432 = arith.constant 2 : index
    %get3A_433 = tpu.vector_load %arg10[%get3A_432] {strides = array<i32>} : memref<128xf32, #tpu.memory_space<vmem>>, vector<16xf32>,
    %get3A_434 = vector.shape_cast %get3A_433 : vector<16xf32> to vector<16xf32>
    %get3A_435 = arith.constant 34 : index
    %get3A_436 = tpu.vector_load %arg10[%get3A_435] {strides = array<i32>} : memref<128xf32, #tpu.memory_space<vmem>>, vector<16xf32>,
    %get3A_437 = vector.shape_cast %get3A_436 : vector<16xf32> to vector<16xf32>
    %get3A_438 = arith.constant 66 : index
    %get3A_439 = tpu.vector_load %arg10[%get3A_438] {strides = array<i32>} : memref<128xf32, #tpu.memory_space<vmem>>, vector<16xf32>,
    %get3A_440 = vector.shape_cast %get3A_439 : vector<16xf32> to vector<16xf32>
    %get3A_441 = arith.constant 98 : index
    %get3A_442 = tpu.vector_load %arg10[%get3A_441] {strides = array<i32>} : memref<128xf32, #tpu.memory_space<vmem>>, vector<16xf32>,
    %get3A_443 = vector.shape_cast %get3A_442 : vector<16xf32> to vector<16xf32>
    %lt3A_444 = arith.cmpf olt, %get3A_434, %select_n3A_396 : vector<16xf32>
    %eq3A_445 = arith.cmpf oeq, %get3A_434, %select_n3A_396 : vector<16xf32>
    %lt3A_446 = arith.cmpf olt, %get3A_437, %select_n3A_397 : vector<16xf32>
    %and3A_447 = arith.andi %eq3A_445, %lt3A_446 : vector<16xi1>
    %or3A_448 = arith.ori %lt3A_444, %and3A_447 : vector<16xi1>
    %select_n3A_449 = arith.select %or3A_448, %get3A_434, %select_n3A_396 : vector<16xi1>, vector<16xf32>
    %select_n3A_450 = arith.select %or3A_448, %get3A_437, %select_n3A_397 : vector<16xi1>, vector<16xf32>
    %select_n3A_451 = arith.select %or3A_448, %get3A_440, %select_n3A_398 : vector<16xi1>, vector<16xf32>
    %select_n3A_452 = arith.select %or3A_448, %get3A_443, %select_n3A_399 : vector<16xi1>, vector<16xf32>
    %swap3A_453 = arith.constant 0 : index
    %swap3A_454 = tpu.vector_load %arg10[%swap3A_453] {strides = array<i32>} : memref<128xf32, #tpu.memory_space<vmem>>, vector<16xf32>,
    %swap3A_455 = vector.shape_cast %swap3A_454 : vector<16xf32> to vector<16xf32>
    %swap3A_456 = vector.shape_cast %select_n3A_449 : vector<16xf32> to vector<16xf32>
    tpu.vector_store %arg10[%swap3A_453], %swap3A_456 {strides = array<i32>} : memref<128xf32, #tpu.memory_space<vmem>>, vector<16xf32>,
    %swap3A_457 = arith.constant 16 : index
    %swap3A_458 = tpu.vector_load %arg10[%swap3A_457] {strides = array<i32>} : memref<128xf32, #tpu.memory_space<vmem>>, vector<16xf32>,
    %swap3A_459 = vector.shape_cast %swap3A_458 : vector<16xf32> to vector<16xf32>
    %swap3A_460 = vector.shape_cast %select_n3A_449 : vector<16xf32> to vector<16xf32>
    tpu.vector_store %arg10[%swap3A_457], %swap3A_460 {strides = array<i32>} : memref<128xf32, #tpu.memory_space<vmem>>, vector<16xf32>,
    %swap3A_461 = arith.constant 32 : index
    %swap3A_462 = tpu.vector_load %arg10[%swap3A_461] {strides = array<i32>} : memref<128xf32, #tpu.memory_space<vmem>>, vector<16xf32>,
    %swap3A_463 = vector.shape_cast %swap3A_462 : vector<16xf32> to vector<16xf32>
    %swap3A_464 = vector.shape_cast %select_n3A_450 : vector<16xf32> to vector<16xf32>
    tpu.vector_store %arg10[%swap3A_461], %swap3A_464 {strides = array<i32>} : memref<128xf32, #tpu.memory_space<vmem>>, vector<16xf32>,
    %swap3A_465 = arith.constant 48 : index
    %swap3A_466 = tpu.vector_load %arg10[%swap3A_465] {strides = array<i32>} : memref<128xf32, #tpu.memory_space<vmem>>, vector<16xf32>,
    %swap3A_467 = vector.shape_cast %swap3A_466 : vector<16xf32> to vector<16xf32>
    %swap3A_468 = vector.shape_cast %select_n3A_450 : vector<16xf32> to vector<16xf32>
    tpu.vector_store %arg10[%swap3A_465], %swap3A_468 {strides = array<i32>} : memref<128xf32, #tpu.memory_space<vmem>>, vector<16xf32>,
    %swap3A_469 = arith.constant 64 : index
    %swap3A_470 = tpu.vector_load %arg10[%swap3A_469] {strides = array<i32>} : memref<128xf32, #tpu.memory_space<vmem>>, vector<16xf32>,
    %swap3A_471 = vector.shape_cast %swap3A_470 : vector<16xf32> to vector<16xf32>
    %swap3A_472 = vector.shape_cast %select_n3A_451 : vector<16xf32> to vector<16xf32>
    tpu.vector_store %arg10[%swap3A_469], %swap3A_472 {strides = array<i32>} : memref<128xf32, #tpu.memory_space<vmem>>, vector<16xf32>,
    %swap3A_473 = arith.constant 80 : index
    %swap3A_474 = tpu.vector_load %arg10[%swap3A_473] {strides = array<i32>} : memref<128xf32, #tpu.memory_space<vmem>>, vector<16xf32>,
    %swap3A_475 = vector.shape_cast %swap3A_474 : vector<16xf32> to vector<16xf32>
    %swap3A_476 = vector.shape_cast %select_n3A_451 : vector<16xf32> to vector<16xf32>
    tpu.vector_store %arg10[%swap3A_473], %swap3A_476 {strides = array<i32>} : memref<128xf32, #tpu.memory_space<vmem>>, vector<16xf32>,
    %swap3A_477 = arith.constant 96 : index
    %swap3A_478 = tpu.vector_load %arg10[%swap3A_477] {strides = array<i32>} : memref<128xf32, #tpu.memory_space<vmem>>, vector<16xf32>,
    %swap3A_479 = vector.shape_cast %swap3A_478 : vector<16xf32> to vector<16xf32>
    %swap3A_480 = vector.shape_cast %select_n3A_452 : vector<16xf32> to vector<16xf32>
    tpu.vector_store %arg10[%swap3A_477], %swap3A_480 {strides = array<i32>} : memref<128xf32, #tpu.memory_space<vmem>>, vector<16xf32>,
    %swap3A_481 = arith.constant 112 : index
    %swap3A_482 = tpu.vector_load %arg10[%swap3A_481] {strides = array<i32>} : memref<128xf32, #tpu.memory_space<vmem>>, vector<16xf32>,
    %swap3A_483 = vector.shape_cast %swap3A_482 : vector<16xf32> to vector<16xf32>
    %swap3A_484 = vector.shape_cast %select_n3A_452 : vector<16xf32> to vector<16xf32>
    tpu.vector_store %arg10[%swap3A_481], %swap3A_484 {strides = array<i32>} : memref<128xf32, #tpu.memory_space<vmem>>, vector<16xf32>,
    %get3A_485 = arith.constant 4 : index
    %get3A_486 = tpu.vector_load %arg10[%get3A_485] {strides = array<i32>} : memref<128xf32, #tpu.memory_space<vmem>>, vector<16xf32>,
    %get3A_487 = vector.shape_cast %get3A_486 : vector<16xf32> to vector<16xf32>
    %get3A_488 = arith.constant 36 : index
    %get3A_489 = tpu.vector_load %arg10[%get3A_488] {strides = array<i32>} : memref<128xf32, #tpu.memory_space<vmem>>, vector<16xf32>,
    %get3A_490 = vector.shape_cast %get3A_489 : vector<16xf32> to vector<16xf32>
    %get3A_491 = arith.constant 68 : index
    %get3A_492 = tpu.vector_load %arg10[%get3A_491] {strides = array<i32>} : memref<128xf32, #tpu.memory_space<vmem>>, vector<16xf32>,
    %get3A_493 = vector.shape_cast %get3A_492 : vector<16xf32> to vector<16xf32>
    %get3A_494 = arith.constant 100 : index
    %get3A_495 = tpu.vector_load %arg10[%get3A_494] {strides = array<i32>} : memref<128xf32, #tpu.memory_space<vmem>>, vector<16xf32>,
    %get3A_496 = vector.shape_cast %get3A_495 : vector<16xf32> to vector<16xf32>
    %lt3A_497 = arith.cmpf olt, %get3A_487, %select_n3A_449 : vector<16xf32>
    %eq3A_498 = arith.cmpf oeq, %get3A_487, %select_n3A_449 : vector<16xf32>
    %lt3A_499 = arith.cmpf olt, %get3A_490, %select_n3A_450 : vector<16xf32>
    %and3A_500 = arith.andi %eq3A_498, %lt3A_499 : vector<16xi1>
    %or3A_501 = arith.ori %lt3A_497, %and3A_500 : vector<16xi1>
    %select_n3A_502 = arith.select %or3A_501, %get3A_487, %select_n3A_449 : vector<16xi1>, vector<16xf32>
    %select_n3A_503 = arith.select %or3A_501, %get3A_490, %select_n3A_450 : vector<16xi1>, vector<16xf32>
    %select_n3A_504 = arith.select %or3A_501, %get3A_493, %select_n3A_451 : vector<16xi1>, vector<16xf32>
    %select_n3A_505 = arith.select %or3A_501, %get3A_496, %select_n3A_452 : vector<16xi1>, vector<16xf32>
    %swap3A_506 = arith.constant 0 : index
    %swap3A_507 = tpu.vector_load %arg10[%swap3A_506] {strides = array<i32>} : memref<128xf32, #tpu.memory_space<vmem>>, vector<16xf32>,
    %swap3A_508 = vector.shape_cast %swap3A_507 : vector<16xf32> to vector<16xf32>
    %swap3A_509 = vector.shape_cast %select_n3A_502 : vector<16xf32> to vector<16xf32>
    tpu.vector_store %arg10[%swap3A_506], %swap3A_509 {strides = array<i32>} : memref<128xf32, #tpu.memory_space<vmem>>, vector<16xf32>,
    %swap3A_510 = arith.constant 16 : index
    %swap3A_511 = tpu.vector_load %arg10[%swap3A_510] {strides = array<i32>} : memref<128xf32, #tpu.memory_space<vmem>>, vector<16xf32>,
    %swap3A_512 = vector.shape_cast %swap3A_511 : vector<16xf32> to vector<16xf32>
    %swap3A_513 = vector.shape_cast %select_n3A_502 : vector<16xf32> to vector<16xf32>
    tpu.vector_store %arg10[%swap3A_510], %swap3A_513 {strides = array<i32>} : memref<128xf32, #tpu.memory_space<vmem>>, vector<16xf32>,
    %swap3A_514 = arith.constant 32 : index
    %swap3A_515 = tpu.vector_load %arg10[%swap3A_514] {strides = array<i32>} : memref<128xf32, #tpu.memory_space<vmem>>, vector<16xf32>,
    %swap3A_516 = vector.shape_cast %swap3A_515 : vector<16xf32> to vector<16xf32>
    %swap3A_517 = vector.shape_cast %select_n3A_503 : vector<16xf32> to vector<16xf32>
    tpu.vector_store %arg10[%swap3A_514], %swap3A_517 {strides = array<i32>} : memref<128xf32, #tpu.memory_space<vmem>>, vector<16xf32>,
    %swap3A_518 = arith.constant 48 : index
    %swap3A_519 = tpu.vector_load %arg10[%swap3A_518] {strides = array<i32>} : memref<128xf32, #tpu.memory_space<vmem>>, vector<16xf32>,
    %swap3A_520 = vector.shape_cast %swap3A_519 : vector<16xf32> to vector<16xf32>
    %swap3A_521 = vector.shape_cast %select_n3A_503 : vector<16xf32> to vector<16xf32>
    tpu.vector_store %arg10[%swap3A_518], %swap3A_521 {strides = array<i32>} : memref<128xf32, #tpu.memory_space<vmem>>, vector<16xf32>,
    %swap3A_522 = arith.constant 64 : index
    %swap3A_523 = tpu.vector_load %arg10[%swap3A_522] {strides = array<i32>} : memref<128xf32, #tpu.memory_space<vmem>>, vector<16xf32>,
    %swap3A_524 = vector.shape_cast %swap3A_523 : vector<16xf32> to vector<16xf32>
    %swap3A_525 = vector.shape_cast %select_n3A_504 : vector<16xf32> to vector<16xf32>
    tpu.vector_store %arg10[%swap3A_522], %swap3A_525 {strides = array<i32>} : memref<128xf32, #tpu.memory_space<vmem>>, vector<16xf32>,
    %swap3A_526 = arith.constant 80 : index
    %swap3A_527 = tpu.vector_load %arg10[%swap3A_526] {strides = array<i32>} : memref<128xf32, #tpu.memory_space<vmem>>, vector<16xf32>,
    %swap3A_528 = vector.shape_cast %swap3A_527 : vector<16xf32> to vector<16xf32>
    %swap3A_529 = vector.shape_cast %select_n3A_504 : vector<16xf32> to vector<16xf32>
    tpu.vector_store %arg10[%swap3A_526], %swap3A_529 {strides = array<i32>} : memref<128xf32, #tpu.memory_space<vmem>>, vector<16xf32>,
    %swap3A_530 = arith.constant 96 : index
    %swap3A_531 = tpu.vector_load %arg10[%swap3A_530] {strides = array<i32>} : memref<128xf32, #tpu.memory_space<vmem>>, vector<16xf32>,
    %swap3A_532 = vector.shape_cast %swap3A_531 : vector<16xf32> to vector<16xf32>
    %swap3A_533 = vector.shape_cast %select_n3A_505 : vector<16xf32> to vector<16xf32>
    tpu.vector_store %arg10[%swap3A_530], %swap3A_533 {strides = array<i32>} : memref<128xf32, #tpu.memory_space<vmem>>, vector<16xf32>,
    %swap3A_534 = arith.constant 112 : index
    %swap3A_535 = tpu.vector_load %arg10[%swap3A_534] {strides = array<i32>} : memref<128xf32, #tpu.memory_space<vmem>>, vector<16xf32>,
    %swap3A_536 = vector.shape_cast %swap3A_535 : vector<16xf32> to vector<16xf32>
    %swap3A_537 = vector.shape_cast %select_n3A_505 : vector<16xf32> to vector<16xf32>
    tpu.vector_store %arg10[%swap3A_534], %swap3A_537 {strides = array<i32>} : memref<128xf32, #tpu.memory_space<vmem>>, vector<16xf32>,
    %get3A_538 = arith.constant 8 : index
    %get3A_539 = tpu.vector_load %arg10[%get3A_538] {strides = array<i32>} : memref<128xf32, #tpu.memory_space<vmem>>, vector<16xf32>,
    %get3A_540 = vector.shape_cast %get3A_539 : vector<16xf32> to vector<16xf32>
    %get3A_541 = arith.constant 40 : index
    %get3A_542 = tpu.vector_load %arg10[%get3A_541] {strides = array<i32>} : memref<128xf32, #tpu.memory_space<vmem>>, vector<16xf32>,
    %get3A_543 = vector.shape_cast %get3A_542 : vector<16xf32> to vector<16xf32>
    %get3A_544 = arith.constant 72 : index
    %get3A_545 = tpu.vector_load %arg10[%get3A_544] {strides = array<i32>} : memref<128xf32, #tpu.memory_space<vmem>>, vector<16xf32>,
    %get3A_546 = vector.shape_cast %get3A_545 : vector<16xf32> to vector<16xf32>
    %get3A_547 = arith.constant 104 : index
    %get3A_548 = tpu.vector_load %arg10[%get3A_547] {strides = array<i32>} : memref<128xf32, #tpu.memory_space<vmem>>, vector<16xf32>,
    %get3A_549 = vector.shape_cast %get3A_548 : vector<16xf32> to vector<16xf32>
    %lt3A_550 = arith.cmpf olt, %get3A_540, %select_n3A_502 : vector<16xf32>
    %eq3A_551 = arith.cmpf oeq, %get3A_540, %select_n3A_502 : vector<16xf32>
    %lt3A_552 = arith.cmpf olt, %get3A_543, %select_n3A_503 : vector<16xf32>
    %and3A_553 = arith.andi %eq3A_551, %lt3A_552 : vector<16xi1>
    %or3A_554 = arith.ori %lt3A_550, %and3A_553 : vector<16xi1>
    %select_n3A_555 = arith.select %or3A_554, %get3A_540, %select_n3A_502 : vector<16xi1>, vector<16xf32>
    %select_n3A_556 = arith.select %or3A_554, %get3A_543, %select_n3A_503 : vector<16xi1>, vector<16xf32>
    %select_n3A_557 = arith.select %or3A_554, %get3A_546, %select_n3A_504 : vector<16xi1>, vector<16xf32>
    %select_n3A_558 = arith.select %or3A_554, %get3A_549, %select_n3A_505 : vector<16xi1>, vector<16xf32>
    %broadcast_in_dim3A_559 = arith.constant 0x7F800000 : f32
    %broadcast_in_dim3A_560 = vector.broadcast %broadcast_in_dim3A_559 : f32 to vector<16xf32>
    %broadcast_in_dim3A_561 = arith.constant 0x7F800000 : f32
    %broadcast_in_dim3A_562 = vector.broadcast %broadcast_in_dim3A_561 : f32 to vector<16xf32>
    %broadcast_in_dim3A_563 = arith.constant 0.000000e+00 : f32
    %broadcast_in_dim3A_564 = vector.broadcast %broadcast_in_dim3A_563 : f32 to vector<16xf32>
    %broadcast_in_dim3A_565 = arith.constant 0.000000e+00 : f32
    %broadcast_in_dim3A_566 = vector.broadcast %broadcast_in_dim3A_565 : f32 to vector<16xf32>
    %broadcast_in_dim3A_567 = arith.constant 0x7F800000 : f32
    %broadcast_in_dim3A_568 = vector.broadcast %broadcast_in_dim3A_567 : f32 to vector<16xf32>
    %broadcast_in_dim3A_569 = arith.constant 0x7F800000 : f32
    %broadcast_in_dim3A_570 = vector.broadcast %broadcast_in_dim3A_569 : f32 to vector<16xf32>
    %broadcast_in_dim3A_571 = arith.constant 0.000000e+00 : f32
    %broadcast_in_dim3A_572 = vector.broadcast %broadcast_in_dim3A_571 : f32 to vector<16xf32>
    %broadcast_in_dim3A_573 = arith.constant 0.000000e+00 : f32
    %broadcast_in_dim3A_574 = vector.broadcast %broadcast_in_dim3A_573 : f32 to vector<16xf32>
    %broadcast_in_dim3A_575 = arith.constant 0x7F800000 : f32
    %broadcast_in_dim3A_576 = vector.broadcast %broadcast_in_dim3A_575 : f32 to vector<16xf32>
    %broadcast_in_dim3A_577 = arith.constant 0x7F800000 : f32
    %broadcast_in_dim3A_578 = vector.broadcast %broadcast_in_dim3A_577 : f32 to vector<16xf32>
    %broadcast_in_dim3A_579 = arith.constant 0.000000e+00 : f32
    %broadcast_in_dim3A_580 = vector.broadcast %broadcast_in_dim3A_579 : f32 to vector<16xf32>
    %broadcast_in_dim3A_581 = arith.constant 0.000000e+00 : f32
    %broadcast_in_dim3A_582 = vector.broadcast %broadcast_in_dim3A_581 : f32 to vector<16xf32>
    %broadcast_in_dim3A_583 = arith.constant 0x7F800000 : f32
    %broadcast_in_dim3A_584 = vector.broadcast %broadcast_in_dim3A_583 : f32 to vector<16xf32>
    %broadcast_in_dim3A_585 = arith.constant 0x7F800000 : f32
    %broadcast_in_dim3A_586 = vector.broadcast %broadcast_in_dim3A_585 : f32 to vector<16xf32>
    %broadcast_in_dim3A_587 = arith.constant 0.000000e+00 : f32
    %broadcast_in_dim3A_588 = vector.broadcast %broadcast_in_dim3A_587 : f32 to vector<16xf32>
    %broadcast_in_dim3A_589 = arith.constant 0.000000e+00 : f32
    %broadcast_in_dim3A_590 = vector.broadcast %broadcast_in_dim3A_589 : f32 to vector<16xf32>
    %dma_wait3A_591 = arith.constant 0 : i32
    %dma_wait3A_592 = tpu.memref_slice %arg8[%dma_wait3A_591] : memref<8192xf32, #tpu.memory_space<vmem>> -> memref<2048xf32, #tpu.memory_space<vmem>>
    %dma_wait3A_593 = arith.constant 0 : i32
    %dma_wait3A_594 = tpu.memref_slice %arg2[%add3A_149, %dma_wait3A_593] : memref<64x8192xf32, #tpu.memory_space<hbm>> -> memref<1x2048xf32, #tpu.memory_space<hbm>>
    %dma_wait3A_595 = tpu.memref_squeeze %dma_wait3A_594 : memref<1x2048xf32, #tpu.memory_space<hbm>> -> memref<2048xf32, #tpu.memory_space<hbm>>
    %dma_wait3A_596 = arith.constant 0 : i32
    %dma_wait3A_597 = tpu.memref_slice %arg8[%dma_wait3A_596] : memref<8192xf32, #tpu.memory_space<vmem>> -> memref<2048xf32, #tpu.memory_space<vmem>>
    %dma_wait3A_598 = arith.constant 0 : i32
    %dma_wait3A_599 = tpu.memref_slice %arg2[%add3A_149, %dma_wait3A_598] : memref<64x8192xf32, #tpu.memory_space<hbm>> -> memref<1x2048xf32, #tpu.memory_space<hbm>>
    %dma_wait3A_600 = tpu.memref_squeeze %dma_wait3A_599 : memref<1x2048xf32, #tpu.memory_space<hbm>> -> memref<2048xf32, #tpu.memory_space<hbm>>
    tpu.wait_dma2 semaphore(%arg14 : memref<!tpu.dma_semaphore, #tpu.memory_space<semaphore_mem>>) src(%dma_wait3A_600 : memref<2048xf32, #tpu.memory_space<hbm>>) dst(%dma_wait3A_597 : memref<2048xf32, #tpu.memory_space<vmem>>)
    %dma_wait3A_601 = arith.constant 0 : i32
    %dma_wait3A_602 = tpu.memref_slice %arg9[%dma_wait3A_601] : memref<8192xf32, #tpu.memory_space<vmem>> -> memref<2048xf32, #tpu.memory_space<vmem>>
    %dma_wait3A_603 = arith.constant 0 : i32
    %dma_wait3A_604 = tpu.memref_slice %arg3[%add3A_161, %dma_wait3A_603] : memref<64x8192xf32, #tpu.memory_space<hbm>> -> memref<1x2048xf32, #tpu.memory_space<hbm>>
    %dma_wait3A_605 = tpu.memref_squeeze %dma_wait3A_604 : memref<1x2048xf32, #tpu.memory_space<hbm>> -> memref<2048xf32, #tpu.memory_space<hbm>>
    %dma_wait3A_606 = arith.constant 0 : i32
    %dma_wait3A_607 = tpu.memref_slice %arg9[%dma_wait3A_606] : memref<8192xf32, #tpu.memory_space<vmem>> -> memref<2048xf32, #tpu.memory_space<vmem>>
    %dma_wait3A_608 = arith.constant 0 : i32
    %dma_wait3A_609 = tpu.memref_slice %arg3[%add3A_161, %dma_wait3A_608] : memref<64x8192xf32, #tpu.memory_space<hbm>> -> memref<1x2048xf32, #tpu.memory_space<hbm>>
    %dma_wait3A_610 = tpu.memref_squeeze %dma_wait3A_609 : memref<1x2048xf32, #tpu.memory_space<hbm>> -> memref<2048xf32, #tpu.memory_space<hbm>>
    tpu.wait_dma2 semaphore(%arg14 : memref<!tpu.dma_semaphore, #tpu.memory_space<semaphore_mem>>) src(%dma_wait3A_610 : memref<2048xf32, #tpu.memory_space<hbm>>) dst(%dma_wait3A_607 : memref<2048xf32, #tpu.memory_space<vmem>>)
    %scan3A_611 = arith.constant 0 : i32
    %scan3A_612 = arith.constant 16 : i32
    %scan3A_613 = arith.addi %scan3A_611, %scan3A_612 : i32
    %scan3A_614 = arith.constant 1 : i32
    %scan3A_615:16 = scf.for %scan3A_993 = %scan3A_611 to %scan3A_613 step %scan3A_614 iter_args(%scan3A_994 = %broadcast_in_dim3A_560, %scan3A_995 = %broadcast_in_dim3A_562, %scan3A_996 = %broadcast_in_dim3A_564, %scan3A_997 = %broadcast_in_dim3A_566, %scan3A_998 = %broadcast_in_dim3A_568, %scan3A_999 = %broadcast_in_dim3A_570, %scan3A_1000 = %broadcast_in_dim3A_572, %scan3A_1001 = %broadcast_in_dim3A_574, %scan3A_1002 = %broadcast_in_dim3A_576, %scan3A_1003 = %broadcast_in_dim3A_578, %scan3A_1004 = %broadcast_in_dim3A_580, %scan3A_1005 = %broadcast_in_dim3A_582, %scan3A_1006 = %broadcast_in_dim3A_584, %scan3A_1007 = %broadcast_in_dim3A_586, %scan3A_1008 = %broadcast_in_dim3A_588, %scan3A_1009 = %broadcast_in_dim3A_590) -> (vector<16xf32>, vector<16xf32>, vector<16xf32>, vector<16xf32>, vector<16xf32>, vector<16xf32>, vector<16xf32>, vector<16xf32>, vector<16xf32>, vector<16xf32>, vector<16xf32>, vector<16xf32>, vector<16xf32>, vector<16xf32>, vector<16xf32>, vector<16xf32>)  : i32 {
      %mul3A_1010 = arith.constant 128 : i32
      %mul3A_1011 = arith.muli %scan3A_993, %mul3A_1010 : i32
      %add3A_1012 = arith.constant 0 : i32
      %add3A_1013 = arith.addi %add3A_1012, %mul3A_1011 : i32
      %multiple_of3A = tpu.assume_multiple %add3A_1013, 128 : i32
      %add3A_1014 = arith.constant 0 : i32
      %add3A_1015 = arith.addi %multiple_of3A, %add3A_1014 : i32
      %get3A_1016 = arith.index_cast %add3A_1015 : i32 to index
      %get3A_1017 = tpu.vector_load %arg8[%get3A_1016] {strides = array<i32>} : memref<8192xf32, #tpu.memory_space<vmem>>, vector<16xf32>,
      %get3A_1018 = vector.shape_cast %get3A_1017 : vector<16xf32> to vector<16xf32>
      %add3A_1019 = arith.constant 0 : i32
      %add3A_1020 = arith.addi %multiple_of3A, %add3A_1019 : i32
      %get3A_1021 = arith.index_cast %add3A_1020 : i32 to index
      %get3A_1022 = tpu.vector_load %arg9[%get3A_1021] {strides = array<i32>} : memref<8192xf32, #tpu.memory_space<vmem>>, vector<16xf32>,
      %get3A_1023 = vector.shape_cast %get3A_1022 : vector<16xf32> to vector<16xf32>
      %mul3A_1024 = arith.constant 0.699999988 : f32
      %mul3A_1025 = vector.broadcast %mul3A_1024 : f32 to vector<16xf32>
      %mul3A_1026 = arith.mulf %mul3A_1025, %get3A_1018 : vector<16xf32>
      %mul3A_1027 = arith.constant 3.000000e-01 : f32
      %mul3A_1028 = vector.broadcast %mul3A_1027 : f32 to vector<16xf32>
      %mul3A_1029 = arith.mulf %mul3A_1028, %get3A_1023 : vector<16xf32>
      %add3A_1030 = arith.addf %mul3A_1026, %mul3A_1029 : vector<16xf32>
      %add3A_1031 = arith.addf %get3A_1018, %get3A_1023 : vector<16xf32>
      %sub3A = arith.subf %add3A_1031, %add3A_1030 : vector<16xf32>
      %lt3A_1032 = arith.cmpf olt, %add3A_1030, %scan3A_994 : vector<16xf32>
      %eq3A_1033 = arith.cmpf oeq, %add3A_1030, %scan3A_994 : vector<16xf32>
      %lt3A_1034 = arith.cmpf olt, %sub3A, %scan3A_995 : vector<16xf32>
      %and3A_1035 = arith.andi %eq3A_1033, %lt3A_1034 : vector<16xi1>
      %or3A_1036 = arith.ori %lt3A_1032, %and3A_1035 : vector<16xi1>
      %select_n3A_1037 = arith.select %or3A_1036, %add3A_1030, %scan3A_994 : vector<16xi1>, vector<16xf32>
      %select_n3A_1038 = arith.select %or3A_1036, %sub3A, %scan3A_995 : vector<16xi1>, vector<16xf32>
      %select_n3A_1039 = arith.select %or3A_1036, %get3A_1018, %scan3A_996 : vector<16xi1>, vector<16xf32>
      %select_n3A_1040 = arith.select %or3A_1036, %get3A_1023, %scan3A_997 : vector<16xi1>, vector<16xf32>
      %add3A_1041 = arith.constant 16 : i32
      %add3A_1042 = arith.addi %multiple_of3A, %add3A_1041 : i32
      %get3A_1043 = arith.index_cast %add3A_1042 : i32 to index
      %get3A_1044 = tpu.vector_load %arg8[%get3A_1043] {strides = array<i32>} : memref<8192xf32, #tpu.memory_space<vmem>>, vector<16xf32>,
      %get3A_1045 = vector.shape_cast %get3A_1044 : vector<16xf32> to vector<16xf32>
      %add3A_1046 = arith.constant 16 : i32
      %add3A_1047 = arith.addi %multiple_of3A, %add3A_1046 : i32
      %get3A_1048 = arith.index_cast %add3A_1047 : i32 to index
      %get3A_1049 = tpu.vector_load %arg9[%get3A_1048] {strides = array<i32>} : memref<8192xf32, #tpu.memory_space<vmem>>, vector<16xf32>,
      %get3A_1050 = vector.shape_cast %get3A_1049 : vector<16xf32> to vector<16xf32>
      %mul3A_1051 = arith.constant 0.699999988 : f32
      %mul3A_1052 = vector.broadcast %mul3A_1051 : f32 to vector<16xf32>
      %mul3A_1053 = arith.mulf %mul3A_1052, %get3A_1045 : vector<16xf32>
      %mul3A_1054 = arith.constant 3.000000e-01 : f32
      %mul3A_1055 = vector.broadcast %mul3A_1054 : f32 to vector<16xf32>
      %mul3A_1056 = arith.mulf %mul3A_1055, %get3A_1050 : vector<16xf32>
      %add3A_1057 = arith.addf %mul3A_1053, %mul3A_1056 : vector<16xf32>
      %add3A_1058 = arith.addf %get3A_1045, %get3A_1050 : vector<16xf32>
      %sub3A_1059 = arith.subf %add3A_1058, %add3A_1057 : vector<16xf32>
      %lt3A_1060 = arith.cmpf olt, %add3A_1057, %scan3A_998 : vector<16xf32>
      %eq3A_1061 = arith.cmpf oeq, %add3A_1057, %scan3A_998 : vector<16xf32>
      %lt3A_1062 = arith.cmpf olt, %sub3A_1059, %scan3A_999 : vector<16xf32>
      %and3A_1063 = arith.andi %eq3A_1061, %lt3A_1062 : vector<16xi1>
      %or3A_1064 = arith.ori %lt3A_1060, %and3A_1063 : vector<16xi1>
      %select_n3A_1065 = arith.select %or3A_1064, %add3A_1057, %scan3A_998 : vector<16xi1>, vector<16xf32>
      %select_n3A_1066 = arith.select %or3A_1064, %sub3A_1059, %scan3A_999 : vector<16xi1>, vector<16xf32>
      %select_n3A_1067 = arith.select %or3A_1064, %get3A_1045, %scan3A_1000 : vector<16xi1>, vector<16xf32>
      %select_n3A_1068 = arith.select %or3A_1064, %get3A_1050, %scan3A_1001 : vector<16xi1>, vector<16xf32>
      %add3A_1069 = arith.constant 32 : i32
      %add3A_1070 = arith.addi %multiple_of3A, %add3A_1069 : i32
      %get3A_1071 = arith.index_cast %add3A_1070 : i32 to index
      %get3A_1072 = tpu.vector_load %arg8[%get3A_1071] {strides = array<i32>} : memref<8192xf32, #tpu.memory_space<vmem>>, vector<16xf32>,
      %get3A_1073 = vector.shape_cast %get3A_1072 : vector<16xf32> to vector<16xf32>
      %add3A_1074 = arith.constant 32 : i32
      %add3A_1075 = arith.addi %multiple_of3A, %add3A_1074 : i32
      %get3A_1076 = arith.index_cast %add3A_1075 : i32 to index
      %get3A_1077 = tpu.vector_load %arg9[%get3A_1076] {strides = array<i32>} : memref<8192xf32, #tpu.memory_space<vmem>>, vector<16xf32>,
      %get3A_1078 = vector.shape_cast %get3A_1077 : vector<16xf32> to vector<16xf32>
      %mul3A_1079 = arith.constant 0.699999988 : f32
      %mul3A_1080 = vector.broadcast %mul3A_1079 : f32 to vector<16xf32>
      %mul3A_1081 = arith.mulf %mul3A_1080, %get3A_1073 : vector<16xf32>
      %mul3A_1082 = arith.constant 3.000000e-01 : f32
      %mul3A_1083 = vector.broadcast %mul3A_1082 : f32 to vector<16xf32>
      %mul3A_1084 = arith.mulf %mul3A_1083, %get3A_1078 : vector<16xf32>
      %add3A_1085 = arith.addf %mul3A_1081, %mul3A_1084 : vector<16xf32>
      %add3A_1086 = arith.addf %get3A_1073, %get3A_1078 : vector<16xf32>
      %sub3A_1087 = arith.subf %add3A_1086, %add3A_1085 : vector<16xf32>
      %lt3A_1088 = arith.cmpf olt, %add3A_1085, %scan3A_1002 : vector<16xf32>
      %eq3A_1089 = arith.cmpf oeq, %add3A_1085, %scan3A_1002 : vector<16xf32>
      %lt3A_1090 = arith.cmpf olt, %sub3A_1087, %scan3A_1003 : vector<16xf32>
      %and3A_1091 = arith.andi %eq3A_1089, %lt3A_1090 : vector<16xi1>
      %or3A_1092 = arith.ori %lt3A_1088, %and3A_1091 : vector<16xi1>
      %select_n3A_1093 = arith.select %or3A_1092, %add3A_1085, %scan3A_1002 : vector<16xi1>, vector<16xf32>
      %select_n3A_1094 = arith.select %or3A_1092, %sub3A_1087, %scan3A_1003 : vector<16xi1>, vector<16xf32>
      %select_n3A_1095 = arith.select %or3A_1092, %get3A_1073, %scan3A_1004 : vector<16xi1>, vector<16xf32>
      %select_n3A_1096 = arith.select %or3A_1092, %get3A_1078, %scan3A_1005 : vector<16xi1>, vector<16xf32>
      %add3A_1097 = arith.constant 48 : i32
      %add3A_1098 = arith.addi %multiple_of3A, %add3A_1097 : i32
      %get3A_1099 = arith.index_cast %add3A_1098 : i32 to index
      %get3A_1100 = tpu.vector_load %arg8[%get3A_1099] {strides = array<i32>} : memref<8192xf32, #tpu.memory_space<vmem>>, vector<16xf32>,
      %get3A_1101 = vector.shape_cast %get3A_1100 : vector<16xf32> to vector<16xf32>
      %add3A_1102 = arith.constant 48 : i32
      %add3A_1103 = arith.addi %multiple_of3A, %add3A_1102 : i32
      %get3A_1104 = arith.index_cast %add3A_1103 : i32 to index
      %get3A_1105 = tpu.vector_load %arg9[%get3A_1104] {strides = array<i32>} : memref<8192xf32, #tpu.memory_space<vmem>>, vector<16xf32>,
      %get3A_1106 = vector.shape_cast %get3A_1105 : vector<16xf32> to vector<16xf32>
      %mul3A_1107 = arith.constant 0.699999988 : f32
      %mul3A_1108 = vector.broadcast %mul3A_1107 : f32 to vector<16xf32>
      %mul3A_1109 = arith.mulf %mul3A_1108, %get3A_1101 : vector<16xf32>
      %mul3A_1110 = arith.constant 3.000000e-01 : f32
      %mul3A_1111 = vector.broadcast %mul3A_1110 : f32 to vector<16xf32>
      %mul3A_1112 = arith.mulf %mul3A_1111, %get3A_1106 : vector<16xf32>
      %add3A_1113 = arith.addf %mul3A_1109, %mul3A_1112 : vector<16xf32>
      %add3A_1114 = arith.addf %get3A_1101, %get3A_1106 : vector<16xf32>
      %sub3A_1115 = arith.subf %add3A_1114, %add3A_1113 : vector<16xf32>
      %lt3A_1116 = arith.cmpf olt, %add3A_1113, %scan3A_1006 : vector<16xf32>
      %eq3A_1117 = arith.cmpf oeq, %add3A_1113, %scan3A_1006 : vector<16xf32>
      %lt3A_1118 = arith.cmpf olt, %sub3A_1115, %scan3A_1007 : vector<16xf32>
      %and3A_1119 = arith.andi %eq3A_1117, %lt3A_1118 : vector<16xi1>
      %or3A_1120 = arith.ori %lt3A_1116, %and3A_1119 : vector<16xi1>
      %select_n3A_1121 = arith.select %or3A_1120, %add3A_1113, %scan3A_1006 : vector<16xi1>, vector<16xf32>
      %select_n3A_1122 = arith.select %or3A_1120, %sub3A_1115, %scan3A_1007 : vector<16xi1>, vector<16xf32>
      %select_n3A_1123 = arith.select %or3A_1120, %get3A_1101, %scan3A_1008 : vector<16xi1>, vector<16xf32>
      %select_n3A_1124 = arith.select %or3A_1120, %get3A_1106, %scan3A_1009 : vector<16xi1>, vector<16xf32>
      %add3A_1125 = arith.constant 64 : i32
      %add3A_1126 = arith.addi %multiple_of3A, %add3A_1125 : i32
      %get3A_1127 = arith.index_cast %add3A_1126 : i32 to index
      %get3A_1128 = tpu.vector_load %arg8[%get3A_1127] {strides = array<i32>} : memref<8192xf32, #tpu.memory_space<vmem>>, vector<16xf32>,
      %get3A_1129 = vector.shape_cast %get3A_1128 : vector<16xf32> to vector<16xf32>
      %add3A_1130 = arith.constant 64 : i32
      %add3A_1131 = arith.addi %multiple_of3A, %add3A_1130 : i32
      %get3A_1132 = arith.index_cast %add3A_1131 : i32 to index
      %get3A_1133 = tpu.vector_load %arg9[%get3A_1132] {strides = array<i32>} : memref<8192xf32, #tpu.memory_space<vmem>>, vector<16xf32>,
      %get3A_1134 = vector.shape_cast %get3A_1133 : vector<16xf32> to vector<16xf32>
      %mul3A_1135 = arith.constant 0.699999988 : f32
      %mul3A_1136 = vector.broadcast %mul3A_1135 : f32 to vector<16xf32>
      %mul3A_1137 = arith.mulf %mul3A_1136, %get3A_1129 : vector<16xf32>
      %mul3A_1138 = arith.constant 3.000000e-01 : f32
      %mul3A_1139 = vector.broadcast %mul3A_1138 : f32 to vector<16xf32>
      %mul3A_1140 = arith.mulf %mul3A_1139, %get3A_1134 : vector<16xf32>
      %add3A_1141 = arith.addf %mul3A_1137, %mul3A_1140 : vector<16xf32>
      %add3A_1142 = arith.addf %get3A_1129, %get3A_1134 : vector<16xf32>
      %sub3A_1143 = arith.subf %add3A_1142, %add3A_1141 : vector<16xf32>
      %lt3A_1144 = arith.cmpf olt, %add3A_1141, %select_n3A_1037 : vector<16xf32>
      %eq3A_1145 = arith.cmpf oeq, %add3A_1141, %select_n3A_1037 : vector<16xf32>
      %lt3A_1146 = arith.cmpf olt, %sub3A_1143, %select_n3A_1038 : vector<16xf32>
      %and3A_1147 = arith.andi %eq3A_1145, %lt3A_1146 : vector<16xi1>
      %or3A_1148 = arith.ori %lt3A_1144, %and3A_1147 : vector<16xi1>
      %select_n3A_1149 = arith.select %or3A_1148, %add3A_1141, %select_n3A_1037 : vector<16xi1>, vector<16xf32>
      %select_n3A_1150 = arith.select %or3A_1148, %sub3A_1143, %select_n3A_1038 : vector<16xi1>, vector<16xf32>
      %select_n3A_1151 = arith.select %or3A_1148, %get3A_1129, %select_n3A_1039 : vector<16xi1>, vector<16xf32>
      %select_n3A_1152 = arith.select %or3A_1148, %get3A_1134, %select_n3A_1040 : vector<16xi1>, vector<16xf32>
      %add3A_1153 = arith.constant 80 : i32
      %add3A_1154 = arith.addi %multiple_of3A, %add3A_1153 : i32
      %get3A_1155 = arith.index_cast %add3A_1154 : i32 to index
      %get3A_1156 = tpu.vector_load %arg8[%get3A_1155] {strides = array<i32>} : memref<8192xf32, #tpu.memory_space<vmem>>, vector<16xf32>,
      %get3A_1157 = vector.shape_cast %get3A_1156 : vector<16xf32> to vector<16xf32>
      %add3A_1158 = arith.constant 80 : i32
      %add3A_1159 = arith.addi %multiple_of3A, %add3A_1158 : i32
      %get3A_1160 = arith.index_cast %add3A_1159 : i32 to index
      %get3A_1161 = tpu.vector_load %arg9[%get3A_1160] {strides = array<i32>} : memref<8192xf32, #tpu.memory_space<vmem>>, vector<16xf32>,
      %get3A_1162 = vector.shape_cast %get3A_1161 : vector<16xf32> to vector<16xf32>
      %mul3A_1163 = arith.constant 0.699999988 : f32
      %mul3A_1164 = vector.broadcast %mul3A_1163 : f32 to vector<16xf32>
      %mul3A_1165 = arith.mulf %mul3A_1164, %get3A_1157 : vector<16xf32>
      %mul3A_1166 = arith.constant 3.000000e-01 : f32
      %mul3A_1167 = vector.broadcast %mul3A_1166 : f32 to vector<16xf32>
      %mul3A_1168 = arith.mulf %mul3A_1167, %get3A_1162 : vector<16xf32>
      %add3A_1169 = arith.addf %mul3A_1165, %mul3A_1168 : vector<16xf32>
      %add3A_1170 = arith.addf %get3A_1157, %get3A_1162 : vector<16xf32>
      %sub3A_1171 = arith.subf %add3A_1170, %add3A_1169 : vector<16xf32>
      %lt3A_1172 = arith.cmpf olt, %add3A_1169, %select_n3A_1065 : vector<16xf32>
      %eq3A_1173 = arith.cmpf oeq, %add3A_1169, %select_n3A_1065 : vector<16xf32>
      %lt3A_1174 = arith.cmpf olt, %sub3A_1171, %select_n3A_1066 : vector<16xf32>
      %and3A_1175 = arith.andi %eq3A_1173, %lt3A_1174 : vector<16xi1>
      %or3A_1176 = arith.ori %lt3A_1172, %and3A_1175 : vector<16xi1>
      %select_n3A_1177 = arith.select %or3A_1176, %add3A_1169, %select_n3A_1065 : vector<16xi1>, vector<16xf32>
      %select_n3A_1178 = arith.select %or3A_1176, %sub3A_1171, %select_n3A_1066 : vector<16xi1>, vector<16xf32>
      %select_n3A_1179 = arith.select %or3A_1176, %get3A_1157, %select_n3A_1067 : vector<16xi1>, vector<16xf32>
      %select_n3A_1180 = arith.select %or3A_1176, %get3A_1162, %select_n3A_1068 : vector<16xi1>, vector<16xf32>
      %add3A_1181 = arith.constant 96 : i32
      %add3A_1182 = arith.addi %multiple_of3A, %add3A_1181 : i32
      %get3A_1183 = arith.index_cast %add3A_1182 : i32 to index
      %get3A_1184 = tpu.vector_load %arg8[%get3A_1183] {strides = array<i32>} : memref<8192xf32, #tpu.memory_space<vmem>>, vector<16xf32>,
      %get3A_1185 = vector.shape_cast %get3A_1184 : vector<16xf32> to vector<16xf32>
      %add3A_1186 = arith.constant 96 : i32
      %add3A_1187 = arith.addi %multiple_of3A, %add3A_1186 : i32
      %get3A_1188 = arith.index_cast %add3A_1187 : i32 to index
      %get3A_1189 = tpu.vector_load %arg9[%get3A_1188] {strides = array<i32>} : memref<8192xf32, #tpu.memory_space<vmem>>, vector<16xf32>,
      %get3A_1190 = vector.shape_cast %get3A_1189 : vector<16xf32> to vector<16xf32>
      %mul3A_1191 = arith.constant 0.699999988 : f32
      %mul3A_1192 = vector.broadcast %mul3A_1191 : f32 to vector<16xf32>
      %mul3A_1193 = arith.mulf %mul3A_1192, %get3A_1185 : vector<16xf32>
      %mul3A_1194 = arith.constant 3.000000e-01 : f32
      %mul3A_1195 = vector.broadcast %mul3A_1194 : f32 to vector<16xf32>
      %mul3A_1196 = arith.mulf %mul3A_1195, %get3A_1190 : vector<16xf32>
      %add3A_1197 = arith.addf %mul3A_1193, %mul3A_1196 : vector<16xf32>
      %add3A_1198 = arith.addf %get3A_1185, %get3A_1190 : vector<16xf32>
      %sub3A_1199 = arith.subf %add3A_1198, %add3A_1197 : vector<16xf32>
      %lt3A_1200 = arith.cmpf olt, %add3A_1197, %select_n3A_1093 : vector<16xf32>
      %eq3A_1201 = arith.cmpf oeq, %add3A_1197, %select_n3A_1093 : vector<16xf32>
      %lt3A_1202 = arith.cmpf olt, %sub3A_1199, %select_n3A_1094 : vector<16xf32>
      %and3A_1203 = arith.andi %eq3A_1201, %lt3A_1202 : vector<16xi1>
      %or3A_1204 = arith.ori %lt3A_1200, %and3A_1203 : vector<16xi1>
      %select_n3A_1205 = arith.select %or3A_1204, %add3A_1197, %select_n3A_1093 : vector<16xi1>, vector<16xf32>
      %select_n3A_1206 = arith.select %or3A_1204, %sub3A_1199, %select_n3A_1094 : vector<16xi1>, vector<16xf32>
      %select_n3A_1207 = arith.select %or3A_1204, %get3A_1185, %select_n3A_1095 : vector<16xi1>, vector<16xf32>
      %select_n3A_1208 = arith.select %or3A_1204, %get3A_1190, %select_n3A_1096 : vector<16xi1>, vector<16xf32>
      %add3A_1209 = arith.constant 112 : i32
      %add3A_1210 = arith.addi %multiple_of3A, %add3A_1209 : i32
      %get3A_1211 = arith.index_cast %add3A_1210 : i32 to index
      %get3A_1212 = tpu.vector_load %arg8[%get3A_1211] {strides = array<i32>} : memref<8192xf32, #tpu.memory_space<vmem>>, vector<16xf32>,
      %get3A_1213 = vector.shape_cast %get3A_1212 : vector<16xf32> to vector<16xf32>
      %add3A_1214 = arith.constant 112 : i32
      %add3A_1215 = arith.addi %multiple_of3A, %add3A_1214 : i32
      %get3A_1216 = arith.index_cast %add3A_1215 : i32 to index
      %get3A_1217 = tpu.vector_load %arg9[%get3A_1216] {strides = array<i32>} : memref<8192xf32, #tpu.memory_space<vmem>>, vector<16xf32>,
      %get3A_1218 = vector.shape_cast %get3A_1217 : vector<16xf32> to vector<16xf32>
      %mul3A_1219 = arith.constant 0.699999988 : f32
      %mul3A_1220 = vector.broadcast %mul3A_1219 : f32 to vector<16xf32>
      %mul3A_1221 = arith.mulf %mul3A_1220, %get3A_1213 : vector<16xf32>
      %mul3A_1222 = arith.constant 3.000000e-01 : f32
      %mul3A_1223 = vector.broadcast %mul3A_1222 : f32 to vector<16xf32>
      %mul3A_1224 = arith.mulf %mul3A_1223, %get3A_1218 : vector<16xf32>
      %add3A_1225 = arith.addf %mul3A_1221, %mul3A_1224 : vector<16xf32>
      %add3A_1226 = arith.addf %get3A_1213, %get3A_1218 : vector<16xf32>
      %sub3A_1227 = arith.subf %add3A_1226, %add3A_1225 : vector<16xf32>
      %lt3A_1228 = arith.cmpf olt, %add3A_1225, %select_n3A_1121 : vector<16xf32>
      %eq3A_1229 = arith.cmpf oeq, %add3A_1225, %select_n3A_1121 : vector<16xf32>
      %lt3A_1230 = arith.cmpf olt, %sub3A_1227, %select_n3A_1122 : vector<16xf32>
      %and3A_1231 = arith.andi %eq3A_1229, %lt3A_1230 : vector<16xi1>
      %or3A_1232 = arith.ori %lt3A_1228, %and3A_1231 : vector<16xi1>
      %select_n3A_1233 = arith.select %or3A_1232, %add3A_1225, %select_n3A_1121 : vector<16xi1>, vector<16xf32>
      %select_n3A_1234 = arith.select %or3A_1232, %sub3A_1227, %select_n3A_1122 : vector<16xi1>, vector<16xf32>
      %select_n3A_1235 = arith.select %or3A_1232, %get3A_1213, %select_n3A_1123 : vector<16xi1>, vector<16xf32>
      %select_n3A_1236 = arith.select %or3A_1232, %get3A_1218, %select_n3A_1124 : vector<16xi1>, vector<16xf32>
      scf.yield %select_n3A_1149, %select_n3A_1150, %select_n3A_1151, %select_n3A_1152, %select_n3A_1177, %select_n3A_1178, %select_n3A_1179, %select_n3A_1180, %select_n3A_1205, %select_n3A_1206, %select_n3A_1207, %select_n3A_1208, %select_n3A_1233, %select_n3A_1234, %select_n3A_1235, %select_n3A_1236 : vector<16xf32>, vector<16xf32>, vector<16xf32>, vector<16xf32>, vector<16xf32>, vector<16xf32>, vector<16xf32>, vector<16xf32>, vector<16xf32>, vector<16xf32>, vector<16xf32>, vector<16xf32>, vector<16xf32>, vector<16xf32>, vector<16xf32>, vector<16xf32>
    }
    %scan3A_616 = arith.constant 16 : i32
    %dma_wait3A_617 = arith.constant 2048 : i32
    %dma_wait3A_618 = tpu.memref_slice %arg8[%dma_wait3A_617] : memref<8192xf32, #tpu.memory_space<vmem>> -> memref<2048xf32, #tpu.memory_space<vmem>>
    %dma_wait3A_619 = arith.constant 2048 : i32
    %dma_wait3A_620 = tpu.memref_slice %arg2[%add3A_198, %dma_wait3A_619] : memref<64x8192xf32, #tpu.memory_space<hbm>> -> memref<1x2048xf32, #tpu.memory_space<hbm>>
    %dma_wait3A_621 = tpu.memref_squeeze %dma_wait3A_620 : memref<1x2048xf32, #tpu.memory_space<hbm>> -> memref<2048xf32, #tpu.memory_space<hbm>>
    %dma_wait3A_622 = arith.constant 2048 : i32
    %dma_wait3A_623 = tpu.memref_slice %arg8[%dma_wait3A_622] : memref<8192xf32, #tpu.memory_space<vmem>> -> memref<2048xf32, #tpu.memory_space<vmem>>
    %dma_wait3A_624 = arith.constant 2048 : i32
    %dma_wait3A_625 = tpu.memref_slice %arg2[%add3A_198, %dma_wait3A_624] : memref<64x8192xf32, #tpu.memory_space<hbm>> -> memref<1x2048xf32, #tpu.memory_space<hbm>>
    %dma_wait3A_626 = tpu.memref_squeeze %dma_wait3A_625 : memref<1x2048xf32, #tpu.memory_space<hbm>> -> memref<2048xf32, #tpu.memory_space<hbm>>
    tpu.wait_dma2 semaphore(%arg15 : memref<!tpu.dma_semaphore, #tpu.memory_space<semaphore_mem>>) src(%dma_wait3A_626 : memref<2048xf32, #tpu.memory_space<hbm>>) dst(%dma_wait3A_623 : memref<2048xf32, #tpu.memory_space<vmem>>)
    %dma_wait3A_627 = arith.constant 2048 : i32
    %dma_wait3A_628 = tpu.memref_slice %arg9[%dma_wait3A_627] : memref<8192xf32, #tpu.memory_space<vmem>> -> memref<2048xf32, #tpu.memory_space<vmem>>
    %dma_wait3A_629 = arith.constant 2048 : i32
    %dma_wait3A_630 = tpu.memref_slice %arg3[%add3A_210, %dma_wait3A_629] : memref<64x8192xf32, #tpu.memory_space<hbm>> -> memref<1x2048xf32, #tpu.memory_space<hbm>>
    %dma_wait3A_631 = tpu.memref_squeeze %dma_wait3A_630 : memref<1x2048xf32, #tpu.memory_space<hbm>> -> memref<2048xf32, #tpu.memory_space<hbm>>
    %dma_wait3A_632 = arith.constant 2048 : i32
    %dma_wait3A_633 = tpu.memref_slice %arg9[%dma_wait3A_632] : memref<8192xf32, #tpu.memory_space<vmem>> -> memref<2048xf32, #tpu.memory_space<vmem>>
    %dma_wait3A_634 = arith.constant 2048 : i32
    %dma_wait3A_635 = tpu.memref_slice %arg3[%add3A_210, %dma_wait3A_634] : memref<64x8192xf32, #tpu.memory_space<hbm>> -> memref<1x2048xf32, #tpu.memory_space<hbm>>
    %dma_wait3A_636 = tpu.memref_squeeze %dma_wait3A_635 : memref<1x2048xf32, #tpu.memory_space<hbm>> -> memref<2048xf32, #tpu.memory_space<hbm>>
    tpu.wait_dma2 semaphore(%arg15 : memref<!tpu.dma_semaphore, #tpu.memory_space<semaphore_mem>>) src(%dma_wait3A_636 : memref<2048xf32, #tpu.memory_space<hbm>>) dst(%dma_wait3A_633 : memref<2048xf32, #tpu.memory_space<vmem>>)
    %scan3A_637 = arith.constant 0 : i32
    %scan3A_638 = arith.constant 16 : i32
    %scan3A_639 = arith.addi %scan3A_637, %scan3A_638 : i32
    %scan3A_640 = arith.constant 1 : i32
    %scan3A_641:16 = scf.for %scan3A_993 = %scan3A_637 to %scan3A_639 step %scan3A_640 iter_args(%scan3A_994 = %scan3A_615#0, %scan3A_995 = %scan3A_615#1, %scan3A_996 = %scan3A_615#2, %scan3A_997 = %scan3A_615#3, %scan3A_998 = %scan3A_615#4, %scan3A_999 = %scan3A_615#5, %scan3A_1000 = %scan3A_615#6, %scan3A_1001 = %scan3A_615#7, %scan3A_1002 = %scan3A_615#8, %scan3A_1003 = %scan3A_615#9, %scan3A_1004 = %scan3A_615#10, %scan3A_1005 = %scan3A_615#11, %scan3A_1006 = %scan3A_615#12, %scan3A_1007 = %scan3A_615#13, %scan3A_1008 = %scan3A_615#14, %scan3A_1009 = %scan3A_615#15) -> (vector<16xf32>, vector<16xf32>, vector<16xf32>, vector<16xf32>, vector<16xf32>, vector<16xf32>, vector<16xf32>, vector<16xf32>, vector<16xf32>, vector<16xf32>, vector<16xf32>, vector<16xf32>, vector<16xf32>, vector<16xf32>, vector<16xf32>, vector<16xf32>)  : i32 {
      %mul3A_1010 = arith.constant 128 : i32
      %mul3A_1011 = arith.muli %scan3A_993, %mul3A_1010 : i32
      %add3A_1012 = arith.constant 2048 : i32
      %add3A_1013 = arith.addi %add3A_1012, %mul3A_1011 : i32
      %multiple_of3A = tpu.assume_multiple %add3A_1013, 128 : i32
      %add3A_1014 = arith.constant 0 : i32
      %add3A_1015 = arith.addi %multiple_of3A, %add3A_1014 : i32
      %get3A_1016 = arith.index_cast %add3A_1015 : i32 to index
      %get3A_1017 = tpu.vector_load %arg8[%get3A_1016] {strides = array<i32>} : memref<8192xf32, #tpu.memory_space<vmem>>, vector<16xf32>,
      %get3A_1018 = vector.shape_cast %get3A_1017 : vector<16xf32> to vector<16xf32>
      %add3A_1019 = arith.constant 0 : i32
      %add3A_1020 = arith.addi %multiple_of3A, %add3A_1019 : i32
      %get3A_1021 = arith.index_cast %add3A_1020 : i32 to index
      %get3A_1022 = tpu.vector_load %arg9[%get3A_1021] {strides = array<i32>} : memref<8192xf32, #tpu.memory_space<vmem>>, vector<16xf32>,
      %get3A_1023 = vector.shape_cast %get3A_1022 : vector<16xf32> to vector<16xf32>
      %mul3A_1024 = arith.constant 0.699999988 : f32
      %mul3A_1025 = vector.broadcast %mul3A_1024 : f32 to vector<16xf32>
      %mul3A_1026 = arith.mulf %mul3A_1025, %get3A_1018 : vector<16xf32>
      %mul3A_1027 = arith.constant 3.000000e-01 : f32
      %mul3A_1028 = vector.broadcast %mul3A_1027 : f32 to vector<16xf32>
      %mul3A_1029 = arith.mulf %mul3A_1028, %get3A_1023 : vector<16xf32>
      %add3A_1030 = arith.addf %mul3A_1026, %mul3A_1029 : vector<16xf32>
      %add3A_1031 = arith.addf %get3A_1018, %get3A_1023 : vector<16xf32>
      %sub3A = arith.subf %add3A_1031, %add3A_1030 : vector<16xf32>
      %lt3A_1032 = arith.cmpf olt, %add3A_1030, %scan3A_994 : vector<16xf32>
      %eq3A_1033 = arith.cmpf oeq, %add3A_1030, %scan3A_994 : vector<16xf32>
      %lt3A_1034 = arith.cmpf olt, %sub3A, %scan3A_995 : vector<16xf32>
      %and3A_1035 = arith.andi %eq3A_1033, %lt3A_1034 : vector<16xi1>
      %or3A_1036 = arith.ori %lt3A_1032, %and3A_1035 : vector<16xi1>
      %select_n3A_1037 = arith.select %or3A_1036, %add3A_1030, %scan3A_994 : vector<16xi1>, vector<16xf32>
      %select_n3A_1038 = arith.select %or3A_1036, %sub3A, %scan3A_995 : vector<16xi1>, vector<16xf32>
      %select_n3A_1039 = arith.select %or3A_1036, %get3A_1018, %scan3A_996 : vector<16xi1>, vector<16xf32>
      %select_n3A_1040 = arith.select %or3A_1036, %get3A_1023, %scan3A_997 : vector<16xi1>, vector<16xf32>
      %add3A_1041 = arith.constant 16 : i32
      %add3A_1042 = arith.addi %multiple_of3A, %add3A_1041 : i32
      %get3A_1043 = arith.index_cast %add3A_1042 : i32 to index
      %get3A_1044 = tpu.vector_load %arg8[%get3A_1043] {strides = array<i32>} : memref<8192xf32, #tpu.memory_space<vmem>>, vector<16xf32>,
      %get3A_1045 = vector.shape_cast %get3A_1044 : vector<16xf32> to vector<16xf32>
      %add3A_1046 = arith.constant 16 : i32
      %add3A_1047 = arith.addi %multiple_of3A, %add3A_1046 : i32
      %get3A_1048 = arith.index_cast %add3A_1047 : i32 to index
      %get3A_1049 = tpu.vector_load %arg9[%get3A_1048] {strides = array<i32>} : memref<8192xf32, #tpu.memory_space<vmem>>, vector<16xf32>,
      %get3A_1050 = vector.shape_cast %get3A_1049 : vector<16xf32> to vector<16xf32>
      %mul3A_1051 = arith.constant 0.699999988 : f32
      %mul3A_1052 = vector.broadcast %mul3A_1051 : f32 to vector<16xf32>
      %mul3A_1053 = arith.mulf %mul3A_1052, %get3A_1045 : vector<16xf32>
      %mul3A_1054 = arith.constant 3.000000e-01 : f32
      %mul3A_1055 = vector.broadcast %mul3A_1054 : f32 to vector<16xf32>
      %mul3A_1056 = arith.mulf %mul3A_1055, %get3A_1050 : vector<16xf32>
      %add3A_1057 = arith.addf %mul3A_1053, %mul3A_1056 : vector<16xf32>
      %add3A_1058 = arith.addf %get3A_1045, %get3A_1050 : vector<16xf32>
      %sub3A_1059 = arith.subf %add3A_1058, %add3A_1057 : vector<16xf32>
      %lt3A_1060 = arith.cmpf olt, %add3A_1057, %scan3A_998 : vector<16xf32>
      %eq3A_1061 = arith.cmpf oeq, %add3A_1057, %scan3A_998 : vector<16xf32>
      %lt3A_1062 = arith.cmpf olt, %sub3A_1059, %scan3A_999 : vector<16xf32>
      %and3A_1063 = arith.andi %eq3A_1061, %lt3A_1062 : vector<16xi1>
      %or3A_1064 = arith.ori %lt3A_1060, %and3A_1063 : vector<16xi1>
      %select_n3A_1065 = arith.select %or3A_1064, %add3A_1057, %scan3A_998 : vector<16xi1>, vector<16xf32>
      %select_n3A_1066 = arith.select %or3A_1064, %sub3A_1059, %scan3A_999 : vector<16xi1>, vector<16xf32>
      %select_n3A_1067 = arith.select %or3A_1064, %get3A_1045, %scan3A_1000 : vector<16xi1>, vector<16xf32>
      %select_n3A_1068 = arith.select %or3A_1064, %get3A_1050, %scan3A_1001 : vector<16xi1>, vector<16xf32>
      %add3A_1069 = arith.constant 32 : i32
      %add3A_1070 = arith.addi %multiple_of3A, %add3A_1069 : i32
      %get3A_1071 = arith.index_cast %add3A_1070 : i32 to index
      %get3A_1072 = tpu.vector_load %arg8[%get3A_1071] {strides = array<i32>} : memref<8192xf32, #tpu.memory_space<vmem>>, vector<16xf32>,
      %get3A_1073 = vector.shape_cast %get3A_1072 : vector<16xf32> to vector<16xf32>
      %add3A_1074 = arith.constant 32 : i32
      %add3A_1075 = arith.addi %multiple_of3A, %add3A_1074 : i32
      %get3A_1076 = arith.index_cast %add3A_1075 : i32 to index
      %get3A_1077 = tpu.vector_load %arg9[%get3A_1076] {strides = array<i32>} : memref<8192xf32, #tpu.memory_space<vmem>>, vector<16xf32>,
      %get3A_1078 = vector.shape_cast %get3A_1077 : vector<16xf32> to vector<16xf32>
      %mul3A_1079 = arith.constant 0.699999988 : f32
      %mul3A_1080 = vector.broadcast %mul3A_1079 : f32 to vector<16xf32>
      %mul3A_1081 = arith.mulf %mul3A_1080, %get3A_1073 : vector<16xf32>
      %mul3A_1082 = arith.constant 3.000000e-01 : f32
      %mul3A_1083 = vector.broadcast %mul3A_1082 : f32 to vector<16xf32>
      %mul3A_1084 = arith.mulf %mul3A_1083, %get3A_1078 : vector<16xf32>
      %add3A_1085 = arith.addf %mul3A_1081, %mul3A_1084 : vector<16xf32>
      %add3A_1086 = arith.addf %get3A_1073, %get3A_1078 : vector<16xf32>
      %sub3A_1087 = arith.subf %add3A_1086, %add3A_1085 : vector<16xf32>
      %lt3A_1088 = arith.cmpf olt, %add3A_1085, %scan3A_1002 : vector<16xf32>
      %eq3A_1089 = arith.cmpf oeq, %add3A_1085, %scan3A_1002 : vector<16xf32>
      %lt3A_1090 = arith.cmpf olt, %sub3A_1087, %scan3A_1003 : vector<16xf32>
      %and3A_1091 = arith.andi %eq3A_1089, %lt3A_1090 : vector<16xi1>
      %or3A_1092 = arith.ori %lt3A_1088, %and3A_1091 : vector<16xi1>
      %select_n3A_1093 = arith.select %or3A_1092, %add3A_1085, %scan3A_1002 : vector<16xi1>, vector<16xf32>
      %select_n3A_1094 = arith.select %or3A_1092, %sub3A_1087, %scan3A_1003 : vector<16xi1>, vector<16xf32>
      %select_n3A_1095 = arith.select %or3A_1092, %get3A_1073, %scan3A_1004 : vector<16xi1>, vector<16xf32>
      %select_n3A_1096 = arith.select %or3A_1092, %get3A_1078, %scan3A_1005 : vector<16xi1>, vector<16xf32>
      %add3A_1097 = arith.constant 48 : i32
      %add3A_1098 = arith.addi %multiple_of3A, %add3A_1097 : i32
      %get3A_1099 = arith.index_cast %add3A_1098 : i32 to index
      %get3A_1100 = tpu.vector_load %arg8[%get3A_1099] {strides = array<i32>} : memref<8192xf32, #tpu.memory_space<vmem>>, vector<16xf32>,
      %get3A_1101 = vector.shape_cast %get3A_1100 : vector<16xf32> to vector<16xf32>
      %add3A_1102 = arith.constant 48 : i32
      %add3A_1103 = arith.addi %multiple_of3A, %add3A_1102 : i32
      %get3A_1104 = arith.index_cast %add3A_1103 : i32 to index
      %get3A_1105 = tpu.vector_load %arg9[%get3A_1104] {strides = array<i32>} : memref<8192xf32, #tpu.memory_space<vmem>>, vector<16xf32>,
      %get3A_1106 = vector.shape_cast %get3A_1105 : vector<16xf32> to vector<16xf32>
      %mul3A_1107 = arith.constant 0.699999988 : f32
      %mul3A_1108 = vector.broadcast %mul3A_1107 : f32 to vector<16xf32>
      %mul3A_1109 = arith.mulf %mul3A_1108, %get3A_1101 : vector<16xf32>
      %mul3A_1110 = arith.constant 3.000000e-01 : f32
      %mul3A_1111 = vector.broadcast %mul3A_1110 : f32 to vector<16xf32>
      %mul3A_1112 = arith.mulf %mul3A_1111, %get3A_1106 : vector<16xf32>
      %add3A_1113 = arith.addf %mul3A_1109, %mul3A_1112 : vector<16xf32>
      %add3A_1114 = arith.addf %get3A_1101, %get3A_1106 : vector<16xf32>
      %sub3A_1115 = arith.subf %add3A_1114, %add3A_1113 : vector<16xf32>
      %lt3A_1116 = arith.cmpf olt, %add3A_1113, %scan3A_1006 : vector<16xf32>
      %eq3A_1117 = arith.cmpf oeq, %add3A_1113, %scan3A_1006 : vector<16xf32>
      %lt3A_1118 = arith.cmpf olt, %sub3A_1115, %scan3A_1007 : vector<16xf32>
      %and3A_1119 = arith.andi %eq3A_1117, %lt3A_1118 : vector<16xi1>
      %or3A_1120 = arith.ori %lt3A_1116, %and3A_1119 : vector<16xi1>
      %select_n3A_1121 = arith.select %or3A_1120, %add3A_1113, %scan3A_1006 : vector<16xi1>, vector<16xf32>
      %select_n3A_1122 = arith.select %or3A_1120, %sub3A_1115, %scan3A_1007 : vector<16xi1>, vector<16xf32>
      %select_n3A_1123 = arith.select %or3A_1120, %get3A_1101, %scan3A_1008 : vector<16xi1>, vector<16xf32>
      %select_n3A_1124 = arith.select %or3A_1120, %get3A_1106, %scan3A_1009 : vector<16xi1>, vector<16xf32>
      %add3A_1125 = arith.constant 64 : i32
      %add3A_1126 = arith.addi %multiple_of3A, %add3A_1125 : i32
      %get3A_1127 = arith.index_cast %add3A_1126 : i32 to index
      %get3A_1128 = tpu.vector_load %arg8[%get3A_1127] {strides = array<i32>} : memref<8192xf32, #tpu.memory_space<vmem>>, vector<16xf32>,
      %get3A_1129 = vector.shape_cast %get3A_1128 : vector<16xf32> to vector<16xf32>
      %add3A_1130 = arith.constant 64 : i32
      %add3A_1131 = arith.addi %multiple_of3A, %add3A_1130 : i32
      %get3A_1132 = arith.index_cast %add3A_1131 : i32 to index
      %get3A_1133 = tpu.vector_load %arg9[%get3A_1132] {strides = array<i32>} : memref<8192xf32, #tpu.memory_space<vmem>>, vector<16xf32>,
      %get3A_1134 = vector.shape_cast %get3A_1133 : vector<16xf32> to vector<16xf32>
      %mul3A_1135 = arith.constant 0.699999988 : f32
      %mul3A_1136 = vector.broadcast %mul3A_1135 : f32 to vector<16xf32>
      %mul3A_1137 = arith.mulf %mul3A_1136, %get3A_1129 : vector<16xf32>
      %mul3A_1138 = arith.constant 3.000000e-01 : f32
      %mul3A_1139 = vector.broadcast %mul3A_1138 : f32 to vector<16xf32>
      %mul3A_1140 = arith.mulf %mul3A_1139, %get3A_1134 : vector<16xf32>
      %add3A_1141 = arith.addf %mul3A_1137, %mul3A_1140 : vector<16xf32>
      %add3A_1142 = arith.addf %get3A_1129, %get3A_1134 : vector<16xf32>
      %sub3A_1143 = arith.subf %add3A_1142, %add3A_1141 : vector<16xf32>
      %lt3A_1144 = arith.cmpf olt, %add3A_1141, %select_n3A_1037 : vector<16xf32>
      %eq3A_1145 = arith.cmpf oeq, %add3A_1141, %select_n3A_1037 : vector<16xf32>
      %lt3A_1146 = arith.cmpf olt, %sub3A_1143, %select_n3A_1038 : vector<16xf32>
      %and3A_1147 = arith.andi %eq3A_1145, %lt3A_1146 : vector<16xi1>
      %or3A_1148 = arith.ori %lt3A_1144, %and3A_1147 : vector<16xi1>
      %select_n3A_1149 = arith.select %or3A_1148, %add3A_1141, %select_n3A_1037 : vector<16xi1>, vector<16xf32>
      %select_n3A_1150 = arith.select %or3A_1148, %sub3A_1143, %select_n3A_1038 : vector<16xi1>, vector<16xf32>
      %select_n3A_1151 = arith.select %or3A_1148, %get3A_1129, %select_n3A_1039 : vector<16xi1>, vector<16xf32>
      %select_n3A_1152 = arith.select %or3A_1148, %get3A_1134, %select_n3A_1040 : vector<16xi1>, vector<16xf32>
      %add3A_1153 = arith.constant 80 : i32
      %add3A_1154 = arith.addi %multiple_of3A, %add3A_1153 : i32
      %get3A_1155 = arith.index_cast %add3A_1154 : i32 to index
      %get3A_1156 = tpu.vector_load %arg8[%get3A_1155] {strides = array<i32>} : memref<8192xf32, #tpu.memory_space<vmem>>, vector<16xf32>,
      %get3A_1157 = vector.shape_cast %get3A_1156 : vector<16xf32> to vector<16xf32>
      %add3A_1158 = arith.constant 80 : i32
      %add3A_1159 = arith.addi %multiple_of3A, %add3A_1158 : i32
      %get3A_1160 = arith.index_cast %add3A_1159 : i32 to index
      %get3A_1161 = tpu.vector_load %arg9[%get3A_1160] {strides = array<i32>} : memref<8192xf32, #tpu.memory_space<vmem>>, vector<16xf32>,
      %get3A_1162 = vector.shape_cast %get3A_1161 : vector<16xf32> to vector<16xf32>
      %mul3A_1163 = arith.constant 0.699999988 : f32
      %mul3A_1164 = vector.broadcast %mul3A_1163 : f32 to vector<16xf32>
      %mul3A_1165 = arith.mulf %mul3A_1164, %get3A_1157 : vector<16xf32>
      %mul3A_1166 = arith.constant 3.000000e-01 : f32
      %mul3A_1167 = vector.broadcast %mul3A_1166 : f32 to vector<16xf32>
      %mul3A_1168 = arith.mulf %mul3A_1167, %get3A_1162 : vector<16xf32>
      %add3A_1169 = arith.addf %mul3A_1165, %mul3A_1168 : vector<16xf32>
      %add3A_1170 = arith.addf %get3A_1157, %get3A_1162 : vector<16xf32>
      %sub3A_1171 = arith.subf %add3A_1170, %add3A_1169 : vector<16xf32>
      %lt3A_1172 = arith.cmpf olt, %add3A_1169, %select_n3A_1065 : vector<16xf32>
      %eq3A_1173 = arith.cmpf oeq, %add3A_1169, %select_n3A_1065 : vector<16xf32>
      %lt3A_1174 = arith.cmpf olt, %sub3A_1171, %select_n3A_1066 : vector<16xf32>
      %and3A_1175 = arith.andi %eq3A_1173, %lt3A_1174 : vector<16xi1>
      %or3A_1176 = arith.ori %lt3A_1172, %and3A_1175 : vector<16xi1>
      %select_n3A_1177 = arith.select %or3A_1176, %add3A_1169, %select_n3A_1065 : vector<16xi1>, vector<16xf32>
      %select_n3A_1178 = arith.select %or3A_1176, %sub3A_1171, %select_n3A_1066 : vector<16xi1>, vector<16xf32>
      %select_n3A_1179 = arith.select %or3A_1176, %get3A_1157, %select_n3A_1067 : vector<16xi1>, vector<16xf32>
      %select_n3A_1180 = arith.select %or3A_1176, %get3A_1162, %select_n3A_1068 : vector<16xi1>, vector<16xf32>
      %add3A_1181 = arith.constant 96 : i32
      %add3A_1182 = arith.addi %multiple_of3A, %add3A_1181 : i32
      %get3A_1183 = arith.index_cast %add3A_1182 : i32 to index
      %get3A_1184 = tpu.vector_load %arg8[%get3A_1183] {strides = array<i32>} : memref<8192xf32, #tpu.memory_space<vmem>>, vector<16xf32>,
      %get3A_1185 = vector.shape_cast %get3A_1184 : vector<16xf32> to vector<16xf32>
      %add3A_1186 = arith.constant 96 : i32
      %add3A_1187 = arith.addi %multiple_of3A, %add3A_1186 : i32
      %get3A_1188 = arith.index_cast %add3A_1187 : i32 to index
      %get3A_1189 = tpu.vector_load %arg9[%get3A_1188] {strides = array<i32>} : memref<8192xf32, #tpu.memory_space<vmem>>, vector<16xf32>,
      %get3A_1190 = vector.shape_cast %get3A_1189 : vector<16xf32> to vector<16xf32>
      %mul3A_1191 = arith.constant 0.699999988 : f32
      %mul3A_1192 = vector.broadcast %mul3A_1191 : f32 to vector<16xf32>
      %mul3A_1193 = arith.mulf %mul3A_1192, %get3A_1185 : vector<16xf32>
      %mul3A_1194 = arith.constant 3.000000e-01 : f32
      %mul3A_1195 = vector.broadcast %mul3A_1194 : f32 to vector<16xf32>
      %mul3A_1196 = arith.mulf %mul3A_1195, %get3A_1190 : vector<16xf32>
      %add3A_1197 = arith.addf %mul3A_1193, %mul3A_1196 : vector<16xf32>
      %add3A_1198 = arith.addf %get3A_1185, %get3A_1190 : vector<16xf32>
      %sub3A_1199 = arith.subf %add3A_1198, %add3A_1197 : vector<16xf32>
      %lt3A_1200 = arith.cmpf olt, %add3A_1197, %select_n3A_1093 : vector<16xf32>
      %eq3A_1201 = arith.cmpf oeq, %add3A_1197, %select_n3A_1093 : vector<16xf32>
      %lt3A_1202 = arith.cmpf olt, %sub3A_1199, %select_n3A_1094 : vector<16xf32>
      %and3A_1203 = arith.andi %eq3A_1201, %lt3A_1202 : vector<16xi1>
      %or3A_1204 = arith.ori %lt3A_1200, %and3A_1203 : vector<16xi1>
      %select_n3A_1205 = arith.select %or3A_1204, %add3A_1197, %select_n3A_1093 : vector<16xi1>, vector<16xf32>
      %select_n3A_1206 = arith.select %or3A_1204, %sub3A_1199, %select_n3A_1094 : vector<16xi1>, vector<16xf32>
      %select_n3A_1207 = arith.select %or3A_1204, %get3A_1185, %select_n3A_1095 : vector<16xi1>, vector<16xf32>
      %select_n3A_1208 = arith.select %or3A_1204, %get3A_1190, %select_n3A_1096 : vector<16xi1>, vector<16xf32>
      %add3A_1209 = arith.constant 112 : i32
      %add3A_1210 = arith.addi %multiple_of3A, %add3A_1209 : i32
      %get3A_1211 = arith.index_cast %add3A_1210 : i32 to index
      %get3A_1212 = tpu.vector_load %arg8[%get3A_1211] {strides = array<i32>} : memref<8192xf32, #tpu.memory_space<vmem>>, vector<16xf32>,
      %get3A_1213 = vector.shape_cast %get3A_1212 : vector<16xf32> to vector<16xf32>
      %add3A_1214 = arith.constant 112 : i32
      %add3A_1215 = arith.addi %multiple_of3A, %add3A_1214 : i32
      %get3A_1216 = arith.index_cast %add3A_1215 : i32 to index
      %get3A_1217 = tpu.vector_load %arg9[%get3A_1216] {strides = array<i32>} : memref<8192xf32, #tpu.memory_space<vmem>>, vector<16xf32>,
      %get3A_1218 = vector.shape_cast %get3A_1217 : vector<16xf32> to vector<16xf32>
      %mul3A_1219 = arith.constant 0.699999988 : f32
      %mul3A_1220 = vector.broadcast %mul3A_1219 : f32 to vector<16xf32>
      %mul3A_1221 = arith.mulf %mul3A_1220, %get3A_1213 : vector<16xf32>
      %mul3A_1222 = arith.constant 3.000000e-01 : f32
      %mul3A_1223 = vector.broadcast %mul3A_1222 : f32 to vector<16xf32>
      %mul3A_1224 = arith.mulf %mul3A_1223, %get3A_1218 : vector<16xf32>
      %add3A_1225 = arith.addf %mul3A_1221, %mul3A_1224 : vector<16xf32>
      %add3A_1226 = arith.addf %get3A_1213, %get3A_1218 : vector<16xf32>
      %sub3A_1227 = arith.subf %add3A_1226, %add3A_1225 : vector<16xf32>
      %lt3A_1228 = arith.cmpf olt, %add3A_1225, %select_n3A_1121 : vector<16xf32>
      %eq3A_1229 = arith.cmpf oeq, %add3A_1225, %select_n3A_1121 : vector<16xf32>
      %lt3A_1230 = arith.cmpf olt, %sub3A_1227, %select_n3A_1122 : vector<16xf32>
      %and3A_1231 = arith.andi %eq3A_1229, %lt3A_1230 : vector<16xi1>
      %or3A_1232 = arith.ori %lt3A_1228, %and3A_1231 : vector<16xi1>
      %select_n3A_1233 = arith.select %or3A_1232, %add3A_1225, %select_n3A_1121 : vector<16xi1>, vector<16xf32>
      %select_n3A_1234 = arith.select %or3A_1232, %sub3A_1227, %select_n3A_1122 : vector<16xi1>, vector<16xf32>
      %select_n3A_1235 = arith.select %or3A_1232, %get3A_1213, %select_n3A_1123 : vector<16xi1>, vector<16xf32>
      %select_n3A_1236 = arith.select %or3A_1232, %get3A_1218, %select_n3A_1124 : vector<16xi1>, vector<16xf32>
      scf.yield %select_n3A_1149, %select_n3A_1150, %select_n3A_1151, %select_n3A_1152, %select_n3A_1177, %select_n3A_1178, %select_n3A_1179, %select_n3A_1180, %select_n3A_1205, %select_n3A_1206, %select_n3A_1207, %select_n3A_1208, %select_n3A_1233, %select_n3A_1234, %select_n3A_1235, %select_n3A_1236 : vector<16xf32>, vector<16xf32>, vector<16xf32>, vector<16xf32>, vector<16xf32>, vector<16xf32>, vector<16xf32>, vector<16xf32>, vector<16xf32>, vector<16xf32>, vector<16xf32>, vector<16xf32>, vector<16xf32>, vector<16xf32>, vector<16xf32>, vector<16xf32>
    }
    %scan3A_642 = arith.constant 16 : i32
    %dma_wait3A_643 = arith.constant 4096 : i32
    %dma_wait3A_644 = tpu.memref_slice %arg8[%dma_wait3A_643] : memref<8192xf32, #tpu.memory_space<vmem>> -> memref<2048xf32, #tpu.memory_space<vmem>>
    %dma_wait3A_645 = arith.constant 4096 : i32
    %dma_wait3A_646 = tpu.memref_slice %arg2[%add3A_248, %dma_wait3A_645] : memref<64x8192xf32, #tpu.memory_space<hbm>> -> memref<1x2048xf32, #tpu.memory_space<hbm>>
    %dma_wait3A_647 = tpu.memref_squeeze %dma_wait3A_646 : memref<1x2048xf32, #tpu.memory_space<hbm>> -> memref<2048xf32, #tpu.memory_space<hbm>>
    %dma_wait3A_648 = arith.constant 4096 : i32
    %dma_wait3A_649 = tpu.memref_slice %arg8[%dma_wait3A_648] : memref<8192xf32, #tpu.memory_space<vmem>> -> memref<2048xf32, #tpu.memory_space<vmem>>
    %dma_wait3A_650 = arith.constant 4096 : i32
    %dma_wait3A_651 = tpu.memref_slice %arg2[%add3A_248, %dma_wait3A_650] : memref<64x8192xf32, #tpu.memory_space<hbm>> -> memref<1x2048xf32, #tpu.memory_space<hbm>>
    %dma_wait3A_652 = tpu.memref_squeeze %dma_wait3A_651 : memref<1x2048xf32, #tpu.memory_space<hbm>> -> memref<2048xf32, #tpu.memory_space<hbm>>
    tpu.wait_dma2 semaphore(%arg16 : memref<!tpu.dma_semaphore, #tpu.memory_space<semaphore_mem>>) src(%dma_wait3A_652 : memref<2048xf32, #tpu.memory_space<hbm>>) dst(%dma_wait3A_649 : memref<2048xf32, #tpu.memory_space<vmem>>)
    %dma_wait3A_653 = arith.constant 4096 : i32
    %dma_wait3A_654 = tpu.memref_slice %arg9[%dma_wait3A_653] : memref<8192xf32, #tpu.memory_space<vmem>> -> memref<2048xf32, #tpu.memory_space<vmem>>
    %dma_wait3A_655 = arith.constant 4096 : i32
    %dma_wait3A_656 = tpu.memref_slice %arg3[%add3A_260, %dma_wait3A_655] : memref<64x8192xf32, #tpu.memory_space<hbm>> -> memref<1x2048xf32, #tpu.memory_space<hbm>>
    %dma_wait3A_657 = tpu.memref_squeeze %dma_wait3A_656 : memref<1x2048xf32, #tpu.memory_space<hbm>> -> memref<2048xf32, #tpu.memory_space<hbm>>
    %dma_wait3A_658 = arith.constant 4096 : i32
    %dma_wait3A_659 = tpu.memref_slice %arg9[%dma_wait3A_658] : memref<8192xf32, #tpu.memory_space<vmem>> -> memref<2048xf32, #tpu.memory_space<vmem>>
    %dma_wait3A_660 = arith.constant 4096 : i32
    %dma_wait3A_661 = tpu.memref_slice %arg3[%add3A_260, %dma_wait3A_660] : memref<64x8192xf32, #tpu.memory_space<hbm>> -> memref<1x2048xf32, #tpu.memory_space<hbm>>
    %dma_wait3A_662 = tpu.memref_squeeze %dma_wait3A_661 : memref<1x2048xf32, #tpu.memory_space<hbm>> -> memref<2048xf32, #tpu.memory_space<hbm>>
    tpu.wait_dma2 semaphore(%arg16 : memref<!tpu.dma_semaphore, #tpu.memory_space<semaphore_mem>>) src(%dma_wait3A_662 : memref<2048xf32, #tpu.memory_space<hbm>>) dst(%dma_wait3A_659 : memref<2048xf32, #tpu.memory_space<vmem>>)
    %scan3A_663 = arith.constant 0 : i32
    %scan3A_664 = arith.constant 16 : i32
    %scan3A_665 = arith.addi %scan3A_663, %scan3A_664 : i32
    %scan3A_666 = arith.constant 1 : i32
    %scan3A_667:16 = scf.for %scan3A_993 = %scan3A_663 to %scan3A_665 step %scan3A_666 iter_args(%scan3A_994 = %scan3A_641#0, %scan3A_995 = %scan3A_641#1, %scan3A_996 = %scan3A_641#2, %scan3A_997 = %scan3A_641#3, %scan3A_998 = %scan3A_641#4, %scan3A_999 = %scan3A_641#5, %scan3A_1000 = %scan3A_641#6, %scan3A_1001 = %scan3A_641#7, %scan3A_1002 = %scan3A_641#8, %scan3A_1003 = %scan3A_641#9, %scan3A_1004 = %scan3A_641#10, %scan3A_1005 = %scan3A_641#11, %scan3A_1006 = %scan3A_641#12, %scan3A_1007 = %scan3A_641#13, %scan3A_1008 = %scan3A_641#14, %scan3A_1009 = %scan3A_641#15) -> (vector<16xf32>, vector<16xf32>, vector<16xf32>, vector<16xf32>, vector<16xf32>, vector<16xf32>, vector<16xf32>, vector<16xf32>, vector<16xf32>, vector<16xf32>, vector<16xf32>, vector<16xf32>, vector<16xf32>, vector<16xf32>, vector<16xf32>, vector<16xf32>)  : i32 {
      %mul3A_1010 = arith.constant 128 : i32
      %mul3A_1011 = arith.muli %scan3A_993, %mul3A_1010 : i32
      %add3A_1012 = arith.constant 4096 : i32
      %add3A_1013 = arith.addi %add3A_1012, %mul3A_1011 : i32
      %multiple_of3A = tpu.assume_multiple %add3A_1013, 128 : i32
      %add3A_1014 = arith.constant 0 : i32
      %add3A_1015 = arith.addi %multiple_of3A, %add3A_1014 : i32
      %get3A_1016 = arith.index_cast %add3A_1015 : i32 to index
      %get3A_1017 = tpu.vector_load %arg8[%get3A_1016] {strides = array<i32>} : memref<8192xf32, #tpu.memory_space<vmem>>, vector<16xf32>,
      %get3A_1018 = vector.shape_cast %get3A_1017 : vector<16xf32> to vector<16xf32>
      %add3A_1019 = arith.constant 0 : i32
      %add3A_1020 = arith.addi %multiple_of3A, %add3A_1019 : i32
      %get3A_1021 = arith.index_cast %add3A_1020 : i32 to index
      %get3A_1022 = tpu.vector_load %arg9[%get3A_1021] {strides = array<i32>} : memref<8192xf32, #tpu.memory_space<vmem>>, vector<16xf32>,
      %get3A_1023 = vector.shape_cast %get3A_1022 : vector<16xf32> to vector<16xf32>
      %mul3A_1024 = arith.constant 0.699999988 : f32
      %mul3A_1025 = vector.broadcast %mul3A_1024 : f32 to vector<16xf32>
      %mul3A_1026 = arith.mulf %mul3A_1025, %get3A_1018 : vector<16xf32>
      %mul3A_1027 = arith.constant 3.000000e-01 : f32
      %mul3A_1028 = vector.broadcast %mul3A_1027 : f32 to vector<16xf32>
      %mul3A_1029 = arith.mulf %mul3A_1028, %get3A_1023 : vector<16xf32>
      %add3A_1030 = arith.addf %mul3A_1026, %mul3A_1029 : vector<16xf32>
      %add3A_1031 = arith.addf %get3A_1018, %get3A_1023 : vector<16xf32>
      %sub3A = arith.subf %add3A_1031, %add3A_1030 : vector<16xf32>
      %lt3A_1032 = arith.cmpf olt, %add3A_1030, %scan3A_994 : vector<16xf32>
      %eq3A_1033 = arith.cmpf oeq, %add3A_1030, %scan3A_994 : vector<16xf32>
      %lt3A_1034 = arith.cmpf olt, %sub3A, %scan3A_995 : vector<16xf32>
      %and3A_1035 = arith.andi %eq3A_1033, %lt3A_1034 : vector<16xi1>
      %or3A_1036 = arith.ori %lt3A_1032, %and3A_1035 : vector<16xi1>
      %select_n3A_1037 = arith.select %or3A_1036, %add3A_1030, %scan3A_994 : vector<16xi1>, vector<16xf32>
      %select_n3A_1038 = arith.select %or3A_1036, %sub3A, %scan3A_995 : vector<16xi1>, vector<16xf32>
      %select_n3A_1039 = arith.select %or3A_1036, %get3A_1018, %scan3A_996 : vector<16xi1>, vector<16xf32>
      %select_n3A_1040 = arith.select %or3A_1036, %get3A_1023, %scan3A_997 : vector<16xi1>, vector<16xf32>
      %add3A_1041 = arith.constant 16 : i32
      %add3A_1042 = arith.addi %multiple_of3A, %add3A_1041 : i32
      %get3A_1043 = arith.index_cast %add3A_1042 : i32 to index
      %get3A_1044 = tpu.vector_load %arg8[%get3A_1043] {strides = array<i32>} : memref<8192xf32, #tpu.memory_space<vmem>>, vector<16xf32>,
      %get3A_1045 = vector.shape_cast %get3A_1044 : vector<16xf32> to vector<16xf32>
      %add3A_1046 = arith.constant 16 : i32
      %add3A_1047 = arith.addi %multiple_of3A, %add3A_1046 : i32
      %get3A_1048 = arith.index_cast %add3A_1047 : i32 to index
      %get3A_1049 = tpu.vector_load %arg9[%get3A_1048] {strides = array<i32>} : memref<8192xf32, #tpu.memory_space<vmem>>, vector<16xf32>,
      %get3A_1050 = vector.shape_cast %get3A_1049 : vector<16xf32> to vector<16xf32>
      %mul3A_1051 = arith.constant 0.699999988 : f32
      %mul3A_1052 = vector.broadcast %mul3A_1051 : f32 to vector<16xf32>
      %mul3A_1053 = arith.mulf %mul3A_1052, %get3A_1045 : vector<16xf32>
      %mul3A_1054 = arith.constant 3.000000e-01 : f32
      %mul3A_1055 = vector.broadcast %mul3A_1054 : f32 to vector<16xf32>
      %mul3A_1056 = arith.mulf %mul3A_1055, %get3A_1050 : vector<16xf32>
      %add3A_1057 = arith.addf %mul3A_1053, %mul3A_1056 : vector<16xf32>
      %add3A_1058 = arith.addf %get3A_1045, %get3A_1050 : vector<16xf32>
      %sub3A_1059 = arith.subf %add3A_1058, %add3A_1057 : vector<16xf32>
      %lt3A_1060 = arith.cmpf olt, %add3A_1057, %scan3A_998 : vector<16xf32>
      %eq3A_1061 = arith.cmpf oeq, %add3A_1057, %scan3A_998 : vector<16xf32>
      %lt3A_1062 = arith.cmpf olt, %sub3A_1059, %scan3A_999 : vector<16xf32>
      %and3A_1063 = arith.andi %eq3A_1061, %lt3A_1062 : vector<16xi1>
      %or3A_1064 = arith.ori %lt3A_1060, %and3A_1063 : vector<16xi1>
      %select_n3A_1065 = arith.select %or3A_1064, %add3A_1057, %scan3A_998 : vector<16xi1>, vector<16xf32>
      %select_n3A_1066 = arith.select %or3A_1064, %sub3A_1059, %scan3A_999 : vector<16xi1>, vector<16xf32>
      %select_n3A_1067 = arith.select %or3A_1064, %get3A_1045, %scan3A_1000 : vector<16xi1>, vector<16xf32>
      %select_n3A_1068 = arith.select %or3A_1064, %get3A_1050, %scan3A_1001 : vector<16xi1>, vector<16xf32>
      %add3A_1069 = arith.constant 32 : i32
      %add3A_1070 = arith.addi %multiple_of3A, %add3A_1069 : i32
      %get3A_1071 = arith.index_cast %add3A_1070 : i32 to index
      %get3A_1072 = tpu.vector_load %arg8[%get3A_1071] {strides = array<i32>} : memref<8192xf32, #tpu.memory_space<vmem>>, vector<16xf32>,
      %get3A_1073 = vector.shape_cast %get3A_1072 : vector<16xf32> to vector<16xf32>
      %add3A_1074 = arith.constant 32 : i32
      %add3A_1075 = arith.addi %multiple_of3A, %add3A_1074 : i32
      %get3A_1076 = arith.index_cast %add3A_1075 : i32 to index
      %get3A_1077 = tpu.vector_load %arg9[%get3A_1076] {strides = array<i32>} : memref<8192xf32, #tpu.memory_space<vmem>>, vector<16xf32>,
      %get3A_1078 = vector.shape_cast %get3A_1077 : vector<16xf32> to vector<16xf32>
      %mul3A_1079 = arith.constant 0.699999988 : f32
      %mul3A_1080 = vector.broadcast %mul3A_1079 : f32 to vector<16xf32>
      %mul3A_1081 = arith.mulf %mul3A_1080, %get3A_1073 : vector<16xf32>
      %mul3A_1082 = arith.constant 3.000000e-01 : f32
      %mul3A_1083 = vector.broadcast %mul3A_1082 : f32 to vector<16xf32>
      %mul3A_1084 = arith.mulf %mul3A_1083, %get3A_1078 : vector<16xf32>
      %add3A_1085 = arith.addf %mul3A_1081, %mul3A_1084 : vector<16xf32>
      %add3A_1086 = arith.addf %get3A_1073, %get3A_1078 : vector<16xf32>
      %sub3A_1087 = arith.subf %add3A_1086, %add3A_1085 : vector<16xf32>
      %lt3A_1088 = arith.cmpf olt, %add3A_1085, %scan3A_1002 : vector<16xf32>
      %eq3A_1089 = arith.cmpf oeq, %add3A_1085, %scan3A_1002 : vector<16xf32>
      %lt3A_1090 = arith.cmpf olt, %sub3A_1087, %scan3A_1003 : vector<16xf32>
      %and3A_1091 = arith.andi %eq3A_1089, %lt3A_1090 : vector<16xi1>
      %or3A_1092 = arith.ori %lt3A_1088, %and3A_1091 : vector<16xi1>
      %select_n3A_1093 = arith.select %or3A_1092, %add3A_1085, %scan3A_1002 : vector<16xi1>, vector<16xf32>
      %select_n3A_1094 = arith.select %or3A_1092, %sub3A_1087, %scan3A_1003 : vector<16xi1>, vector<16xf32>
      %select_n3A_1095 = arith.select %or3A_1092, %get3A_1073, %scan3A_1004 : vector<16xi1>, vector<16xf32>
      %select_n3A_1096 = arith.select %or3A_1092, %get3A_1078, %scan3A_1005 : vector<16xi1>, vector<16xf32>
      %add3A_1097 = arith.constant 48 : i32
      %add3A_1098 = arith.addi %multiple_of3A, %add3A_1097 : i32
      %get3A_1099 = arith.index_cast %add3A_1098 : i32 to index
      %get3A_1100 = tpu.vector_load %arg8[%get3A_1099] {strides = array<i32>} : memref<8192xf32, #tpu.memory_space<vmem>>, vector<16xf32>,
      %get3A_1101 = vector.shape_cast %get3A_1100 : vector<16xf32> to vector<16xf32>
      %add3A_1102 = arith.constant 48 : i32
      %add3A_1103 = arith.addi %multiple_of3A, %add3A_1102 : i32
      %get3A_1104 = arith.index_cast %add3A_1103 : i32 to index
      %get3A_1105 = tpu.vector_load %arg9[%get3A_1104] {strides = array<i32>} : memref<8192xf32, #tpu.memory_space<vmem>>, vector<16xf32>,
      %get3A_1106 = vector.shape_cast %get3A_1105 : vector<16xf32> to vector<16xf32>
      %mul3A_1107 = arith.constant 0.699999988 : f32
      %mul3A_1108 = vector.broadcast %mul3A_1107 : f32 to vector<16xf32>
      %mul3A_1109 = arith.mulf %mul3A_1108, %get3A_1101 : vector<16xf32>
      %mul3A_1110 = arith.constant 3.000000e-01 : f32
      %mul3A_1111 = vector.broadcast %mul3A_1110 : f32 to vector<16xf32>
      %mul3A_1112 = arith.mulf %mul3A_1111, %get3A_1106 : vector<16xf32>
      %add3A_1113 = arith.addf %mul3A_1109, %mul3A_1112 : vector<16xf32>
      %add3A_1114 = arith.addf %get3A_1101, %get3A_1106 : vector<16xf32>
      %sub3A_1115 = arith.subf %add3A_1114, %add3A_1113 : vector<16xf32>
      %lt3A_1116 = arith.cmpf olt, %add3A_1113, %scan3A_1006 : vector<16xf32>
      %eq3A_1117 = arith.cmpf oeq, %add3A_1113, %scan3A_1006 : vector<16xf32>
      %lt3A_1118 = arith.cmpf olt, %sub3A_1115, %scan3A_1007 : vector<16xf32>
      %and3A_1119 = arith.andi %eq3A_1117, %lt3A_1118 : vector<16xi1>
      %or3A_1120 = arith.ori %lt3A_1116, %and3A_1119 : vector<16xi1>
      %select_n3A_1121 = arith.select %or3A_1120, %add3A_1113, %scan3A_1006 : vector<16xi1>, vector<16xf32>
      %select_n3A_1122 = arith.select %or3A_1120, %sub3A_1115, %scan3A_1007 : vector<16xi1>, vector<16xf32>
      %select_n3A_1123 = arith.select %or3A_1120, %get3A_1101, %scan3A_1008 : vector<16xi1>, vector<16xf32>
      %select_n3A_1124 = arith.select %or3A_1120, %get3A_1106, %scan3A_1009 : vector<16xi1>, vector<16xf32>
      %add3A_1125 = arith.constant 64 : i32
      %add3A_1126 = arith.addi %multiple_of3A, %add3A_1125 : i32
      %get3A_1127 = arith.index_cast %add3A_1126 : i32 to index
      %get3A_1128 = tpu.vector_load %arg8[%get3A_1127] {strides = array<i32>} : memref<8192xf32, #tpu.memory_space<vmem>>, vector<16xf32>,
      %get3A_1129 = vector.shape_cast %get3A_1128 : vector<16xf32> to vector<16xf32>
      %add3A_1130 = arith.constant 64 : i32
      %add3A_1131 = arith.addi %multiple_of3A, %add3A_1130 : i32
      %get3A_1132 = arith.index_cast %add3A_1131 : i32 to index
      %get3A_1133 = tpu.vector_load %arg9[%get3A_1132] {strides = array<i32>} : memref<8192xf32, #tpu.memory_space<vmem>>, vector<16xf32>,
      %get3A_1134 = vector.shape_cast %get3A_1133 : vector<16xf32> to vector<16xf32>
      %mul3A_1135 = arith.constant 0.699999988 : f32
      %mul3A_1136 = vector.broadcast %mul3A_1135 : f32 to vector<16xf32>
      %mul3A_1137 = arith.mulf %mul3A_1136, %get3A_1129 : vector<16xf32>
      %mul3A_1138 = arith.constant 3.000000e-01 : f32
      %mul3A_1139 = vector.broadcast %mul3A_1138 : f32 to vector<16xf32>
      %mul3A_1140 = arith.mulf %mul3A_1139, %get3A_1134 : vector<16xf32>
      %add3A_1141 = arith.addf %mul3A_1137, %mul3A_1140 : vector<16xf32>
      %add3A_1142 = arith.addf %get3A_1129, %get3A_1134 : vector<16xf32>
      %sub3A_1143 = arith.subf %add3A_1142, %add3A_1141 : vector<16xf32>
      %lt3A_1144 = arith.cmpf olt, %add3A_1141, %select_n3A_1037 : vector<16xf32>
      %eq3A_1145 = arith.cmpf oeq, %add3A_1141, %select_n3A_1037 : vector<16xf32>
      %lt3A_1146 = arith.cmpf olt, %sub3A_1143, %select_n3A_1038 : vector<16xf32>
      %and3A_1147 = arith.andi %eq3A_1145, %lt3A_1146 : vector<16xi1>
      %or3A_1148 = arith.ori %lt3A_1144, %and3A_1147 : vector<16xi1>
      %select_n3A_1149 = arith.select %or3A_1148, %add3A_1141, %select_n3A_1037 : vector<16xi1>, vector<16xf32>
      %select_n3A_1150 = arith.select %or3A_1148, %sub3A_1143, %select_n3A_1038 : vector<16xi1>, vector<16xf32>
      %select_n3A_1151 = arith.select %or3A_1148, %get3A_1129, %select_n3A_1039 : vector<16xi1>, vector<16xf32>
      %select_n3A_1152 = arith.select %or3A_1148, %get3A_1134, %select_n3A_1040 : vector<16xi1>, vector<16xf32>
      %add3A_1153 = arith.constant 80 : i32
      %add3A_1154 = arith.addi %multiple_of3A, %add3A_1153 : i32
      %get3A_1155 = arith.index_cast %add3A_1154 : i32 to index
      %get3A_1156 = tpu.vector_load %arg8[%get3A_1155] {strides = array<i32>} : memref<8192xf32, #tpu.memory_space<vmem>>, vector<16xf32>,
      %get3A_1157 = vector.shape_cast %get3A_1156 : vector<16xf32> to vector<16xf32>
      %add3A_1158 = arith.constant 80 : i32
      %add3A_1159 = arith.addi %multiple_of3A, %add3A_1158 : i32
      %get3A_1160 = arith.index_cast %add3A_1159 : i32 to index
      %get3A_1161 = tpu.vector_load %arg9[%get3A_1160] {strides = array<i32>} : memref<8192xf32, #tpu.memory_space<vmem>>, vector<16xf32>,
      %get3A_1162 = vector.shape_cast %get3A_1161 : vector<16xf32> to vector<16xf32>
      %mul3A_1163 = arith.constant 0.699999988 : f32
      %mul3A_1164 = vector.broadcast %mul3A_1163 : f32 to vector<16xf32>
      %mul3A_1165 = arith.mulf %mul3A_1164, %get3A_1157 : vector<16xf32>
      %mul3A_1166 = arith.constant 3.000000e-01 : f32
      %mul3A_1167 = vector.broadcast %mul3A_1166 : f32 to vector<16xf32>
      %mul3A_1168 = arith.mulf %mul3A_1167, %get3A_1162 : vector<16xf32>
      %add3A_1169 = arith.addf %mul3A_1165, %mul3A_1168 : vector<16xf32>
      %add3A_1170 = arith.addf %get3A_1157, %get3A_1162 : vector<16xf32>
      %sub3A_1171 = arith.subf %add3A_1170, %add3A_1169 : vector<16xf32>
      %lt3A_1172 = arith.cmpf olt, %add3A_1169, %select_n3A_1065 : vector<16xf32>
      %eq3A_1173 = arith.cmpf oeq, %add3A_1169, %select_n3A_1065 : vector<16xf32>
      %lt3A_1174 = arith.cmpf olt, %sub3A_1171, %select_n3A_1066 : vector<16xf32>
      %and3A_1175 = arith.andi %eq3A_1173, %lt3A_1174 : vector<16xi1>
      %or3A_1176 = arith.ori %lt3A_1172, %and3A_1175 : vector<16xi1>
      %select_n3A_1177 = arith.select %or3A_1176, %add3A_1169, %select_n3A_1065 : vector<16xi1>, vector<16xf32>
      %select_n3A_1178 = arith.select %or3A_1176, %sub3A_1171, %select_n3A_1066 : vector<16xi1>, vector<16xf32>
      %select_n3A_1179 = arith.select %or3A_1176, %get3A_1157, %select_n3A_1067 : vector<16xi1>, vector<16xf32>
      %select_n3A_1180 = arith.select %or3A_1176, %get3A_1162, %select_n3A_1068 : vector<16xi1>, vector<16xf32>
      %add3A_1181 = arith.constant 96 : i32
      %add3A_1182 = arith.addi %multiple_of3A, %add3A_1181 : i32
      %get3A_1183 = arith.index_cast %add3A_1182 : i32 to index
      %get3A_1184 = tpu.vector_load %arg8[%get3A_1183] {strides = array<i32>} : memref<8192xf32, #tpu.memory_space<vmem>>, vector<16xf32>,
      %get3A_1185 = vector.shape_cast %get3A_1184 : vector<16xf32> to vector<16xf32>
      %add3A_1186 = arith.constant 96 : i32
      %add3A_1187 = arith.addi %multiple_of3A, %add3A_1186 : i32
      %get3A_1188 = arith.index_cast %add3A_1187 : i32 to index
      %get3A_1189 = tpu.vector_load %arg9[%get3A_1188] {strides = array<i32>} : memref<8192xf32, #tpu.memory_space<vmem>>, vector<16xf32>,
      %get3A_1190 = vector.shape_cast %get3A_1189 : vector<16xf32> to vector<16xf32>
      %mul3A_1191 = arith.constant 0.699999988 : f32
      %mul3A_1192 = vector.broadcast %mul3A_1191 : f32 to vector<16xf32>
      %mul3A_1193 = arith.mulf %mul3A_1192, %get3A_1185 : vector<16xf32>
      %mul3A_1194 = arith.constant 3.000000e-01 : f32
      %mul3A_1195 = vector.broadcast %mul3A_1194 : f32 to vector<16xf32>
      %mul3A_1196 = arith.mulf %mul3A_1195, %get3A_1190 : vector<16xf32>
      %add3A_1197 = arith.addf %mul3A_1193, %mul3A_1196 : vector<16xf32>
      %add3A_1198 = arith.addf %get3A_1185, %get3A_1190 : vector<16xf32>
      %sub3A_1199 = arith.subf %add3A_1198, %add3A_1197 : vector<16xf32>
      %lt3A_1200 = arith.cmpf olt, %add3A_1197, %select_n3A_1093 : vector<16xf32>
      %eq3A_1201 = arith.cmpf oeq, %add3A_1197, %select_n3A_1093 : vector<16xf32>
      %lt3A_1202 = arith.cmpf olt, %sub3A_1199, %select_n3A_1094 : vector<16xf32>
      %and3A_1203 = arith.andi %eq3A_1201, %lt3A_1202 : vector<16xi1>
      %or3A_1204 = arith.ori %lt3A_1200, %and3A_1203 : vector<16xi1>
      %select_n3A_1205 = arith.select %or3A_1204, %add3A_1197, %select_n3A_1093 : vector<16xi1>, vector<16xf32>
      %select_n3A_1206 = arith.select %or3A_1204, %sub3A_1199, %select_n3A_1094 : vector<16xi1>, vector<16xf32>
      %select_n3A_1207 = arith.select %or3A_1204, %get3A_1185, %select_n3A_1095 : vector<16xi1>, vector<16xf32>
      %select_n3A_1208 = arith.select %or3A_1204, %get3A_1190, %select_n3A_1096 : vector<16xi1>, vector<16xf32>
      %add3A_1209 = arith.constant 112 : i32
      %add3A_1210 = arith.addi %multiple_of3A, %add3A_1209 : i32
      %get3A_1211 = arith.index_cast %add3A_1210 : i32 to index
      %get3A_1212 = tpu.vector_load %arg8[%get3A_1211] {strides = array<i32>} : memref<8192xf32, #tpu.memory_space<vmem>>, vector<16xf32>,
      %get3A_1213 = vector.shape_cast %get3A_1212 : vector<16xf32> to vector<16xf32>
      %add3A_1214 = arith.constant 112 : i32
      %add3A_1215 = arith.addi %multiple_of3A, %add3A_1214 : i32
      %get3A_1216 = arith.index_cast %add3A_1215 : i32 to index
      %get3A_1217 = tpu.vector_load %arg9[%get3A_1216] {strides = array<i32>} : memref<8192xf32, #tpu.memory_space<vmem>>, vector<16xf32>,
      %get3A_1218 = vector.shape_cast %get3A_1217 : vector<16xf32> to vector<16xf32>
      %mul3A_1219 = arith.constant 0.699999988 : f32
      %mul3A_1220 = vector.broadcast %mul3A_1219 : f32 to vector<16xf32>
      %mul3A_1221 = arith.mulf %mul3A_1220, %get3A_1213 : vector<16xf32>
      %mul3A_1222 = arith.constant 3.000000e-01 : f32
      %mul3A_1223 = vector.broadcast %mul3A_1222 : f32 to vector<16xf32>
      %mul3A_1224 = arith.mulf %mul3A_1223, %get3A_1218 : vector<16xf32>
      %add3A_1225 = arith.addf %mul3A_1221, %mul3A_1224 : vector<16xf32>
      %add3A_1226 = arith.addf %get3A_1213, %get3A_1218 : vector<16xf32>
      %sub3A_1227 = arith.subf %add3A_1226, %add3A_1225 : vector<16xf32>
      %lt3A_1228 = arith.cmpf olt, %add3A_1225, %select_n3A_1121 : vector<16xf32>
      %eq3A_1229 = arith.cmpf oeq, %add3A_1225, %select_n3A_1121 : vector<16xf32>
      %lt3A_1230 = arith.cmpf olt, %sub3A_1227, %select_n3A_1122 : vector<16xf32>
      %and3A_1231 = arith.andi %eq3A_1229, %lt3A_1230 : vector<16xi1>
      %or3A_1232 = arith.ori %lt3A_1228, %and3A_1231 : vector<16xi1>
      %select_n3A_1233 = arith.select %or3A_1232, %add3A_1225, %select_n3A_1121 : vector<16xi1>, vector<16xf32>
      %select_n3A_1234 = arith.select %or3A_1232, %sub3A_1227, %select_n3A_1122 : vector<16xi1>, vector<16xf32>
      %select_n3A_1235 = arith.select %or3A_1232, %get3A_1213, %select_n3A_1123 : vector<16xi1>, vector<16xf32>
      %select_n3A_1236 = arith.select %or3A_1232, %get3A_1218, %select_n3A_1124 : vector<16xi1>, vector<16xf32>
      scf.yield %select_n3A_1149, %select_n3A_1150, %select_n3A_1151, %select_n3A_1152, %select_n3A_1177, %select_n3A_1178, %select_n3A_1179, %select_n3A_1180, %select_n3A_1205, %select_n3A_1206, %select_n3A_1207, %select_n3A_1208, %select_n3A_1233, %select_n3A_1234, %select_n3A_1235, %select_n3A_1236 : vector<16xf32>, vector<16xf32>, vector<16xf32>, vector<16xf32>, vector<16xf32>, vector<16xf32>, vector<16xf32>, vector<16xf32>, vector<16xf32>, vector<16xf32>, vector<16xf32>, vector<16xf32>, vector<16xf32>, vector<16xf32>, vector<16xf32>, vector<16xf32>
    }
    %scan3A_668 = arith.constant 16 : i32
    %dma_wait3A_669 = arith.constant 6144 : i32
    %dma_wait3A_670 = tpu.memref_slice %arg8[%dma_wait3A_669] : memref<8192xf32, #tpu.memory_space<vmem>> -> memref<2048xf32, #tpu.memory_space<vmem>>
    %dma_wait3A_671 = arith.constant 6144 : i32
    %dma_wait3A_672 = tpu.memref_slice %arg2[%add3A_298, %dma_wait3A_671] : memref<64x8192xf32, #tpu.memory_space<hbm>> -> memref<1x2048xf32, #tpu.memory_space<hbm>>
    %dma_wait3A_673 = tpu.memref_squeeze %dma_wait3A_672 : memref<1x2048xf32, #tpu.memory_space<hbm>> -> memref<2048xf32, #tpu.memory_space<hbm>>
    %dma_wait3A_674 = arith.constant 6144 : i32
    %dma_wait3A_675 = tpu.memref_slice %arg8[%dma_wait3A_674] : memref<8192xf32, #tpu.memory_space<vmem>> -> memref<2048xf32, #tpu.memory_space<vmem>>
    %dma_wait3A_676 = arith.constant 6144 : i32
    %dma_wait3A_677 = tpu.memref_slice %arg2[%add3A_298, %dma_wait3A_676] : memref<64x8192xf32, #tpu.memory_space<hbm>> -> memref<1x2048xf32, #tpu.memory_space<hbm>>
    %dma_wait3A_678 = tpu.memref_squeeze %dma_wait3A_677 : memref<1x2048xf32, #tpu.memory_space<hbm>> -> memref<2048xf32, #tpu.memory_space<hbm>>
    tpu.wait_dma2 semaphore(%arg17 : memref<!tpu.dma_semaphore, #tpu.memory_space<semaphore_mem>>) src(%dma_wait3A_678 : memref<2048xf32, #tpu.memory_space<hbm>>) dst(%dma_wait3A_675 : memref<2048xf32, #tpu.memory_space<vmem>>)
    %dma_wait3A_679 = arith.constant 6144 : i32
    %dma_wait3A_680 = tpu.memref_slice %arg9[%dma_wait3A_679] : memref<8192xf32, #tpu.memory_space<vmem>> -> memref<2048xf32, #tpu.memory_space<vmem>>
    %dma_wait3A_681 = arith.constant 6144 : i32
    %dma_wait3A_682 = tpu.memref_slice %arg3[%add3A_310, %dma_wait3A_681] : memref<64x8192xf32, #tpu.memory_space<hbm>> -> memref<1x2048xf32, #tpu.memory_space<hbm>>
    %dma_wait3A_683 = tpu.memref_squeeze %dma_wait3A_682 : memref<1x2048xf32, #tpu.memory_space<hbm>> -> memref<2048xf32, #tpu.memory_space<hbm>>
    %dma_wait3A_684 = arith.constant 6144 : i32
    %dma_wait3A_685 = tpu.memref_slice %arg9[%dma_wait3A_684] : memref<8192xf32, #tpu.memory_space<vmem>> -> memref<2048xf32, #tpu.memory_space<vmem>>
    %dma_wait3A_686 = arith.constant 6144 : i32
    %dma_wait3A_687 = tpu.memref_slice %arg3[%add3A_310, %dma_wait3A_686] : memref<64x8192xf32, #tpu.memory_space<hbm>> -> memref<1x2048xf32, #tpu.memory_space<hbm>>
    %dma_wait3A_688 = tpu.memref_squeeze %dma_wait3A_687 : memref<1x2048xf32, #tpu.memory_space<hbm>> -> memref<2048xf32, #tpu.memory_space<hbm>>
    tpu.wait_dma2 semaphore(%arg17 : memref<!tpu.dma_semaphore, #tpu.memory_space<semaphore_mem>>) src(%dma_wait3A_688 : memref<2048xf32, #tpu.memory_space<hbm>>) dst(%dma_wait3A_685 : memref<2048xf32, #tpu.memory_space<vmem>>)
    %scan3A_689 = arith.constant 0 : i32
    %scan3A_690 = arith.constant 16 : i32
    %scan3A_691 = arith.addi %scan3A_689, %scan3A_690 : i32
    %scan3A_692 = arith.constant 1 : i32
    %scan3A_693:16 = scf.for %scan3A_993 = %scan3A_689 to %scan3A_691 step %scan3A_692 iter_args(%scan3A_994 = %scan3A_667#0, %scan3A_995 = %scan3A_667#1, %scan3A_996 = %scan3A_667#2, %scan3A_997 = %scan3A_667#3, %scan3A_998 = %scan3A_667#4, %scan3A_999 = %scan3A_667#5, %scan3A_1000 = %scan3A_667#6, %scan3A_1001 = %scan3A_667#7, %scan3A_1002 = %scan3A_667#8, %scan3A_1003 = %scan3A_667#9, %scan3A_1004 = %scan3A_667#10, %scan3A_1005 = %scan3A_667#11, %scan3A_1006 = %scan3A_667#12, %scan3A_1007 = %scan3A_667#13, %scan3A_1008 = %scan3A_667#14, %scan3A_1009 = %scan3A_667#15) -> (vector<16xf32>, vector<16xf32>, vector<16xf32>, vector<16xf32>, vector<16xf32>, vector<16xf32>, vector<16xf32>, vector<16xf32>, vector<16xf32>, vector<16xf32>, vector<16xf32>, vector<16xf32>, vector<16xf32>, vector<16xf32>, vector<16xf32>, vector<16xf32>)  : i32 {
      %mul3A_1010 = arith.constant 128 : i32
      %mul3A_1011 = arith.muli %scan3A_993, %mul3A_1010 : i32
      %add3A_1012 = arith.constant 6144 : i32
      %add3A_1013 = arith.addi %add3A_1012, %mul3A_1011 : i32
      %multiple_of3A = tpu.assume_multiple %add3A_1013, 128 : i32
      %add3A_1014 = arith.constant 0 : i32
      %add3A_1015 = arith.addi %multiple_of3A, %add3A_1014 : i32
      %get3A_1016 = arith.index_cast %add3A_1015 : i32 to index
      %get3A_1017 = tpu.vector_load %arg8[%get3A_1016] {strides = array<i32>} : memref<8192xf32, #tpu.memory_space<vmem>>, vector<16xf32>,
      %get3A_1018 = vector.shape_cast %get3A_1017 : vector<16xf32> to vector<16xf32>
      %add3A_1019 = arith.constant 0 : i32
      %add3A_1020 = arith.addi %multiple_of3A, %add3A_1019 : i32
      %get3A_1021 = arith.index_cast %add3A_1020 : i32 to index
      %get3A_1022 = tpu.vector_load %arg9[%get3A_1021] {strides = array<i32>} : memref<8192xf32, #tpu.memory_space<vmem>>, vector<16xf32>,
      %get3A_1023 = vector.shape_cast %get3A_1022 : vector<16xf32> to vector<16xf32>
      %mul3A_1024 = arith.constant 0.699999988 : f32
      %mul3A_1025 = vector.broadcast %mul3A_1024 : f32 to vector<16xf32>
      %mul3A_1026 = arith.mulf %mul3A_1025, %get3A_1018 : vector<16xf32>
      %mul3A_1027 = arith.constant 3.000000e-01 : f32
      %mul3A_1028 = vector.broadcast %mul3A_1027 : f32 to vector<16xf32>
      %mul3A_1029 = arith.mulf %mul3A_1028, %get3A_1023 : vector<16xf32>
      %add3A_1030 = arith.addf %mul3A_1026, %mul3A_1029 : vector<16xf32>
      %add3A_1031 = arith.addf %get3A_1018, %get3A_1023 : vector<16xf32>
      %sub3A = arith.subf %add3A_1031, %add3A_1030 : vector<16xf32>
      %lt3A_1032 = arith.cmpf olt, %add3A_1030, %scan3A_994 : vector<16xf32>
      %eq3A_1033 = arith.cmpf oeq, %add3A_1030, %scan3A_994 : vector<16xf32>
      %lt3A_1034 = arith.cmpf olt, %sub3A, %scan3A_995 : vector<16xf32>
      %and3A_1035 = arith.andi %eq3A_1033, %lt3A_1034 : vector<16xi1>
      %or3A_1036 = arith.ori %lt3A_1032, %and3A_1035 : vector<16xi1>
      %select_n3A_1037 = arith.select %or3A_1036, %add3A_1030, %scan3A_994 : vector<16xi1>, vector<16xf32>
      %select_n3A_1038 = arith.select %or3A_1036, %sub3A, %scan3A_995 : vector<16xi1>, vector<16xf32>
      %select_n3A_1039 = arith.select %or3A_1036, %get3A_1018, %scan3A_996 : vector<16xi1>, vector<16xf32>
      %select_n3A_1040 = arith.select %or3A_1036, %get3A_1023, %scan3A_997 : vector<16xi1>, vector<16xf32>
      %add3A_1041 = arith.constant 16 : i32
      %add3A_1042 = arith.addi %multiple_of3A, %add3A_1041 : i32
      %get3A_1043 = arith.index_cast %add3A_1042 : i32 to index
      %get3A_1044 = tpu.vector_load %arg8[%get3A_1043] {strides = array<i32>} : memref<8192xf32, #tpu.memory_space<vmem>>, vector<16xf32>,
      %get3A_1045 = vector.shape_cast %get3A_1044 : vector<16xf32> to vector<16xf32>
      %add3A_1046 = arith.constant 16 : i32
      %add3A_1047 = arith.addi %multiple_of3A, %add3A_1046 : i32
      %get3A_1048 = arith.index_cast %add3A_1047 : i32 to index
      %get3A_1049 = tpu.vector_load %arg9[%get3A_1048] {strides = array<i32>} : memref<8192xf32, #tpu.memory_space<vmem>>, vector<16xf32>,
      %get3A_1050 = vector.shape_cast %get3A_1049 : vector<16xf32> to vector<16xf32>
      %mul3A_1051 = arith.constant 0.699999988 : f32
      %mul3A_1052 = vector.broadcast %mul3A_1051 : f32 to vector<16xf32>
      %mul3A_1053 = arith.mulf %mul3A_1052, %get3A_1045 : vector<16xf32>
      %mul3A_1054 = arith.constant 3.000000e-01 : f32
      %mul3A_1055 = vector.broadcast %mul3A_1054 : f32 to vector<16xf32>
      %mul3A_1056 = arith.mulf %mul3A_1055, %get3A_1050 : vector<16xf32>
      %add3A_1057 = arith.addf %mul3A_1053, %mul3A_1056 : vector<16xf32>
      %add3A_1058 = arith.addf %get3A_1045, %get3A_1050 : vector<16xf32>
      %sub3A_1059 = arith.subf %add3A_1058, %add3A_1057 : vector<16xf32>
      %lt3A_1060 = arith.cmpf olt, %add3A_1057, %scan3A_998 : vector<16xf32>
      %eq3A_1061 = arith.cmpf oeq, %add3A_1057, %scan3A_998 : vector<16xf32>
      %lt3A_1062 = arith.cmpf olt, %sub3A_1059, %scan3A_999 : vector<16xf32>
      %and3A_1063 = arith.andi %eq3A_1061, %lt3A_1062 : vector<16xi1>
      %or3A_1064 = arith.ori %lt3A_1060, %and3A_1063 : vector<16xi1>
      %select_n3A_1065 = arith.select %or3A_1064, %add3A_1057, %scan3A_998 : vector<16xi1>, vector<16xf32>
      %select_n3A_1066 = arith.select %or3A_1064, %sub3A_1059, %scan3A_999 : vector<16xi1>, vector<16xf32>
      %select_n3A_1067 = arith.select %or3A_1064, %get3A_1045, %scan3A_1000 : vector<16xi1>, vector<16xf32>
      %select_n3A_1068 = arith.select %or3A_1064, %get3A_1050, %scan3A_1001 : vector<16xi1>, vector<16xf32>
      %add3A_1069 = arith.constant 32 : i32
      %add3A_1070 = arith.addi %multiple_of3A, %add3A_1069 : i32
      %get3A_1071 = arith.index_cast %add3A_1070 : i32 to index
      %get3A_1072 = tpu.vector_load %arg8[%get3A_1071] {strides = array<i32>} : memref<8192xf32, #tpu.memory_space<vmem>>, vector<16xf32>,
      %get3A_1073 = vector.shape_cast %get3A_1072 : vector<16xf32> to vector<16xf32>
      %add3A_1074 = arith.constant 32 : i32
      %add3A_1075 = arith.addi %multiple_of3A, %add3A_1074 : i32
      %get3A_1076 = arith.index_cast %add3A_1075 : i32 to index
      %get3A_1077 = tpu.vector_load %arg9[%get3A_1076] {strides = array<i32>} : memref<8192xf32, #tpu.memory_space<vmem>>, vector<16xf32>,
      %get3A_1078 = vector.shape_cast %get3A_1077 : vector<16xf32> to vector<16xf32>
      %mul3A_1079 = arith.constant 0.699999988 : f32
      %mul3A_1080 = vector.broadcast %mul3A_1079 : f32 to vector<16xf32>
      %mul3A_1081 = arith.mulf %mul3A_1080, %get3A_1073 : vector<16xf32>
      %mul3A_1082 = arith.constant 3.000000e-01 : f32
      %mul3A_1083 = vector.broadcast %mul3A_1082 : f32 to vector<16xf32>
      %mul3A_1084 = arith.mulf %mul3A_1083, %get3A_1078 : vector<16xf32>
      %add3A_1085 = arith.addf %mul3A_1081, %mul3A_1084 : vector<16xf32>
      %add3A_1086 = arith.addf %get3A_1073, %get3A_1078 : vector<16xf32>
      %sub3A_1087 = arith.subf %add3A_1086, %add3A_1085 : vector<16xf32>
      %lt3A_1088 = arith.cmpf olt, %add3A_1085, %scan3A_1002 : vector<16xf32>
      %eq3A_1089 = arith.cmpf oeq, %add3A_1085, %scan3A_1002 : vector<16xf32>
      %lt3A_1090 = arith.cmpf olt, %sub3A_1087, %scan3A_1003 : vector<16xf32>
      %and3A_1091 = arith.andi %eq3A_1089, %lt3A_1090 : vector<16xi1>
      %or3A_1092 = arith.ori %lt3A_1088, %and3A_1091 : vector<16xi1>
      %select_n3A_1093 = arith.select %or3A_1092, %add3A_1085, %scan3A_1002 : vector<16xi1>, vector<16xf32>
      %select_n3A_1094 = arith.select %or3A_1092, %sub3A_1087, %scan3A_1003 : vector<16xi1>, vector<16xf32>
      %select_n3A_1095 = arith.select %or3A_1092, %get3A_1073, %scan3A_1004 : vector<16xi1>, vector<16xf32>
      %select_n3A_1096 = arith.select %or3A_1092, %get3A_1078, %scan3A_1005 : vector<16xi1>, vector<16xf32>
      %add3A_1097 = arith.constant 48 : i32
      %add3A_1098 = arith.addi %multiple_of3A, %add3A_1097 : i32
      %get3A_1099 = arith.index_cast %add3A_1098 : i32 to index
      %get3A_1100 = tpu.vector_load %arg8[%get3A_1099] {strides = array<i32>} : memref<8192xf32, #tpu.memory_space<vmem>>, vector<16xf32>,
      %get3A_1101 = vector.shape_cast %get3A_1100 : vector<16xf32> to vector<16xf32>
      %add3A_1102 = arith.constant 48 : i32
      %add3A_1103 = arith.addi %multiple_of3A, %add3A_1102 : i32
      %get3A_1104 = arith.index_cast %add3A_1103 : i32 to index
      %get3A_1105 = tpu.vector_load %arg9[%get3A_1104] {strides = array<i32>} : memref<8192xf32, #tpu.memory_space<vmem>>, vector<16xf32>,
      %get3A_1106 = vector.shape_cast %get3A_1105 : vector<16xf32> to vector<16xf32>
      %mul3A_1107 = arith.constant 0.699999988 : f32
      %mul3A_1108 = vector.broadcast %mul3A_1107 : f32 to vector<16xf32>
      %mul3A_1109 = arith.mulf %mul3A_1108, %get3A_1101 : vector<16xf32>
      %mul3A_1110 = arith.constant 3.000000e-01 : f32
      %mul3A_1111 = vector.broadcast %mul3A_1110 : f32 to vector<16xf32>
      %mul3A_1112 = arith.mulf %mul3A_1111, %get3A_1106 : vector<16xf32>
      %add3A_1113 = arith.addf %mul3A_1109, %mul3A_1112 : vector<16xf32>
      %add3A_1114 = arith.addf %get3A_1101, %get3A_1106 : vector<16xf32>
      %sub3A_1115 = arith.subf %add3A_1114, %add3A_1113 : vector<16xf32>
      %lt3A_1116 = arith.cmpf olt, %add3A_1113, %scan3A_1006 : vector<16xf32>
      %eq3A_1117 = arith.cmpf oeq, %add3A_1113, %scan3A_1006 : vector<16xf32>
      %lt3A_1118 = arith.cmpf olt, %sub3A_1115, %scan3A_1007 : vector<16xf32>
      %and3A_1119 = arith.andi %eq3A_1117, %lt3A_1118 : vector<16xi1>
      %or3A_1120 = arith.ori %lt3A_1116, %and3A_1119 : vector<16xi1>
      %select_n3A_1121 = arith.select %or3A_1120, %add3A_1113, %scan3A_1006 : vector<16xi1>, vector<16xf32>
      %select_n3A_1122 = arith.select %or3A_1120, %sub3A_1115, %scan3A_1007 : vector<16xi1>, vector<16xf32>
      %select_n3A_1123 = arith.select %or3A_1120, %get3A_1101, %scan3A_1008 : vector<16xi1>, vector<16xf32>
      %select_n3A_1124 = arith.select %or3A_1120, %get3A_1106, %scan3A_1009 : vector<16xi1>, vector<16xf32>
      %add3A_1125 = arith.constant 64 : i32
      %add3A_1126 = arith.addi %multiple_of3A, %add3A_1125 : i32
      %get3A_1127 = arith.index_cast %add3A_1126 : i32 to index
      %get3A_1128 = tpu.vector_load %arg8[%get3A_1127] {strides = array<i32>} : memref<8192xf32, #tpu.memory_space<vmem>>, vector<16xf32>,
      %get3A_1129 = vector.shape_cast %get3A_1128 : vector<16xf32> to vector<16xf32>
      %add3A_1130 = arith.constant 64 : i32
      %add3A_1131 = arith.addi %multiple_of3A, %add3A_1130 : i32
      %get3A_1132 = arith.index_cast %add3A_1131 : i32 to index
      %get3A_1133 = tpu.vector_load %arg9[%get3A_1132] {strides = array<i32>} : memref<8192xf32, #tpu.memory_space<vmem>>, vector<16xf32>,
      %get3A_1134 = vector.shape_cast %get3A_1133 : vector<16xf32> to vector<16xf32>
      %mul3A_1135 = arith.constant 0.699999988 : f32
      %mul3A_1136 = vector.broadcast %mul3A_1135 : f32 to vector<16xf32>
      %mul3A_1137 = arith.mulf %mul3A_1136, %get3A_1129 : vector<16xf32>
      %mul3A_1138 = arith.constant 3.000000e-01 : f32
      %mul3A_1139 = vector.broadcast %mul3A_1138 : f32 to vector<16xf32>
      %mul3A_1140 = arith.mulf %mul3A_1139, %get3A_1134 : vector<16xf32>
      %add3A_1141 = arith.addf %mul3A_1137, %mul3A_1140 : vector<16xf32>
      %add3A_1142 = arith.addf %get3A_1129, %get3A_1134 : vector<16xf32>
      %sub3A_1143 = arith.subf %add3A_1142, %add3A_1141 : vector<16xf32>
      %lt3A_1144 = arith.cmpf olt, %add3A_1141, %select_n3A_1037 : vector<16xf32>
      %eq3A_1145 = arith.cmpf oeq, %add3A_1141, %select_n3A_1037 : vector<16xf32>
      %lt3A_1146 = arith.cmpf olt, %sub3A_1143, %select_n3A_1038 : vector<16xf32>
      %and3A_1147 = arith.andi %eq3A_1145, %lt3A_1146 : vector<16xi1>
      %or3A_1148 = arith.ori %lt3A_1144, %and3A_1147 : vector<16xi1>
      %select_n3A_1149 = arith.select %or3A_1148, %add3A_1141, %select_n3A_1037 : vector<16xi1>, vector<16xf32>
      %select_n3A_1150 = arith.select %or3A_1148, %sub3A_1143, %select_n3A_1038 : vector<16xi1>, vector<16xf32>
      %select_n3A_1151 = arith.select %or3A_1148, %get3A_1129, %select_n3A_1039 : vector<16xi1>, vector<16xf32>
      %select_n3A_1152 = arith.select %or3A_1148, %get3A_1134, %select_n3A_1040 : vector<16xi1>, vector<16xf32>
      %add3A_1153 = arith.constant 80 : i32
      %add3A_1154 = arith.addi %multiple_of3A, %add3A_1153 : i32
      %get3A_1155 = arith.index_cast %add3A_1154 : i32 to index
      %get3A_1156 = tpu.vector_load %arg8[%get3A_1155] {strides = array<i32>} : memref<8192xf32, #tpu.memory_space<vmem>>, vector<16xf32>,
      %get3A_1157 = vector.shape_cast %get3A_1156 : vector<16xf32> to vector<16xf32>
      %add3A_1158 = arith.constant 80 : i32
      %add3A_1159 = arith.addi %multiple_of3A, %add3A_1158 : i32
      %get3A_1160 = arith.index_cast %add3A_1159 : i32 to index
      %get3A_1161 = tpu.vector_load %arg9[%get3A_1160] {strides = array<i32>} : memref<8192xf32, #tpu.memory_space<vmem>>, vector<16xf32>,
      %get3A_1162 = vector.shape_cast %get3A_1161 : vector<16xf32> to vector<16xf32>
      %mul3A_1163 = arith.constant 0.699999988 : f32
      %mul3A_1164 = vector.broadcast %mul3A_1163 : f32 to vector<16xf32>
      %mul3A_1165 = arith.mulf %mul3A_1164, %get3A_1157 : vector<16xf32>
      %mul3A_1166 = arith.constant 3.000000e-01 : f32
      %mul3A_1167 = vector.broadcast %mul3A_1166 : f32 to vector<16xf32>
      %mul3A_1168 = arith.mulf %mul3A_1167, %get3A_1162 : vector<16xf32>
      %add3A_1169 = arith.addf %mul3A_1165, %mul3A_1168 : vector<16xf32>
      %add3A_1170 = arith.addf %get3A_1157, %get3A_1162 : vector<16xf32>
      %sub3A_1171 = arith.subf %add3A_1170, %add3A_1169 : vector<16xf32>
      %lt3A_1172 = arith.cmpf olt, %add3A_1169, %select_n3A_1065 : vector<16xf32>
      %eq3A_1173 = arith.cmpf oeq, %add3A_1169, %select_n3A_1065 : vector<16xf32>
      %lt3A_1174 = arith.cmpf olt, %sub3A_1171, %select_n3A_1066 : vector<16xf32>
      %and3A_1175 = arith.andi %eq3A_1173, %lt3A_1174 : vector<16xi1>
      %or3A_1176 = arith.ori %lt3A_1172, %and3A_1175 : vector<16xi1>
      %select_n3A_1177 = arith.select %or3A_1176, %add3A_1169, %select_n3A_1065 : vector<16xi1>, vector<16xf32>
      %select_n3A_1178 = arith.select %or3A_1176, %sub3A_1171, %select_n3A_1066 : vector<16xi1>, vector<16xf32>
      %select_n3A_1179 = arith.select %or3A_1176, %get3A_1157, %select_n3A_1067 : vector<16xi1>, vector<16xf32>
      %select_n3A_1180 = arith.select %or3A_1176, %get3A_1162, %select_n3A_1068 : vector<16xi1>, vector<16xf32>
      %add3A_1181 = arith.constant 96 : i32
      %add3A_1182 = arith.addi %multiple_of3A, %add3A_1181 : i32
      %get3A_1183 = arith.index_cast %add3A_1182 : i32 to index
      %get3A_1184 = tpu.vector_load %arg8[%get3A_1183] {strides = array<i32>} : memref<8192xf32, #tpu.memory_space<vmem>>, vector<16xf32>,
      %get3A_1185 = vector.shape_cast %get3A_1184 : vector<16xf32> to vector<16xf32>
      %add3A_1186 = arith.constant 96 : i32
      %add3A_1187 = arith.addi %multiple_of3A, %add3A_1186 : i32
      %get3A_1188 = arith.index_cast %add3A_1187 : i32 to index
      %get3A_1189 = tpu.vector_load %arg9[%get3A_1188] {strides = array<i32>} : memref<8192xf32, #tpu.memory_space<vmem>>, vector<16xf32>,
      %get3A_1190 = vector.shape_cast %get3A_1189 : vector<16xf32> to vector<16xf32>
      %mul3A_1191 = arith.constant 0.699999988 : f32
      %mul3A_1192 = vector.broadcast %mul3A_1191 : f32 to vector<16xf32>
      %mul3A_1193 = arith.mulf %mul3A_1192, %get3A_1185 : vector<16xf32>
      %mul3A_1194 = arith.constant 3.000000e-01 : f32
      %mul3A_1195 = vector.broadcast %mul3A_1194 : f32 to vector<16xf32>
      %mul3A_1196 = arith.mulf %mul3A_1195, %get3A_1190 : vector<16xf32>
      %add3A_1197 = arith.addf %mul3A_1193, %mul3A_1196 : vector<16xf32>
      %add3A_1198 = arith.addf %get3A_1185, %get3A_1190 : vector<16xf32>
      %sub3A_1199 = arith.subf %add3A_1198, %add3A_1197 : vector<16xf32>
      %lt3A_1200 = arith.cmpf olt, %add3A_1197, %select_n3A_1093 : vector<16xf32>
      %eq3A_1201 = arith.cmpf oeq, %add3A_1197, %select_n3A_1093 : vector<16xf32>
      %lt3A_1202 = arith.cmpf olt, %sub3A_1199, %select_n3A_1094 : vector<16xf32>
      %and3A_1203 = arith.andi %eq3A_1201, %lt3A_1202 : vector<16xi1>
      %or3A_1204 = arith.ori %lt3A_1200, %and3A_1203 : vector<16xi1>
      %select_n3A_1205 = arith.select %or3A_1204, %add3A_1197, %select_n3A_1093 : vector<16xi1>, vector<16xf32>
      %select_n3A_1206 = arith.select %or3A_1204, %sub3A_1199, %select_n3A_1094 : vector<16xi1>, vector<16xf32>
      %select_n3A_1207 = arith.select %or3A_1204, %get3A_1185, %select_n3A_1095 : vector<16xi1>, vector<16xf32>
      %select_n3A_1208 = arith.select %or3A_1204, %get3A_1190, %select_n3A_1096 : vector<16xi1>, vector<16xf32>
      %add3A_1209 = arith.constant 112 : i32
      %add3A_1210 = arith.addi %multiple_of3A, %add3A_1209 : i32
      %get3A_1211 = arith.index_cast %add3A_1210 : i32 to index
      %get3A_1212 = tpu.vector_load %arg8[%get3A_1211] {strides = array<i32>} : memref<8192xf32, #tpu.memory_space<vmem>>, vector<16xf32>,
      %get3A_1213 = vector.shape_cast %get3A_1212 : vector<16xf32> to vector<16xf32>
      %add3A_1214 = arith.constant 112 : i32
      %add3A_1215 = arith.addi %multiple_of3A, %add3A_1214 : i32
      %get3A_1216 = arith.index_cast %add3A_1215 : i32 to index
      %get3A_1217 = tpu.vector_load %arg9[%get3A_1216] {strides = array<i32>} : memref<8192xf32, #tpu.memory_space<vmem>>, vector<16xf32>,
      %get3A_1218 = vector.shape_cast %get3A_1217 : vector<16xf32> to vector<16xf32>
      %mul3A_1219 = arith.constant 0.699999988 : f32
      %mul3A_1220 = vector.broadcast %mul3A_1219 : f32 to vector<16xf32>
      %mul3A_1221 = arith.mulf %mul3A_1220, %get3A_1213 : vector<16xf32>
      %mul3A_1222 = arith.constant 3.000000e-01 : f32
      %mul3A_1223 = vector.broadcast %mul3A_1222 : f32 to vector<16xf32>
      %mul3A_1224 = arith.mulf %mul3A_1223, %get3A_1218 : vector<16xf32>
      %add3A_1225 = arith.addf %mul3A_1221, %mul3A_1224 : vector<16xf32>
      %add3A_1226 = arith.addf %get3A_1213, %get3A_1218 : vector<16xf32>
      %sub3A_1227 = arith.subf %add3A_1226, %add3A_1225 : vector<16xf32>
      %lt3A_1228 = arith.cmpf olt, %add3A_1225, %select_n3A_1121 : vector<16xf32>
      %eq3A_1229 = arith.cmpf oeq, %add3A_1225, %select_n3A_1121 : vector<16xf32>
      %lt3A_1230 = arith.cmpf olt, %sub3A_1227, %select_n3A_1122 : vector<16xf32>
      %and3A_1231 = arith.andi %eq3A_1229, %lt3A_1230 : vector<16xi1>
      %or3A_1232 = arith.ori %lt3A_1228, %and3A_1231 : vector<16xi1>
      %select_n3A_1233 = arith.select %or3A_1232, %add3A_1225, %select_n3A_1121 : vector<16xi1>, vector<16xf32>
      %select_n3A_1234 = arith.select %or3A_1232, %sub3A_1227, %select_n3A_1122 : vector<16xi1>, vector<16xf32>
      %select_n3A_1235 = arith.select %or3A_1232, %get3A_1213, %select_n3A_1123 : vector<16xi1>, vector<16xf32>
      %select_n3A_1236 = arith.select %or3A_1232, %get3A_1218, %select_n3A_1124 : vector<16xi1>, vector<16xf32>
      scf.yield %select_n3A_1149, %select_n3A_1150, %select_n3A_1151, %select_n3A_1152, %select_n3A_1177, %select_n3A_1178, %select_n3A_1179, %select_n3A_1180, %select_n3A_1205, %select_n3A_1206, %select_n3A_1207, %select_n3A_1208, %select_n3A_1233, %select_n3A_1234, %select_n3A_1235, %select_n3A_1236 : vector<16xf32>, vector<16xf32>, vector<16xf32>, vector<16xf32>, vector<16xf32>, vector<16xf32>, vector<16xf32>, vector<16xf32>, vector<16xf32>, vector<16xf32>, vector<16xf32>, vector<16xf32>, vector<16xf32>, vector<16xf32>, vector<16xf32>, vector<16xf32>
    }
    %scan3A_694 = arith.constant 16 : i32
    %lt3A_695 = arith.cmpf olt, %scan3A_693#4, %scan3A_693#0 : vector<16xf32>
    %eq3A_696 = arith.cmpf oeq, %scan3A_693#4, %scan3A_693#0 : vector<16xf32>
    %lt3A_697 = arith.cmpf olt, %scan3A_693#5, %scan3A_693#1 : vector<16xf32>
    %and3A_698 = arith.andi %eq3A_696, %lt3A_697 : vector<16xi1>
    %or3A_699 = arith.ori %lt3A_695, %and3A_698 : vector<16xi1>
    %select_n3A_700 = arith.select %or3A_699, %scan3A_693#4, %scan3A_693#0 : vector<16xi1>, vector<16xf32>
    %select_n3A_701 = arith.select %or3A_699, %scan3A_693#5, %scan3A_693#1 : vector<16xi1>, vector<16xf32>
    %select_n3A_702 = arith.select %or3A_699, %scan3A_693#6, %scan3A_693#2 : vector<16xi1>, vector<16xf32>
    %select_n3A_703 = arith.select %or3A_699, %scan3A_693#7, %scan3A_693#3 : vector<16xi1>, vector<16xf32>
    %lt3A_704 = arith.cmpf olt, %scan3A_693#12, %scan3A_693#8 : vector<16xf32>
    %eq3A_705 = arith.cmpf oeq, %scan3A_693#12, %scan3A_693#8 : vector<16xf32>
    %lt3A_706 = arith.cmpf olt, %scan3A_693#13, %scan3A_693#9 : vector<16xf32>
    %and3A_707 = arith.andi %eq3A_705, %lt3A_706 : vector<16xi1>
    %or3A_708 = arith.ori %lt3A_704, %and3A_707 : vector<16xi1>
    %select_n3A_709 = arith.select %or3A_708, %scan3A_693#12, %scan3A_693#8 : vector<16xi1>, vector<16xf32>
    %select_n3A_710 = arith.select %or3A_708, %scan3A_693#13, %scan3A_693#9 : vector<16xi1>, vector<16xf32>
    %select_n3A_711 = arith.select %or3A_708, %scan3A_693#14, %scan3A_693#10 : vector<16xi1>, vector<16xf32>
    %select_n3A_712 = arith.select %or3A_708, %scan3A_693#15, %scan3A_693#11 : vector<16xi1>, vector<16xf32>
    %lt3A_713 = arith.cmpf olt, %select_n3A_709, %select_n3A_700 : vector<16xf32>
    %eq3A_714 = arith.cmpf oeq, %select_n3A_709, %select_n3A_700 : vector<16xf32>
    %lt3A_715 = arith.cmpf olt, %select_n3A_710, %select_n3A_701 : vector<16xf32>
    %and3A_716 = arith.andi %eq3A_714, %lt3A_715 : vector<16xi1>
    %or3A_717 = arith.ori %lt3A_713, %and3A_716 : vector<16xi1>
    %select_n3A_718 = arith.select %or3A_717, %select_n3A_709, %select_n3A_700 : vector<16xi1>, vector<16xf32>
    %select_n3A_719 = arith.select %or3A_717, %select_n3A_710, %select_n3A_701 : vector<16xi1>, vector<16xf32>
    %select_n3A_720 = arith.select %or3A_717, %select_n3A_711, %select_n3A_702 : vector<16xi1>, vector<16xf32>
    %select_n3A_721 = arith.select %or3A_717, %select_n3A_712, %select_n3A_703 : vector<16xi1>, vector<16xf32>
    %swap3A_722 = arith.constant 0 : index
    %swap3A_723 = tpu.vector_load %arg10[%swap3A_722] {strides = array<i32>} : memref<128xf32, #tpu.memory_space<vmem>>, vector<16xf32>,
    %swap3A_724 = vector.shape_cast %swap3A_723 : vector<16xf32> to vector<16xf32>
    %swap3A_725 = vector.shape_cast %select_n3A_718 : vector<16xf32> to vector<16xf32>
    tpu.vector_store %arg10[%swap3A_722], %swap3A_725 {strides = array<i32>} : memref<128xf32, #tpu.memory_space<vmem>>, vector<16xf32>,
    %swap3A_726 = arith.constant 16 : index
    %swap3A_727 = tpu.vector_load %arg10[%swap3A_726] {strides = array<i32>} : memref<128xf32, #tpu.memory_space<vmem>>, vector<16xf32>,
    %swap3A_728 = vector.shape_cast %swap3A_727 : vector<16xf32> to vector<16xf32>
    %swap3A_729 = vector.shape_cast %select_n3A_718 : vector<16xf32> to vector<16xf32>
    tpu.vector_store %arg10[%swap3A_726], %swap3A_729 {strides = array<i32>} : memref<128xf32, #tpu.memory_space<vmem>>, vector<16xf32>,
    %swap3A_730 = arith.constant 32 : index
    %swap3A_731 = tpu.vector_load %arg10[%swap3A_730] {strides = array<i32>} : memref<128xf32, #tpu.memory_space<vmem>>, vector<16xf32>,
    %swap3A_732 = vector.shape_cast %swap3A_731 : vector<16xf32> to vector<16xf32>
    %swap3A_733 = vector.shape_cast %select_n3A_719 : vector<16xf32> to vector<16xf32>
    tpu.vector_store %arg10[%swap3A_730], %swap3A_733 {strides = array<i32>} : memref<128xf32, #tpu.memory_space<vmem>>, vector<16xf32>,
    %swap3A_734 = arith.constant 48 : index
    %swap3A_735 = tpu.vector_load %arg10[%swap3A_734] {strides = array<i32>} : memref<128xf32, #tpu.memory_space<vmem>>, vector<16xf32>,
    %swap3A_736 = vector.shape_cast %swap3A_735 : vector<16xf32> to vector<16xf32>
    %swap3A_737 = vector.shape_cast %select_n3A_719 : vector<16xf32> to vector<16xf32>
    tpu.vector_store %arg10[%swap3A_734], %swap3A_737 {strides = array<i32>} : memref<128xf32, #tpu.memory_space<vmem>>, vector<16xf32>,
    %swap3A_738 = arith.constant 64 : index
    %swap3A_739 = tpu.vector_load %arg10[%swap3A_738] {strides = array<i32>} : memref<128xf32, #tpu.memory_space<vmem>>, vector<16xf32>,
    %swap3A_740 = vector.shape_cast %swap3A_739 : vector<16xf32> to vector<16xf32>
    %swap3A_741 = vector.shape_cast %select_n3A_720 : vector<16xf32> to vector<16xf32>
    tpu.vector_store %arg10[%swap3A_738], %swap3A_741 {strides = array<i32>} : memref<128xf32, #tpu.memory_space<vmem>>, vector<16xf32>,
    %swap3A_742 = arith.constant 80 : index
    %swap3A_743 = tpu.vector_load %arg10[%swap3A_742] {strides = array<i32>} : memref<128xf32, #tpu.memory_space<vmem>>, vector<16xf32>,
    %swap3A_744 = vector.shape_cast %swap3A_743 : vector<16xf32> to vector<16xf32>
    %swap3A_745 = vector.shape_cast %select_n3A_720 : vector<16xf32> to vector<16xf32>
    tpu.vector_store %arg10[%swap3A_742], %swap3A_745 {strides = array<i32>} : memref<128xf32, #tpu.memory_space<vmem>>, vector<16xf32>,
    %swap3A_746 = arith.constant 96 : index
    %swap3A_747 = tpu.vector_load %arg10[%swap3A_746] {strides = array<i32>} : memref<128xf32, #tpu.memory_space<vmem>>, vector<16xf32>,
    %swap3A_748 = vector.shape_cast %swap3A_747 : vector<16xf32> to vector<16xf32>
    %swap3A_749 = vector.shape_cast %select_n3A_721 : vector<16xf32> to vector<16xf32>
    tpu.vector_store %arg10[%swap3A_746], %swap3A_749 {strides = array<i32>} : memref<128xf32, #tpu.memory_space<vmem>>, vector<16xf32>,
    %swap3A_750 = arith.constant 112 : index
    %swap3A_751 = tpu.vector_load %arg10[%swap3A_750] {strides = array<i32>} : memref<128xf32, #tpu.memory_space<vmem>>, vector<16xf32>,
    %swap3A_752 = vector.shape_cast %swap3A_751 : vector<16xf32> to vector<16xf32>
    %swap3A_753 = vector.shape_cast %select_n3A_721 : vector<16xf32> to vector<16xf32>
    tpu.vector_store %arg10[%swap3A_750], %swap3A_753 {strides = array<i32>} : memref<128xf32, #tpu.memory_space<vmem>>, vector<16xf32>,
    %get3A_754 = arith.constant 1 : index
    %get3A_755 = tpu.vector_load %arg10[%get3A_754] {strides = array<i32>} : memref<128xf32, #tpu.memory_space<vmem>>, vector<16xf32>,
    %get3A_756 = vector.shape_cast %get3A_755 : vector<16xf32> to vector<16xf32>
    %get3A_757 = arith.constant 33 : index
    %get3A_758 = tpu.vector_load %arg10[%get3A_757] {strides = array<i32>} : memref<128xf32, #tpu.memory_space<vmem>>, vector<16xf32>,
    %get3A_759 = vector.shape_cast %get3A_758 : vector<16xf32> to vector<16xf32>
    %get3A_760 = arith.constant 65 : index
    %get3A_761 = tpu.vector_load %arg10[%get3A_760] {strides = array<i32>} : memref<128xf32, #tpu.memory_space<vmem>>, vector<16xf32>,
    %get3A_762 = vector.shape_cast %get3A_761 : vector<16xf32> to vector<16xf32>
    %get3A_763 = arith.constant 97 : index
    %get3A_764 = tpu.vector_load %arg10[%get3A_763] {strides = array<i32>} : memref<128xf32, #tpu.memory_space<vmem>>, vector<16xf32>,
    %get3A_765 = vector.shape_cast %get3A_764 : vector<16xf32> to vector<16xf32>
    %lt3A_766 = arith.cmpf olt, %get3A_756, %select_n3A_718 : vector<16xf32>
    %eq3A_767 = arith.cmpf oeq, %get3A_756, %select_n3A_718 : vector<16xf32>
    %lt3A_768 = arith.cmpf olt, %get3A_759, %select_n3A_719 : vector<16xf32>
    %and3A_769 = arith.andi %eq3A_767, %lt3A_768 : vector<16xi1>
    %or3A_770 = arith.ori %lt3A_766, %and3A_769 : vector<16xi1>
    %select_n3A_771 = arith.select %or3A_770, %get3A_756, %select_n3A_718 : vector<16xi1>, vector<16xf32>
    %select_n3A_772 = arith.select %or3A_770, %get3A_759, %select_n3A_719 : vector<16xi1>, vector<16xf32>
    %select_n3A_773 = arith.select %or3A_770, %get3A_762, %select_n3A_720 : vector<16xi1>, vector<16xf32>
    %select_n3A_774 = arith.select %or3A_770, %get3A_765, %select_n3A_721 : vector<16xi1>, vector<16xf32>
    %swap3A_775 = arith.constant 0 : index
    %swap3A_776 = tpu.vector_load %arg10[%swap3A_775] {strides = array<i32>} : memref<128xf32, #tpu.memory_space<vmem>>, vector<16xf32>,
    %swap3A_777 = vector.shape_cast %swap3A_776 : vector<16xf32> to vector<16xf32>
    %swap3A_778 = vector.shape_cast %select_n3A_771 : vector<16xf32> to vector<16xf32>
    tpu.vector_store %arg10[%swap3A_775], %swap3A_778 {strides = array<i32>} : memref<128xf32, #tpu.memory_space<vmem>>, vector<16xf32>,
    %swap3A_779 = arith.constant 16 : index
    %swap3A_780 = tpu.vector_load %arg10[%swap3A_779] {strides = array<i32>} : memref<128xf32, #tpu.memory_space<vmem>>, vector<16xf32>,
    %swap3A_781 = vector.shape_cast %swap3A_780 : vector<16xf32> to vector<16xf32>
    %swap3A_782 = vector.shape_cast %select_n3A_771 : vector<16xf32> to vector<16xf32>
    tpu.vector_store %arg10[%swap3A_779], %swap3A_782 {strides = array<i32>} : memref<128xf32, #tpu.memory_space<vmem>>, vector<16xf32>,
    %swap3A_783 = arith.constant 32 : index
    %swap3A_784 = tpu.vector_load %arg10[%swap3A_783] {strides = array<i32>} : memref<128xf32, #tpu.memory_space<vmem>>, vector<16xf32>,
    %swap3A_785 = vector.shape_cast %swap3A_784 : vector<16xf32> to vector<16xf32>
    %swap3A_786 = vector.shape_cast %select_n3A_772 : vector<16xf32> to vector<16xf32>
    tpu.vector_store %arg10[%swap3A_783], %swap3A_786 {strides = array<i32>} : memref<128xf32, #tpu.memory_space<vmem>>, vector<16xf32>,
    %swap3A_787 = arith.constant 48 : index
    %swap3A_788 = tpu.vector_load %arg10[%swap3A_787] {strides = array<i32>} : memref<128xf32, #tpu.memory_space<vmem>>, vector<16xf32>,
    %swap3A_789 = vector.shape_cast %swap3A_788 : vector<16xf32> to vector<16xf32>
    %swap3A_790 = vector.shape_cast %select_n3A_772 : vector<16xf32> to vector<16xf32>
    tpu.vector_store %arg10[%swap3A_787], %swap3A_790 {strides = array<i32>} : memref<128xf32, #tpu.memory_space<vmem>>, vector<16xf32>,
    %swap3A_791 = arith.constant 64 : index
    %swap3A_792 = tpu.vector_load %arg10[%swap3A_791] {strides = array<i32>} : memref<128xf32, #tpu.memory_space<vmem>>, vector<16xf32>,
    %swap3A_793 = vector.shape_cast %swap3A_792 : vector<16xf32> to vector<16xf32>
    %swap3A_794 = vector.shape_cast %select_n3A_773 : vector<16xf32> to vector<16xf32>
    tpu.vector_store %arg10[%swap3A_791], %swap3A_794 {strides = array<i32>} : memref<128xf32, #tpu.memory_space<vmem>>, vector<16xf32>,
    %swap3A_795 = arith.constant 80 : index
    %swap3A_796 = tpu.vector_load %arg10[%swap3A_795] {strides = array<i32>} : memref<128xf32, #tpu.memory_space<vmem>>, vector<16xf32>,
    %swap3A_797 = vector.shape_cast %swap3A_796 : vector<16xf32> to vector<16xf32>
    %swap3A_798 = vector.shape_cast %select_n3A_773 : vector<16xf32> to vector<16xf32>
    tpu.vector_store %arg10[%swap3A_795], %swap3A_798 {strides = array<i32>} : memref<128xf32, #tpu.memory_space<vmem>>, vector<16xf32>,
    %swap3A_799 = arith.constant 96 : index
    %swap3A_800 = tpu.vector_load %arg10[%swap3A_799] {strides = array<i32>} : memref<128xf32, #tpu.memory_space<vmem>>, vector<16xf32>,
    %swap3A_801 = vector.shape_cast %swap3A_800 : vector<16xf32> to vector<16xf32>
    %swap3A_802 = vector.shape_cast %select_n3A_774 : vector<16xf32> to vector<16xf32>
    tpu.vector_store %arg10[%swap3A_799], %swap3A_802 {strides = array<i32>} : memref<128xf32, #tpu.memory_space<vmem>>, vector<16xf32>,
    %swap3A_803 = arith.constant 112 : index
    %swap3A_804 = tpu.vector_load %arg10[%swap3A_803] {strides = array<i32>} : memref<128xf32, #tpu.memory_space<vmem>>, vector<16xf32>,
    %swap3A_805 = vector.shape_cast %swap3A_804 : vector<16xf32> to vector<16xf32>
    %swap3A_806 = vector.shape_cast %select_n3A_774 : vector<16xf32> to vector<16xf32>
    tpu.vector_store %arg10[%swap3A_803], %swap3A_806 {strides = array<i32>} : memref<128xf32, #tpu.memory_space<vmem>>, vector<16xf32>,
    %get3A_807 = arith.constant 2 : index
    %get3A_808 = tpu.vector_load %arg10[%get3A_807] {strides = array<i32>} : memref<128xf32, #tpu.memory_space<vmem>>, vector<16xf32>,
    %get3A_809 = vector.shape_cast %get3A_808 : vector<16xf32> to vector<16xf32>
    %get3A_810 = arith.constant 34 : index
    %get3A_811 = tpu.vector_load %arg10[%get3A_810] {strides = array<i32>} : memref<128xf32, #tpu.memory_space<vmem>>, vector<16xf32>,
    %get3A_812 = vector.shape_cast %get3A_811 : vector<16xf32> to vector<16xf32>
    %get3A_813 = arith.constant 66 : index
    %get3A_814 = tpu.vector_load %arg10[%get3A_813] {strides = array<i32>} : memref<128xf32, #tpu.memory_space<vmem>>, vector<16xf32>,
    %get3A_815 = vector.shape_cast %get3A_814 : vector<16xf32> to vector<16xf32>
    %get3A_816 = arith.constant 98 : index
    %get3A_817 = tpu.vector_load %arg10[%get3A_816] {strides = array<i32>} : memref<128xf32, #tpu.memory_space<vmem>>, vector<16xf32>,
    %get3A_818 = vector.shape_cast %get3A_817 : vector<16xf32> to vector<16xf32>
    %lt3A_819 = arith.cmpf olt, %get3A_809, %select_n3A_771 : vector<16xf32>
    %eq3A_820 = arith.cmpf oeq, %get3A_809, %select_n3A_771 : vector<16xf32>
    %lt3A_821 = arith.cmpf olt, %get3A_812, %select_n3A_772 : vector<16xf32>
    %and3A_822 = arith.andi %eq3A_820, %lt3A_821 : vector<16xi1>
    %or3A_823 = arith.ori %lt3A_819, %and3A_822 : vector<16xi1>
    %select_n3A_824 = arith.select %or3A_823, %get3A_809, %select_n3A_771 : vector<16xi1>, vector<16xf32>
    %select_n3A_825 = arith.select %or3A_823, %get3A_812, %select_n3A_772 : vector<16xi1>, vector<16xf32>
    %select_n3A_826 = arith.select %or3A_823, %get3A_815, %select_n3A_773 : vector<16xi1>, vector<16xf32>
    %select_n3A_827 = arith.select %or3A_823, %get3A_818, %select_n3A_774 : vector<16xi1>, vector<16xf32>
    %swap3A_828 = arith.constant 0 : index
    %swap3A_829 = tpu.vector_load %arg10[%swap3A_828] {strides = array<i32>} : memref<128xf32, #tpu.memory_space<vmem>>, vector<16xf32>,
    %swap3A_830 = vector.shape_cast %swap3A_829 : vector<16xf32> to vector<16xf32>
    %swap3A_831 = vector.shape_cast %select_n3A_824 : vector<16xf32> to vector<16xf32>
    tpu.vector_store %arg10[%swap3A_828], %swap3A_831 {strides = array<i32>} : memref<128xf32, #tpu.memory_space<vmem>>, vector<16xf32>,
    %swap3A_832 = arith.constant 16 : index
    %swap3A_833 = tpu.vector_load %arg10[%swap3A_832] {strides = array<i32>} : memref<128xf32, #tpu.memory_space<vmem>>, vector<16xf32>,
    %swap3A_834 = vector.shape_cast %swap3A_833 : vector<16xf32> to vector<16xf32>
    %swap3A_835 = vector.shape_cast %select_n3A_824 : vector<16xf32> to vector<16xf32>
    tpu.vector_store %arg10[%swap3A_832], %swap3A_835 {strides = array<i32>} : memref<128xf32, #tpu.memory_space<vmem>>, vector<16xf32>,
    %swap3A_836 = arith.constant 32 : index
    %swap3A_837 = tpu.vector_load %arg10[%swap3A_836] {strides = array<i32>} : memref<128xf32, #tpu.memory_space<vmem>>, vector<16xf32>,
    %swap3A_838 = vector.shape_cast %swap3A_837 : vector<16xf32> to vector<16xf32>
    %swap3A_839 = vector.shape_cast %select_n3A_825 : vector<16xf32> to vector<16xf32>
    tpu.vector_store %arg10[%swap3A_836], %swap3A_839 {strides = array<i32>} : memref<128xf32, #tpu.memory_space<vmem>>, vector<16xf32>,
    %swap3A_840 = arith.constant 48 : index
    %swap3A_841 = tpu.vector_load %arg10[%swap3A_840] {strides = array<i32>} : memref<128xf32, #tpu.memory_space<vmem>>, vector<16xf32>,
    %swap3A_842 = vector.shape_cast %swap3A_841 : vector<16xf32> to vector<16xf32>
    %swap3A_843 = vector.shape_cast %select_n3A_825 : vector<16xf32> to vector<16xf32>
    tpu.vector_store %arg10[%swap3A_840], %swap3A_843 {strides = array<i32>} : memref<128xf32, #tpu.memory_space<vmem>>, vector<16xf32>,
    %swap3A_844 = arith.constant 64 : index
    %swap3A_845 = tpu.vector_load %arg10[%swap3A_844] {strides = array<i32>} : memref<128xf32, #tpu.memory_space<vmem>>, vector<16xf32>,
    %swap3A_846 = vector.shape_cast %swap3A_845 : vector<16xf32> to vector<16xf32>
    %swap3A_847 = vector.shape_cast %select_n3A_826 : vector<16xf32> to vector<16xf32>
    tpu.vector_store %arg10[%swap3A_844], %swap3A_847 {strides = array<i32>} : memref<128xf32, #tpu.memory_space<vmem>>, vector<16xf32>,
    %swap3A_848 = arith.constant 80 : index
    %swap3A_849 = tpu.vector_load %arg10[%swap3A_848] {strides = array<i32>} : memref<128xf32, #tpu.memory_space<vmem>>, vector<16xf32>,
    %swap3A_850 = vector.shape_cast %swap3A_849 : vector<16xf32> to vector<16xf32>
    %swap3A_851 = vector.shape_cast %select_n3A_826 : vector<16xf32> to vector<16xf32>
    tpu.vector_store %arg10[%swap3A_848], %swap3A_851 {strides = array<i32>} : memref<128xf32, #tpu.memory_space<vmem>>, vector<16xf32>,
    %swap3A_852 = arith.constant 96 : index
    %swap3A_853 = tpu.vector_load %arg10[%swap3A_852] {strides = array<i32>} : memref<128xf32, #tpu.memory_space<vmem>>, vector<16xf32>,
    %swap3A_854 = vector.shape_cast %swap3A_853 : vector<16xf32> to vector<16xf32>
    %swap3A_855 = vector.shape_cast %select_n3A_827 : vector<16xf32> to vector<16xf32>
    tpu.vector_store %arg10[%swap3A_852], %swap3A_855 {strides = array<i32>} : memref<128xf32, #tpu.memory_space<vmem>>, vector<16xf32>,
    %swap3A_856 = arith.constant 112 : index
    %swap3A_857 = tpu.vector_load %arg10[%swap3A_856] {strides = array<i32>} : memref<128xf32, #tpu.memory_space<vmem>>, vector<16xf32>,
    %swap3A_858 = vector.shape_cast %swap3A_857 : vector<16xf32> to vector<16xf32>
    %swap3A_859 = vector.shape_cast %select_n3A_827 : vector<16xf32> to vector<16xf32>
    tpu.vector_store %arg10[%swap3A_856], %swap3A_859 {strides = array<i32>} : memref<128xf32, #tpu.memory_space<vmem>>, vector<16xf32>,
    %get3A_860 = arith.constant 4 : index
    %get3A_861 = tpu.vector_load %arg10[%get3A_860] {strides = array<i32>} : memref<128xf32, #tpu.memory_space<vmem>>, vector<16xf32>,
    %get3A_862 = vector.shape_cast %get3A_861 : vector<16xf32> to vector<16xf32>
    %get3A_863 = arith.constant 36 : index
    %get3A_864 = tpu.vector_load %arg10[%get3A_863] {strides = array<i32>} : memref<128xf32, #tpu.memory_space<vmem>>, vector<16xf32>,
    %get3A_865 = vector.shape_cast %get3A_864 : vector<16xf32> to vector<16xf32>
    %get3A_866 = arith.constant 68 : index
    %get3A_867 = tpu.vector_load %arg10[%get3A_866] {strides = array<i32>} : memref<128xf32, #tpu.memory_space<vmem>>, vector<16xf32>,
    %get3A_868 = vector.shape_cast %get3A_867 : vector<16xf32> to vector<16xf32>
    %get3A_869 = arith.constant 100 : index
    %get3A_870 = tpu.vector_load %arg10[%get3A_869] {strides = array<i32>} : memref<128xf32, #tpu.memory_space<vmem>>, vector<16xf32>,
    %get3A_871 = vector.shape_cast %get3A_870 : vector<16xf32> to vector<16xf32>
    %lt3A_872 = arith.cmpf olt, %get3A_862, %select_n3A_824 : vector<16xf32>
    %eq3A_873 = arith.cmpf oeq, %get3A_862, %select_n3A_824 : vector<16xf32>
    %lt3A_874 = arith.cmpf olt, %get3A_865, %select_n3A_825 : vector<16xf32>
    %and3A_875 = arith.andi %eq3A_873, %lt3A_874 : vector<16xi1>
    %or3A_876 = arith.ori %lt3A_872, %and3A_875 : vector<16xi1>
    %select_n3A_877 = arith.select %or3A_876, %get3A_862, %select_n3A_824 : vector<16xi1>, vector<16xf32>
    %select_n3A_878 = arith.select %or3A_876, %get3A_865, %select_n3A_825 : vector<16xi1>, vector<16xf32>
    %select_n3A_879 = arith.select %or3A_876, %get3A_868, %select_n3A_826 : vector<16xi1>, vector<16xf32>
    %select_n3A_880 = arith.select %or3A_876, %get3A_871, %select_n3A_827 : vector<16xi1>, vector<16xf32>
    %swap3A_881 = arith.constant 0 : index
    %swap3A_882 = tpu.vector_load %arg10[%swap3A_881] {strides = array<i32>} : memref<128xf32, #tpu.memory_space<vmem>>, vector<16xf32>,
    %swap3A_883 = vector.shape_cast %swap3A_882 : vector<16xf32> to vector<16xf32>
    %swap3A_884 = vector.shape_cast %select_n3A_877 : vector<16xf32> to vector<16xf32>
    tpu.vector_store %arg10[%swap3A_881], %swap3A_884 {strides = array<i32>} : memref<128xf32, #tpu.memory_space<vmem>>, vector<16xf32>,
    %swap3A_885 = arith.constant 16 : index
    %swap3A_886 = tpu.vector_load %arg10[%swap3A_885] {strides = array<i32>} : memref<128xf32, #tpu.memory_space<vmem>>, vector<16xf32>,
    %swap3A_887 = vector.shape_cast %swap3A_886 : vector<16xf32> to vector<16xf32>
    %swap3A_888 = vector.shape_cast %select_n3A_877 : vector<16xf32> to vector<16xf32>
    tpu.vector_store %arg10[%swap3A_885], %swap3A_888 {strides = array<i32>} : memref<128xf32, #tpu.memory_space<vmem>>, vector<16xf32>,
    %swap3A_889 = arith.constant 32 : index
    %swap3A_890 = tpu.vector_load %arg10[%swap3A_889] {strides = array<i32>} : memref<128xf32, #tpu.memory_space<vmem>>, vector<16xf32>,
    %swap3A_891 = vector.shape_cast %swap3A_890 : vector<16xf32> to vector<16xf32>
    %swap3A_892 = vector.shape_cast %select_n3A_878 : vector<16xf32> to vector<16xf32>
    tpu.vector_store %arg10[%swap3A_889], %swap3A_892 {strides = array<i32>} : memref<128xf32, #tpu.memory_space<vmem>>, vector<16xf32>,
    %swap3A_893 = arith.constant 48 : index
    %swap3A_894 = tpu.vector_load %arg10[%swap3A_893] {strides = array<i32>} : memref<128xf32, #tpu.memory_space<vmem>>, vector<16xf32>,
    %swap3A_895 = vector.shape_cast %swap3A_894 : vector<16xf32> to vector<16xf32>
    %swap3A_896 = vector.shape_cast %select_n3A_878 : vector<16xf32> to vector<16xf32>
    tpu.vector_store %arg10[%swap3A_893], %swap3A_896 {strides = array<i32>} : memref<128xf32, #tpu.memory_space<vmem>>, vector<16xf32>,
    %swap3A_897 = arith.constant 64 : index
    %swap3A_898 = tpu.vector_load %arg10[%swap3A_897] {strides = array<i32>} : memref<128xf32, #tpu.memory_space<vmem>>, vector<16xf32>,
    %swap3A_899 = vector.shape_cast %swap3A_898 : vector<16xf32> to vector<16xf32>
    %swap3A_900 = vector.shape_cast %select_n3A_879 : vector<16xf32> to vector<16xf32>
    tpu.vector_store %arg10[%swap3A_897], %swap3A_900 {strides = array<i32>} : memref<128xf32, #tpu.memory_space<vmem>>, vector<16xf32>,
    %swap3A_901 = arith.constant 80 : index
    %swap3A_902 = tpu.vector_load %arg10[%swap3A_901] {strides = array<i32>} : memref<128xf32, #tpu.memory_space<vmem>>, vector<16xf32>,
    %swap3A_903 = vector.shape_cast %swap3A_902 : vector<16xf32> to vector<16xf32>
    %swap3A_904 = vector.shape_cast %select_n3A_879 : vector<16xf32> to vector<16xf32>
    tpu.vector_store %arg10[%swap3A_901], %swap3A_904 {strides = array<i32>} : memref<128xf32, #tpu.memory_space<vmem>>, vector<16xf32>,
    %swap3A_905 = arith.constant 96 : index
    %swap3A_906 = tpu.vector_load %arg10[%swap3A_905] {strides = array<i32>} : memref<128xf32, #tpu.memory_space<vmem>>, vector<16xf32>,
    %swap3A_907 = vector.shape_cast %swap3A_906 : vector<16xf32> to vector<16xf32>
    %swap3A_908 = vector.shape_cast %select_n3A_880 : vector<16xf32> to vector<16xf32>
    tpu.vector_store %arg10[%swap3A_905], %swap3A_908 {strides = array<i32>} : memref<128xf32, #tpu.memory_space<vmem>>, vector<16xf32>,
    %swap3A_909 = arith.constant 112 : index
    %swap3A_910 = tpu.vector_load %arg10[%swap3A_909] {strides = array<i32>} : memref<128xf32, #tpu.memory_space<vmem>>, vector<16xf32>,
    %swap3A_911 = vector.shape_cast %swap3A_910 : vector<16xf32> to vector<16xf32>
    %swap3A_912 = vector.shape_cast %select_n3A_880 : vector<16xf32> to vector<16xf32>
    tpu.vector_store %arg10[%swap3A_909], %swap3A_912 {strides = array<i32>} : memref<128xf32, #tpu.memory_space<vmem>>, vector<16xf32>,
    %get3A_913 = arith.constant 8 : index
    %get3A_914 = tpu.vector_load %arg10[%get3A_913] {strides = array<i32>} : memref<128xf32, #tpu.memory_space<vmem>>, vector<16xf32>,
    %get3A_915 = vector.shape_cast %get3A_914 : vector<16xf32> to vector<16xf32>
    %get3A_916 = arith.constant 40 : index
    %get3A_917 = tpu.vector_load %arg10[%get3A_916] {strides = array<i32>} : memref<128xf32, #tpu.memory_space<vmem>>, vector<16xf32>,
    %get3A_918 = vector.shape_cast %get3A_917 : vector<16xf32> to vector<16xf32>
    %get3A_919 = arith.constant 72 : index
    %get3A_920 = tpu.vector_load %arg10[%get3A_919] {strides = array<i32>} : memref<128xf32, #tpu.memory_space<vmem>>, vector<16xf32>,
    %get3A_921 = vector.shape_cast %get3A_920 : vector<16xf32> to vector<16xf32>
    %get3A_922 = arith.constant 104 : index
    %get3A_923 = tpu.vector_load %arg10[%get3A_922] {strides = array<i32>} : memref<128xf32, #tpu.memory_space<vmem>>, vector<16xf32>,
    %get3A_924 = vector.shape_cast %get3A_923 : vector<16xf32> to vector<16xf32>
    %lt3A_925 = arith.cmpf olt, %get3A_915, %select_n3A_877 : vector<16xf32>
    %eq3A_926 = arith.cmpf oeq, %get3A_915, %select_n3A_877 : vector<16xf32>
    %lt3A_927 = arith.cmpf olt, %get3A_918, %select_n3A_878 : vector<16xf32>
    %and3A_928 = arith.andi %eq3A_926, %lt3A_927 : vector<16xi1>
    %or3A_929 = arith.ori %lt3A_925, %and3A_928 : vector<16xi1>
    %select_n3A_930 = arith.select %or3A_929, %get3A_915, %select_n3A_877 : vector<16xi1>, vector<16xf32>
    %select_n3A_931 = arith.select %or3A_929, %get3A_918, %select_n3A_878 : vector<16xi1>, vector<16xf32>
    %select_n3A_932 = arith.select %or3A_929, %get3A_921, %select_n3A_879 : vector<16xi1>, vector<16xf32>
    %select_n3A_933 = arith.select %or3A_929, %get3A_924, %select_n3A_880 : vector<16xi1>, vector<16xf32>
    %broadcast_in_dim3A_934 = arith.constant 0x7F800000 : f32
    %broadcast_in_dim3A_935 = vector.broadcast %broadcast_in_dim3A_934 : f32 to vector<16xf32>
    %broadcast_in_dim3A_936 = arith.constant 0x7F800000 : f32
    %broadcast_in_dim3A_937 = vector.broadcast %broadcast_in_dim3A_936 : f32 to vector<16xf32>
    %broadcast_in_dim3A_938 = arith.constant 0.000000e+00 : f32
    %broadcast_in_dim3A_939 = vector.broadcast %broadcast_in_dim3A_938 : f32 to vector<16xf32>
    %broadcast_in_dim3A_940 = arith.constant 0.000000e+00 : f32
    %broadcast_in_dim3A_941 = vector.broadcast %broadcast_in_dim3A_940 : f32 to vector<16xf32>
    %broadcast_in_dim3A_942 = arith.constant 0x7F800000 : f32
    %broadcast_in_dim3A_943 = vector.broadcast %broadcast_in_dim3A_942 : f32 to vector<16xf32>
    %broadcast_in_dim3A_944 = arith.constant 0x7F800000 : f32
    %broadcast_in_dim3A_945 = vector.broadcast %broadcast_in_dim3A_944 : f32 to vector<16xf32>
    %broadcast_in_dim3A_946 = arith.constant 0.000000e+00 : f32
    %broadcast_in_dim3A_947 = vector.broadcast %broadcast_in_dim3A_946 : f32 to vector<16xf32>
    %broadcast_in_dim3A_948 = arith.constant 0.000000e+00 : f32
    %broadcast_in_dim3A_949 = vector.broadcast %broadcast_in_dim3A_948 : f32 to vector<16xf32>
    %broadcast_in_dim3A_950 = arith.constant 0x7F800000 : f32
    %broadcast_in_dim3A_951 = vector.broadcast %broadcast_in_dim3A_950 : f32 to vector<16xf32>
    %broadcast_in_dim3A_952 = arith.constant 0x7F800000 : f32
    %broadcast_in_dim3A_953 = vector.broadcast %broadcast_in_dim3A_952 : f32 to vector<16xf32>
    %broadcast_in_dim3A_954 = arith.constant 0.000000e+00 : f32
    %broadcast_in_dim3A_955 = vector.broadcast %broadcast_in_dim3A_954 : f32 to vector<16xf32>
    %broadcast_in_dim3A_956 = arith.constant 0.000000e+00 : f32
    %broadcast_in_dim3A_957 = vector.broadcast %broadcast_in_dim3A_956 : f32 to vector<16xf32>
    %broadcast_in_dim3A_958 = arith.constant 0x7F800000 : f32
    %broadcast_in_dim3A_959 = vector.broadcast %broadcast_in_dim3A_958 : f32 to vector<16xf32>
    %broadcast_in_dim3A_960 = arith.constant 0x7F800000 : f32
    %broadcast_in_dim3A_961 = vector.broadcast %broadcast_in_dim3A_960 : f32 to vector<16xf32>
    %broadcast_in_dim3A_962 = arith.constant 0.000000e+00 : f32
    %broadcast_in_dim3A_963 = vector.broadcast %broadcast_in_dim3A_962 : f32 to vector<16xf32>
    %broadcast_in_dim3A_964 = arith.constant 0.000000e+00 : f32
    %broadcast_in_dim3A_965 = vector.broadcast %broadcast_in_dim3A_964 : f32 to vector<16xf32>
    %eq3A_966 = arith.constant 0 : i32
    %eq3A_967 = vector.broadcast %eq3A_966 : i32 to vector<16xi32>
    %eq3A_968 = arith.cmpi eq, %iota3A, %eq3A_967 : vector<16xi32>
    %broadcast_in_dim3A_969 = arith.constant 0.000000e+00 : f32
    %broadcast_in_dim3A_970 = vector.broadcast %broadcast_in_dim3A_969 : f32 to vector<16xf32>
    %select_n3A_971 = arith.select %eq3A_968, %select_n3A_557, %broadcast_in_dim3A_970 : vector<16xi1>, vector<16xf32>
    %eq3A_972 = arith.constant 1 : i32
    %eq3A_973 = vector.broadcast %eq3A_972 : i32 to vector<16xi32>
    %eq3A_974 = arith.cmpi eq, %iota3A, %eq3A_973 : vector<16xi32>
    %select_n3A_975 = arith.select %eq3A_974, %select_n3A_932, %select_n3A_971 : vector<16xi1>, vector<16xf32>
    %eq3A_976 = arith.constant 2 : i32
    %eq3A_977 = vector.broadcast %eq3A_976 : i32 to vector<16xi32>
    %eq3A_978 = arith.cmpi eq, %iota3A, %eq3A_977 : vector<16xi32>
    %select_n3A_979 = arith.select %eq3A_978, %select_n3A_558, %select_n3A_975 : vector<16xi1>, vector<16xf32>
    %eq3A_980 = arith.constant 3 : i32
    %eq3A_981 = vector.broadcast %eq3A_980 : i32 to vector<16xi32>
    %eq3A_982 = arith.cmpi eq, %iota3A, %eq3A_981 : vector<16xi32>
    %select_n3A_983 = arith.select %eq3A_982, %select_n3A_933, %select_n3A_979 : vector<16xi1>, vector<16xf32>
    %swap3A_984 = arith.constant 0 : index
    %swap3A_985 = tpu.vector_load %arg11[%swap3A_984] {strides = array<i32>} : memref<16xf32, #tpu.memory_space<vmem>>, vector<16xf32>,
    %swap3A_986 = vector.shape_cast %swap3A_985 : vector<16xf32> to vector<16xf32>
    %swap3A_987 = vector.shape_cast %select_n3A_983 : vector<16xf32> to vector<16xf32>
    tpu.vector_store %arg11[%swap3A_984], %swap3A_987 {strides = array<i32>} : memref<16xf32, #tpu.memory_space<vmem>>, vector<16xf32>,
    %mul3A_988 = arith.constant 16 : i32
    %mul3A_989 = arith.muli %arg1, %mul3A_988 : i32
    "tpu.region"() ({
      %run_scoped3A = tpu.sem_alloc : memref<!tpu.dma_semaphore, #tpu.memory_space<semaphore_mem>>
      %dma_start3A_993 = tpu.memref_slice %arg13[%mul3A_989] : memref<256xf32, #tpu.memory_space<vmem_shared>> -> memref<16xf32, #tpu.memory_space<vmem_shared>>
      %dma_start3A_994 = tpu.memref_slice %arg13[%mul3A_989] : memref<256xf32, #tpu.memory_space<vmem_shared>> -> memref<16xf32, #tpu.memory_space<vmem_shared>>
      tpu.enqueue_dma source(%arg11 : memref<16xf32, #tpu.memory_space<vmem>>) target(%dma_start3A_994 : memref<16xf32, #tpu.memory_space<vmem_shared>>) target_semaphore(%run_scoped3A : memref<!tpu.dma_semaphore, #tpu.memory_space<semaphore_mem>>)
      %dma_wait3A_995 = tpu.memref_slice %arg13[%mul3A_989] : memref<256xf32, #tpu.memory_space<vmem_shared>> -> memref<16xf32, #tpu.memory_space<vmem_shared>>
      %dma_wait3A_996 = tpu.memref_slice %arg13[%mul3A_989] : memref<256xf32, #tpu.memory_space<vmem_shared>> -> memref<16xf32, #tpu.memory_space<vmem_shared>>
      tpu.wait_dma2 semaphore(%run_scoped3A : memref<!tpu.dma_semaphore, #tpu.memory_space<semaphore_mem>>) src(%arg11 : memref<16xf32, #tpu.memory_space<vmem>>) dst(%dma_wait3A_996 : memref<16xf32, #tpu.memory_space<vmem_shared>>)
      tpu.yield
    }) : () -> ()
    %barrier3A = arith.constant 0 : index
    tpu.barrier barrier_id(%barrier3A)
    %eq3A_990 = arith.constant 0 : i32
    %eq3A_991 = arith.cmpi eq, %arg1, %eq3A_990 : i32
    %convert_element_type3A = arith.extui %eq3A_991 : i1 to i32
    %cond3A = arith.constant 0 : i32
    %cond3A_992 = arith.cmpi ne, %convert_element_type3A, %cond3A : i32
    scf.if %cond3A_992 {
      "tpu.region"() ({
        %run_scoped3A = tpu.sem_alloc : memref<!tpu.dma_semaphore, #tpu.memory_space<semaphore_mem>>
        %dma_start3A_1437 = arith.constant 0 : i32
        %dma_start3A_1438 = tpu.memref_slice %arg12[%dma_start3A_1437] : memref<290xf32, #tpu.memory_space<vmem>> -> memref<256xf32, #tpu.memory_space<vmem>>
        %dma_start3A_1439 = arith.constant 0 : i32
        %dma_start3A_1440 = tpu.memref_slice %arg12[%dma_start3A_1439] : memref<290xf32, #tpu.memory_space<vmem>> -> memref<256xf32, #tpu.memory_space<vmem>>
        tpu.enqueue_dma source(%arg13 : memref<256xf32, #tpu.memory_space<vmem_shared>>) target(%dma_start3A_1440 : memref<256xf32, #tpu.memory_space<vmem>>) target_semaphore(%run_scoped3A : memref<!tpu.dma_semaphore, #tpu.memory_space<semaphore_mem>>)
        %dma_wait3A_1441 = arith.constant 0 : i32
        %dma_wait3A_1442 = tpu.memref_slice %arg12[%dma_wait3A_1441] : memref<290xf32, #tpu.memory_space<vmem>> -> memref<256xf32, #tpu.memory_space<vmem>>
        %dma_wait3A_1443 = arith.constant 0 : i32
        %dma_wait3A_1444 = tpu.memref_slice %arg12[%dma_wait3A_1443] : memref<290xf32, #tpu.memory_space<vmem>> -> memref<256xf32, #tpu.memory_space<vmem>>
        tpu.wait_dma2 semaphore(%run_scoped3A : memref<!tpu.dma_semaphore, #tpu.memory_space<semaphore_mem>>) src(%arg13 : memref<256xf32, #tpu.memory_space<vmem_shared>>) dst(%dma_wait3A_1444 : memref<256xf32, #tpu.memory_space<vmem>>)
        tpu.yield
      }) : () -> ()
      %broadcast_in_dim3A_993 = arith.constant 0.000000e+00 : f32
      %broadcast_in_dim3A_994 = vector.broadcast %broadcast_in_dim3A_993 : f32 to vector<16xf32>
      %broadcast_in_dim3A_995 = arith.constant 0.000000e+00 : f32
      %broadcast_in_dim3A_996 = vector.broadcast %broadcast_in_dim3A_995 : f32 to vector<16xf32>
      %broadcast_in_dim3A_997 = arith.constant 0.000000e+00 : f32
      %broadcast_in_dim3A_998 = vector.broadcast %broadcast_in_dim3A_997 : f32 to vector<16xf32>
      %broadcast_in_dim3A_999 = arith.constant 0.000000e+00 : f32
      %broadcast_in_dim3A_1000 = vector.broadcast %broadcast_in_dim3A_999 : f32 to vector<16xf32>
      %get3A_1001 = arith.constant 0 : index
      %get3A_1002 = tpu.vector_load %arg12[%get3A_1001] {strides = array<i32>} : memref<290xf32, #tpu.memory_space<vmem>>, vector<16xf32>,
      %get3A_1003 = vector.shape_cast %get3A_1002 : vector<16xf32> to vector<16xf32>
      %swap3A_1004 = arith.constant 256 : index
      %swap3A_1005 = tpu.vector_load %arg12[%swap3A_1004] {strides = array<i32>} : memref<290xf32, #tpu.memory_space<vmem>>, vector<16xf32>,
      %swap3A_1006 = vector.shape_cast %swap3A_1005 : vector<16xf32> to vector<16xf32>
      %swap3A_1007 = vector.shape_cast %get3A_1003 : vector<16xf32> to vector<16xf32>
      tpu.vector_store %arg12[%swap3A_1004], %swap3A_1007 {strides = array<i32>} : memref<290xf32, #tpu.memory_space<vmem>>, vector<16xf32>,
      %swap3A_1008 = arith.constant 272 : index
      %swap3A_1009 = tpu.vector_load %arg12[%swap3A_1008] {strides = array<i32>} : memref<290xf32, #tpu.memory_space<vmem>>, vector<16xf32>,
      %swap3A_1010 = vector.shape_cast %swap3A_1009 : vector<16xf32> to vector<16xf32>
      %swap3A_1011 = vector.shape_cast %get3A_1003 : vector<16xf32> to vector<16xf32>
      tpu.vector_store %arg12[%swap3A_1008], %swap3A_1011 {strides = array<i32>} : memref<290xf32, #tpu.memory_space<vmem>>, vector<16xf32>,
      %eq3A_1012 = arith.constant 0 : i32
      %eq3A_1013 = vector.broadcast %eq3A_1012 : i32 to vector<16xi32>
      %eq3A_1014 = arith.cmpi eq, %iota3A, %eq3A_1013 : vector<16xi32>
      %eq3A_1015 = arith.constant 1 : i32
      %eq3A_1016 = vector.broadcast %eq3A_1015 : i32 to vector<16xi32>
      %eq3A_1017 = arith.cmpi eq, %iota3A, %eq3A_1016 : vector<16xi32>
      %or3A_1018 = arith.ori %eq3A_1014, %eq3A_1017 : vector<16xi1>
      %get3A_1019 = arith.constant 256 : index
      %get3A_1020 = tpu.vector_load %arg12[%get3A_1019] {strides = array<i32>} : memref<290xf32, #tpu.memory_space<vmem>>, vector<16xf32>,
      %get3A_1021 = vector.shape_cast %get3A_1020 : vector<16xf32> to vector<16xf32>
      %get3A_1022 = arith.constant 258 : index
      %get3A_1023 = tpu.vector_load %arg12[%get3A_1022] {strides = array<i32>} : memref<290xf32, #tpu.memory_space<vmem>>, vector<16xf32>,
      %get3A_1024 = vector.shape_cast %get3A_1023 : vector<16xf32> to vector<16xf32>
      %select_n3A_1025 = arith.select %or3A_1018, %get3A_1021, %broadcast_in_dim3A_994 : vector<16xi1>, vector<16xf32>
      %select_n3A_1026 = arith.select %or3A_1018, %get3A_1024, %broadcast_in_dim3A_998 : vector<16xi1>, vector<16xf32>
      %get3A_1027 = arith.constant 16 : index
      %get3A_1028 = tpu.vector_load %arg12[%get3A_1027] {strides = array<i32>} : memref<290xf32, #tpu.memory_space<vmem>>, vector<16xf32>,
      %get3A_1029 = vector.shape_cast %get3A_1028 : vector<16xf32> to vector<16xf32>
      %swap3A_1030 = arith.constant 256 : index
      %swap3A_1031 = tpu.vector_load %arg12[%swap3A_1030] {strides = array<i32>} : memref<290xf32, #tpu.memory_space<vmem>>, vector<16xf32>,
      %swap3A_1032 = vector.shape_cast %swap3A_1031 : vector<16xf32> to vector<16xf32>
      %swap3A_1033 = vector.shape_cast %get3A_1029 : vector<16xf32> to vector<16xf32>
      tpu.vector_store %arg12[%swap3A_1030], %swap3A_1033 {strides = array<i32>} : memref<290xf32, #tpu.memory_space<vmem>>, vector<16xf32>,
      %swap3A_1034 = arith.constant 272 : index
      %swap3A_1035 = tpu.vector_load %arg12[%swap3A_1034] {strides = array<i32>} : memref<290xf32, #tpu.memory_space<vmem>>, vector<16xf32>,
      %swap3A_1036 = vector.shape_cast %swap3A_1035 : vector<16xf32> to vector<16xf32>
      %swap3A_1037 = vector.shape_cast %get3A_1029 : vector<16xf32> to vector<16xf32>
      tpu.vector_store %arg12[%swap3A_1034], %swap3A_1037 {strides = array<i32>} : memref<290xf32, #tpu.memory_space<vmem>>, vector<16xf32>,
      %eq3A_1038 = arith.constant 2 : i32
      %eq3A_1039 = vector.broadcast %eq3A_1038 : i32 to vector<16xi32>
      %eq3A_1040 = arith.cmpi eq, %iota3A, %eq3A_1039 : vector<16xi32>
      %eq3A_1041 = arith.constant 3 : i32
      %eq3A_1042 = vector.broadcast %eq3A_1041 : i32 to vector<16xi32>
      %eq3A_1043 = arith.cmpi eq, %iota3A, %eq3A_1042 : vector<16xi32>
      %or3A_1044 = arith.ori %eq3A_1040, %eq3A_1043 : vector<16xi1>
      %get3A_1045 = arith.constant 270 : index
      %get3A_1046 = tpu.vector_load %arg12[%get3A_1045] {strides = array<i32>} : memref<290xf32, #tpu.memory_space<vmem>>, vector<16xf32>,
      %get3A_1047 = vector.shape_cast %get3A_1046 : vector<16xf32> to vector<16xf32>
      %get3A_1048 = arith.constant 272 : index
      %get3A_1049 = tpu.vector_load %arg12[%get3A_1048] {strides = array<i32>} : memref<290xf32, #tpu.memory_space<vmem>>, vector<16xf32>,
      %get3A_1050 = vector.shape_cast %get3A_1049 : vector<16xf32> to vector<16xf32>
      %select_n3A_1051 = arith.select %or3A_1044, %get3A_1047, %select_n3A_1025 : vector<16xi1>, vector<16xf32>
      %select_n3A_1052 = arith.select %or3A_1044, %get3A_1050, %select_n3A_1026 : vector<16xi1>, vector<16xf32>
      %get3A_1053 = arith.constant 32 : index
      %get3A_1054 = tpu.vector_load %arg12[%get3A_1053] {strides = array<i32>} : memref<290xf32, #tpu.memory_space<vmem>>, vector<16xf32>,
      %get3A_1055 = vector.shape_cast %get3A_1054 : vector<16xf32> to vector<16xf32>
      %swap3A_1056 = arith.constant 256 : index
      %swap3A_1057 = tpu.vector_load %arg12[%swap3A_1056] {strides = array<i32>} : memref<290xf32, #tpu.memory_space<vmem>>, vector<16xf32>,
      %swap3A_1058 = vector.shape_cast %swap3A_1057 : vector<16xf32> to vector<16xf32>
      %swap3A_1059 = vector.shape_cast %get3A_1055 : vector<16xf32> to vector<16xf32>
      tpu.vector_store %arg12[%swap3A_1056], %swap3A_1059 {strides = array<i32>} : memref<290xf32, #tpu.memory_space<vmem>>, vector<16xf32>,
      %swap3A_1060 = arith.constant 272 : index
      %swap3A_1061 = tpu.vector_load %arg12[%swap3A_1060] {strides = array<i32>} : memref<290xf32, #tpu.memory_space<vmem>>, vector<16xf32>,
      %swap3A_1062 = vector.shape_cast %swap3A_1061 : vector<16xf32> to vector<16xf32>
      %swap3A_1063 = vector.shape_cast %get3A_1055 : vector<16xf32> to vector<16xf32>
      tpu.vector_store %arg12[%swap3A_1060], %swap3A_1063 {strides = array<i32>} : memref<290xf32, #tpu.memory_space<vmem>>, vector<16xf32>,
      %eq3A_1064 = arith.constant 4 : i32
      %eq3A_1065 = vector.broadcast %eq3A_1064 : i32 to vector<16xi32>
      %eq3A_1066 = arith.cmpi eq, %iota3A, %eq3A_1065 : vector<16xi32>
      %eq3A_1067 = arith.constant 5 : i32
      %eq3A_1068 = vector.broadcast %eq3A_1067 : i32 to vector<16xi32>
      %eq3A_1069 = arith.cmpi eq, %iota3A, %eq3A_1068 : vector<16xi32>
      %or3A_1070 = arith.ori %eq3A_1066, %eq3A_1069 : vector<16xi1>
      %get3A_1071 = arith.constant 268 : index
      %get3A_1072 = tpu.vector_load %arg12[%get3A_1071] {strides = array<i32>} : memref<290xf32, #tpu.memory_space<vmem>>, vector<16xf32>,
      %get3A_1073 = vector.shape_cast %get3A_1072 : vector<16xf32> to vector<16xf32>
      %get3A_1074 = arith.constant 270 : index
      %get3A_1075 = tpu.vector_load %arg12[%get3A_1074] {strides = array<i32>} : memref<290xf32, #tpu.memory_space<vmem>>, vector<16xf32>,
      %get3A_1076 = vector.shape_cast %get3A_1075 : vector<16xf32> to vector<16xf32>
      %select_n3A_1077 = arith.select %or3A_1070, %get3A_1073, %select_n3A_1051 : vector<16xi1>, vector<16xf32>
      %select_n3A_1078 = arith.select %or3A_1070, %get3A_1076, %select_n3A_1052 : vector<16xi1>, vector<16xf32>
      %get3A_1079 = arith.constant 48 : index
      %get3A_1080 = tpu.vector_load %arg12[%get3A_1079] {strides = array<i32>} : memref<290xf32, #tpu.memory_space<vmem>>, vector<16xf32>,
      %get3A_1081 = vector.shape_cast %get3A_1080 : vector<16xf32> to vector<16xf32>
      %swap3A_1082 = arith.constant 256 : index
      %swap3A_1083 = tpu.vector_load %arg12[%swap3A_1082] {strides = array<i32>} : memref<290xf32, #tpu.memory_space<vmem>>, vector<16xf32>,
      %swap3A_1084 = vector.shape_cast %swap3A_1083 : vector<16xf32> to vector<16xf32>
      %swap3A_1085 = vector.shape_cast %get3A_1081 : vector<16xf32> to vector<16xf32>
      tpu.vector_store %arg12[%swap3A_1082], %swap3A_1085 {strides = array<i32>} : memref<290xf32, #tpu.memory_space<vmem>>, vector<16xf32>,
      %swap3A_1086 = arith.constant 272 : index
      %swap3A_1087 = tpu.vector_load %arg12[%swap3A_1086] {strides = array<i32>} : memref<290xf32, #tpu.memory_space<vmem>>, vector<16xf32>,
      %swap3A_1088 = vector.shape_cast %swap3A_1087 : vector<16xf32> to vector<16xf32>
      %swap3A_1089 = vector.shape_cast %get3A_1081 : vector<16xf32> to vector<16xf32>
      tpu.vector_store %arg12[%swap3A_1086], %swap3A_1089 {strides = array<i32>} : memref<290xf32, #tpu.memory_space<vmem>>, vector<16xf32>,
      %eq3A_1090 = arith.constant 6 : i32
      %eq3A_1091 = vector.broadcast %eq3A_1090 : i32 to vector<16xi32>
      %eq3A_1092 = arith.cmpi eq, %iota3A, %eq3A_1091 : vector<16xi32>
      %eq3A_1093 = arith.constant 7 : i32
      %eq3A_1094 = vector.broadcast %eq3A_1093 : i32 to vector<16xi32>
      %eq3A_1095 = arith.cmpi eq, %iota3A, %eq3A_1094 : vector<16xi32>
      %or3A_1096 = arith.ori %eq3A_1092, %eq3A_1095 : vector<16xi1>
      %get3A_1097 = arith.constant 266 : index
      %get3A_1098 = tpu.vector_load %arg12[%get3A_1097] {strides = array<i32>} : memref<290xf32, #tpu.memory_space<vmem>>, vector<16xf32>,
      %get3A_1099 = vector.shape_cast %get3A_1098 : vector<16xf32> to vector<16xf32>
      %get3A_1100 = arith.constant 268 : index
      %get3A_1101 = tpu.vector_load %arg12[%get3A_1100] {strides = array<i32>} : memref<290xf32, #tpu.memory_space<vmem>>, vector<16xf32>,
      %get3A_1102 = vector.shape_cast %get3A_1101 : vector<16xf32> to vector<16xf32>
      %select_n3A_1103 = arith.select %or3A_1096, %get3A_1099, %select_n3A_1077 : vector<16xi1>, vector<16xf32>
      %select_n3A_1104 = arith.select %or3A_1096, %get3A_1102, %select_n3A_1078 : vector<16xi1>, vector<16xf32>
      %get3A_1105 = arith.constant 64 : index
      %get3A_1106 = tpu.vector_load %arg12[%get3A_1105] {strides = array<i32>} : memref<290xf32, #tpu.memory_space<vmem>>, vector<16xf32>,
      %get3A_1107 = vector.shape_cast %get3A_1106 : vector<16xf32> to vector<16xf32>
      %swap3A_1108 = arith.constant 256 : index
      %swap3A_1109 = tpu.vector_load %arg12[%swap3A_1108] {strides = array<i32>} : memref<290xf32, #tpu.memory_space<vmem>>, vector<16xf32>,
      %swap3A_1110 = vector.shape_cast %swap3A_1109 : vector<16xf32> to vector<16xf32>
      %swap3A_1111 = vector.shape_cast %get3A_1107 : vector<16xf32> to vector<16xf32>
      tpu.vector_store %arg12[%swap3A_1108], %swap3A_1111 {strides = array<i32>} : memref<290xf32, #tpu.memory_space<vmem>>, vector<16xf32>,
      %swap3A_1112 = arith.constant 272 : index
      %swap3A_1113 = tpu.vector_load %arg12[%swap3A_1112] {strides = array<i32>} : memref<290xf32, #tpu.memory_space<vmem>>, vector<16xf32>,
      %swap3A_1114 = vector.shape_cast %swap3A_1113 : vector<16xf32> to vector<16xf32>
      %swap3A_1115 = vector.shape_cast %get3A_1107 : vector<16xf32> to vector<16xf32>
      tpu.vector_store %arg12[%swap3A_1112], %swap3A_1115 {strides = array<i32>} : memref<290xf32, #tpu.memory_space<vmem>>, vector<16xf32>,
      %eq3A_1116 = arith.constant 8 : i32
      %eq3A_1117 = vector.broadcast %eq3A_1116 : i32 to vector<16xi32>
      %eq3A_1118 = arith.cmpi eq, %iota3A, %eq3A_1117 : vector<16xi32>
      %eq3A_1119 = arith.constant 9 : i32
      %eq3A_1120 = vector.broadcast %eq3A_1119 : i32 to vector<16xi32>
      %eq3A_1121 = arith.cmpi eq, %iota3A, %eq3A_1120 : vector<16xi32>
      %or3A_1122 = arith.ori %eq3A_1118, %eq3A_1121 : vector<16xi1>
      %get3A_1123 = arith.constant 264 : index
      %get3A_1124 = tpu.vector_load %arg12[%get3A_1123] {strides = array<i32>} : memref<290xf32, #tpu.memory_space<vmem>>, vector<16xf32>,
      %get3A_1125 = vector.shape_cast %get3A_1124 : vector<16xf32> to vector<16xf32>
      %get3A_1126 = arith.constant 266 : index
      %get3A_1127 = tpu.vector_load %arg12[%get3A_1126] {strides = array<i32>} : memref<290xf32, #tpu.memory_space<vmem>>, vector<16xf32>,
      %get3A_1128 = vector.shape_cast %get3A_1127 : vector<16xf32> to vector<16xf32>
      %select_n3A_1129 = arith.select %or3A_1122, %get3A_1125, %select_n3A_1103 : vector<16xi1>, vector<16xf32>
      %select_n3A_1130 = arith.select %or3A_1122, %get3A_1128, %select_n3A_1104 : vector<16xi1>, vector<16xf32>
      %get3A_1131 = arith.constant 80 : index
      %get3A_1132 = tpu.vector_load %arg12[%get3A_1131] {strides = array<i32>} : memref<290xf32, #tpu.memory_space<vmem>>, vector<16xf32>,
      %get3A_1133 = vector.shape_cast %get3A_1132 : vector<16xf32> to vector<16xf32>
      %swap3A_1134 = arith.constant 256 : index
      %swap3A_1135 = tpu.vector_load %arg12[%swap3A_1134] {strides = array<i32>} : memref<290xf32, #tpu.memory_space<vmem>>, vector<16xf32>,
      %swap3A_1136 = vector.shape_cast %swap3A_1135 : vector<16xf32> to vector<16xf32>
      %swap3A_1137 = vector.shape_cast %get3A_1133 : vector<16xf32> to vector<16xf32>
      tpu.vector_store %arg12[%swap3A_1134], %swap3A_1137 {strides = array<i32>} : memref<290xf32, #tpu.memory_space<vmem>>, vector<16xf32>,
      %swap3A_1138 = arith.constant 272 : index
      %swap3A_1139 = tpu.vector_load %arg12[%swap3A_1138] {strides = array<i32>} : memref<290xf32, #tpu.memory_space<vmem>>, vector<16xf32>,
      %swap3A_1140 = vector.shape_cast %swap3A_1139 : vector<16xf32> to vector<16xf32>
      %swap3A_1141 = vector.shape_cast %get3A_1133 : vector<16xf32> to vector<16xf32>
      tpu.vector_store %arg12[%swap3A_1138], %swap3A_1141 {strides = array<i32>} : memref<290xf32, #tpu.memory_space<vmem>>, vector<16xf32>,
      %eq3A_1142 = arith.constant 10 : i32
      %eq3A_1143 = vector.broadcast %eq3A_1142 : i32 to vector<16xi32>
      %eq3A_1144 = arith.cmpi eq, %iota3A, %eq3A_1143 : vector<16xi32>
      %eq3A_1145 = arith.constant 11 : i32
      %eq3A_1146 = vector.broadcast %eq3A_1145 : i32 to vector<16xi32>
      %eq3A_1147 = arith.cmpi eq, %iota3A, %eq3A_1146 : vector<16xi32>
      %or3A_1148 = arith.ori %eq3A_1144, %eq3A_1147 : vector<16xi1>
      %get3A_1149 = arith.constant 262 : index
      %get3A_1150 = tpu.vector_load %arg12[%get3A_1149] {strides = array<i32>} : memref<290xf32, #tpu.memory_space<vmem>>, vector<16xf32>,
      %get3A_1151 = vector.shape_cast %get3A_1150 : vector<16xf32> to vector<16xf32>
      %get3A_1152 = arith.constant 264 : index
      %get3A_1153 = tpu.vector_load %arg12[%get3A_1152] {strides = array<i32>} : memref<290xf32, #tpu.memory_space<vmem>>, vector<16xf32>,
      %get3A_1154 = vector.shape_cast %get3A_1153 : vector<16xf32> to vector<16xf32>
      %select_n3A_1155 = arith.select %or3A_1148, %get3A_1151, %select_n3A_1129 : vector<16xi1>, vector<16xf32>
      %select_n3A_1156 = arith.select %or3A_1148, %get3A_1154, %select_n3A_1130 : vector<16xi1>, vector<16xf32>
      %get3A_1157 = arith.constant 96 : index
      %get3A_1158 = tpu.vector_load %arg12[%get3A_1157] {strides = array<i32>} : memref<290xf32, #tpu.memory_space<vmem>>, vector<16xf32>,
      %get3A_1159 = vector.shape_cast %get3A_1158 : vector<16xf32> to vector<16xf32>
      %swap3A_1160 = arith.constant 256 : index
      %swap3A_1161 = tpu.vector_load %arg12[%swap3A_1160] {strides = array<i32>} : memref<290xf32, #tpu.memory_space<vmem>>, vector<16xf32>,
      %swap3A_1162 = vector.shape_cast %swap3A_1161 : vector<16xf32> to vector<16xf32>
      %swap3A_1163 = vector.shape_cast %get3A_1159 : vector<16xf32> to vector<16xf32>
      tpu.vector_store %arg12[%swap3A_1160], %swap3A_1163 {strides = array<i32>} : memref<290xf32, #tpu.memory_space<vmem>>, vector<16xf32>,
      %swap3A_1164 = arith.constant 272 : index
      %swap3A_1165 = tpu.vector_load %arg12[%swap3A_1164] {strides = array<i32>} : memref<290xf32, #tpu.memory_space<vmem>>, vector<16xf32>,
      %swap3A_1166 = vector.shape_cast %swap3A_1165 : vector<16xf32> to vector<16xf32>
      %swap3A_1167 = vector.shape_cast %get3A_1159 : vector<16xf32> to vector<16xf32>
      tpu.vector_store %arg12[%swap3A_1164], %swap3A_1167 {strides = array<i32>} : memref<290xf32, #tpu.memory_space<vmem>>, vector<16xf32>,
      %eq3A_1168 = arith.constant 12 : i32
      %eq3A_1169 = vector.broadcast %eq3A_1168 : i32 to vector<16xi32>
      %eq3A_1170 = arith.cmpi eq, %iota3A, %eq3A_1169 : vector<16xi32>
      %eq3A_1171 = arith.constant 13 : i32
      %eq3A_1172 = vector.broadcast %eq3A_1171 : i32 to vector<16xi32>
      %eq3A_1173 = arith.cmpi eq, %iota3A, %eq3A_1172 : vector<16xi32>
      %or3A_1174 = arith.ori %eq3A_1170, %eq3A_1173 : vector<16xi1>
      %get3A_1175 = arith.constant 260 : index
      %get3A_1176 = tpu.vector_load %arg12[%get3A_1175] {strides = array<i32>} : memref<290xf32, #tpu.memory_space<vmem>>, vector<16xf32>,
      %get3A_1177 = vector.shape_cast %get3A_1176 : vector<16xf32> to vector<16xf32>
      %get3A_1178 = arith.constant 262 : index
      %get3A_1179 = tpu.vector_load %arg12[%get3A_1178] {strides = array<i32>} : memref<290xf32, #tpu.memory_space<vmem>>, vector<16xf32>,
      %get3A_1180 = vector.shape_cast %get3A_1179 : vector<16xf32> to vector<16xf32>
      %select_n3A_1181 = arith.select %or3A_1174, %get3A_1177, %select_n3A_1155 : vector<16xi1>, vector<16xf32>
      %select_n3A_1182 = arith.select %or3A_1174, %get3A_1180, %select_n3A_1156 : vector<16xi1>, vector<16xf32>
      %get3A_1183 = arith.constant 112 : index
      %get3A_1184 = tpu.vector_load %arg12[%get3A_1183] {strides = array<i32>} : memref<290xf32, #tpu.memory_space<vmem>>, vector<16xf32>,
      %get3A_1185 = vector.shape_cast %get3A_1184 : vector<16xf32> to vector<16xf32>
      %swap3A_1186 = arith.constant 256 : index
      %swap3A_1187 = tpu.vector_load %arg12[%swap3A_1186] {strides = array<i32>} : memref<290xf32, #tpu.memory_space<vmem>>, vector<16xf32>,
      %swap3A_1188 = vector.shape_cast %swap3A_1187 : vector<16xf32> to vector<16xf32>
      %swap3A_1189 = vector.shape_cast %get3A_1185 : vector<16xf32> to vector<16xf32>
      tpu.vector_store %arg12[%swap3A_1186], %swap3A_1189 {strides = array<i32>} : memref<290xf32, #tpu.memory_space<vmem>>, vector<16xf32>,
      %swap3A_1190 = arith.constant 272 : index
      %swap3A_1191 = tpu.vector_load %arg12[%swap3A_1190] {strides = array<i32>} : memref<290xf32, #tpu.memory_space<vmem>>, vector<16xf32>,
      %swap3A_1192 = vector.shape_cast %swap3A_1191 : vector<16xf32> to vector<16xf32>
      %swap3A_1193 = vector.shape_cast %get3A_1185 : vector<16xf32> to vector<16xf32>
      tpu.vector_store %arg12[%swap3A_1190], %swap3A_1193 {strides = array<i32>} : memref<290xf32, #tpu.memory_space<vmem>>, vector<16xf32>,
      %eq3A_1194 = arith.constant 14 : i32
      %eq3A_1195 = vector.broadcast %eq3A_1194 : i32 to vector<16xi32>
      %eq3A_1196 = arith.cmpi eq, %iota3A, %eq3A_1195 : vector<16xi32>
      %eq3A_1197 = arith.constant 15 : i32
      %eq3A_1198 = vector.broadcast %eq3A_1197 : i32 to vector<16xi32>
      %eq3A_1199 = arith.cmpi eq, %iota3A, %eq3A_1198 : vector<16xi32>
      %or3A_1200 = arith.ori %eq3A_1196, %eq3A_1199 : vector<16xi1>
      %get3A_1201 = arith.constant 258 : index
      %get3A_1202 = tpu.vector_load %arg12[%get3A_1201] {strides = array<i32>} : memref<290xf32, #tpu.memory_space<vmem>>, vector<16xf32>,
      %get3A_1203 = vector.shape_cast %get3A_1202 : vector<16xf32> to vector<16xf32>
      %get3A_1204 = arith.constant 260 : index
      %get3A_1205 = tpu.vector_load %arg12[%get3A_1204] {strides = array<i32>} : memref<290xf32, #tpu.memory_space<vmem>>, vector<16xf32>,
      %get3A_1206 = vector.shape_cast %get3A_1205 : vector<16xf32> to vector<16xf32>
      %select_n3A_1207 = arith.select %or3A_1200, %get3A_1203, %select_n3A_1181 : vector<16xi1>, vector<16xf32>
      %select_n3A_1208 = arith.select %or3A_1200, %get3A_1206, %select_n3A_1182 : vector<16xi1>, vector<16xf32>
      %get3A_1209 = arith.constant 128 : index
      %get3A_1210 = tpu.vector_load %arg12[%get3A_1209] {strides = array<i32>} : memref<290xf32, #tpu.memory_space<vmem>>, vector<16xf32>,
      %get3A_1211 = vector.shape_cast %get3A_1210 : vector<16xf32> to vector<16xf32>
      %swap3A_1212 = arith.constant 256 : index
      %swap3A_1213 = tpu.vector_load %arg12[%swap3A_1212] {strides = array<i32>} : memref<290xf32, #tpu.memory_space<vmem>>, vector<16xf32>,
      %swap3A_1214 = vector.shape_cast %swap3A_1213 : vector<16xf32> to vector<16xf32>
      %swap3A_1215 = vector.shape_cast %get3A_1211 : vector<16xf32> to vector<16xf32>
      tpu.vector_store %arg12[%swap3A_1212], %swap3A_1215 {strides = array<i32>} : memref<290xf32, #tpu.memory_space<vmem>>, vector<16xf32>,
      %swap3A_1216 = arith.constant 272 : index
      %swap3A_1217 = tpu.vector_load %arg12[%swap3A_1216] {strides = array<i32>} : memref<290xf32, #tpu.memory_space<vmem>>, vector<16xf32>,
      %swap3A_1218 = vector.shape_cast %swap3A_1217 : vector<16xf32> to vector<16xf32>
      %swap3A_1219 = vector.shape_cast %get3A_1211 : vector<16xf32> to vector<16xf32>
      tpu.vector_store %arg12[%swap3A_1216], %swap3A_1219 {strides = array<i32>} : memref<290xf32, #tpu.memory_space<vmem>>, vector<16xf32>,
      %eq3A_1220 = arith.constant 0 : i32
      %eq3A_1221 = vector.broadcast %eq3A_1220 : i32 to vector<16xi32>
      %eq3A_1222 = arith.cmpi eq, %iota3A, %eq3A_1221 : vector<16xi32>
      %eq3A_1223 = arith.constant 1 : i32
      %eq3A_1224 = vector.broadcast %eq3A_1223 : i32 to vector<16xi32>
      %eq3A_1225 = arith.cmpi eq, %iota3A, %eq3A_1224 : vector<16xi32>
      %or3A_1226 = arith.ori %eq3A_1222, %eq3A_1225 : vector<16xi1>
      %get3A_1227 = arith.constant 256 : index
      %get3A_1228 = tpu.vector_load %arg12[%get3A_1227] {strides = array<i32>} : memref<290xf32, #tpu.memory_space<vmem>>, vector<16xf32>,
      %get3A_1229 = vector.shape_cast %get3A_1228 : vector<16xf32> to vector<16xf32>
      %get3A_1230 = arith.constant 258 : index
      %get3A_1231 = tpu.vector_load %arg12[%get3A_1230] {strides = array<i32>} : memref<290xf32, #tpu.memory_space<vmem>>, vector<16xf32>,
      %get3A_1232 = vector.shape_cast %get3A_1231 : vector<16xf32> to vector<16xf32>
      %select_n3A_1233 = arith.select %or3A_1226, %get3A_1229, %broadcast_in_dim3A_996 : vector<16xi1>, vector<16xf32>
      %select_n3A_1234 = arith.select %or3A_1226, %get3A_1232, %broadcast_in_dim3A_1000 : vector<16xi1>, vector<16xf32>
      %get3A_1235 = arith.constant 144 : index
      %get3A_1236 = tpu.vector_load %arg12[%get3A_1235] {strides = array<i32>} : memref<290xf32, #tpu.memory_space<vmem>>, vector<16xf32>,
      %get3A_1237 = vector.shape_cast %get3A_1236 : vector<16xf32> to vector<16xf32>
      %swap3A_1238 = arith.constant 256 : index
      %swap3A_1239 = tpu.vector_load %arg12[%swap3A_1238] {strides = array<i32>} : memref<290xf32, #tpu.memory_space<vmem>>, vector<16xf32>,
      %swap3A_1240 = vector.shape_cast %swap3A_1239 : vector<16xf32> to vector<16xf32>
      %swap3A_1241 = vector.shape_cast %get3A_1237 : vector<16xf32> to vector<16xf32>
      tpu.vector_store %arg12[%swap3A_1238], %swap3A_1241 {strides = array<i32>} : memref<290xf32, #tpu.memory_space<vmem>>, vector<16xf32>,
      %swap3A_1242 = arith.constant 272 : index
      %swap3A_1243 = tpu.vector_load %arg12[%swap3A_1242] {strides = array<i32>} : memref<290xf32, #tpu.memory_space<vmem>>, vector<16xf32>,
      %swap3A_1244 = vector.shape_cast %swap3A_1243 : vector<16xf32> to vector<16xf32>
      %swap3A_1245 = vector.shape_cast %get3A_1237 : vector<16xf32> to vector<16xf32>
      tpu.vector_store %arg12[%swap3A_1242], %swap3A_1245 {strides = array<i32>} : memref<290xf32, #tpu.memory_space<vmem>>, vector<16xf32>,
      %eq3A_1246 = arith.constant 2 : i32
      %eq3A_1247 = vector.broadcast %eq3A_1246 : i32 to vector<16xi32>
      %eq3A_1248 = arith.cmpi eq, %iota3A, %eq3A_1247 : vector<16xi32>
      %eq3A_1249 = arith.constant 3 : i32
      %eq3A_1250 = vector.broadcast %eq3A_1249 : i32 to vector<16xi32>
      %eq3A_1251 = arith.cmpi eq, %iota3A, %eq3A_1250 : vector<16xi32>
      %or3A_1252 = arith.ori %eq3A_1248, %eq3A_1251 : vector<16xi1>
      %get3A_1253 = arith.constant 270 : index
      %get3A_1254 = tpu.vector_load %arg12[%get3A_1253] {strides = array<i32>} : memref<290xf32, #tpu.memory_space<vmem>>, vector<16xf32>,
      %get3A_1255 = vector.shape_cast %get3A_1254 : vector<16xf32> to vector<16xf32>
      %get3A_1256 = arith.constant 272 : index
      %get3A_1257 = tpu.vector_load %arg12[%get3A_1256] {strides = array<i32>} : memref<290xf32, #tpu.memory_space<vmem>>, vector<16xf32>,
      %get3A_1258 = vector.shape_cast %get3A_1257 : vector<16xf32> to vector<16xf32>
      %select_n3A_1259 = arith.select %or3A_1252, %get3A_1255, %select_n3A_1233 : vector<16xi1>, vector<16xf32>
      %select_n3A_1260 = arith.select %or3A_1252, %get3A_1258, %select_n3A_1234 : vector<16xi1>, vector<16xf32>
      %get3A_1261 = arith.constant 160 : index
      %get3A_1262 = tpu.vector_load %arg12[%get3A_1261] {strides = array<i32>} : memref<290xf32, #tpu.memory_space<vmem>>, vector<16xf32>,
      %get3A_1263 = vector.shape_cast %get3A_1262 : vector<16xf32> to vector<16xf32>
      %swap3A_1264 = arith.constant 256 : index
      %swap3A_1265 = tpu.vector_load %arg12[%swap3A_1264] {strides = array<i32>} : memref<290xf32, #tpu.memory_space<vmem>>, vector<16xf32>,
      %swap3A_1266 = vector.shape_cast %swap3A_1265 : vector<16xf32> to vector<16xf32>
      %swap3A_1267 = vector.shape_cast %get3A_1263 : vector<16xf32> to vector<16xf32>
      tpu.vector_store %arg12[%swap3A_1264], %swap3A_1267 {strides = array<i32>} : memref<290xf32, #tpu.memory_space<vmem>>, vector<16xf32>,
      %swap3A_1268 = arith.constant 272 : index
      %swap3A_1269 = tpu.vector_load %arg12[%swap3A_1268] {strides = array<i32>} : memref<290xf32, #tpu.memory_space<vmem>>, vector<16xf32>,
      %swap3A_1270 = vector.shape_cast %swap3A_1269 : vector<16xf32> to vector<16xf32>
      %swap3A_1271 = vector.shape_cast %get3A_1263 : vector<16xf32> to vector<16xf32>
      tpu.vector_store %arg12[%swap3A_1268], %swap3A_1271 {strides = array<i32>} : memref<290xf32, #tpu.memory_space<vmem>>, vector<16xf32>,
      %eq3A_1272 = arith.constant 4 : i32
      %eq3A_1273 = vector.broadcast %eq3A_1272 : i32 to vector<16xi32>
      %eq3A_1274 = arith.cmpi eq, %iota3A, %eq3A_1273 : vector<16xi32>
      %eq3A_1275 = arith.constant 5 : i32
      %eq3A_1276 = vector.broadcast %eq3A_1275 : i32 to vector<16xi32>
      %eq3A_1277 = arith.cmpi eq, %iota3A, %eq3A_1276 : vector<16xi32>
      %or3A_1278 = arith.ori %eq3A_1274, %eq3A_1277 : vector<16xi1>
      %get3A_1279 = arith.constant 268 : index
      %get3A_1280 = tpu.vector_load %arg12[%get3A_1279] {strides = array<i32>} : memref<290xf32, #tpu.memory_space<vmem>>, vector<16xf32>,
      %get3A_1281 = vector.shape_cast %get3A_1280 : vector<16xf32> to vector<16xf32>
      %get3A_1282 = arith.constant 270 : index
      %get3A_1283 = tpu.vector_load %arg12[%get3A_1282] {strides = array<i32>} : memref<290xf32, #tpu.memory_space<vmem>>, vector<16xf32>,
      %get3A_1284 = vector.shape_cast %get3A_1283 : vector<16xf32> to vector<16xf32>
      %select_n3A_1285 = arith.select %or3A_1278, %get3A_1281, %select_n3A_1259 : vector<16xi1>, vector<16xf32>
      %select_n3A_1286 = arith.select %or3A_1278, %get3A_1284, %select_n3A_1260 : vector<16xi1>, vector<16xf32>
      %get3A_1287 = arith.constant 176 : index
      %get3A_1288 = tpu.vector_load %arg12[%get3A_1287] {strides = array<i32>} : memref<290xf32, #tpu.memory_space<vmem>>, vector<16xf32>,
      %get3A_1289 = vector.shape_cast %get3A_1288 : vector<16xf32> to vector<16xf32>
      %swap3A_1290 = arith.constant 256 : index
      %swap3A_1291 = tpu.vector_load %arg12[%swap3A_1290] {strides = array<i32>} : memref<290xf32, #tpu.memory_space<vmem>>, vector<16xf32>,
      %swap3A_1292 = vector.shape_cast %swap3A_1291 : vector<16xf32> to vector<16xf32>
      %swap3A_1293 = vector.shape_cast %get3A_1289 : vector<16xf32> to vector<16xf32>
      tpu.vector_store %arg12[%swap3A_1290], %swap3A_1293 {strides = array<i32>} : memref<290xf32, #tpu.memory_space<vmem>>, vector<16xf32>,
      %swap3A_1294 = arith.constant 272 : index
      %swap3A_1295 = tpu.vector_load %arg12[%swap3A_1294] {strides = array<i32>} : memref<290xf32, #tpu.memory_space<vmem>>, vector<16xf32>,
      %swap3A_1296 = vector.shape_cast %swap3A_1295 : vector<16xf32> to vector<16xf32>
      %swap3A_1297 = vector.shape_cast %get3A_1289 : vector<16xf32> to vector<16xf32>
      tpu.vector_store %arg12[%swap3A_1294], %swap3A_1297 {strides = array<i32>} : memref<290xf32, #tpu.memory_space<vmem>>, vector<16xf32>,
      %eq3A_1298 = arith.constant 6 : i32
      %eq3A_1299 = vector.broadcast %eq3A_1298 : i32 to vector<16xi32>
      %eq3A_1300 = arith.cmpi eq, %iota3A, %eq3A_1299 : vector<16xi32>
      %eq3A_1301 = arith.constant 7 : i32
      %eq3A_1302 = vector.broadcast %eq3A_1301 : i32 to vector<16xi32>
      %eq3A_1303 = arith.cmpi eq, %iota3A, %eq3A_1302 : vector<16xi32>
      %or3A_1304 = arith.ori %eq3A_1300, %eq3A_1303 : vector<16xi1>
      %get3A_1305 = arith.constant 266 : index
      %get3A_1306 = tpu.vector_load %arg12[%get3A_1305] {strides = array<i32>} : memref<290xf32, #tpu.memory_space<vmem>>, vector<16xf32>,
      %get3A_1307 = vector.shape_cast %get3A_1306 : vector<16xf32> to vector<16xf32>
      %get3A_1308 = arith.constant 268 : index
      %get3A_1309 = tpu.vector_load %arg12[%get3A_1308] {strides = array<i32>} : memref<290xf32, #tpu.memory_space<vmem>>, vector<16xf32>,
      %get3A_1310 = vector.shape_cast %get3A_1309 : vector<16xf32> to vector<16xf32>
      %select_n3A_1311 = arith.select %or3A_1304, %get3A_1307, %select_n3A_1285 : vector<16xi1>, vector<16xf32>
      %select_n3A_1312 = arith.select %or3A_1304, %get3A_1310, %select_n3A_1286 : vector<16xi1>, vector<16xf32>
      %get3A_1313 = arith.constant 192 : index
      %get3A_1314 = tpu.vector_load %arg12[%get3A_1313] {strides = array<i32>} : memref<290xf32, #tpu.memory_space<vmem>>, vector<16xf32>,
      %get3A_1315 = vector.shape_cast %get3A_1314 : vector<16xf32> to vector<16xf32>
      %swap3A_1316 = arith.constant 256 : index
      %swap3A_1317 = tpu.vector_load %arg12[%swap3A_1316] {strides = array<i32>} : memref<290xf32, #tpu.memory_space<vmem>>, vector<16xf32>,
      %swap3A_1318 = vector.shape_cast %swap3A_1317 : vector<16xf32> to vector<16xf32>
      %swap3A_1319 = vector.shape_cast %get3A_1315 : vector<16xf32> to vector<16xf32>
      tpu.vector_store %arg12[%swap3A_1316], %swap3A_1319 {strides = array<i32>} : memref<290xf32, #tpu.memory_space<vmem>>, vector<16xf32>,
      %swap3A_1320 = arith.constant 272 : index
      %swap3A_1321 = tpu.vector_load %arg12[%swap3A_1320] {strides = array<i32>} : memref<290xf32, #tpu.memory_space<vmem>>, vector<16xf32>,
      %swap3A_1322 = vector.shape_cast %swap3A_1321 : vector<16xf32> to vector<16xf32>
      %swap3A_1323 = vector.shape_cast %get3A_1315 : vector<16xf32> to vector<16xf32>
      tpu.vector_store %arg12[%swap3A_1320], %swap3A_1323 {strides = array<i32>} : memref<290xf32, #tpu.memory_space<vmem>>, vector<16xf32>,
      %eq3A_1324 = arith.constant 8 : i32
      %eq3A_1325 = vector.broadcast %eq3A_1324 : i32 to vector<16xi32>
      %eq3A_1326 = arith.cmpi eq, %iota3A, %eq3A_1325 : vector<16xi32>
      %eq3A_1327 = arith.constant 9 : i32
      %eq3A_1328 = vector.broadcast %eq3A_1327 : i32 to vector<16xi32>
      %eq3A_1329 = arith.cmpi eq, %iota3A, %eq3A_1328 : vector<16xi32>
      %or3A_1330 = arith.ori %eq3A_1326, %eq3A_1329 : vector<16xi1>
      %get3A_1331 = arith.constant 264 : index
      %get3A_1332 = tpu.vector_load %arg12[%get3A_1331] {strides = array<i32>} : memref<290xf32, #tpu.memory_space<vmem>>, vector<16xf32>,
      %get3A_1333 = vector.shape_cast %get3A_1332 : vector<16xf32> to vector<16xf32>
      %get3A_1334 = arith.constant 266 : index
      %get3A_1335 = tpu.vector_load %arg12[%get3A_1334] {strides = array<i32>} : memref<290xf32, #tpu.memory_space<vmem>>, vector<16xf32>,
      %get3A_1336 = vector.shape_cast %get3A_1335 : vector<16xf32> to vector<16xf32>
      %select_n3A_1337 = arith.select %or3A_1330, %get3A_1333, %select_n3A_1311 : vector<16xi1>, vector<16xf32>
      %select_n3A_1338 = arith.select %or3A_1330, %get3A_1336, %select_n3A_1312 : vector<16xi1>, vector<16xf32>
      %get3A_1339 = arith.constant 208 : index
      %get3A_1340 = tpu.vector_load %arg12[%get3A_1339] {strides = array<i32>} : memref<290xf32, #tpu.memory_space<vmem>>, vector<16xf32>,
      %get3A_1341 = vector.shape_cast %get3A_1340 : vector<16xf32> to vector<16xf32>
      %swap3A_1342 = arith.constant 256 : index
      %swap3A_1343 = tpu.vector_load %arg12[%swap3A_1342] {strides = array<i32>} : memref<290xf32, #tpu.memory_space<vmem>>, vector<16xf32>,
      %swap3A_1344 = vector.shape_cast %swap3A_1343 : vector<16xf32> to vector<16xf32>
      %swap3A_1345 = vector.shape_cast %get3A_1341 : vector<16xf32> to vector<16xf32>
      tpu.vector_store %arg12[%swap3A_1342], %swap3A_1345 {strides = array<i32>} : memref<290xf32, #tpu.memory_space<vmem>>, vector<16xf32>,
      %swap3A_1346 = arith.constant 272 : index
      %swap3A_1347 = tpu.vector_load %arg12[%swap3A_1346] {strides = array<i32>} : memref<290xf32, #tpu.memory_space<vmem>>, vector<16xf32>,
      %swap3A_1348 = vector.shape_cast %swap3A_1347 : vector<16xf32> to vector<16xf32>
      %swap3A_1349 = vector.shape_cast %get3A_1341 : vector<16xf32> to vector<16xf32>
      tpu.vector_store %arg12[%swap3A_1346], %swap3A_1349 {strides = array<i32>} : memref<290xf32, #tpu.memory_space<vmem>>, vector<16xf32>,
      %eq3A_1350 = arith.constant 10 : i32
      %eq3A_1351 = vector.broadcast %eq3A_1350 : i32 to vector<16xi32>
      %eq3A_1352 = arith.cmpi eq, %iota3A, %eq3A_1351 : vector<16xi32>
      %eq3A_1353 = arith.constant 11 : i32
      %eq3A_1354 = vector.broadcast %eq3A_1353 : i32 to vector<16xi32>
      %eq3A_1355 = arith.cmpi eq, %iota3A, %eq3A_1354 : vector<16xi32>
      %or3A_1356 = arith.ori %eq3A_1352, %eq3A_1355 : vector<16xi1>
      %get3A_1357 = arith.constant 262 : index
      %get3A_1358 = tpu.vector_load %arg12[%get3A_1357] {strides = array<i32>} : memref<290xf32, #tpu.memory_space<vmem>>, vector<16xf32>,
      %get3A_1359 = vector.shape_cast %get3A_1358 : vector<16xf32> to vector<16xf32>
      %get3A_1360 = arith.constant 264 : index
      %get3A_1361 = tpu.vector_load %arg12[%get3A_1360] {strides = array<i32>} : memref<290xf32, #tpu.memory_space<vmem>>, vector<16xf32>,
      %get3A_1362 = vector.shape_cast %get3A_1361 : vector<16xf32> to vector<16xf32>
      %select_n3A_1363 = arith.select %or3A_1356, %get3A_1359, %select_n3A_1337 : vector<16xi1>, vector<16xf32>
      %select_n3A_1364 = arith.select %or3A_1356, %get3A_1362, %select_n3A_1338 : vector<16xi1>, vector<16xf32>
      %get3A_1365 = arith.constant 224 : index
      %get3A_1366 = tpu.vector_load %arg12[%get3A_1365] {strides = array<i32>} : memref<290xf32, #tpu.memory_space<vmem>>, vector<16xf32>,
      %get3A_1367 = vector.shape_cast %get3A_1366 : vector<16xf32> to vector<16xf32>
      %swap3A_1368 = arith.constant 256 : index
      %swap3A_1369 = tpu.vector_load %arg12[%swap3A_1368] {strides = array<i32>} : memref<290xf32, #tpu.memory_space<vmem>>, vector<16xf32>,
      %swap3A_1370 = vector.shape_cast %swap3A_1369 : vector<16xf32> to vector<16xf32>
      %swap3A_1371 = vector.shape_cast %get3A_1367 : vector<16xf32> to vector<16xf32>
      tpu.vector_store %arg12[%swap3A_1368], %swap3A_1371 {strides = array<i32>} : memref<290xf32, #tpu.memory_space<vmem>>, vector<16xf32>,
      %swap3A_1372 = arith.constant 272 : index
      %swap3A_1373 = tpu.vector_load %arg12[%swap3A_1372] {strides = array<i32>} : memref<290xf32, #tpu.memory_space<vmem>>, vector<16xf32>,
      %swap3A_1374 = vector.shape_cast %swap3A_1373 : vector<16xf32> to vector<16xf32>
      %swap3A_1375 = vector.shape_cast %get3A_1367 : vector<16xf32> to vector<16xf32>
      tpu.vector_store %arg12[%swap3A_1372], %swap3A_1375 {strides = array<i32>} : memref<290xf32, #tpu.memory_space<vmem>>, vector<16xf32>,
      %eq3A_1376 = arith.constant 12 : i32
      %eq3A_1377 = vector.broadcast %eq3A_1376 : i32 to vector<16xi32>
      %eq3A_1378 = arith.cmpi eq, %iota3A, %eq3A_1377 : vector<16xi32>
      %eq3A_1379 = arith.constant 13 : i32
      %eq3A_1380 = vector.broadcast %eq3A_1379 : i32 to vector<16xi32>
      %eq3A_1381 = arith.cmpi eq, %iota3A, %eq3A_1380 : vector<16xi32>
      %or3A_1382 = arith.ori %eq3A_1378, %eq3A_1381 : vector<16xi1>
      %get3A_1383 = arith.constant 260 : index
      %get3A_1384 = tpu.vector_load %arg12[%get3A_1383] {strides = array<i32>} : memref<290xf32, #tpu.memory_space<vmem>>, vector<16xf32>,
      %get3A_1385 = vector.shape_cast %get3A_1384 : vector<16xf32> to vector<16xf32>
      %get3A_1386 = arith.constant 262 : index
      %get3A_1387 = tpu.vector_load %arg12[%get3A_1386] {strides = array<i32>} : memref<290xf32, #tpu.memory_space<vmem>>, vector<16xf32>,
      %get3A_1388 = vector.shape_cast %get3A_1387 : vector<16xf32> to vector<16xf32>
      %select_n3A_1389 = arith.select %or3A_1382, %get3A_1385, %select_n3A_1363 : vector<16xi1>, vector<16xf32>
      %select_n3A_1390 = arith.select %or3A_1382, %get3A_1388, %select_n3A_1364 : vector<16xi1>, vector<16xf32>
      %get3A_1391 = arith.constant 240 : index
      %get3A_1392 = tpu.vector_load %arg12[%get3A_1391] {strides = array<i32>} : memref<290xf32, #tpu.memory_space<vmem>>, vector<16xf32>,
      %get3A_1393 = vector.shape_cast %get3A_1392 : vector<16xf32> to vector<16xf32>
      %swap3A_1394 = arith.constant 256 : index
      %swap3A_1395 = tpu.vector_load %arg12[%swap3A_1394] {strides = array<i32>} : memref<290xf32, #tpu.memory_space<vmem>>, vector<16xf32>,
      %swap3A_1396 = vector.shape_cast %swap3A_1395 : vector<16xf32> to vector<16xf32>
      %swap3A_1397 = vector.shape_cast %get3A_1393 : vector<16xf32> to vector<16xf32>
      tpu.vector_store %arg12[%swap3A_1394], %swap3A_1397 {strides = array<i32>} : memref<290xf32, #tpu.memory_space<vmem>>, vector<16xf32>,
      %swap3A_1398 = arith.constant 272 : index
      %swap3A_1399 = tpu.vector_load %arg12[%swap3A_1398] {strides = array<i32>} : memref<290xf32, #tpu.memory_space<vmem>>, vector<16xf32>,
      %swap3A_1400 = vector.shape_cast %swap3A_1399 : vector<16xf32> to vector<16xf32>
      %swap3A_1401 = vector.shape_cast %get3A_1393 : vector<16xf32> to vector<16xf32>
      tpu.vector_store %arg12[%swap3A_1398], %swap3A_1401 {strides = array<i32>} : memref<290xf32, #tpu.memory_space<vmem>>, vector<16xf32>,
      %eq3A_1402 = arith.constant 14 : i32
      %eq3A_1403 = vector.broadcast %eq3A_1402 : i32 to vector<16xi32>
      %eq3A_1404 = arith.cmpi eq, %iota3A, %eq3A_1403 : vector<16xi32>
      %eq3A_1405 = arith.constant 15 : i32
      %eq3A_1406 = vector.broadcast %eq3A_1405 : i32 to vector<16xi32>
      %eq3A_1407 = arith.cmpi eq, %iota3A, %eq3A_1406 : vector<16xi32>
      %or3A_1408 = arith.ori %eq3A_1404, %eq3A_1407 : vector<16xi1>
      %get3A_1409 = arith.constant 258 : index
      %get3A_1410 = tpu.vector_load %arg12[%get3A_1409] {strides = array<i32>} : memref<290xf32, #tpu.memory_space<vmem>>, vector<16xf32>,
      %get3A_1411 = vector.shape_cast %get3A_1410 : vector<16xf32> to vector<16xf32>
      %get3A_1412 = arith.constant 260 : index
      %get3A_1413 = tpu.vector_load %arg12[%get3A_1412] {strides = array<i32>} : memref<290xf32, #tpu.memory_space<vmem>>, vector<16xf32>,
      %get3A_1414 = vector.shape_cast %get3A_1413 : vector<16xf32> to vector<16xf32>
      %select_n3A_1415 = arith.select %or3A_1408, %get3A_1411, %select_n3A_1389 : vector<16xi1>, vector<16xf32>
      %select_n3A_1416 = arith.select %or3A_1408, %get3A_1414, %select_n3A_1390 : vector<16xi1>, vector<16xf32>
      %swap3A_1417 = arith.constant 0 : index
      %swap3A_1418 = tpu.vector_load %arg12[%swap3A_1417] {strides = array<i32>} : memref<290xf32, #tpu.memory_space<vmem>>, vector<16xf32>,
      %swap3A_1419 = vector.shape_cast %swap3A_1418 : vector<16xf32> to vector<16xf32>
      %swap3A_1420 = vector.shape_cast %select_n3A_1207 : vector<16xf32> to vector<16xf32>
      tpu.vector_store %arg12[%swap3A_1417], %swap3A_1420 {strides = array<i32>} : memref<290xf32, #tpu.memory_space<vmem>>, vector<16xf32>,
      %swap3A_1421 = arith.constant 16 : index
      %swap3A_1422 = tpu.vector_load %arg12[%swap3A_1421] {strides = array<i32>} : memref<290xf32, #tpu.memory_space<vmem>>, vector<16xf32>,
      %swap3A_1423 = vector.shape_cast %swap3A_1422 : vector<16xf32> to vector<16xf32>
      %swap3A_1424 = vector.shape_cast %select_n3A_1415 : vector<16xf32> to vector<16xf32>
      tpu.vector_store %arg12[%swap3A_1421], %swap3A_1424 {strides = array<i32>} : memref<290xf32, #tpu.memory_space<vmem>>, vector<16xf32>,
      %swap3A_1425 = arith.constant 32 : index
      %swap3A_1426 = tpu.vector_load %arg12[%swap3A_1425] {strides = array<i32>} : memref<290xf32, #tpu.memory_space<vmem>>, vector<16xf32>,
      %swap3A_1427 = vector.shape_cast %swap3A_1426 : vector<16xf32> to vector<16xf32>
      %swap3A_1428 = vector.shape_cast %select_n3A_1208 : vector<16xf32> to vector<16xf32>
      tpu.vector_store %arg12[%swap3A_1425], %swap3A_1428 {strides = array<i32>} : memref<290xf32, #tpu.memory_space<vmem>>, vector<16xf32>,
      %swap3A_1429 = arith.constant 48 : index
      %swap3A_1430 = tpu.vector_load %arg12[%swap3A_1429] {strides = array<i32>} : memref<290xf32, #tpu.memory_space<vmem>>, vector<16xf32>,
      %swap3A_1431 = vector.shape_cast %swap3A_1430 : vector<16xf32> to vector<16xf32>
      %swap3A_1432 = vector.shape_cast %select_n3A_1416 : vector<16xf32> to vector<16xf32>
      tpu.vector_store %arg12[%swap3A_1429], %swap3A_1432 {strides = array<i32>} : memref<290xf32, #tpu.memory_space<vmem>>, vector<16xf32>,
      %mul3A_1433 = arith.constant 16 : i32
      %mul3A_1434 = arith.muli %arg0, %mul3A_1433 : i32
      %mul3A_1435 = arith.constant 2 : i32
      %mul3A_1436 = arith.muli %mul3A_1434, %mul3A_1435 : i32
      "tpu.region"() ({
        %run_scoped3A = tpu.sem_alloc : memref<!tpu.dma_semaphore, #tpu.memory_space<semaphore_mem>>
        %dma_start3A_1437 = arith.constant 0 : i32
        %dma_start3A_1438 = tpu.memref_slice %arg12[%dma_start3A_1437] : memref<290xf32, #tpu.memory_space<vmem>> -> memref<32xf32, #tpu.memory_space<vmem>>
        %dma_start3A_1439 = tpu.memref_slice %arg4[%mul3A_1436] : memref<64xf32, #tpu.memory_space<hbm>> -> memref<32xf32, #tpu.memory_space<hbm>>
        %dma_start3A_1440 = tpu.memref_slice %arg4[%mul3A_1436] : memref<64xf32, #tpu.memory_space<hbm>> -> memref<32xf32, #tpu.memory_space<hbm>>
        %dma_start3A_1441 = arith.constant 0 : i32
        %dma_start3A_1442 = tpu.memref_slice %arg12[%dma_start3A_1441] : memref<290xf32, #tpu.memory_space<vmem>> -> memref<32xf32, #tpu.memory_space<vmem>>
        tpu.enqueue_dma source(%dma_start3A_1442 : memref<32xf32, #tpu.memory_space<vmem>>) target(%dma_start3A_1440 : memref<32xf32, #tpu.memory_space<hbm>>) target_semaphore(%run_scoped3A : memref<!tpu.dma_semaphore, #tpu.memory_space<semaphore_mem>>)
        %dma_wait3A_1443 = arith.constant 0 : i32
        %dma_wait3A_1444 = tpu.memref_slice %arg12[%dma_wait3A_1443] : memref<290xf32, #tpu.memory_space<vmem>> -> memref<32xf32, #tpu.memory_space<vmem>>
        %dma_wait3A_1445 = tpu.memref_slice %arg4[%mul3A_1436] : memref<64xf32, #tpu.memory_space<hbm>> -> memref<32xf32, #tpu.memory_space<hbm>>
        %dma_wait3A_1446 = tpu.memref_slice %arg4[%mul3A_1436] : memref<64xf32, #tpu.memory_space<hbm>> -> memref<32xf32, #tpu.memory_space<hbm>>
        %dma_wait3A_1447 = arith.constant 0 : i32
        %dma_wait3A_1448 = tpu.memref_slice %arg12[%dma_wait3A_1447] : memref<290xf32, #tpu.memory_space<vmem>> -> memref<32xf32, #tpu.memory_space<vmem>>
        tpu.wait_dma2 semaphore(%run_scoped3A : memref<!tpu.dma_semaphore, #tpu.memory_space<semaphore_mem>>) src(%dma_wait3A_1448 : memref<32xf32, #tpu.memory_space<vmem>>) dst(%dma_wait3A_1446 : memref<32xf32, #tpu.memory_space<hbm>>)
        tpu.yield
      }) : () -> ()
      "tpu.region"() ({
        %run_scoped3A = tpu.sem_alloc : memref<!tpu.dma_semaphore, #tpu.memory_space<semaphore_mem>>
        %dma_start3A_1437 = arith.constant 32 : i32
        %dma_start3A_1438 = tpu.memref_slice %arg12[%dma_start3A_1437] : memref<290xf32, #tpu.memory_space<vmem>> -> memref<32xf32, #tpu.memory_space<vmem>>
        %dma_start3A_1439 = tpu.memref_slice %arg5[%mul3A_1436] : memref<64xf32, #tpu.memory_space<hbm>> -> memref<32xf32, #tpu.memory_space<hbm>>
        %dma_start3A_1440 = tpu.memref_slice %arg5[%mul3A_1436] : memref<64xf32, #tpu.memory_space<hbm>> -> memref<32xf32, #tpu.memory_space<hbm>>
        %dma_start3A_1441 = arith.constant 32 : i32
        %dma_start3A_1442 = tpu.memref_slice %arg12[%dma_start3A_1441] : memref<290xf32, #tpu.memory_space<vmem>> -> memref<32xf32, #tpu.memory_space<vmem>>
        tpu.enqueue_dma source(%dma_start3A_1442 : memref<32xf32, #tpu.memory_space<vmem>>) target(%dma_start3A_1440 : memref<32xf32, #tpu.memory_space<hbm>>) target_semaphore(%run_scoped3A : memref<!tpu.dma_semaphore, #tpu.memory_space<semaphore_mem>>)
        %dma_wait3A_1443 = arith.constant 32 : i32
        %dma_wait3A_1444 = tpu.memref_slice %arg12[%dma_wait3A_1443] : memref<290xf32, #tpu.memory_space<vmem>> -> memref<32xf32, #tpu.memory_space<vmem>>
        %dma_wait3A_1445 = tpu.memref_slice %arg5[%mul3A_1436] : memref<64xf32, #tpu.memory_space<hbm>> -> memref<32xf32, #tpu.memory_space<hbm>>
        %dma_wait3A_1446 = tpu.memref_slice %arg5[%mul3A_1436] : memref<64xf32, #tpu.memory_space<hbm>> -> memref<32xf32, #tpu.memory_space<hbm>>
        %dma_wait3A_1447 = arith.constant 32 : i32
        %dma_wait3A_1448 = tpu.memref_slice %arg12[%dma_wait3A_1447] : memref<290xf32, #tpu.memory_space<vmem>> -> memref<32xf32, #tpu.memory_space<vmem>>
        tpu.wait_dma2 semaphore(%run_scoped3A : memref<!tpu.dma_semaphore, #tpu.memory_space<semaphore_mem>>) src(%dma_wait3A_1448 : memref<32xf32, #tpu.memory_space<vmem>>) dst(%dma_wait3A_1446 : memref<32xf32, #tpu.memory_space<hbm>>)
        tpu.yield
      }) : () -> ()
    } else {
    }
    return
  }
}

</mosaic_0001>

<sc_bundles>
// kernel: kernel.3.cloned.1.call-start
scs
__scs_entry_jumppad:
0x0: {  	(pc) =	sbr.rel $0x88, $3  }
0x1: {  	(tag) =	ssettag $0x0;
	lr =	simm.s32 $0x1  }
0x2: {  	[smem:$0x3F9F] =	sst lr;
	_ =	strace $0xD0000000  }
0x3: {  	_ = 	snop  }
0x4: {  	_ = 	snop  }
0x5: {  	_ = 	snop  }
0x6: {  	_ = 	snop  }
0x7: {  	_ = 	snop  }
__scs_overlays_trampoline_lowered:
0x8: {  	[smem:$0x3FAE] =	sst s0  }
0x9: {  	[smem:$0x3FAF] =	sst s1  }
0xa: {  	[smem:$0x3FB0] =	sst s2  }
0xb: {  	[smem:$0x3FB1] =	sst s3  }
0xc: {  	[smem:$0x3FB2] =	sst s4  }
0xd: {  	[smem:$0x3FB3] =	sst s5  }
0xe: {  	[smem:$0x3FB4] =	sst s6  }
0xf: {  	[smem:$0x3FB5] =	sst s7  }
0x10: {  	[smem:$0x3FB6] =	sst s8  }
0x11: {  	[smem:$0x3FB7] =	sst s9;
	s0 =	simm.s32 @!p0 $0x0  }
0x12: {  	s1 =	sld [smem:$0x3F9D];
	s0 =	simm.s32 @p0 $0x1  }
0x13: {  	[smem:$0x3FB8] =	sst s0;
	s0 =	simm.s32 @!p1 $0x0  }
0x14: {  	s2 =	sld [smem:$0x3F9C];
	s0 =	simm.s32 @p1 $0x1  }
0x15: {  	[smem:$0x3FB9] =	sst s0;
	s0 =	simm.s32 @!p2 $0x0  }
0x16: {  	s3 =	sld [smem:$0x3FDB];
	s0 =	simm.s32 @p2 $0x1  }
0x17: {  	s4 =	simm.s32 $0x1BF5;
	[smem:$0x3FBB] =	sst s0  }
0x18: {  	s0 =	sld [smem:$0x3F9E];
	_ =	swait.ge [sflag:s4], $0x0  }
0x19: {  	s7 =	sld [smem:$0x3F9F]  }
0x1a: {  	s8 =	sadd.s32 $0xFFFFE003, lr  }
0x1b: {  	s9 =	sadd.s32 $0xFFFFFEF7, lr;
	s5 =	simm.s32 $0xFFFFFFFF;
	p2 =	slt.u32 s8, $0xFFFFF086  }
0x1c: {  	p1 =	slt.u32 s9, $0xF7A;
	s5 =	simm.s32 @!p2 $0x0  }
0x1d: {  	s5 =	simm.s32 @p1 $0x1;
	p0 =	seq.s32 s7, s2  }
0x1e: {  	s7 =	smul.u32 @!p0 $0xF7A, s2;
	p2 =	seq.s32 @!p0 s5, $0x0  }
0x1f: {  	s9 =	smul.u32 $0xF7A, s1;
	s8 =	simm.s32 @!p0 $0x1BF5;
	p2 =	por !p2, p0  }
0x20: {  	[sflag:s8] =	ssyncset.s32 @!p0 $0xFFFFF086;
	s6 =	sadd.s32 @!p0 s3, s7;
	s7 =	simm.s32 @!p0 $0x108  }
0x21: {  	s3 =	sadd.s32 s3, s9;
	s6 =	sadd.s32 @!p0 $0x88, s6;
	s7 =	simm.s32 @p2 $0x1082  }
0x22: {  	[simem:s7], [sflag:s8] =	dma.local @!p0 [hbm:s6], $0xF7A  }
0x23: {  	s9 =	sor.u32 $0xD0000000, s2;
	s6 =	simm.s32 $0x108;
	_ =	swait.ge @!p0 [sflag:s8], $0x0  }
0x24: {  	s3 =	sadd.s32 $0x88, s3;
	s6 =	simm.s32 @!p1 $0x1082;
	[sflag:s4] =	ssyncset.s32 $0xFFFFF086  }
0x25: {  	[simem:s6], [sflag:s4] =	dma.local [hbm:s3], $0xF7A  }
0x26: {  	[smem:$0x3F9F] =	sst s1;
	(tag) =	ssettag s2;
	_ =	strace s9  }
0x27: {  	s1 =	sld [smem:$0x3FAF]  }
0x28: {  	s2 =	sld [smem:$0x3FB0]  }
0x29: {  	s4 =	sld [smem:$0x3FB2]  }
0x2a: {  	p0 =	seq.s32 s5, $0x0;
	s5 =	sld [smem:$0x3FB3]  }
0x2b: {  	s6 =	sld [smem:$0x3FB4]  }
0x2c: {  	s7 =	sld [smem:$0x3FB5]  }
0x2d: {  	s3 =	simm.s32 $0x108;
	s8 =	sld [smem:$0x3FB6]  }
0x2e: {  	s3 =	simm.s32 @!p0 $0x1082;
	s9 =	sld [smem:$0x3FB7]  }
0x2f: {  	lr =	sadd.s32 s0, s3;
	s0 =	sld [smem:$0x3FAE]  }
0x30: {  	s3 =	sld [smem:$0x3FB1]  }
0x31: {  	[smem:$0x3FBA] =	sst s10  }
0x32: {  	s10 =	sld [smem:$0x3FB8];
	_ =	sdelay $0x3  }
0x33: {  	p0 =	seq.s32 s10, $0x1;
	s10 =	sld [smem:$0x3FBA];
	_ =	sdelay $0x3  }
0x34: {  	[smem:$0x3FBA] =	sst s10  }
0x35: {  	s10 =	sld [smem:$0x3FB9];
	_ =	sdelay $0x3  }
0x36: {  	p1 =	seq.s32 s10, $0x1;
	s10 =	sld [smem:$0x3FBA];
	_ =	sdelay $0x3  }
0x37: {  	[smem:$0x3FBA] =	sst s10  }
0x38: {  	s10 =	sld [smem:$0x3FBB]  }
0x39: {  	_ = 	snop;
	(pc) =	sbr.ind lr, $3  }
0x3a: {  	_ = 	snop  }
0x3b: {  	_ = 	snop  }
0x3c: {  	p2 =	seq.s32 s10, $0x1;
	s10 =	sld [smem:$0x3FBA]  }
0x3d: {  	_ =	shalt  }
0x3e: {  	_ =	shalt  }
0x3f: {  	_ =	shalt  }
0x40: {  	_ =	shalt  }
0x41: {  	_ =	shalt  }
0x42: {  	_ =	shalt  }
0x43: {  	_ =	shalt  }
0x44: {  	_ =	shalt  }
0x45: {  	_ =	shalt  }
0x46: {  	_ =	shalt  }
0x47: {  	_ =	shalt  }
0x48: {  	_ =	shalt  }
0x49: {  	_ =	shalt  }
0x4a: {  	_ =	shalt  }
0x4b: {  	_ =	shalt  }
0x4c: {  	_ =	shalt  }
0x4d: {  	_ =	shalt  }
0x4e: {  	_ =	shalt  }
0x4f: {  	_ =	shalt  }
0x50: {  	_ =	shalt  }
0x51: {  	_ =	shalt  }
0x52: {  	_ =	shalt  }
0x53: {  	_ =	shalt  }
0x54: {  	_ =	shalt  }
0x55: {  	_ =	shalt  }
0x56: {  	_ =	shalt  }
0x57: {  	_ =	shalt  }
0x58: {  	_ =	shalt  }
0x59: {  	_ =	shalt  }
0x5a: {  	_ =	shalt  }
0x5b: {  	_ =	shalt  }
0x5c: {  	_ =	shalt  }
0x5d: {  	_ =	shalt  }
0x5e: {  	_ =	shalt  }
0x5f: {  	_ =	shalt  }
0x60: {  	_ =	shalt  }
0x61: {  	_ =	shalt  }
0x62: {  	_ =	shalt  }
0x63: {  	_ =	shalt  }
0x64: {  	_ =	shalt  }
0x65: {  	_ =	shalt  }
0x66: {  	_ =	shalt  }
0x67: {  	_ =	shalt  }
0x68: {  	_ =	shalt  }
0x69: {  	_ =	shalt  }
0x6a: {  	_ =	shalt  }
0x6b: {  	_ =	shalt  }
0x6c: {  	_ =	shalt  }
0x6d: {  	_ =	shalt  }
0x6e: {  	_ =	shalt  }
0x6f: {  	_ =	shalt  }
0x70: {  	_ =	shalt  }
0x71: {  	_ =	shalt  }
0x72: {  	_ =	shalt  }
0x73: {  	_ =	shalt  }
0x74: {  	_ =	shalt  }
0x75: {  	_ =	shalt  }
0x76: {  	_ =	shalt  }
0x77: {  	_ =	shalt  }
0x78: {  	_ =	shalt  }
0x79: {  	_ =	shalt  }
0x7a: {  	_ =	shalt  }
0x7b: {  	_ =	shalt  }
0x7c: {  	_ =	shalt  }
0x7d: {  	_ =	shalt  }
0x7e: {  	_ =	shalt  }
0x7f: {  	_ =	shalt  }
0x80: {  	_ =	shalt  }
0x81: {  	_ =	shalt  }
0x82: {  	_ =	shalt  }
0x83: {  	_ =	shalt  }
0x84: {  	_ =	shalt  }
0x85: {  	_ =	shalt  }
0x86: {  	_ =	shalt  }
0x87: {  	_ =	shalt  }
.Lfunc_end0:
.L_simem_size_0:
called_computation_lowered:
.L_overlay_start_0:
0x88: {  	s2 =	sld [smem:$0x3FD9]  }
0x89: {  	s3 =	sld [smem:$0x3FFE];
	_ =	sdelay $0x1  }
0x8a: {  	s1 =	srdreg.scid  }
0x8b: {  	s0 =	sand.u32 $0x1, s1  }
0x8c: {  	s15 =	sshll.u32 s0, $0xA;
	s2 =	sadd.s32 s3, s2  }
0x8d: {  	s2 =	sadd.s32 s2, s15  }
0x8e: {  	[smem:$0x3FC6] =	sst s2  }
0x8f: {  	_ = 	snop  }
0x90: {  	s2 =	sld [smem:$0x3FD0];
	_ =	sdelay $0x1  }
0x91: {  	s16 =	sld [smem:$0x3FC9]  }
0x92: {  	s5 =	simm.s32 $0xA;
	s6 =	simm.s32 $0x10;
	s4 =	sld [smem:$0x3FC8]  }
0x93: {  	[smem:s6], [sflag:s5] =	dma.local [hbm:s2], $0x1  }
0x94: {  	_ =	swait.eq [sflag:s5], $0x1  }
0x95: {  	[sflag:s5] =	ssyncset.done $0x0  }
0x96: {  	s17 =	sld [smem:$0x10];
	[sflag:s5] =	ssyncadd.s32 $0xFFFFFFFF  }
0x97: {  	s18 =	sld [smem:$0x11];
	(tm) =	ssettm $0x1  }
0x98: {  	s19 =	sld [smem:$0x3FFB];
	_ =	sdelay $0x3  }
0x99: {  	_ =	strace s19  }
0x9a: {  	s6 =	sld [smem:$0x3FFC];
	_ =	sdelay $0x3  }
0x9b: {  	_ =	strace s6  }
0x9c: {  	s6 =	sld [smem:$0x3FFD];
	_ =	sdelay $0x3  }
0x9d: {  	_ =	strace s6  }
0x9e: {  	_ =	strace $0x8FFFFFFF  }
0x9f: {  	s20 =	sld [smem:$0x3FDB];
	_ =	sdelay $0x1  }
0xa0: {  	s7 =	simm.s32 $_scs_section_size  }
0xa1: {  	s8 =	simm.s32 $_size__tile_overlayer_lowered;
	s9 =	simm.s32 $_tile_overlayer_lowered  }
0xa2: {  	s23 =	simm.s32 $0x1BFF;
	s22 =	sshll.u32 s9, $0x1;
	s6 =	sadd.s32 s7, s20  }
0xa3: {  	s10 =	simm.s32 $0x0;
	s21 =	sshll.u32 s8, $0x1;
	s8 =	sadd.s32 s22, s6  }
0xa4: {  	[timem:s10], [sflag:s23] =	dma.local [hbm:s8], s21  }
0xa5: {  	_ =	swait.ge [sflag:s23], s21  }
0xa6: {  	s7 =	ssub.s32 $0x0, s21;
	[sflag:s23] =	ssyncset.done $0x0  }
0xa7: {  	[sflag:s23] =	ssyncadd.s32 s7;
	_ =	sdelay $0x1  }
0xa8: {  	s24 =	simm.s32 $0x1B8B  }
0xa9: {  	_ =	swait.ge [sflag:s24], $0x1  }
0xaa: {  	[sflag:s24] =	ssyncset.done $0x0  }
0xab: {  	s25 =	simm.s32 $0x1B8E;
	[sflag:s24] =	ssyncadd.s32 $0xFFFFFFFF  }
0xac: {  	s26 =	simm.s32 $execute0_lowered;
	[smem:$0x3FD2] =	sst s25  }
0xad: {  	s7 =	sshll.u32 s26, $0x1;
	_ =	strace $0x80000046;
	[dreg:$0x1] =	wrdreg $0xFFFFFFFF  }
0xae: {  	s28 =	simm.s32 $_size_execute0_lowered;
	s6 =	sadd.s32 s6, s7;
	[dreg:$0x0] =	wrdreg $0x0  }
0xaf: {  	s7 =	sshll.u32 s28, $0x1;
	[dreg:$0x2] =	wrdreg s6  }
0xb0: {  	[dreg:$0x3] =	wrdreg s7  }
0xb1: {  	[dreg:$0x4] =	wrdreg $0xC0  }
0xb2: {  	_ =	task [dreg:s10], $0x5FFFF  }
0xb3: {  	[dreg:$0x1] =	wrdreg $0xFFFFFFFF  }
0xb4: {  	[dreg:$0x0] =	wrdreg $0x60  }
0xb5: {  	[dreg:$0x2] =	wrdreg s16  }
0xb6: {  	[dreg:$0x3] =	wrdreg s4  }
0xb7: {  	[dreg:$0x4] =	wrdreg s17  }
0xb8: {  	[dreg:$0x5] =	wrdreg s18  }
0xb9: {  	[dreg:$0x6] =	wrdreg $0x82800  }
0xba: {  	[dreg:$0x7] =	wrdreg $0x9  }
0xbb: {  	_ =	task.clear_ibuf [dreg:s10], $0x8FFFF;
	_ =	strace $0x90000046  }
0xbc: {  	s29 =	simm.s32 $0x9;
	_ =	strace $0x80000048  }
0xbd: {  	_ =	swait.ge [sflag:s29], $0x1  }
0xbe: {  	[sflag:s29] =	ssyncadd.s32 $0xFFFFFFFF  }
0xbf: {  	_ =	strace $0x90000048  }
0xc0: {  	_ =	sfence  }
0xc1: {  	s30 =	sld [smem:$0x0];
	_ =	sdelay $0x2  }
0xc2: {  	s31 =	sshll.u32 s1, $0xD;
	s1 =	sshrl.u32 s1, $0x2  }
0xc3: {  	s3 =	sand.u32 $0x4000, s31;
	s1 =	sadd.s32 s1, s30  }
0xc4: {  	s0 =	sor.u32 s3, s0;
	s1 =	sshll.u32 s1, $0x11  }
0xc5: {  	s0 =	sor.u32 s1, s0  }
0xc6: {  	s0 =	sadd.s32 $0x8F2B, s0  }
0xc7: {  	[sflag:s0] =	ssyncadd.remote.s32 $0x1  }
0xc8: {  	_ =	sfence.sel $0xFFFF  }
0xc9: {  	[dreg:$0x0] =	wrdreg $0xFFFFFFFF;
	(pc) =	sbr.abs _section_cstart, $3  }
0xca: {  	[dreg:$0x1] =	wrdreg $0xFFFFFFFF  }
0xcb: {  	_ =	task.clear_ibuf [dreg:s10], $0x2FFFF;
	_ =	strace $0x9FFFFFFF  }
0xcc: {  	(tm) =	ssettm $0x7FFFFFFF  }
0xcd: {  	_ =	shalt  }
tec
execute0_lowered:
.L_overlay_start_1:
0x0: {  	(tag) =	ssettag $0x1  }
0x1: {  	s0 =	rddreg [dreg:$0x0]  }
0x2: {  	s1 =	rddreg [dreg:$0x1]  }
0x3: {  	s20 =	rddreg [dreg:$0x2]  }
0x4: {  	s2 =	srdreg.scid;
	s21 =	rddreg [dreg:$0x3]  }
0x5: {  	s25 =	stileid.u32;
	s19 =	rddreg [dreg:$0x4];
	s29 =	simm.s32 $0x3  }
0x6: {  	s28 =	simm.s32 $0x5;
	s30 =	simm.s32 $0x0;
	s22 =	sand.u32 $0x1, s2  }
0x7: {  	s3 =	sshll.u32 s25, $0xE;
	s18 =	sshll.u32 s25, $0x8;
	s24 =	sshll.u32 s25, $0x4  }
0x8: {  	p0 =	sne.s32 s25, $0x0;
	s25 =	simm.s32 $0x2;
	s2 =	sshll.u32 s22, $0x12  }
0x9: {  	s7 =	sand.u32 $0x300, s18;
	s23 =	ssub.s32 $0x2, s22;
	s19 =	sadd.s32 s24, s19  }
0xa: {  	s26 =	sshll.u32 s22, $0x2;
	s24 =	simm.s32 $0x400;
	s13 =	sor.u32 s3, s2  }
0xb: {  	s2 =	simm.s32 $0x0;
	s5 =	sshrl.u32 s23, $0x1;
	s14 =	sor.u32 $0x80, s7  }
0xc: {  	s31 =	sadd.s32 s20, s26;
	s8 =	sand.u32 $0x70000, s13;
	[smem:$0x7FF] =	sst s2  }
0xd: {  	s23 =	ssub.s32 s23, s5;
	s10 =	sor.u32 s7, s13;
	s4 =	sor.u32 s7, s8  }
0xe: {  	_ =	strace $0x80000047;
	s10 =	sshrl.u32 s10, $0x3;
	s11 =	sor.u32 s14, s8  }
0xf: {  	s14 =	sor.u32 s13, s14;
	[dreg:$0x6] =	wrdreg s31;
	s22 =	smax.u32 s23, $0x1  }
0x10: {  	s23 =	simm.s32 $0x80;
	s9 =	sshrl.u32 s4, $0x3;
	s10 =	sor.u32 $0x1800, s10  }
0x11: {  	s15 =	sshrl.u32 s11, $0x3;
	s18 =	sshrl.u32 s14, $0x3;
	s3 =	sadd.s32 s0, s9  }
0x12: {  	s6 =	sor.u32 $0x800, s9;
	s4 =	sadd.s32 s1, s9;
	s9 =	sor.u32 $0x1000, s9  }
0x13: {  	s11 =	sadd.s32 s0, s15;
	s12 =	sadd.s32 s1, s15;
	s16 =	sor.u32 $0x800, s15  }
0x14: {  	s17 =	sor.u32 $0x1000, s15;
	s18 =	sor.u32 $0x1800, s18;
	s5 =	sadd.s32 s0, s6  }
0x15: {  	s6 =	sadd.s32 s1, s6;
	s7 =	sadd.s32 s0, s9;
	s8 =	sadd.s32 s1, s9  }
.Ltmp0:
0x16: {  	s9 =	sadd.s32 s0, s10;
	s10 =	sadd.s32 s1, s10;
	(pc) =	sbr.rel .LBB2_1-.Ltmp0, $4  }
0x17: {  	s13 =	sadd.s32 s0, s16;
	s14 =	sadd.s32 s1, s16;
	s15 =	sadd.s32 s0, s17  }
0x18: {  	s16 =	sadd.s32 s1, s17;
	s17 =	sadd.s32 s0, s18;
	s18 =	sadd.s32 s1, s18  }
0x19: {  	s0 =	sadd.s32 s21, s26;
	s1 =	simm.s32 $0x1;
	s21 =	simm.s32 $0x7800  }
0x1a: {  	vm2 =	vcmask $0xB10;
	s26 =	simm.s32 $0x8080;
	[dreg:$0x7] =	wrdreg s0;
	s0 =	simm.s32 $0x4  }
.LBB2_19:
0x1b: {  	s30 =	sadd.s32 $0x1, s30  }
0x1c: {  	p1 =	sne.s32 s30, s22  }
.Ltmp1:
0x1d: {  	_ = 	snop;
	(pc) =	sbr.rel @!p1 .LBB2_20-.Ltmp1, $1  }
0x1e: {  	_ =	sdelay $0x3  }
.LBB2_1:
0x1f: {  	[tilespmem:s2], [sflag:$0x1] =	stream.strided.gather [hbm4b:s3+s23], $0x800, s24, s23, $0x38;
	[tilespmem:$0x8290] =	vst v63  }
0x20: {  	s20 =	simm.s32 $0x2000  }
0x21: {  	[tilespmem:s20], [sflag:$0x1] =	stream.strided.gather [hbm4b:s4+s23], $0x800, s24, s23, $0x38;
	[tilespmem:$0x8290] =	vst v63  }
0x22: {  	s20 =	simm.s32 $0x800  }
0x23: {  	[tilespmem:s20], [sflag:$0x2] =	stream.strided.gather [hbm4b:s5+s23], $0x800, s24, s23, $0x38;
	[tilespmem:$0x8290] =	vst v63  }
0x24: {  	s20 =	simm.s32 $0x2800  }
0x25: {  	[tilespmem:s20], [sflag:$0x2] =	stream.strided.gather [hbm4b:s6+s23], $0x800, s24, s23, $0x38;
	[tilespmem:$0x8290] =	vst v63  }
0x26: {  	s20 =	simm.s32 $0x1000  }
0x27: {  	[tilespmem:s20], [sflag:$0x3] =	stream.strided.gather [hbm4b:s7+s23], $0x800, s24, s23, $0x38;
	[tilespmem:$0x8290] =	vst v63  }
0x28: {  	s20 =	simm.s32 $0x3000  }
0x29: {  	[tilespmem:s20], [sflag:$0x3] =	stream.strided.gather [hbm4b:s8+s23], $0x800, s24, s23, $0x38;
	[tilespmem:$0x8290] =	vst v63  }
0x2a: {  	s20 =	simm.s32 $0x1800  }
0x2b: {  	[tilespmem:s20], [sflag:$0x4] =	stream.strided.gather [hbm4b:s9+s23], $0x800, s24, s23, $0x38;
	[tilespmem:$0x8290] =	vst v63  }
0x2c: {  	s20 =	simm.s32 $0x3800  }
0x2d: {  	[tilespmem:s20], [sflag:$0x4] =	stream.strided.gather [hbm4b:s10+s23], $0x800, s24, s23, $0x38;
	[tilespmem:$0x8290] =	vst v63  }
0x2e: {  	_ =	swait.ge [sflag:s1], $0x800  }
0x2f: {  	[sflag:s1] =	ssyncset.done $0x0  }
0x30: {  	[sflag:s1] =	ssyncadd.s32 $0xFFFFF800  }
0x31: {  	_ =	swait.ge [sflag:s1], $0x800  }
0x32: {  	[sflag:s1] =	ssyncset.done $0x0  }
0x33: {  	s20 =	simm.s32 $0x4000;
	[sflag:s1] =	ssyncadd.s32 $0xFFFFF800  }
0x34: {  	[tilespmem:s20], [sflag:$0x1] =	stream.strided.gather [hbm4b:s11+s23], $0x800, s24, s23, $0x38;
	[tilespmem:$0x8290] =	vst v63  }
0x35: {  	s20 =	simm.s32 $0x6000  }
0x36: {  	[tilespmem:s20], [sflag:$0x1] =	stream.strided.gather [hbm4b:s12+s23], $0x800, s24, s23, $0x38;
	[tilespmem:$0x8290] =	vst v63  }
0x37: {  	s20 =	simm.s32 $0x0  }
0x38: {  	v8 =	vld [tilespmem:s20+$0x2040]  }
0x39: {  	v9 =	vld [tilespmem:s20+$0x40]  }
0x3a: {  	v0 =	vld [tilespmem:s20+$0x70]  }
0x3b: {  	v7 =	vld [tilespmem:s20+$0x2070]  }
0x3c: {  	v5 =	vld [tilespmem:s20+$0x60]  }
0x3d: {  	v24 =	vld [tilespmem:s20+$0x30]  }
0x3e: {  	v2 =	vld [tilespmem:s20+$0x2010]  }
0x3f: {  	v1 =	vld [tilespmem:s20+$0x0]  }
0x40: {  	v12 =	vld [tilespmem:s20+$0x10]  }
0x41: {  	v11 =	vld [tilespmem:s20+$0x2060]  }
0x42: {  	v10 =	vld [tilespmem:s20+$0x2000]  }
0x43: {  	v14 =	vld [tilespmem:s20+$0x2020]  }
0x44: {  	v4 =	vimm.f32 $+Inf;
	v18 =	vld [tilespmem:s20+$0x2030];
	v19 =	vmul.f32 $6.999999880e-01, v9  }
0x45: {  	v3 =	vimm.f32 $0.0e+00;
	v15 =	vld [tilespmem:s20+$0x20];
	v16 =	vmul.f32 $3.000000120e-01, v7;
	v17 =	vmul.f32 $6.999999880e-01, v5  }
0x46: {  	v6 =	vld [tilespmem:s20+$0x2050];
	v21 =	vmul.f32 $3.000000120e-01, v2;
	v20 =	vmul.f32 $6.999999880e-01, v0;
	v22 =	vadd.f32 v8, v9  }
0x47: {  	v13 =	vld [tilespmem:s20+$0x50];
	v23 =	vmul.f32 $6.999999880e-01, v12;
	v25 =	vadd.f32 v7, v0;
	v27 =	vmul.f32 $6.999999880e-01, v24  }
0x48: {  	v29 =	vmul.f32 $3.000000120e-01, v11;
	v30 =	vadd.f32 v11, v5;
	v26 =	vmul.f32 $6.999999880e-01, v1  }
0x49: {  	v31 =	vadd.f32 v2, v12;
	v28 =	vmul.f32 $3.000000120e-01, v10;
	v32 =	vadd.f32 v18, v24  }
0x4a: {  	v33 =	vmul.f32 $6.999999880e-01, v15;
	v34 =	vadd.f32 v14, v15;
	v37 =	vadd.f32 v10, v1  }
0x4b: {  	v36 =	vmul.f32 $3.000000120e-01, v18;
	v16 =	vadd.f32 v16, v20;
	v35 =	vadd.f32 v28, v26  }
0x4c: {  	v26 =	vadd.f32 v6, v13;
	v28 =	vadd.f32 v21, v23;
	v21 =	vmul.f32 $3.000000120e-01, v8  }
0x4d: {  	v17 =	vadd.f32 v29, v17;
	v29 =	vmul.f32 $3.000000120e-01, v6;
	v27 =	vadd.f32 v36, v27  }
0x4e: {  	v36 =	vimm.f32 $0.0e+00;
	v20 =	vsub.f32 v25, v16;
	v25 =	vmul.f32 $3.000000120e-01, v14  }
0x4f: {  	v23 =	vadd.f32 v21, v19;
	v63 =	vsub.f32 v37, v35;
	vm3 =	vlt.f32 v28, v4  }
0x50: {  	v32 =	vsub.f32 v32, v27;
	v19 =	vsub.f32 v30, v17;
	vm5 =	veq.f32 v27, v4  }
0x51: {  	vm6 =	veq.f32 v35, v4;
	vm8 =	vlt.f32 v27, v4;
	v40 =	vsub.f32 v31, v28  }
0x52: {  	vm10 =	vlt.f32 v35, v4;
	v30 =	vimm.f32 $0.0e+00;
	v31 =	vimm.f32 $0.0e+00  }
0x53: {  	v25 =	vadd.f32 v25, v33;
	v33 =	vmul.f32 $6.999999880e-01, v13;
	vm9 =	vlt.f32 v63, v4  }
0x54: {  	v22 =	vsub.f32 v22, v23;
	vm13 =	vlt.f32 v40, v4;
	vm6 =	vmand vm6, vm9  }
0x55: {  	v21 =	vsub.f32 v34, v25;
	vm0 =	veq.f32 v25, v4;
	vm14 =	vmor vm10, vm6  }
0x56: {  	vm7 =	vlt.f32 v25, v4;
	v34 =	vimm.f32 $0.0e+00;
	v41 =	vsel vm14, v35, v4  }
0x57: {  	v37 =	vsel vm14, v63, v4;
	v35 =	vimm.f32 $0.0e+00;
	vm4 =	vlt.f32 v21, v4  }
0x58: {  	vm9 =	veq.f32 v23, v41;
	vm0 =	vmand vm0, vm4;
	vm4 =	vlt.f32 v32, v4  }
0x59: {  	vm10 =	vlt.f32 v22, v37;
	vm5 =	vmand vm5, vm4;
	vm4 =	vmor vm7, vm0  }
0x5a: {  	vm7 =	veq.f32 v28, v4;
	vm8 =	vmor vm8, vm5;
	v25 =	vsel vm4, v25, v4  }
0x5b: {  	v21 =	vsel vm4, v21, v4;
	v39 =	vsel vm8, v27, v4;
	v38 =	vsel vm8, v32, v4  }
0x5c: {  	v32 =	vsel vm8, v24, v3;
	vm6 =	vlt.f32 v19, v21;
	v24 =	vimm.f32 $+Inf  }
0x5d: {  	v27 =	vimm.f32 $0.0e+00;
	vm0 =	veq.f32 v16, v39;
	vm5 =	vlt.f32 v20, v38  }
0x5e: {  	s31 =	simm.s32 $0x200;
	vm15 =	vlt.f32 v16, v39;
	vm12 =	vmand vm0, vm5;
	vm5 =	veq.f32 v17, v25  }
.LBB2_2:
0x5f: {  	s20 =	sshra.s32 s31, $0x2;
	p1 =	sne.s32 s31, $0x1E00;
	s31 =	sadd.s32 $0x200, s31;
	vm0 =	vlt.f32 v23, v41;
	vm11 =	vlt.f32 v17, v25;
	vm12 =	vmor vm15, vm12  }
0x60: {  	v3 =	vsel vm14, v1, v3;
	v10 =	vsel vm14, v10, v30;
	v18 =	vsel vm8, v18, v34;
	v42 =	vld [tilespmem:s20+$0x2040]  }
0x61: {  	vm7 =	vmand vm7, vm13;
	v35 =	vsel vm4, v14, v35;
	v32 =	vsel vm12, v0, v32;
	v30 =	vld [tilespmem:s20+$0x40]  }
0x62: {  	v36 =	vsel vm4, v15, v36;
	v14 =	vadd.f32 v29, v33;
	vm3 =	vmor vm3, vm7;
	v0 =	vld [tilespmem:s20+$0x70]  }
0x63: {  	v39 =	vsel vm12, v16, v39;
	v4 =	vsel vm3, v28, v4;
	v28 =	vsel vm3, v2, v31;
	v29 =	vld [tilespmem:s20+$0x2050]  }
0x64: {  	v38 =	vsel vm12, v20, v38;
	v16 =	vsub.f32 v26, v14;
	vm4 =	veq.f32 v14, v4;
	v15 =	vld [tilespmem:s20+$0x2070]  }
0x65: {  	v24 =	vsel vm3, v40, v24;
	v26 =	vsel vm3, v12, v27;
	vm3 =	vmand vm9, vm10;
	v20 =	vld [tilespmem:s20+$0x60]  }
0x66: {  	vm0 =	vmor vm0, vm3;
	vm3 =	vlt.f32 v16, v24;
	v43 =	vld [tilespmem:s20+$0x30]  }
0x67: {  	v41 =	vsel vm0, v23, v41;
	vm3 =	vmand vm4, vm3;
	vm4 =	vmand vm5, vm6;
	v2 =	vld [tilespmem:s20+$0x2010]  }
0x68: {  	v3 =	vsel vm0, v9, v3;
	vm5 =	vlt.f32 v14, v4;
	v23 =	vmul.f32 $6.999999880e-01, v30;
	v9 =	vmovc v30;
	v1 =	vld [tilespmem:s20+$0x0]  }
0x69: {  	vm3 =	vmor vm5, vm3;
	v30 =	vsel vm0, v8, v10;
	v8 =	vmovc v42;
	v12 =	vld [tilespmem:s20+$0x10];
	v33 =	vmul.f32 $3.000000120e-01, v15  }
0x6a: {  	v37 =	vsel vm0, v22, v37;
	v4 =	vsel vm3, v14, v4;
	v24 =	vsel vm3, v16, v24;
	v40 =	vld [tilespmem:s20+$0x2060]  }
0x6b: {  	v34 =	vsel vm12, v7, v18;
	vm0 =	vmor vm11, vm4;
	v7 =	vmovc v15;
	v22 =	vmul.f32 $6.999999880e-01, v20;
	v10 =	vld [tilespmem:s20+$0x2000]  }
0x6c: {  	v16 =	vmul.f32 $6.999999880e-01, v0;
	v35 =	vsel vm0, v11, v35;
	v42 =	vmul.f32 $3.000000120e-01, v2;
	v14 =	vld [tilespmem:s20+$0x2020]  }
0x6d: {  	v27 =	vsel vm3, v13, v26;
	v44 =	vadd.f32 v8, v9;
	v25 =	vsel vm0, v17, v25;
	v18 =	vld [tilespmem:s20+$0x2030]  }
0x6e: {  	v31 =	vsel vm3, v6, v28;
	v6 =	vmovc v29;
	v26 =	vadd.f32 v7, v0;
	v17 =	vmul.f32 $6.999999880e-01, v12;
	v15 =	vld [tilespmem:s20+$0x20]  }
0x6f: {  	v36 =	vsel vm0, v5, v36;
	v5 =	vmovc v20;
	v45 =	vmul.f32 $6.999999880e-01, v43;
	v16 =	vadd.f32 v33, v16;
	v13 =	vld [tilespmem:s20+$0x50];
	v11 =	vmovc v40  }
0x70: {  	v21 =	vsel vm0, v19, v21;
	v33 =	vmul.f32 $3.000000120e-01, v11;
	v40 =	vadd.f32 v11, v5  }
0x71: {  	v19 =	vmul.f32 $6.999999880e-01, v1;
	v20 =	vsub.f32 v26, v16;
	v46 =	vadd.f32 v2, v12  }
0x72: {  	v26 =	vmul.f32 $3.000000120e-01, v10;
	v47 =	vmul.f32 $3.000000120e-01, v14;
	v48 =	vadd.f32 v18, v43  }
0x73: {  	v51 =	vmul.f32 $3.000000120e-01, v18;
	v49 =	vmul.f32 $6.999999880e-01, v15;
	v50 =	vadd.f32 v14, v15  }
0x74: {  	v29 =	vmul.f32 $3.000000120e-01, v6;
	v52 =	vadd.f32 v26, v19;
	v26 =	vadd.f32 v6, v13  }
0x75: {  	v28 =	vadd.f32 v42, v17;
	v19 =	vmul.f32 $3.000000120e-01, v8;
	v17 =	vadd.f32 v33, v22  }
0x76: {  	v22 =	vadd.f32 v10, v1;
	v42 =	vadd.f32 v47, v49  }
0x77: {  	v45 =	vadd.f32 v51, v45;
	v23 =	vadd.f32 v19, v23;
	v33 =	vmul.f32 $6.999999880e-01, v13  }
0x78: {  	vm3 =	vlt.f32 v28, v4;
	v47 =	vsub.f32 v22, v52;
	v49 =	vsub.f32 v50, v42  }
0x79: {  	v19 =	vsub.f32 v40, v17;
	v48 =	vsub.f32 v48, v45;
	vm0 =	veq.f32 v42, v25  }
0x7a: {  	vm5 =	veq.f32 v45, v39;
	v22 =	vsub.f32 v44, v23;
	vm4 =	vlt.f32 v49, v21  }
0x7b: {  	vm6 =	veq.f32 v52, v41;
	vm0 =	vmand vm0, vm4;
	vm4 =	vlt.f32 v48, v38  }
0x7c: {  	vm9 =	vlt.f32 v45, v39;
	vm8 =	vlt.f32 v42, v25;
	vm5 =	vmand vm5, vm4  }
0x7d: {  	vm7 =	veq.f32 v28, v4;
	vm4 =	vmor vm8, vm0;
	vm8 =	vmor vm9, vm5  }
0x7e: {  	v25 =	vsel vm4, v42, v25;
	v39 =	vsel vm8, v45, v39;
	v38 =	vsel vm8, v48, v38  }
0x7f: {  	v21 =	vsel vm4, v49, v21;
	vm0 =	veq.f32 v16, v39;
	vm5 =	vlt.f32 v20, v38  }
.Ltmp2:
0x80: {  	v40 =	vsub.f32 v46, v28;
	vm9 =	vlt.f32 v47, v37;
	vm12 =	vmand vm0, vm5;
	(pc) =	sbr.rel @p1 .LBB2_2-.Ltmp2, $4  }
0x81: {  	v32 =	vsel vm8, v43, v32;
	vm0 =	vlt.f32 v52, v41;
	vm5 =	vmand vm6, vm9  }
0x82: {  	vm13 =	vlt.f32 v40, v24;
	vm15 =	vlt.f32 v16, v39;
	vm14 =	vmor vm0, vm5  }
0x83: {  	vm5 =	veq.f32 v17, v25;
	v41 =	vsel vm14, v52, v41;
	v37 =	vsel vm14, v47, v37  }
0x84: {  	vm6 =	vlt.f32 v19, v21;
	vm9 =	veq.f32 v23, v41;
	vm10 =	vlt.f32 v22, v37  }
0x85: {  	_ =	swait.ge [sflag:s25], $0x800  }
0x86: {  	[sflag:s25] =	ssyncset.done $0x0  }
0x87: {  	[sflag:s25] =	ssyncadd.s32 $0xFFFFF800  }
0x88: {  	_ =	swait.ge [sflag:s25], $0x800  }
0x89: {  	[sflag:s25] =	ssyncset.done $0x0  }
0x8a: {  	s20 =	simm.s32 $0x4800;
	[sflag:s25] =	ssyncadd.s32 $0xFFFFF800  }
0x8b: {  	[tilespmem:s20], [sflag:$0x2] =	stream.strided.gather [hbm4b:s13+s23], $0x800, s24, s23, $0x38;
	[tilespmem:$0x8290] =	vst v63  }
0x8c: {  	s20 =	simm.s32 $0x6800  }
0x8d: {  	[tilespmem:s20], [sflag:$0x2] =	stream.strided.gather [hbm4b:s14+s23], $0x800, s24, s23, $0x38;
	[tilespmem:$0x8290] =	vst v63  }
0x8e: {  	s20 =	simm.s32 $0x0  }
0x8f: {  	v42 =	vsel vm14, v1, v3;
	v1 =	vld [tilespmem:s20+$0x2840]  }
0x90: {  	vm1 =	vlt.f32 v23, v41;
	vm0 =	vlt.f32 v17, v25;
	vm11 =	vmor vm15, vm12;
	v3 =	vld [tilespmem:s20+$0x840]  }
0x91: {  	v30 =	vsel vm14, v10, v30;
	v34 =	vsel vm8, v18, v34;
	vm7 =	vmand vm7, vm13;
	v10 =	vld [tilespmem:s20+$0x870]  }
0x92: {  	v35 =	vsel vm4, v14, v35;
	vm3 =	vmor vm3, vm7;
	v43 =	vsel vm11, v0, v32;
	v0 =	vld [tilespmem:s20+$0x2850]  }
0x93: {  	v18 =	vadd.f32 v29, v33;
	v29 =	vsel vm4, v15, v36;
	v28 =	vsel vm3, v28, v4;
	v4 =	vld [tilespmem:s20+$0x2870]  }
0x94: {  	v39 =	vsel vm11, v16, v39;
	vm7 =	vmand vm9, vm10;
	v31 =	vsel vm3, v2, v31;
	v2 =	vld [tilespmem:s20+$0x860]  }
0x95: {  	v38 =	vsel vm11, v20, v38;
	v16 =	vsub.f32 v26, v18;
	v24 =	vsel vm3, v40, v24;
	v44 =	vld [tilespmem:s20+$0x830]  }
0x96: {  	vm1 =	vmor vm1, vm7;
	v26 =	vsel vm3, v12, v27;
	vm4 =	veq.f32 v18, v28;
	v15 =	vld [tilespmem:s20+$0x2810]  }
0x97: {  	v55 =	vsel vm1, v23, v41;
	v20 =	vsel vm1, v9, v42;
	vm7 =	vlt.f32 v16, v24;
	v9 =	vld [tilespmem:s20+$0x800]  }
0x98: {  	vm3 =	vmand vm4, vm7;
	vm4 =	vmand vm5, vm6;
	vm5 =	vlt.f32 v18, v28;
	v14 =	vld [tilespmem:s20+$0x810]  }
0x99: {  	v8 =	vsel vm1, v8, v30;
	v37 =	vsel vm1, v22, v37;
	vm3 =	vmor vm5, vm3;
	v12 =	vld [tilespmem:s20+$0x2860]  }
0x9a: {  	v22 =	vsel vm11, v7, v34;
	vm0 =	vmor vm0, vm4;
	v16 =	vsel vm3, v16, v24;
	v24 =	vld [tilespmem:s20+$0x2800]  }
0x9b: {  	v18 =	vsel vm3, v18, v28;
	v23 =	vsel vm0, v11, v35;
	v27 =	vsel vm0, v17, v25;
	v17 =	vld [tilespmem:s20+$0x2820]  }
0x9c: {  	v13 =	vsel vm3, v13, v26;
	v7 =	vsel vm3, v6, v31;
	v28 =	vld [tilespmem:s20+$0x2830];
	v6 =	vmul.f32 $6.999999880e-01, v3  }
0x9d: {  	v25 =	vsel vm0, v5, v29;
	v5 =	vld [tilespmem:s20+$0x820];
	v26 =	vmul.f32 $3.000000120e-01, v4;
	v30 =	vmul.f32 $6.999999880e-01, v2  }
0x9e: {  	v56 =	vsel vm0, v19, v21;
	v11 =	vld [tilespmem:s20+$0x850];
	v19 =	vmul.f32 $3.000000120e-01, v15;
	v21 =	vmul.f32 $6.999999880e-01, v10  }
0x9f: {  	v31 =	vadd.f32 v1, v3;
	v57 =	vmul.f32 $6.999999880e-01, v14;
	v29 =	vadd.f32 v4, v10  }
0xa0: {  	v58 =	vmul.f32 $6.999999880e-01, v44;
	v59 =	vadd.f32 v12, v2;
	v60 =	vmul.f32 $6.999999880e-01, v9  }
0xa1: {  	v45 =	vadd.f32 v15, v14;
	v61 =	vmul.f32 $3.000000120e-01, v24;
	v46 =	vmul.f32 $3.000000120e-01, v17  }
0xa2: {  	v47 =	vadd.f32 v28, v44;
	v49 =	vadd.f32 v17, v5;
	v50 =	vmul.f32 $3.000000120e-01, v28  }
0xa3: {  	v33 =	vadd.f32 v0, v11;
	v62 =	vmul.f32 $3.000000120e-01, v1;
	v26 =	vadd.f32 v26, v21  }
0xa4: {  	v21 =	vmul.f32 $3.000000120e-01, v12;
	v51 =	vadd.f32 v61, v60;
	v34 =	vadd.f32 v19, v57  }
0xa5: {  	v48 =	vmul.f32 $6.999999880e-01, v5;
	v63 =	vadd.f32 v50, v58;
	v32 =	vadd.f32 v62, v6  }
0xa6: {  	v35 =	vmul.f32 $3.000000120e-01, v0;
	v29 =	vsub.f32 v29, v26;
	v19 =	vadd.f32 v21, v30  }
0xa7: {  	v36 =	vmul.f32 $6.999999880e-01, v11;
	v21 =	vadd.f32 v24, v9;
	v30 =	vadd.f32 v46, v48  }
0xa8: {  	vm3 =	vlt.f32 v34, v18;
	v47 =	vsub.f32 v47, v63;
	vm4 =	veq.f32 v63, v39  }
0xa9: {  	v31 =	vsub.f32 v31, v32;
	vm5 =	veq.f32 v51, v55;
	v48 =	vsub.f32 v49, v30  }
0xaa: {  	vm8 =	vlt.f32 v63, v39;
	vm7 =	veq.f32 v34, v18;
	v40 =	vsub.f32 v45, v34  }
0xab: {  	v6 =	vsub.f32 v21, v51;
	vm0 =	veq.f32 v30, v27;
	vm1 =	vlt.f32 v48, v56  }
0xac: {  	v21 =	vsub.f32 v59, v19;
	vm0 =	vmand vm0, vm1;
	vm1 =	vlt.f32 v47, v38  }
0xad: {  	vm6 =	vlt.f32 v30, v27;
	vm13 =	vlt.f32 v40, v16;
	vm1 =	vmand vm4, vm1  }
0xae: {  	vm4 =	vmor vm6, vm0;
	vm6 =	vlt.f32 v6, v37;
	vm8 =	vmor vm8, vm1  }
0xaf: {  	v30 =	vsel vm4, v30, v27;
	v39 =	vsel vm8, v63, v39;
	v38 =	vsel vm8, v47, v38  }
0xb0: {  	v27 =	vsel vm4, v48, v56;
	vm0 =	veq.f32 v26, v39;
	vm1 =	vlt.f32 v29, v38  }
0xb1: {  	vm12 =	vmand vm0, vm1;
	vm0 =	vlt.f32 v51, v55;
	vm1 =	vmand vm5, vm6  }
0xb2: {  	v42 =	vsel vm8, v44, v43;
	vm15 =	vlt.f32 v26, v39;
	vm14 =	vmor vm0, vm1  }
0xb3: {  	vm5 =	veq.f32 v19, v30;
	v41 =	vsel vm14, v51, v55;
	v37 =	vsel vm14, v6, v37  }
0xb4: {  	s31 =	simm.s32 $0x200;
	vm6 =	vlt.f32 v21, v27;
	vm9 =	veq.f32 v32, v41;
	vm10 =	vlt.f32 v31, v37  }
.LBB2_4:
0xb5: {  	s20 =	sshra.s32 s31, $0x2;
	p1 =	sne.s32 s31, $0x1E00;
	s31 =	sadd.s32 $0x200, s31;
	vm0 =	vlt.f32 v32, v41;
	vm11 =	vlt.f32 v19, v30;
	vm12 =	vmor vm15, vm12  }
0xb6: {  	v20 =	vsel vm14, v9, v20;
	v8 =	vsel vm14, v24, v8;
	v22 =	vsel vm8, v28, v22;
	v43 =	vld [tilespmem:s20+$0x2840]  }
0xb7: {  	vm1 =	vmand vm7, vm13;
	v23 =	vsel vm4, v17, v23;
	v6 =	vsel vm12, v10, v42;
	v24 =	vld [tilespmem:s20+$0x840]  }
0xb8: {  	v25 =	vsel vm4, v5, v25;
	v5 =	vadd.f32 v35, v36;
	vm1 =	vmor vm3, vm1;
	v10 =	vld [tilespmem:s20+$0x870]  }
0xb9: {  	v39 =	vsel vm12, v26, v39;
	v17 =	vsel vm1, v34, v18;
	v7 =	vsel vm1, v15, v7;
	v35 =	vld [tilespmem:s20+$0x2850]  }
0xba: {  	v38 =	vsel vm12, v29, v38;
	v28 =	vsub.f32 v33, v5;
	vm3 =	veq.f32 v5, v17;
	v26 =	vld [tilespmem:s20+$0x2870]  }
0xbb: {  	v16 =	vsel vm1, v40, v16;
	v13 =	vsel vm1, v14, v13;
	vm1 =	vmand vm9, vm10;
	v29 =	vld [tilespmem:s20+$0x860]  }
0xbc: {  	vm0 =	vmor vm0, vm1;
	vm1 =	vlt.f32 v28, v16;
	v42 =	vld [tilespmem:s20+$0x830]  }
0xbd: {  	v41 =	vsel vm0, v32, v41;
	vm1 =	vmand vm3, vm1;
	vm3 =	vmand vm5, vm6;
	v15 =	vld [tilespmem:s20+$0x2810]  }
0xbe: {  	vm4 =	vlt.f32 v5, v17;
	v20 =	vsel vm0, v3, v20;
	v32 =	vmul.f32 $6.999999880e-01, v24;
	v3 =	vmovc v24;
	v9 =	vld [tilespmem:s20+$0x800]  }
0xbf: {  	v8 =	vsel vm0, v1, v8;
	vm1 =	vmor vm4, vm1;
	v1 =	vmovc v43;
	v14 =	vld [tilespmem:s20+$0x810];
	v33 =	vmul.f32 $3.000000120e-01, v26  }
0xc0: {  	v37 =	vsel vm0, v31, v37;
	v18 =	vsel vm1, v5, v17;
	v16 =	vsel vm1, v28, v16;
	v34 =	vld [tilespmem:s20+$0x2860]  }
0xc1: {  	v22 =	vsel vm12, v4, v22;
	vm0 =	vmor vm11, vm3;
	v4 =	vmovc v26;
	v31 =	vmul.f32 $6.999999880e-01, v29;
	v24 =	vld [tilespmem:s20+$0x2800]  }
0xc2: {  	v23 =	vsel vm0, v12, v23;
	v26 =	vmul.f32 $6.999999880e-01, v10;
	v36 =	vmul.f32 $3.000000120e-01, v15;
	v17 =	vld [tilespmem:s20+$0x2820]  }
0xc3: {  	v13 =	vsel vm1, v11, v13;
	v30 =	vsel vm0, v19, v30;
	v40 =	vadd.f32 v1, v3;
	v28 =	vld [tilespmem:s20+$0x2830]  }
0xc4: {  	v7 =	vsel vm1, v0, v7;
	v0 =	vmovc v35;
	v43 =	vadd.f32 v4, v10;
	v19 =	vmul.f32 $6.999999880e-01, v14;
	v5 =	vld [tilespmem:s20+$0x820]  }
0xc5: {  	v25 =	vsel vm0, v2, v25;
	v2 =	vmovc v29;
	v44 =	vmul.f32 $6.999999880e-01, v42;
	v26 =	vadd.f32 v33, v26;
	v11 =	vld [tilespmem:s20+$0x850];
	v12 =	vmovc v34  }
0xc6: {  	v27 =	vsel vm0, v21, v27;
	v45 =	vmul.f32 $3.000000120e-01, v12;
	v46 =	vadd.f32 v12, v2  }
0xc7: {  	v21 =	vmul.f32 $6.999999880e-01, v9;
	v29 =	vsub.f32 v43, v26;
	v47 =	vadd.f32 v15, v14  }
0xc8: {  	v33 =	vmul.f32 $3.000000120e-01, v24;
	v43 =	vmul.f32 $3.000000120e-01, v17;
	v48 =	vadd.f32 v28, v42  }
0xc9: {  	v51 =	vmul.f32 $3.000000120e-01, v28;
	v49 =	vmul.f32 $6.999999880e-01, v5;
	v50 =	vadd.f32 v17, v5  }
0xca: {  	v35 =	vmul.f32 $3.000000120e-01, v0;
	v52 =	vadd.f32 v33, v21;
	v33 =	vadd.f32 v0, v11  }
0xcb: {  	v34 =	vadd.f32 v36, v19;
	v21 =	vmul.f32 $3.000000120e-01, v1;
	v19 =	vadd.f32 v45, v31  }
0xcc: {  	v31 =	vadd.f32 v24, v9;
	v43 =	vadd.f32 v43, v49  }
0xcd: {  	v44 =	vadd.f32 v51, v44;
	v32 =	vadd.f32 v21, v32;
	v36 =	vmul.f32 $6.999999880e-01, v11  }
0xce: {  	vm3 =	vlt.f32 v34, v18;
	v45 =	vsub.f32 v31, v52;
	v49 =	vsub.f32 v50, v43  }
0xcf: {  	v21 =	vsub.f32 v46, v19;
	v48 =	vsub.f32 v48, v44;
	vm0 =	veq.f32 v43, v30  }
0xd0: {  	vm4 =	veq.f32 v44, v39;
	v31 =	vsub.f32 v40, v32;
	vm1 =	vlt.f32 v49, v27  }
0xd1: {  	vm5 =	veq.f32 v52, v41;
	vm0 =	vmand vm0, vm1;
	vm1 =	vlt.f32 v48, v38  }
0xd2: {  	vm8 =	vlt.f32 v44, v39;
	vm6 =	vlt.f32 v43, v30;
	vm1 =	vmand vm4, vm1  }
0xd3: {  	vm7 =	veq.f32 v34, v18;
	vm4 =	vmor vm6, vm0;
	vm8 =	vmor vm8, vm1  }
0xd4: {  	v30 =	vsel vm4, v43, v30;
	v39 =	vsel vm8, v44, v39;
	v38 =	vsel vm8, v48, v38  }
0xd5: {  	v27 =	vsel vm4, v49, v27;
	vm0 =	veq.f32 v26, v39;
	vm1 =	vlt.f32 v29, v38  }
.Ltmp3:
0xd6: {  	v40 =	vsub.f32 v47, v34;
	vm6 =	vlt.f32 v45, v37;
	vm12 =	vmand vm0, vm1;
	(pc) =	sbr.rel @p1 .LBB2_4-.Ltmp3, $4  }
0xd7: {  	v42 =	vsel vm8, v42, v6;
	vm0 =	vlt.f32 v52, v41;
	vm1 =	vmand vm5, vm6  }
0xd8: {  	vm13 =	vlt.f32 v40, v16;
	vm15 =	vlt.f32 v26, v39;
	vm14 =	vmor vm0, vm1  }
0xd9: {  	vm5 =	veq.f32 v19, v30;
	v41 =	vsel vm14, v52, v41;
	v37 =	vsel vm14, v45, v37  }
0xda: {  	vm6 =	vlt.f32 v21, v27;
	vm9 =	veq.f32 v32, v41;
	vm10 =	vlt.f32 v31, v37  }
0xdb: {  	_ =	swait.ge [sflag:s29], $0x800  }
0xdc: {  	[sflag:s29] =	ssyncset.done $0x0  }
0xdd: {  	[sflag:s29] =	ssyncadd.s32 $0xFFFFF800  }
0xde: {  	_ =	swait.ge [sflag:s29], $0x800  }
0xdf: {  	[sflag:s29] =	ssyncset.done $0x0  }
0xe0: {  	s20 =	simm.s32 $0x5000;
	[sflag:s29] =	ssyncadd.s32 $0xFFFFF800  }
0xe1: {  	[tilespmem:s20], [sflag:$0x3] =	stream.strided.gather [hbm4b:s15+s23], $0x800, s24, s23, $0x38;
	[tilespmem:$0x8290] =	vst v63  }
0xe2: {  	s20 =	simm.s32 $0x7000  }
0xe3: {  	[tilespmem:s20], [sflag:$0x3] =	stream.strided.gather [hbm4b:s16+s23], $0x800, s24, s23, $0x38;
	[tilespmem:$0x8290] =	vst v63  }
0xe4: {  	s20 =	simm.s32 $0x0  }
0xe5: {  	vm1 =	vlt.f32 v32, v41;
	v6 =	vld [tilespmem:s20+$0x3040]  }
0xe6: {  	vm0 =	vlt.f32 v19, v30;
	vm11 =	vmor vm15, vm12;
	v20 =	vsel vm14, v9, v20;
	v9 =	vld [tilespmem:s20+$0x1040]  }
0xe7: {  	v24 =	vsel vm14, v24, v8;
	v22 =	vsel vm8, v28, v22;
	vm7 =	vmand vm7, vm13;
	v8 =	vld [tilespmem:s20+$0x1070]  }
0xe8: {  	v23 =	vsel vm4, v17, v23;
	v17 =	vadd.f32 v35, v36;
	v25 =	vsel vm4, v5, v25;
	v5 =	vld [tilespmem:s20+$0x3050]  }
0xe9: {  	vm3 =	vmor vm3, vm7;
	v42 =	vsel vm11, v10, v42;
	v39 =	vsel vm11, v26, v39;
	v10 =	vld [tilespmem:s20+$0x3070]  }
0xea: {  	vm7 =	vmand vm9, vm10;
	v38 =	vsel vm11, v29, v38;
	v55 =	vsel vm3, v15, v7;
	v7 =	vld [tilespmem:s20+$0x1060]  }
0xeb: {  	v4 =	vsel vm11, v4, v22;
	v28 =	vsel vm3, v34, v18;
	v26 =	vsub.f32 v33, v17;
	v43 =	vld [tilespmem:s20+$0x1030]  }
0xec: {  	v56 =	vsel vm3, v40, v16;
	vm1 =	vmor vm1, vm7;
	v14 =	vsel vm3, v14, v13;
	v16 =	vld [tilespmem:s20+$0x3010]  }
0xed: {  	vm4 =	veq.f32 v17, v28;
	v18 =	vsel vm1, v3, v20;
	vm7 =	vlt.f32 v26, v56;
	v3 =	vld [tilespmem:s20+$0x1000]  }
0xee: {  	v57 =	vsel vm1, v32, v41;
	vm3 =	vmand vm4, vm7;
	vm4 =	vmand vm5, vm6;
	v15 =	vld [tilespmem:s20+$0x1010]  }
0xef: {  	v20 =	vsel vm1, v1, v24;
	vm5 =	vlt.f32 v17, v28;
	vm0 =	vmor vm0, vm4;
	v13 =	vld [tilespmem:s20+$0x3060]  }
0xf0: {  	v37 =	vsel vm1, v31, v37;
	vm3 =	vmor vm5, vm3;
	v22 =	vsel vm0, v12, v23;
	v23 =	vld [tilespmem:s20+$0x3000]  }
0xf1: {  	v1 =	vsel vm3, v17, v28;
	v17 =	vsel vm3, v26, v56;
	v11 =	vsel vm3, v11, v14;
	v24 =	vld [tilespmem:s20+$0x3020]  }
0xf2: {  	v30 =	vsel vm0, v19, v30;
	v12 =	vsel vm3, v0, v55;
	v28 =	vld [tilespmem:s20+$0x3030];
	v0 =	vmul.f32 $6.999999880e-01, v9  }
0xf3: {  	v25 =	vsel vm0, v2, v25;
	v2 =	vld [tilespmem:s20+$0x1020];
	v19 =	vmul.f32 $3.000000120e-01, v10;
	v31 =	vmul.f32 $6.999999880e-01, v7  }
0xf4: {  	v27 =	vsel vm0, v21, v27;
	v14 =	vld [tilespmem:s20+$0x1050];
	v21 =	vmul.f32 $3.000000120e-01, v16;
	v26 =	vmul.f32 $6.999999880e-01, v8  }
0xf5: {  	v58 =	vadd.f32 v6, v9;
	v59 =	vmul.f32 $6.999999880e-01, v15;
	v29 =	vadd.f32 v10, v8  }
0xf6: {  	v60 =	vmul.f32 $6.999999880e-01, v43;
	v44 =	vadd.f32 v13, v7;
	v61 =	vmul.f32 $6.999999880e-01, v3  }
0xf7: {  	v45 =	vadd.f32 v16, v15;
	v62 =	vmul.f32 $3.000000120e-01, v23;
	v46 =	vmul.f32 $3.000000120e-01, v24  }
0xf8: {  	v47 =	vadd.f32 v28, v43;
	v48 =	vmul.f32 $6.999999880e-01, v2;
	v49 =	vadd.f32 v24, v2  }
0xf9: {  	v50 =	vmul.f32 $3.000000120e-01, v28;
	v33 =	vadd.f32 v5, v14;
	v26 =	vadd.f32 v19, v26  }
0xfa: {  	v19 =	vmul.f32 $3.000000120e-01, v13;
	v51 =	vadd.f32 v62, v61;
	v34 =	vadd.f32 v21, v59  }
0xfb: {  	v21 =	vmul.f32 $3.000000120e-01, v6;
	v46 =	vadd.f32 v46, v48;
	v63 =	vadd.f32 v50, v60  }
0xfc: {  	v35 =	vmul.f32 $3.000000120e-01, v5;
	v29 =	vsub.f32 v29, v26;
	v19 =	vadd.f32 v19, v31  }
0xfd: {  	v36 =	vmul.f32 $6.999999880e-01, v14;
	v31 =	vadd.f32 v23, v3;
	v32 =	vadd.f32 v21, v0  }
0xfe: {  	vm3 =	vlt.f32 v34, v1;
	v49 =	vsub.f32 v49, v46;
	vm0 =	veq.f32 v46, v30  }
0xff: {  	v47 =	vsub.f32 v47, v63;
	vm4 =	veq.f32 v63, v39;
	vm5 =	veq.f32 v51, v57  }
0x100: {  	vm6 =	vlt.f32 v46, v30;
	vm8 =	vlt.f32 v63, v39;
	vm7 =	veq.f32 v34, v1  }
0x101: {  	v40 =	vsub.f32 v45, v34;
	v0 =	vsub.f32 v31, v51;
	vm1 =	vlt.f32 v49, v27  }
0x102: {  	v21 =	vsub.f32 v44, v19;
	vm0 =	vmand vm0, vm1;
	vm1 =	vlt.f32 v47, v38  }
0x103: {  	v31 =	vsub.f32 v58, v32;
	vm13 =	vlt.f32 v40, v17;
	vm1 =	vmand vm4, vm1  }
0x104: {  	vm4 =	vmor vm6, vm0;
	vm6 =	vlt.f32 v0, v37;
	vm8 =	vmor vm8, vm1  }
0x105: {  	v30 =	vsel vm4, v46, v30;
	v39 =	vsel vm8, v63, v39;
	v38 =	vsel vm8, v47, v38  }
0x106: {  	v27 =	vsel vm4, v49, v27;
	vm0 =	veq.f32 v26, v39;
	vm1 =	vlt.f32 v29, v38  }
0x107: {  	vm12 =	vmand vm0, vm1;
	vm0 =	vlt.f32 v51, v57;
	vm1 =	vmand vm5, vm6  }
0x108: {  	v42 =	vsel vm8, v43, v42;
	vm15 =	vlt.f32 v26, v39;
	vm14 =	vmor vm0, vm1  }
0x109: {  	vm5 =	veq.f32 v19, v30;
	v41 =	vsel vm14, v51, v57;
	v37 =	vsel vm14, v0, v37  }
0x10a: {  	s31 =	simm.s32 $0x200;
	vm6 =	vlt.f32 v21, v27;
	vm9 =	veq.f32 v32, v41;
	vm10 =	vlt.f32 v31, v37  }
.LBB2_6:
0x10b: {  	s20 =	sshra.s32 s31, $0x2;
	p1 =	sne.s32 s31, $0x1E00;
	s31 =	sadd.s32 $0x200, s31;
	vm0 =	vlt.f32 v32, v41;
	vm11 =	vlt.f32 v19, v30;
	vm12 =	vmor vm15, vm12  }
0x10c: {  	v18 =	vsel vm14, v3, v18;
	v20 =	vsel vm14, v23, v20;
	v4 =	vsel vm8, v28, v4;
	v43 =	vld [tilespmem:s20+$0x3040]  }
0x10d: {  	vm1 =	vmand vm7, vm13;
	v22 =	vsel vm4, v24, v22;
	v0 =	vsel vm12, v8, v42;
	v23 =	vld [tilespmem:s20+$0x1040]  }
0x10e: {  	v25 =	vsel vm4, v2, v25;
	v2 =	vadd.f32 v35, v36;
	vm1 =	vmor vm3, vm1;
	v8 =	vld [tilespmem:s20+$0x1070]  }
0x10f: {  	v39 =	vsel vm12, v26, v39;
	v1 =	vsel vm1, v34, v1;
	v12 =	vsel vm1, v16, v12;
	v35 =	vld [tilespmem:s20+$0x3050]  }
0x110: {  	v38 =	vsel vm12, v29, v38;
	v26 =	vsub.f32 v33, v2;
	vm3 =	veq.f32 v2, v1;
	v24 =	vld [tilespmem:s20+$0x3070]  }
0x111: {  	v17 =	vsel vm1, v40, v17;
	v11 =	vsel vm1, v15, v11;
	vm1 =	vmand vm9, vm10;
	v29 =	vld [tilespmem:s20+$0x1060]  }
0x112: {  	vm0 =	vmor vm0, vm1;
	vm1 =	vlt.f32 v26, v17;
	v42 =	vld [tilespmem:s20+$0x1030]  }
0x113: {  	v41 =	vsel vm0, v32, v41;
	vm1 =	vmand vm3, vm1;
	vm3 =	vmand vm5, vm6;
	v16 =	vld [tilespmem:s20+$0x3010]  }
0x114: {  	vm4 =	vlt.f32 v2, v1;
	v18 =	vsel vm0, v9, v18;
	v32 =	vmul.f32 $6.999999880e-01, v23;
	v9 =	vmovc v23;
	v3 =	vld [tilespmem:s20+$0x1000]  }
0x115: {  	v20 =	vsel vm0, v6, v20;
	vm1 =	vmor vm4, vm1;
	v6 =	vmovc v43;
	v15 =	vld [tilespmem:s20+$0x1010];
	v33 =	vmul.f32 $3.000000120e-01, v24  }
0x116: {  	v37 =	vsel vm0, v31, v37;
	v1 =	vsel vm1, v2, v1;
	v17 =	vsel vm1, v26, v17;
	v34 =	vld [tilespmem:s20+$0x3060]  }
0x117: {  	v4 =	vsel vm12, v10, v4;
	vm0 =	vmor vm11, vm3;
	v10 =	vmovc v24;
	v31 =	vmul.f32 $6.999999880e-01, v29;
	v23 =	vld [tilespmem:s20+$0x3000]  }
0x118: {  	v22 =	vsel vm0, v13, v22;
	v26 =	vmul.f32 $6.999999880e-01, v8;
	v36 =	vmul.f32 $3.000000120e-01, v16;
	v24 =	vld [tilespmem:s20+$0x3020]  }
0x119: {  	v11 =	vsel vm1, v14, v11;
	v30 =	vsel vm0, v19, v30;
	v40 =	vadd.f32 v6, v9;
	v28 =	vld [tilespmem:s20+$0x3030]  }
0x11a: {  	v12 =	vsel vm1, v5, v12;
	v5 =	vmovc v35;
	v43 =	vadd.f32 v10, v8;
	v19 =	vmul.f32 $6.999999880e-01, v15;
	v2 =	vld [tilespmem:s20+$0x1020]  }
0x11b: {  	v25 =	vsel vm0, v7, v25;
	v7 =	vmovc v29;
	v44 =	vmul.f32 $6.999999880e-01, v42;
	v26 =	vadd.f32 v33, v26;
	v14 =	vld [tilespmem:s20+$0x1050];
	v13 =	vmovc v34  }
0x11c: {  	v27 =	vsel vm0, v21, v27;
	v45 =	vmul.f32 $3.000000120e-01, v13;
	v46 =	vadd.f32 v13, v7  }
0x11d: {  	v21 =	vmul.f32 $6.999999880e-01, v3;
	v29 =	vsub.f32 v43, v26;
	v47 =	vadd.f32 v16, v15  }
0x11e: {  	v33 =	vmul.f32 $3.000000120e-01, v23;
	v43 =	vmul.f32 $3.000000120e-01, v24;
	v48 =	vadd.f32 v28, v42  }
0x11f: {  	v51 =	vmul.f32 $3.000000120e-01, v28;
	v49 =	vmul.f32 $6.999999880e-01, v2;
	v50 =	vadd.f32 v24, v2  }
0x120: {  	v35 =	vmul.f32 $3.000000120e-01, v5;
	v52 =	vadd.f32 v33, v21;
	v33 =	vadd.f32 v5, v14  }
0x121: {  	v34 =	vadd.f32 v36, v19;
	v21 =	vmul.f32 $3.000000120e-01, v6;
	v19 =	vadd.f32 v45, v31  }
0x122: {  	v31 =	vadd.f32 v23, v3;
	v43 =	vadd.f32 v43, v49  }
0x123: {  	v44 =	vadd.f32 v51, v44;
	v32 =	vadd.f32 v21, v32;
	v36 =	vmul.f32 $6.999999880e-01, v14  }
0x124: {  	vm3 =	vlt.f32 v34, v1;
	v45 =	vsub.f32 v31, v52;
	v49 =	vsub.f32 v50, v43  }
0x125: {  	v21 =	vsub.f32 v46, v19;
	v48 =	vsub.f32 v48, v44;
	vm0 =	veq.f32 v43, v30  }
0x126: {  	vm4 =	veq.f32 v44, v39;
	v31 =	vsub.f32 v40, v32;
	vm1 =	vlt.f32 v49, v27  }
0x127: {  	vm5 =	veq.f32 v52, v41;
	vm0 =	vmand vm0, vm1;
	vm1 =	vlt.f32 v48, v38  }
0x128: {  	vm8 =	vlt.f32 v44, v39;
	vm6 =	vlt.f32 v43, v30;
	vm1 =	vmand vm4, vm1  }
0x129: {  	vm7 =	veq.f32 v34, v1;
	vm4 =	vmor vm6, vm0;
	vm8 =	vmor vm8, vm1  }
0x12a: {  	v30 =	vsel vm4, v43, v30;
	v39 =	vsel vm8, v44, v39;
	v38 =	vsel vm8, v48, v38  }
0x12b: {  	v27 =	vsel vm4, v49, v27;
	vm0 =	veq.f32 v26, v39;
	vm1 =	vlt.f32 v29, v38  }
.Ltmp4:
0x12c: {  	v40 =	vsub.f32 v47, v34;
	vm6 =	vlt.f32 v45, v37;
	vm12 =	vmand vm0, vm1;
	(pc) =	sbr.rel @p1 .LBB2_6-.Ltmp4, $4  }
0x12d: {  	v42 =	vsel vm8, v42, v0;
	vm0 =	vlt.f32 v52, v41;
	vm1 =	vmand vm5, vm6  }
0x12e: {  	vm13 =	vlt.f32 v40, v17;
	vm15 =	vlt.f32 v26, v39;
	vm14 =	vmor vm0, vm1  }
0x12f: {  	vm5 =	veq.f32 v19, v30;
	v41 =	vsel vm14, v52, v41;
	v37 =	vsel vm14, v45, v37  }
0x130: {  	vm6 =	vlt.f32 v21, v27;
	vm9 =	veq.f32 v32, v41;
	vm10 =	vlt.f32 v31, v37  }
0x131: {  	_ =	swait.ge [sflag:s0], $0x800  }
0x132: {  	[sflag:s0] =	ssyncset.done $0x0  }
0x133: {  	[sflag:s0] =	ssyncadd.s32 $0xFFFFF800  }
0x134: {  	_ =	swait.ge [sflag:s0], $0x800  }
0x135: {  	[sflag:s0] =	ssyncset.done $0x0  }
0x136: {  	s20 =	simm.s32 $0x5800;
	[sflag:s0] =	ssyncadd.s32 $0xFFFFF800  }
0x137: {  	[tilespmem:s20], [sflag:$0x4] =	stream.strided.gather [hbm4b:s17+s23], $0x800, s24, s23, $0x38;
	[tilespmem:$0x8290] =	vst v63  }
0x138: {  	s20 =	simm.s32 $0x0  }
0x139: {  	[tilespmem:s21], [sflag:$0x4] =	stream.strided.gather [hbm4b:s18+s23], $0x800, s24, s23, $0x38;
	[tilespmem:$0x8290] =	vst v63  }
0x13a: {  	vm1 =	vlt.f32 v32, v41;
	v0 =	vld [tilespmem:s20+$0x3840]  }
0x13b: {  	vm0 =	vlt.f32 v19, v30;
	v18 =	vsel vm14, v3, v18;
	vm7 =	vmand vm7, vm13;
	v3 =	vld [tilespmem:s20+$0x1840]  }
0x13c: {  	vm11 =	vmor vm15, vm12;
	v28 =	vsel vm8, v28, v4;
	vm3 =	vmor vm3, vm7;
	v4 =	vld [tilespmem:s20+$0x1870]  }
0x13d: {  	v22 =	vsel vm4, v24, v22;
	v24 =	vsel vm4, v2, v25;
	v25 =	vsel vm3, v34, v1;
	v1 =	vld [tilespmem:s20+$0x3850]  }
0x13e: {  	v20 =	vsel vm14, v23, v20;
	v23 =	vadd.f32 v35, v36;
	v42 =	vsel vm11, v8, v42;
	v2 =	vld [tilespmem:s20+$0x3870]  }
0x13f: {  	v39 =	vsel vm11, v26, v39;
	vm7 =	vmand vm9, vm10;
	v54 =	vsel vm11, v29, v38;
	v8 =	vld [tilespmem:s20+$0x1860]  }
0x140: {  	v10 =	vsel vm11, v10, v28;
	v53 =	vsel vm3, v16, v12;
	v26 =	vsub.f32 v33, v23;
	v43 =	vld [tilespmem:s20+$0x1830]  }
0x141: {  	v17 =	vsel vm3, v40, v17;
	vm1 =	vmor vm1, vm7;
	v29 =	vsel vm3, v15, v11;
	v11 =	vld [tilespmem:s20+$0x3810]  }
0x142: {  	vm4 =	veq.f32 v23, v25;
	v16 =	vsel vm1, v9, v18;
	vm7 =	vlt.f32 v26, v17;
	v15 =	vld [tilespmem:s20+$0x1800]  }
0x143: {  	vm3 =	vmand vm4, vm7;
	vm4 =	vmand vm5, vm6;
	vm5 =	vlt.f32 v23, v25;
	v9 =	vld [tilespmem:s20+$0x1810]  }
0x144: {  	v55 =	vsel vm1, v32, v41;
	v12 =	vsel vm1, v6, v20;
	vm3 =	vmor vm5, vm3;
	v6 =	vld [tilespmem:s20+$0x3860]  }
0x145: {  	v37 =	vsel vm1, v31, v37;
	vm0 =	vmor vm0, vm4;
	v20 =	vsel vm3, v26, v17;
	v17 =	vld [tilespmem:s20+$0x3800]  }
0x146: {  	v23 =	vsel vm3, v23, v25;
	v13 =	vsel vm0, v13, v22;
	v28 =	vsel vm0, v19, v30;
	v19 =	vld [tilespmem:s20+$0x3820]  }
0x147: {  	v18 =	vsel vm3, v14, v29;
	v22 =	vsel vm0, v7, v24;
	v7 =	vld [tilespmem:s20+$0x3830];
	v25 =	vmul.f32 $6.999999880e-01, v3  }
0x148: {  	v56 =	vsel vm0, v21, v27;
	v21 =	vld [tilespmem:s20+$0x1820];
	v24 =	vmul.f32 $3.000000120e-01, v2;
	v29 =	vmul.f32 $6.999999880e-01, v8  }
0x149: {  	v14 =	vsel vm3, v5, v53;
	v5 =	vld [tilespmem:s20+$0x1850];
	v30 =	vmul.f32 $3.000000120e-01, v11;
	v26 =	vmul.f32 $6.999999880e-01, v4  }
0x14a: {  	v31 =	vadd.f32 v0, v3;
	v57 =	vmul.f32 $6.999999880e-01, v9;
	v27 =	vadd.f32 v2, v4  }
0x14b: {  	v58 =	vmul.f32 $6.999999880e-01, v43;
	v59 =	vadd.f32 v6, v8;
	v60 =	vmul.f32 $6.999999880e-01, v15  }
0x14c: {  	v44 =	vadd.f32 v11, v9;
	v61 =	vmul.f32 $3.000000120e-01, v17;
	v45 =	vmul.f32 $3.000000120e-01, v19  }
0x14d: {  	v46 =	vadd.f32 v7, v43;
	v47 =	vmul.f32 $6.999999880e-01, v21;
	v48 =	vadd.f32 v19, v21  }
0x14e: {  	v49 =	vmul.f32 $3.000000120e-01, v7;
	v32 =	vadd.f32 v1, v5;
	v51 =	vadd.f32 v17, v15  }
0x14f: {  	v26 =	vadd.f32 v24, v26;
	v24 =	vmul.f32 $3.000000120e-01, v6;
	v50 =	vadd.f32 v61, v60  }
0x150: {  	v34 =	vadd.f32 v30, v57;
	v30 =	vmul.f32 $3.000000120e-01, v0;
	v45 =	vadd.f32 v45, v47  }
0x151: {  	v35 =	vmul.f32 $3.000000120e-01, v1;
	v62 =	vadd.f32 v49, v58;
	v27 =	vsub.f32 v27, v26  }
0x152: {  	v36 =	vmul.f32 $6.999999880e-01, v5;
	v24 =	vadd.f32 v24, v29;
	v29 =	vadd.f32 v30, v25  }
0x153: {  	v63 =	vsub.f32 v51, v50;
	vm5 =	vlt.f32 v34, v23;
	v48 =	vsub.f32 v48, v45  }
0x154: {  	vm0 =	veq.f32 v45, v28;
	v46 =	vsub.f32 v46, v62;
	vm3 =	veq.f32 v62, v39  }
0x155: {  	vm6 =	veq.f32 v50, v55;
	vm4 =	vlt.f32 v45, v28;
	vm7 =	vlt.f32 v62, v39  }
0x156: {  	vm8 =	veq.f32 v34, v23;
	v40 =	vsub.f32 v44, v34;
	vm1 =	vlt.f32 v48, v56  }
0x157: {  	v25 =	vsub.f32 v59, v24;
	vm0 =	vmand vm0, vm1;
	vm1 =	vlt.f32 v46, v54  }
0x158: {  	v30 =	vsub.f32 v31, v29;
	vm1 =	vmand vm3, vm1;
	vm3 =	vmor vm4, vm0  }
0x159: {  	vm4 =	vmor vm7, vm1;
	v31 =	vsel vm3, v45, v28;
	v28 =	vsel vm3, v48, v56  }
0x15a: {  	vm7 =	vlt.f32 v63, v37;
	v39 =	vsel vm4, v62, v39;
	v38 =	vsel vm4, v46, v54  }
0x15b: {  	v33 =	vsel vm4, v43, v42;
	vm0 =	veq.f32 v26, v39;
	vm1 =	vlt.f32 v27, v38  }
0x15c: {  	vm11 =	vmand vm0, vm1;
	vm0 =	vlt.f32 v50, v55;
	vm1 =	vmand vm6, vm7  }
0x15d: {  	vm9 =	vlt.f32 v25, v28;
	vm15 =	vlt.f32 v26, v39;
	vm6 =	vmor vm0, vm1  }
0x15e: {  	vm7 =	veq.f32 v24, v31;
	v41 =	vsel vm6, v50, v55;
	v37 =	vsel vm6, v63, v37  }
0x15f: {  	s31 =	simm.s32 $0x200;
	vm0 =	vlt.f32 v40, v20;
	vm12 =	veq.f32 v29, v41;
	vm13 =	vlt.f32 v30, v37  }
.LBB2_8:
0x160: {  	s20 =	sshra.s32 s31, $0x2;
	p1 =	sne.s32 s31, $0x1E00;
	s31 =	sadd.s32 $0x200, s31;
	vm14 =	vlt.f32 v29, v41;
	vm10 =	vlt.f32 v24, v31;
	vm11 =	vmor vm15, vm11  }
0x161: {  	v16 =	vsel vm6, v15, v16;
	v12 =	vsel vm6, v17, v12;
	v7 =	vsel vm4, v7, v10;
	v42 =	vld [tilespmem:s20+$0x3840]  }
0x162: {  	vm0 =	vmand vm8, vm0;
	v13 =	vsel vm3, v19, v13;
	v33 =	vsel vm11, v4, v33;
	v10 =	vld [tilespmem:s20+$0x1840]  }
0x163: {  	v22 =	vsel vm3, v21, v22;
	v17 =	vadd.f32 v35, v36;
	vm0 =	vmor vm5, vm0;
	v4 =	vld [tilespmem:s20+$0x1870]  }
0x164: {  	v39 =	vsel vm11, v26, v39;
	v19 =	vsel vm0, v34, v23;
	v14 =	vsel vm0, v11, v14;
	v35 =	vld [tilespmem:s20+$0x3850]  }
0x165: {  	v38 =	vsel vm11, v27, v38;
	v26 =	vsub.f32 v32, v17;
	vm1 =	veq.f32 v17, v19;
	v21 =	vld [tilespmem:s20+$0x3870]  }
0x166: {  	v20 =	vsel vm0, v40, v20;
	v18 =	vsel vm0, v9, v18;
	vm0 =	vmand vm12, vm13;
	v27 =	vld [tilespmem:s20+$0x1860]  }
0x167: {  	vm0 =	vmor vm14, vm0;
	vm3 =	vlt.f32 v26, v20;
	v43 =	vld [tilespmem:s20+$0x1830]  }
0x168: {  	v41 =	vsel vm0, v29, v41;
	vm1 =	vmand vm1, vm3;
	vm3 =	vmand vm7, vm9;
	v11 =	vld [tilespmem:s20+$0x3810]  }
0x169: {  	vm4 =	vlt.f32 v17, v19;
	v16 =	vsel vm0, v3, v16;
	v29 =	vmul.f32 $6.999999880e-01, v10;
	v3 =	vmovc v10;
	v15 =	vld [tilespmem:s20+$0x1800]  }
0x16a: {  	v12 =	vsel vm0, v0, v12;
	vm1 =	vmor vm4, vm1;
	v0 =	vmovc v42;
	v9 =	vld [tilespmem:s20+$0x1810];
	v32 =	vmul.f32 $3.000000120e-01, v21  }
0x16b: {  	v37 =	vsel vm0, v30, v37;
	v23 =	vsel vm1, v17, v19;
	v20 =	vsel vm1, v26, v20;
	v34 =	vld [tilespmem:s20+$0x3860]  }
0x16c: {  	vm0 =	vmor vm10, vm3;
	v10 =	vsel vm11, v2, v7;
	v2 =	vmovc v21;
	v30 =	vmul.f32 $6.999999880e-01, v27;
	v17 =	vld [tilespmem:s20+$0x3800]  }
0x16d: {  	v13 =	vsel vm0, v6, v13;
	v26 =	vmul.f32 $6.999999880e-01, v4;
	v36 =	vmul.f32 $3.000000120e-01, v11;
	v19 =	vld [tilespmem:s20+$0x3820]  }
0x16e: {  	v18 =	vsel vm1, v5, v18;
	v31 =	vsel vm0, v24, v31;
	v40 =	vadd.f32 v0, v3;
	v7 =	vld [tilespmem:s20+$0x3830]  }
0x16f: {  	v14 =	vsel vm1, v1, v14;
	v1 =	vmovc v35;
	v42 =	vadd.f32 v2, v4;
	v24 =	vmul.f32 $6.999999880e-01, v9;
	v21 =	vld [tilespmem:s20+$0x1820]  }
0x170: {  	v22 =	vsel vm0, v8, v22;
	v8 =	vmovc v27;
	v44 =	vmul.f32 $6.999999880e-01, v43;
	v26 =	vadd.f32 v32, v26;
	v5 =	vld [tilespmem:s20+$0x1850];
	v6 =	vmovc v34  }
0x171: {  	v28 =	vsel vm0, v25, v28;
	v45 =	vmul.f32 $3.000000120e-01, v6;
	v46 =	vadd.f32 v6, v8  }
0x172: {  	v25 =	vmul.f32 $6.999999880e-01, v15;
	v27 =	vsub.f32 v42, v26;
	v47 =	vadd.f32 v11, v9  }
0x173: {  	v32 =	vmul.f32 $3.000000120e-01, v17;
	v42 =	vmul.f32 $3.000000120e-01, v19;
	v48 =	vadd.f32 v7, v43  }
0x174: {  	v51 =	vmul.f32 $3.000000120e-01, v7;
	v49 =	vmul.f32 $6.999999880e-01, v21;
	v50 =	vadd.f32 v19, v21  }
0x175: {  	v35 =	vmul.f32 $3.000000120e-01, v1;
	v52 =	vadd.f32 v32, v25;
	v32 =	vadd.f32 v1, v5  }
0x176: {  	v34 =	vadd.f32 v36, v24;
	v25 =	vmul.f32 $3.000000120e-01, v0;
	v24 =	vadd.f32 v45, v30  }
0x177: {  	v30 =	vadd.f32 v17, v15;
	v42 =	vadd.f32 v42, v49  }
0x178: {  	v44 =	vadd.f32 v51, v44;
	v29 =	vadd.f32 v25, v29;
	v36 =	vmul.f32 $6.999999880e-01, v5  }
0x179: {  	vm5 =	vlt.f32 v34, v23;
	v45 =	vsub.f32 v30, v52;
	v49 =	vsub.f32 v50, v42  }
0x17a: {  	v25 =	vsub.f32 v46, v24;
	v48 =	vsub.f32 v48, v44;
	vm0 =	veq.f32 v42, v31  }
0x17b: {  	vm3 =	veq.f32 v44, v39;
	v30 =	vsub.f32 v40, v29;
	vm1 =	vlt.f32 v49, v28  }
0x17c: {  	vm6 =	veq.f32 v52, v41;
	vm0 =	vmand vm0, vm1;
	vm1 =	vlt.f32 v48, v38  }
0x17d: {  	vm7 =	vlt.f32 v44, v39;
	vm4 =	vlt.f32 v42, v31;
	vm1 =	vmand vm3, vm1  }
0x17e: {  	vm8 =	veq.f32 v34, v23;
	vm3 =	vmor vm4, vm0;
	vm4 =	vmor vm7, vm1  }
0x17f: {  	v31 =	vsel vm3, v42, v31;
	v39 =	vsel vm4, v44, v39;
	v38 =	vsel vm4, v48, v38  }
0x180: {  	v28 =	vsel vm3, v49, v28;
	vm0 =	veq.f32 v26, v39;
	vm1 =	vlt.f32 v27, v38  }
.Ltmp5:
0x181: {  	v40 =	vsub.f32 v47, v34;
	vm7 =	vlt.f32 v45, v37;
	vm11 =	vmand vm0, vm1;
	(pc) =	sbr.rel @p1 .LBB2_8-.Ltmp5, $4  }
0x182: {  	v33 =	vsel vm4, v43, v33;
	vm0 =	vlt.f32 v52, v41;
	vm1 =	vmand vm6, vm7  }
0x183: {  	vm15 =	vlt.f32 v26, v39;
	vm6 =	vmor vm0, vm1;
	vm0 =	vlt.f32 v40, v20  }
0x184: {  	vm7 =	veq.f32 v24, v31;
	v41 =	vsel vm6, v52, v41;
	v37 =	vsel vm6, v45, v37  }
0x185: {  	vm9 =	vlt.f32 v25, v28;
	vm12 =	veq.f32 v29, v41;
	vm13 =	vlt.f32 v30, v37  }
0x186: {  	vm0 =	vmand vm8, vm0;
	v35 =	vadd.f32 v35, v36  }
0x187: {  	vm1 =	vlt.f32 v29, v41;
	vm14 =	vlt.f32 v24, v31;
	vm10 =	vmand vm12, vm13  }
0x188: {  	vm9 =	vmand vm7, vm9;
	vm8 =	vmor vm5, vm0;
	vm5 =	vmor vm15, vm11  }
0x189: {  	vm10 =	vmor vm1, vm10;
	vm9 =	vmor vm14, vm9;
	v32 =	vsub.f32 v32, v35  }
0x18a: {  	v23 =	vsel vm8, v34, v23;
	v26 =	vsel vm5, v26, v39;
	v20 =	vsel vm8, v40, v20  }
0x18b: {  	v27 =	vsel vm5, v27, v38;
	vm0 =	veq.f32 v35, v23;
	vm11 =	vlt.f32 v32, v20  }
0x18c: {  	v29 =	vsel vm10, v29, v41;
	vm1 =	vlt.f32 v35, v23;
	vm0 =	vmand vm0, vm11  }
0x18d: {  	v30 =	vsel vm10, v30, v37;
	v24 =	vsel vm9, v24, v31;
	vm7 =	vmor vm1, vm0  }
0x18e: {  	v25 =	vsel vm9, v25, v28;
	v23 =	vsel vm7, v35, v23;
	v20 =	vsel vm7, v32, v20  }
0x18f: {  	vm12 =	veq.f32 v26, v24;
	vm1 =	veq.f32 v23, v29;
	vm11 =	vlt.f32 v20, v30  }
0x190: {  	vm13 =	vlt.f32 v27, v25;
	vm0 =	vlt.f32 v23, v29;
	vm1 =	vmand vm1, vm11  }
0x191: {  	vm11 =	vmor vm0, vm1;
	vm0 =	vlt.f32 v26, v24;
	vm1 =	vmand vm12, vm13  }
0x192: {  	v23 =	vsel vm11, v23, v29;
	vm12 =	vmor vm0, vm1  }
0x193: {  	v20 =	vsel vm11, v20, v30;
	v24 =	vsel vm12, v26, v24;
	v25 =	vsel vm12, v27, v25  }
0x194: {  	vm0 =	veq.f32 v24, v23;
	vm1 =	vlt.f32 v25, v20  }
0x195: {  	vm13 =	vlt.f32 v24, v23;
	vm0 =	vmand vm0, vm1  }
0x196: {  	vm13 =	vmor vm13, vm0  }
0x197: {  	v23 =	vsel vm13, v24, v23  }
0x198: {  	[tilespmem:$0x8000] =	vst v23  }
0x199: {  	v20 =	vsel vm13, v25, v20;
	[tilespmem:$0x8010] =	vst v23  }
0x19a: {  	[tilespmem:$0x8020] =	vst v20  }
0x19b: {  	[tilespmem:$0x8030] =	vst v20;
	v24 =	vld [tilespmem:$0x8001]  }
0x19c: {  	v25 =	vld [tilespmem:$0x8021];
	_ =	sdelay $0x1  }
0x19d: {  	v15 =	vsel vm6, v15, v16;
	v9 =	vsel vm8, v9, v18  }
0x19e: {  	v16 =	vsel vm3, v21, v22;
	v3 =	vsel vm10, v3, v15;
	v5 =	vsel vm7, v5, v9  }
0x19f: {  	v4 =	vsel vm5, v4, v33;
	v8 =	vsel vm9, v8, v16;
	v3 =	vsel vm11, v5, v3  }
0x1a0: {  	v4 =	vsel vm12, v4, v8;
	vm0 =	veq.f32 v24, v23;
	vm1 =	vlt.f32 v25, v20  }
0x1a1: {  	v3 =	vsel vm13, v4, v3;
	vm14 =	vlt.f32 v24, v23;
	vm0 =	vmand vm0, vm1  }
0x1a2: {  	v9 =	vsel vm8, v11, v14;
	[tilespmem:$0x8040] =	vst v3;
	vm0 =	vmor vm14, vm0  }
0x1a3: {  	v1 =	vsel vm7, v1, v9;
	v5 =	vsel vm4, v7, v10;
	[tilespmem:$0x8050] =	vst v3;
	v8 =	vsel vm0, v24, v23  }
0x1a4: {  	v7 =	vsel vm3, v19, v13;
	v2 =	vsel vm5, v2, v5;
	v4 =	vsel vm6, v17, v12;
	[tilespmem:$0x8000] =	vst v8  }
0x1a5: {  	v0 =	vsel vm10, v0, v4;
	v4 =	vsel vm9, v6, v7;
	v5 =	vsel vm0, v25, v20;
	[tilespmem:$0x8010] =	vst v8  }
0x1a6: {  	v0 =	vsel vm11, v1, v0;
	v1 =	vsel vm12, v2, v4;
	v2 =	vld [tilespmem:$0x8041];
	[tilespmem:$0x8020] =	vst v5  }
0x1a7: {  	v0 =	vsel vm13, v1, v0;
	[tilespmem:$0x8030] =	vst v5;
	v1 =	vld [tilespmem:$0x8002]  }
0x1a8: {  	[tilespmem:$0x8060] =	vst v0;
	v4 =	vld [tilespmem:$0x8022]  }
0x1a9: {  	[tilespmem:$0x8070] =	vst v0  }
0x1aa: {  	v6 =	vld [tilespmem:$0x8061];
	_ =	sdelay $0x2  }
0x1ab: {  	v2 =	vsel vm0, v2, v3;
	vm1 =	veq.f32 v1, v8;
	vm3 =	vlt.f32 v4, v5  }
0x1ac: {  	[tilespmem:$0x8040] =	vst v2;
	vm4 =	vlt.f32 v1, v8;
	vm1 =	vmand vm1, vm3  }
0x1ad: {  	v0 =	vsel vm0, v6, v0;
	[tilespmem:$0x8050] =	vst v2;
	vm0 =	vmor vm4, vm1  }
0x1ae: {  	[tilespmem:$0x8060] =	vst v0;
	v1 =	vsel vm0, v1, v8  }
0x1af: {  	[tilespmem:$0x8000] =	vst v1  }
0x1b0: {  	v3 =	vsel vm0, v4, v5;
	[tilespmem:$0x8010] =	vst v1  }
0x1b1: {  	v4 =	vld [tilespmem:$0x8042];
	[tilespmem:$0x8020] =	vst v3  }
0x1b2: {  	[tilespmem:$0x8030] =	vst v3;
	v5 =	vld [tilespmem:$0x8004]  }
0x1b3: {  	[tilespmem:$0x8070] =	vst v0;
	v6 =	vld [tilespmem:$0x8024]  }
0x1b4: {  	v7 =	vld [tilespmem:$0x8062];
	_ =	sdelay $0x2  }
0x1b5: {  	v8 =	vsel vm0, v4, v2  }
0x1b6: {  	[tilespmem:$0x8040] =	vst v8;
	vm1 =	veq.f32 v5, v1;
	vm3 =	vlt.f32 v6, v3  }
0x1b7: {  	v0 =	vsel vm0, v7, v0;
	[tilespmem:$0x8050] =	vst v8;
	vm0 =	vlt.f32 v5, v1;
	vm1 =	vmand vm1, vm3  }
0x1b8: {  	[tilespmem:$0x8060] =	vst v0;
	v7 =	vld [tilespmem:$0x8044];
	vm0 =	vmor vm0, vm1  }
0x1b9: {  	[tilespmem:$0x8070] =	vst v0;
	v2 =	vsel vm0, v5, v1  }
0x1ba: {  	v5 =	vld [tilespmem:$0x8064];
	[tilespmem:$0x8000] =	vst v2  }
0x1bb: {  	v4 =	vsel vm0, v6, v3;
	[tilespmem:$0x8010] =	vst v2  }
0x1bc: {  	[tilespmem:$0x8020] =	vst v4  }
0x1bd: {  	[tilespmem:$0x8030] =	vst v4;
	v1 =	vsel vm0, v7, v8  }
0x1be: {  	[tilespmem:$0x8040] =	vst v1  }
0x1bf: {  	v6 =	vld [tilespmem:$0x8008];
	[tilespmem:$0x8050] =	vst v1;
	v0 =	vsel vm0, v5, v0  }
0x1c0: {  	v7 =	vld [tilespmem:$0x8028];
	[tilespmem:$0x8060] =	vst v0  }
0x1c1: {  	v5 =	vld [tilespmem:$0x8048];
	[tilespmem:$0x8070] =	vst v0  }
0x1c2: {  	v3 =	vld [tilespmem:$0x8068];
	_ =	swait.ge [sflag:s1], $0x800  }
0x1c3: {  	[sflag:s1] =	ssyncset.done $0x0  }
0x1c4: {  	[sflag:s1] =	ssyncadd.s32 $0xFFFFF800  }
0x1c5: {  	_ =	swait.ge [sflag:s1], $0x800  }
0x1c6: {  	[sflag:s1] =	ssyncset.done $0x0  }
0x1c7: {  	s20 =	simm.s32 $0x0;
	[sflag:s1] =	ssyncadd.s32 $0xFFFFF800  }
0x1c8: {  	v16 =	vld [tilespmem:s20+$0x6040]  }
0x1c9: {  	v17 =	vld [tilespmem:s20+$0x4040]  }
0x1ca: {  	v8 =	vld [tilespmem:s20+$0x4070]  }
0x1cb: {  	v14 =	vld [tilespmem:s20+$0x6050]  }
0x1cc: {  	v15 =	vld [tilespmem:s20+$0x6070]  }
0x1cd: {  	v13 =	vld [tilespmem:s20+$0x4060]  }
0x1ce: {  	v52 =	vld [tilespmem:s20+$0x4030]  }
0x1cf: {  	v10 =	vld [tilespmem:s20+$0x6010]  }
0x1d0: {  	v9 =	vld [tilespmem:s20+$0x4000]  }
0x1d1: {  	v20 =	vld [tilespmem:s20+$0x4010]  }
0x1d2: {  	v19 =	vld [tilespmem:s20+$0x6060]  }
0x1d3: {  	v18 =	vld [tilespmem:s20+$0x6000]  }
0x1d4: {  	v38 =	vimm.f32 $0.0e+00;
	v39 =	vimm.f32 $0.0e+00;
	v22 =	vld [tilespmem:s20+$0x6020]  }
0x1d5: {  	v11 =	vimm.f32 $0.0e+00;
	v32 =	vimm.f32 $+Inf;
	v26 =	vld [tilespmem:s20+$0x6030];
	v27 =	vmul.f32 $6.999999880e-01, v17  }
0x1d6: {  	v12 =	vimm.f32 $+Inf;
	v23 =	vld [tilespmem:s20+$0x4020];
	v24 =	vmul.f32 $3.000000120e-01, v15;
	v25 =	vmul.f32 $6.999999880e-01, v13  }
0x1d7: {  	v21 =	vld [tilespmem:s20+$0x4050];
	v29 =	vmul.f32 $3.000000120e-01, v10;
	v28 =	vmul.f32 $6.999999880e-01, v8;
	v30 =	vadd.f32 v16, v17  }
0x1d8: {  	v31 =	vmul.f32 $6.999999880e-01, v20;
	v53 =	vadd.f32 v15, v8;
	v54 =	vmul.f32 $6.999999880e-01, v52  }
0x1d9: {  	v55 =	vmul.f32 $3.000000120e-01, v19;
	v56 =	vadd.f32 v19, v13;
	v57 =	vmul.f32 $6.999999880e-01, v9  }
0x1da: {  	v58 =	vadd.f32 v10, v20;
	v59 =	vmul.f32 $3.000000120e-01, v18;
	v60 =	vmul.f32 $3.000000120e-01, v22  }
0x1db: {  	v61 =	vadd.f32 v26, v52;
	v62 =	vmul.f32 $6.999999880e-01, v23;
	v42 =	vadd.f32 v22, v23  }
0x1dc: {  	v44 =	vmul.f32 $3.000000120e-01, v26;
	v34 =	vadd.f32 v14, v21;
	v45 =	vadd.f32 v18, v9  }
0x1dd: {  	v37 =	vmul.f32 $3.000000120e-01, v14;
	v24 =	vadd.f32 v24, v28;
	v43 =	vadd.f32 v59, v57  }
0x1de: {  	v36 =	vadd.f32 v29, v31;
	v29 =	vmul.f32 $3.000000120e-01, v16;
	v25 =	vadd.f32 v55, v25  }
0x1df: {  	v41 =	vmul.f32 $6.999999880e-01, v21;
	v33 =	vadd.f32 v60, v62;
	v35 =	vadd.f32 v44, v54  }
0x1e0: {  	v44 =	vimm.f32 $0.0e+00;
	v28 =	vsub.f32 v53, v24;
	v31 =	vadd.f32 v29, v27  }
0x1e1: {  	v29 =	vsub.f32 v42, v33;
	v63 =	vsub.f32 v45, v43;
	vm3 =	vlt.f32 v36, v12  }
0x1e2: {  	vm0 =	veq.f32 v33, v12;
	v40 =	vsub.f32 v61, v35;
	v27 =	vsub.f32 v56, v25  }
0x1e3: {  	vm4 =	veq.f32 v35, v12;
	vm5 =	veq.f32 v43, v12;
	vm6 =	vlt.f32 v33, v12  }
0x1e4: {  	vm8 =	vlt.f32 v35, v12;
	vm7 =	veq.f32 v36, v12;
	v48 =	vsub.f32 v58, v36  }
0x1e5: {  	vm9 =	vlt.f32 v43, v12;
	v42 =	vimm.f32 $0.0e+00;
	vm1 =	vlt.f32 v29, v12  }
0x1e6: {  	v30 =	vsub.f32 v30, v31;
	vm0 =	vmand vm0, vm1;
	vm1 =	vlt.f32 v40, v12  }
0x1e7: {  	vm13 =	vlt.f32 v48, v12;
	vm1 =	vmand vm4, vm1;
	vm4 =	vmor vm6, vm0  }
0x1e8: {  	vm6 =	vlt.f32 v63, v12;
	vm8 =	vmor vm8, vm1;
	v33 =	vsel vm4, v33, v12  }
0x1e9: {  	v29 =	vsel vm4, v29, v12;
	vm5 =	vmand vm5, vm6;
	v47 =	vsel vm8, v35, v12  }
0x1ea: {  	v46 =	vsel vm8, v40, v12;
	v40 =	vsel vm8, v52, v11;
	vm14 =	vmor vm9, vm5  }
0x1eb: {  	vm5 =	veq.f32 v25, v33;
	vm6 =	vlt.f32 v27, v29;
	v35 =	vimm.f32 $0.0e+00  }
0x1ec: {  	vm0 =	veq.f32 v24, v47;
	vm1 =	vlt.f32 v28, v46;
	vm15 =	vlt.f32 v24, v47  }
0x1ed: {  	v49 =	vsel vm14, v43, v12;
	v45 =	vsel vm14, v63, v12;
	v43 =	vimm.f32 $0.0e+00  }
0x1ee: {  	s31 =	simm.s32 $0x200;
	vm12 =	vmand vm0, vm1;
	vm9 =	veq.f32 v31, v49;
	vm10 =	vlt.f32 v30, v45  }
.LBB2_10:
0x1ef: {  	s20 =	sshra.s32 s31, $0x2;
	p1 =	sne.s32 s31, $0x1E00;
	s31 =	sadd.s32 $0x200, s31;
	vm0 =	vlt.f32 v31, v49;
	vm11 =	vlt.f32 v25, v33;
	vm12 =	vmor vm15, vm12  }
0x1f0: {  	v11 =	vsel vm14, v9, v11;
	v18 =	vsel vm14, v18, v38;
	v26 =	vsel vm8, v26, v42;
	v50 =	vld [tilespmem:s20+$0x6040]  }
0x1f1: {  	vm1 =	vmand vm7, vm13;
	v43 =	vsel vm4, v22, v43;
	v40 =	vsel vm12, v8, v40;
	v38 =	vld [tilespmem:s20+$0x4040]  }
0x1f2: {  	v44 =	vsel vm4, v23, v44;
	v22 =	vadd.f32 v37, v41;
	vm1 =	vmor vm3, vm1;
	v8 =	vld [tilespmem:s20+$0x4070]  }
0x1f3: {  	v47 =	vsel vm12, v24, v47;
	v12 =	vsel vm1, v36, v12;
	v36 =	vsel vm1, v10, v39;
	v37 =	vld [tilespmem:s20+$0x6050]  }
0x1f4: {  	v46 =	vsel vm12, v28, v46;
	v24 =	vsub.f32 v34, v22;
	vm3 =	veq.f32 v22, v12;
	v23 =	vld [tilespmem:s20+$0x6070]  }
0x1f5: {  	v32 =	vsel vm1, v48, v32;
	v34 =	vsel vm1, v20, v35;
	vm1 =	vmand vm9, vm10;
	v28 =	vld [tilespmem:s20+$0x4060]  }
0x1f6: {  	vm0 =	vmor vm0, vm1;
	vm1 =	vlt.f32 v24, v32;
	v51 =	vld [tilespmem:s20+$0x4030]  }
0x1f7: {  	v49 =	vsel vm0, v31, v49;
	vm1 =	vmand vm3, vm1;
	vm3 =	vmand vm5, vm6;
	v10 =	vld [tilespmem:s20+$0x6010]  }
0x1f8: {  	vm4 =	vlt.f32 v22, v12;
	v11 =	vsel vm0, v17, v11;
	v31 =	vmul.f32 $6.999999880e-01, v38;
	v17 =	vmovc v38;
	v9 =	vld [tilespmem:s20+$0x4000]  }
0x1f9: {  	vm1 =	vmor vm4, vm1;
	v38 =	vsel vm0, v16, v18;
	v16 =	vmovc v50;
	v20 =	vld [tilespmem:s20+$0x4010];
	v41 =	vmul.f32 $3.000000120e-01, v23  }
0x1fa: {  	v45 =	vsel vm0, v30, v45;
	v12 =	vsel vm1, v22, v12;
	v32 =	vsel vm1, v24, v32;
	v48 =	vld [tilespmem:s20+$0x6060]  }
0x1fb: {  	v42 =	vsel vm12, v15, v26;
	vm0 =	vmor vm11, vm3;
	v15 =	vmovc v23;
	v30 =	vmul.f32 $6.999999880e-01, v28;
	v18 =	vld [tilespmem:s20+$0x6000]  }
0x1fc: {  	v24 =	vmul.f32 $6.999999880e-01, v8;
	v43 =	vsel vm0, v19, v43;
	v50 =	vmul.f32 $3.000000120e-01, v10;
	v22 =	vld [tilespmem:s20+$0x6020]  }
0x1fd: {  	v35 =	vsel vm1, v21, v34;
	v52 =	vadd.f32 v16, v17;
	v33 =	vsel vm0, v25, v33;
	v26 =	vld [tilespmem:s20+$0x6030]  }
0x1fe: {  	v39 =	vsel vm1, v14, v36;
	v14 =	vmovc v37;
	v34 =	vadd.f32 v15, v8;
	v25 =	vmul.f32 $6.999999880e-01, v20;
	v23 =	vld [tilespmem:s20+$0x4020]  }
0x1ff: {  	v44 =	vsel vm0, v13, v44;
	v13 =	vmovc v28;
	v53 =	vmul.f32 $6.999999880e-01, v51;
	v24 =	vadd.f32 v41, v24;
	v21 =	vld [tilespmem:s20+$0x4050];
	v19 =	vmovc v48  }
0x200: {  	v29 =	vsel vm0, v27, v29;
	v41 =	vmul.f32 $3.000000120e-01, v19;
	v48 =	vadd.f32 v19, v13  }
0x201: {  	v27 =	vmul.f32 $6.999999880e-01, v9;
	v28 =	vsub.f32 v34, v24;
	v54 =	vadd.f32 v10, v20  }
0x202: {  	v34 =	vmul.f32 $3.000000120e-01, v18;
	v55 =	vmul.f32 $3.000000120e-01, v22;
	v56 =	vadd.f32 v26, v51  }
0x203: {  	v59 =	vmul.f32 $3.000000120e-01, v26;
	v57 =	vmul.f32 $6.999999880e-01, v23;
	v58 =	vadd.f32 v22, v23  }
0x204: {  	v37 =	vmul.f32 $3.000000120e-01, v14;
	v60 =	vadd.f32 v34, v27;
	v34 =	vadd.f32 v14, v21  }
0x205: {  	v36 =	vadd.f32 v50, v25;
	v27 =	vmul.f32 $3.000000120e-01, v16;
	v25 =	vadd.f32 v41, v30  }
0x206: {  	v30 =	vadd.f32 v18, v9;
	v50 =	vadd.f32 v55, v57  }
0x207: {  	v53 =	vadd.f32 v59, v53;
	v31 =	vadd.f32 v27, v31;
	v41 =	vmul.f32 $6.999999880e-01, v21  }
0x208: {  	vm3 =	vlt.f32 v36, v12;
	v55 =	vsub.f32 v30, v60;
	v57 =	vsub.f32 v58, v50  }
0x209: {  	v27 =	vsub.f32 v48, v25;
	v56 =	vsub.f32 v56, v53;
	vm0 =	veq.f32 v50, v33  }
0x20a: {  	vm4 =	veq.f32 v53, v47;
	v30 =	vsub.f32 v52, v31;
	vm1 =	vlt.f32 v57, v29  }
0x20b: {  	vm5 =	veq.f32 v60, v49;
	vm0 =	vmand vm0, vm1;
	vm1 =	vlt.f32 v56, v46  }
0x20c: {  	vm8 =	vlt.f32 v53, v47;
	vm6 =	vlt.f32 v50, v33;
	vm1 =	vmand vm4, vm1  }
0x20d: {  	vm7 =	veq.f32 v36, v12;
	vm4 =	vmor vm6, vm0;
	vm8 =	vmor vm8, vm1  }
0x20e: {  	v33 =	vsel vm4, v50, v33;
	v47 =	vsel vm8, v53, v47;
	v46 =	vsel vm8, v56, v46  }
0x20f: {  	v29 =	vsel vm4, v57, v29;
	vm0 =	veq.f32 v24, v47;
	vm1 =	vlt.f32 v28, v46  }
.Ltmp6:
0x210: {  	v48 =	vsub.f32 v54, v36;
	vm6 =	vlt.f32 v55, v45;
	vm12 =	vmand vm0, vm1;
	(pc) =	sbr.rel @p1 .LBB2_10-.Ltmp6, $4  }
0x211: {  	v40 =	vsel vm8, v51, v40;
	vm0 =	vlt.f32 v60, v49;
	vm1 =	vmand vm5, vm6  }
0x212: {  	vm13 =	vlt.f32 v48, v32;
	vm15 =	vlt.f32 v24, v47;
	vm14 =	vmor vm0, vm1  }
0x213: {  	vm5 =	veq.f32 v25, v33;
	v49 =	vsel vm14, v60, v49;
	v45 =	vsel vm14, v55, v45  }
0x214: {  	vm6 =	vlt.f32 v27, v29;
	vm9 =	veq.f32 v31, v49;
	vm10 =	vlt.f32 v30, v45  }
0x215: {  	_ =	swait.ge [sflag:s25], $0x800  }
0x216: {  	[sflag:s25] =	ssyncset.done $0x0  }
0x217: {  	[sflag:s25] =	ssyncadd.s32 $0xFFFFF800  }
0x218: {  	_ =	swait.ge [sflag:s25], $0x800  }
0x219: {  	[sflag:s25] =	ssyncset.done $0x0  }
0x21a: {  	s20 =	simm.s32 $0x0;
	[sflag:s25] =	ssyncadd.s32 $0xFFFFF800  }
0x21b: {  	v50 =	vsel vm14, v9, v11;
	v9 =	vld [tilespmem:s20+$0x6840]  }
0x21c: {  	vm1 =	vlt.f32 v31, v49;
	vm0 =	vlt.f32 v25, v33;
	vm11 =	vmor vm15, vm12;
	v11 =	vld [tilespmem:s20+$0x4840]  }
0x21d: {  	v38 =	vsel vm14, v18, v38;
	v42 =	vsel vm8, v26, v42;
	vm7 =	vmand vm7, vm13;
	v18 =	vld [tilespmem:s20+$0x4870]  }
0x21e: {  	v43 =	vsel vm4, v22, v43;
	vm3 =	vmor vm3, vm7;
	v51 =	vsel vm11, v8, v40;
	v8 =	vld [tilespmem:s20+$0x6850]  }
0x21f: {  	v26 =	vadd.f32 v37, v41;
	v58 =	vsel vm4, v23, v44;
	v36 =	vsel vm3, v36, v12;
	v12 =	vld [tilespmem:s20+$0x6870]  }
0x220: {  	v47 =	vsel vm11, v24, v47;
	vm7 =	vmand vm9, vm10;
	v39 =	vsel vm3, v10, v39;
	v10 =	vld [tilespmem:s20+$0x4860]  }
0x221: {  	v46 =	vsel vm11, v28, v46;
	v24 =	vsub.f32 v34, v26;
	v32 =	vsel vm3, v48, v32;
	v52 =	vld [tilespmem:s20+$0x4830]  }
0x222: {  	vm1 =	vmor vm1, vm7;
	v59 =	vsel vm3, v20, v35;
	vm4 =	veq.f32 v26, v36;
	v23 =	vld [tilespmem:s20+$0x6810]  }
0x223: {  	v49 =	vsel vm1, v31, v49;
	v28 =	vsel vm1, v17, v50;
	vm7 =	vlt.f32 v24, v32;
	v17 =	vld [tilespmem:s20+$0x4800]  }
0x224: {  	vm3 =	vmand vm4, vm7;
	vm4 =	vmand vm5, vm6;
	vm5 =	vlt.f32 v26, v36;
	v22 =	vld [tilespmem:s20+$0x4810]  }
0x225: {  	v16 =	vsel vm1, v16, v38;
	v45 =	vsel vm1, v30, v45;
	vm3 =	vmor vm5, vm3;
	v20 =	vld [tilespmem:s20+$0x6860]  }
0x226: {  	v30 =	vsel vm11, v15, v42;
	vm0 =	vmor vm0, vm4;
	v24 =	vsel vm3, v24, v32;
	v32 =	vld [tilespmem:s20+$0x6800]  }
0x227: {  	v26 =	vsel vm3, v26, v36;
	v31 =	vsel vm0, v19, v43;
	v35 =	vsel vm0, v25, v33;
	v25 =	vld [tilespmem:s20+$0x6820]  }
0x228: {  	v21 =	vsel vm3, v21, v59;
	v15 =	vsel vm3, v14, v39;
	v36 =	vld [tilespmem:s20+$0x6830];
	v14 =	vmul.f32 $6.999999880e-01, v11  }
0x229: {  	v33 =	vsel vm0, v13, v58;
	v13 =	vld [tilespmem:s20+$0x4820];
	v60 =	vmul.f32 $3.000000120e-01, v12;
	v38 =	vmul.f32 $6.999999880e-01, v10  }
0x22a: {  	v48 =	vsel vm0, v27, v29;
	v19 =	vld [tilespmem:s20+$0x4850];
	v27 =	vmul.f32 $3.000000120e-01, v23;
	v29 =	vmul.f32 $6.999999880e-01, v18  }
0x22b: {  	v39 =	vadd.f32 v9, v11;
	v61 =	vmul.f32 $6.999999880e-01, v22;
	v62 =	vadd.f32 v12, v18  }
0x22c: {  	v44 =	vmul.f32 $6.999999880e-01, v52;
	v50 =	vadd.f32 v20, v10;
	v63 =	vmul.f32 $6.999999880e-01, v17  }
0x22d: {  	v53 =	vadd.f32 v23, v22;
	v54 =	vmul.f32 $3.000000120e-01, v25;
	v55 =	vadd.f32 v36, v52  }
0x22e: {  	v56 =	vmul.f32 $6.999999880e-01, v13;
	v57 =	vadd.f32 v25, v13;
	v34 =	vadd.f32 v60, v29  }
0x22f: {  	v41 =	vadd.f32 v8, v19;
	v29 =	vmul.f32 $3.000000120e-01, v20;
	v60 =	vmul.f32 $3.000000120e-01, v32  }
0x230: {  	v58 =	vmul.f32 $3.000000120e-01, v36;
	v42 =	vadd.f32 v27, v61;
	v37 =	vsub.f32 v62, v34  }
0x231: {  	v61 =	vmul.f32 $3.000000120e-01, v9;
	v59 =	vadd.f32 v60, v63;
	v27 =	vadd.f32 v29, v38  }
0x232: {  	v43 =	vmul.f32 $3.000000120e-01, v8;
	v29 =	vadd.f32 v32, v17;
	v62 =	vadd.f32 v54, v56  }
0x233: {  	v63 =	vadd.f32 v58, v44;
	v40 =	vadd.f32 v61, v14;
	v44 =	vmul.f32 $6.999999880e-01, v19  }
0x234: {  	vm3 =	vlt.f32 v42, v26;
	vm7 =	veq.f32 v42, v26;
	v14 =	vsub.f32 v29, v59  }
0x235: {  	v56 =	vsub.f32 v57, v62;
	vm0 =	veq.f32 v62, v35;
	v55 =	vsub.f32 v55, v63  }
0x236: {  	v29 =	vsub.f32 v50, v27;
	vm4 =	veq.f32 v63, v47;
	v39 =	vsub.f32 v39, v40  }
0x237: {  	vm5 =	veq.f32 v59, v49;
	vm6 =	vlt.f32 v62, v35;
	vm1 =	vlt.f32 v56, v48  }
0x238: {  	vm8 =	vlt.f32 v63, v47;
	vm0 =	vmand vm0, vm1;
	vm1 =	vlt.f32 v55, v46  }
0x239: {  	vm1 =	vmand vm4, vm1;
	vm4 =	vmor vm6, vm0;
	vm6 =	vlt.f32 v14, v45  }
0x23a: {  	vm8 =	vmor vm8, vm1;
	v38 =	vsel vm4, v62, v35;
	v35 =	vsel vm4, v56, v48  }
0x23b: {  	v48 =	vsub.f32 v53, v42;
	v47 =	vsel vm8, v63, v47;
	v46 =	vsel vm8, v55, v46  }
0x23c: {  	v50 =	vsel vm8, v52, v51;
	vm0 =	veq.f32 v34, v47;
	vm1 =	vlt.f32 v37, v46  }
0x23d: {  	vm12 =	vmand vm0, vm1;
	vm0 =	vlt.f32 v59, v49;
	vm1 =	vmand vm5, vm6  }
0x23e: {  	vm13 =	vlt.f32 v48, v24;
	vm15 =	vlt.f32 v34, v47;
	vm14 =	vmor vm0, vm1  }
0x23f: {  	vm5 =	veq.f32 v27, v38;
	v49 =	vsel vm14, v59, v49;
	v45 =	vsel vm14, v14, v45  }
0x240: {  	s31 =	simm.s32 $0x200;
	vm6 =	vlt.f32 v29, v35;
	vm9 =	veq.f32 v40, v49;
	vm10 =	vlt.f32 v39, v45  }
.LBB2_12:
0x241: {  	s20 =	sshra.s32 s31, $0x2;
	p1 =	sne.s32 s31, $0x1E00;
	s31 =	sadd.s32 $0x200, s31;
	vm0 =	vlt.f32 v40, v49;
	vm11 =	vlt.f32 v27, v38;
	vm12 =	vmor vm15, vm12  }
0x242: {  	v28 =	vsel vm14, v17, v28;
	v16 =	vsel vm14, v32, v16;
	v30 =	vsel vm8, v36, v30;
	v51 =	vld [tilespmem:s20+$0x6840]  }
0x243: {  	vm1 =	vmand vm7, vm13;
	v31 =	vsel vm4, v25, v31;
	v14 =	vsel vm12, v18, v50;
	v32 =	vld [tilespmem:s20+$0x4840]  }
0x244: {  	v33 =	vsel vm4, v13, v33;
	v13 =	vadd.f32 v43, v44;
	vm1 =	vmor vm3, vm1;
	v18 =	vld [tilespmem:s20+$0x4870]  }
0x245: {  	v47 =	vsel vm12, v34, v47;
	v25 =	vsel vm1, v42, v26;
	v15 =	vsel vm1, v23, v15;
	v43 =	vld [tilespmem:s20+$0x6850]  }
0x246: {  	v46 =	vsel vm12, v37, v46;
	v36 =	vsub.f32 v41, v13;
	vm3 =	veq.f32 v13, v25;
	v34 =	vld [tilespmem:s20+$0x6870]  }
0x247: {  	v24 =	vsel vm1, v48, v24;
	v21 =	vsel vm1, v22, v21;
	vm1 =	vmand vm9, vm10;
	v37 =	vld [tilespmem:s20+$0x4860]  }
0x248: {  	vm0 =	vmor vm0, vm1;
	vm1 =	vlt.f32 v36, v24;
	v50 =	vld [tilespmem:s20+$0x4830]  }
0x249: {  	v49 =	vsel vm0, v40, v49;
	vm1 =	vmand vm3, vm1;
	vm3 =	vmand vm5, vm6;
	v23 =	vld [tilespmem:s20+$0x6810]  }
0x24a: {  	vm4 =	vlt.f32 v13, v25;
	v28 =	vsel vm0, v11, v28;
	v40 =	vmul.f32 $6.999999880e-01, v32;
	v11 =	vmovc v32;
	v17 =	vld [tilespmem:s20+$0x4800]  }
0x24b: {  	v16 =	vsel vm0, v9, v16;
	vm1 =	vmor vm4, vm1;
	v9 =	vmovc v51;
	v22 =	vld [tilespmem:s20+$0x4810];
	v41 =	vmul.f32 $3.000000120e-01, v34  }
0x24c: {  	v45 =	vsel vm0, v39, v45;
	v26 =	vsel vm1, v13, v25;
	v24 =	vsel vm1, v36, v24;
	v42 =	vld [tilespmem:s20+$0x6860]  }
0x24d: {  	v30 =	vsel vm12, v12, v30;
	vm0 =	vmor vm11, vm3;
	v12 =	vmovc v34;
	v39 =	vmul.f32 $6.999999880e-01, v37;
	v32 =	vld [tilespmem:s20+$0x6800]  }
0x24e: {  	v31 =	vsel vm0, v20, v31;
	v34 =	vmul.f32 $6.999999880e-01, v18;
	v44 =	vmul.f32 $3.000000120e-01, v23;
	v25 =	vld [tilespmem:s20+$0x6820]  }
0x24f: {  	v21 =	vsel vm1, v19, v21;
	v38 =	vsel vm0, v27, v38;
	v48 =	vadd.f32 v9, v11;
	v36 =	vld [tilespmem:s20+$0x6830]  }
0x250: {  	v15 =	vsel vm1, v8, v15;
	v8 =	vmovc v43;
	v51 =	vadd.f32 v12, v18;
	v27 =	vmul.f32 $6.999999880e-01, v22;
	v13 =	vld [tilespmem:s20+$0x4820]  }
0x251: {  	v33 =	vsel vm0, v10, v33;
	v10 =	vmovc v37;
	v52 =	vmul.f32 $6.999999880e-01, v50;
	v34 =	vadd.f32 v41, v34;
	v19 =	vld [tilespmem:s20+$0x4850];
	v20 =	vmovc v42  }
0x252: {  	v35 =	vsel vm0, v29, v35;
	v53 =	vmul.f32 $3.000000120e-01, v20;
	v54 =	vadd.f32 v20, v10  }
0x253: {  	v29 =	vmul.f32 $6.999999880e-01, v17;
	v37 =	vsub.f32 v51, v34;
	v55 =	vadd.f32 v23, v22  }
0x254: {  	v41 =	vmul.f32 $3.000000120e-01, v32;
	v51 =	vmul.f32 $3.000000120e-01, v25;
	v56 =	vadd.f32 v36, v50  }
0x255: {  	v59 =	vmul.f32 $3.000000120e-01, v36;
	v57 =	vmul.f32 $6.999999880e-01, v13;
	v58 =	vadd.f32 v25, v13  }
0x256: {  	v43 =	vmul.f32 $3.000000120e-01, v8;
	v60 =	vadd.f32 v41, v29;
	v41 =	vadd.f32 v8, v19  }
0x257: {  	v42 =	vadd.f32 v44, v27;
	v29 =	vmul.f32 $3.000000120e-01, v9;
	v27 =	vadd.f32 v53, v39  }
0x258: {  	v39 =	vadd.f32 v32, v17;
	v51 =	vadd.f32 v51, v57  }
0x259: {  	v52 =	vadd.f32 v59, v52;
	v40 =	vadd.f32 v29, v40;
	v44 =	vmul.f32 $6.999999880e-01, v19  }
0x25a: {  	vm3 =	vlt.f32 v42, v26;
	v53 =	vsub.f32 v39, v60;
	v57 =	vsub.f32 v58, v51  }
0x25b: {  	v29 =	vsub.f32 v54, v27;
	v56 =	vsub.f32 v56, v52;
	vm0 =	veq.f32 v51, v38  }
0x25c: {  	vm4 =	veq.f32 v52, v47;
	v39 =	vsub.f32 v48, v40;
	vm1 =	vlt.f32 v57, v35  }
0x25d: {  	vm5 =	veq.f32 v60, v49;
	vm0 =	vmand vm0, vm1;
	vm1 =	vlt.f32 v56, v46  }
0x25e: {  	vm8 =	vlt.f32 v52, v47;
	vm6 =	vlt.f32 v51, v38;
	vm1 =	vmand vm4, vm1  }
0x25f: {  	vm7 =	veq.f32 v42, v26;
	vm4 =	vmor vm6, vm0;
	vm8 =	vmor vm8, vm1  }
0x260: {  	v38 =	vsel vm4, v51, v38;
	v47 =	vsel vm8, v52, v47;
	v46 =	vsel vm8, v56, v46  }
0x261: {  	v35 =	vsel vm4, v57, v35;
	vm0 =	veq.f32 v34, v47;
	vm1 =	vlt.f32 v37, v46  }
.Ltmp7:
0x262: {  	v48 =	vsub.f32 v55, v42;
	vm6 =	vlt.f32 v53, v45;
	vm12 =	vmand vm0, vm1;
	(pc) =	sbr.rel @p1 .LBB2_12-.Ltmp7, $4  }
0x263: {  	v50 =	vsel vm8, v50, v14;
	vm0 =	vlt.f32 v60, v49;
	vm1 =	vmand vm5, vm6  }
0x264: {  	vm13 =	vlt.f32 v48, v24;
	vm15 =	vlt.f32 v34, v47;
	vm14 =	vmor vm0, vm1  }
0x265: {  	vm5 =	veq.f32 v27, v38;
	v49 =	vsel vm14, v60, v49;
	v45 =	vsel vm14, v53, v45  }
0x266: {  	vm6 =	vlt.f32 v29, v35;
	vm9 =	veq.f32 v40, v49;
	vm10 =	vlt.f32 v39, v45  }
0x267: {  	_ =	swait.ge [sflag:s29], $0x800  }
0x268: {  	[sflag:s29] =	ssyncset.done $0x0  }
0x269: {  	[sflag:s29] =	ssyncadd.s32 $0xFFFFF800  }
0x26a: {  	_ =	swait.ge [sflag:s29], $0x800  }
0x26b: {  	[sflag:s29] =	ssyncset.done $0x0  }
0x26c: {  	vm1 =	vlt.f32 v40, v49;
	s20 =	simm.s32 $0x0;
	[sflag:s29] =	ssyncadd.s32 $0xFFFFF800  }
0x26d: {  	vm0 =	vlt.f32 v27, v38;
	vm11 =	vmor vm15, vm12;
	v28 =	vsel vm14, v17, v28;
	v14 =	vld [tilespmem:s20+$0x7040]  }
0x26e: {  	v32 =	vsel vm14, v32, v16;
	v30 =	vsel vm8, v36, v30;
	vm7 =	vmand vm7, vm13;
	v17 =	vld [tilespmem:s20+$0x5040]  }
0x26f: {  	v31 =	vsel vm4, v25, v31;
	v25 =	vadd.f32 v43, v44;
	v33 =	vsel vm4, v13, v33;
	v16 =	vld [tilespmem:s20+$0x5070]  }
0x270: {  	vm3 =	vmor vm3, vm7;
	v50 =	vsel vm11, v18, v50;
	v47 =	vsel vm11, v34, v47;
	v13 =	vld [tilespmem:s20+$0x7050]  }
0x271: {  	vm7 =	vmand vm9, vm10;
	v46 =	vsel vm11, v37, v46;
	v12 =	vsel vm11, v12, v30;
	v18 =	vld [tilespmem:s20+$0x7070]  }
0x272: {  	v57 =	vsel vm3, v42, v26;
	v58 =	vsel vm3, v23, v15;
	v59 =	vsub.f32 v41, v25;
	v15 =	vld [tilespmem:s20+$0x5060]  }
0x273: {  	v60 =	vsel vm3, v48, v24;
	vm1 =	vmor vm1, vm7;
	v22 =	vsel vm3, v22, v21;
	v51 =	vld [tilespmem:s20+$0x5030]  }
0x274: {  	vm4 =	veq.f32 v25, v57;
	v26 =	vsel vm1, v11, v28;
	vm7 =	vlt.f32 v59, v60;
	v24 =	vld [tilespmem:s20+$0x7010]  }
0x275: {  	vm3 =	vmand vm4, vm7;
	vm4 =	vmand vm5, vm6;
	vm5 =	vlt.f32 v25, v57;
	v11 =	vld [tilespmem:s20+$0x5000]  }
0x276: {  	v49 =	vsel vm1, v40, v49;
	v28 =	vsel vm1, v9, v32;
	vm3 =	vmor vm5, vm3;
	v23 =	vld [tilespmem:s20+$0x5010]  }
0x277: {  	v45 =	vsel vm1, v39, v45;
	vm0 =	vmor vm0, vm4;
	v21 =	vld [tilespmem:s20+$0x7060];
	v9 =	vsel vm3, v25, v57  }
0x278: {  	v32 =	vld [tilespmem:s20+$0x7020];
	v25 =	vsel vm3, v59, v60;
	v30 =	vsel vm0, v20, v31;
	v19 =	vsel vm3, v19, v22  }
0x279: {  	v36 =	vld [tilespmem:s20+$0x7030];
	v38 =	vsel vm0, v27, v38;
	v20 =	vsel vm3, v8, v58;
	v8 =	vmul.f32 $6.999999880e-01, v17  }
0x27a: {  	v33 =	vsel vm0, v10, v33;
	v10 =	vld [tilespmem:s20+$0x5020];
	v27 =	vmul.f32 $3.000000120e-01, v18;
	v39 =	vmul.f32 $6.999999880e-01, v15  }
0x27b: {  	v35 =	vsel vm0, v29, v35;
	v22 =	vld [tilespmem:s20+$0x5050];
	v29 =	vmul.f32 $3.000000120e-01, v24;
	v61 =	vmul.f32 $6.999999880e-01, v16  }
0x27c: {  	v31 =	vld [tilespmem:s20+$0x7000];
	v48 =	vadd.f32 v14, v17;
	v40 =	vmul.f32 $6.999999880e-01, v23;
	v62 =	vadd.f32 v18, v16  }
0x27d: {  	v63 =	vmul.f32 $6.999999880e-01, v51;
	v52 =	vadd.f32 v21, v15;
	v60 =	vmul.f32 $6.999999880e-01, v11  }
0x27e: {  	v53 =	vadd.f32 v24, v23;
	v54 =	vmul.f32 $3.000000120e-01, v32;
	v55 =	vadd.f32 v36, v51  }
0x27f: {  	v58 =	vmul.f32 $3.000000120e-01, v36;
	v56 =	vmul.f32 $6.999999880e-01, v10;
	v57 =	vadd.f32 v32, v10  }
0x280: {  	v41 =	vadd.f32 v13, v22;
	v34 =	vadd.f32 v27, v61;
	v27 =	vmul.f32 $3.000000120e-01, v21  }
0x281: {  	v61 =	vmul.f32 $3.000000120e-01, v31;
	v42 =	vadd.f32 v29, v40;
	v63 =	vadd.f32 v58, v63  }
0x282: {  	v29 =	vmul.f32 $3.000000120e-01, v14;
	v54 =	vadd.f32 v54, v56;
	v37 =	vsub.f32 v62, v34  }
0x283: {  	v43 =	vmul.f32 $3.000000120e-01, v13;
	v59 =	vadd.f32 v61, v60;
	v27 =	vadd.f32 v27, v39  }
0x284: {  	v44 =	vmul.f32 $6.999999880e-01, v22;
	v62 =	vadd.f32 v31, v11;
	v40 =	vadd.f32 v29, v8  }
0x285: {  	vm3 =	vlt.f32 v42, v9;
	v55 =	vsub.f32 v55, v63;
	vm4 =	veq.f32 v63, v47  }
0x286: {  	vm8 =	vlt.f32 v63, v47;
	vm7 =	veq.f32 v42, v9;
	v57 =	vsub.f32 v57, v54  }
0x287: {  	vm0 =	veq.f32 v54, v38;
	vm6 =	vlt.f32 v54, v38;
	v8 =	vsub.f32 v62, v59  }
0x288: {  	v39 =	vsub.f32 v48, v40;
	v48 =	vsub.f32 v53, v42;
	vm1 =	vlt.f32 v57, v35  }
0x289: {  	v29 =	vsub.f32 v52, v27;
	vm0 =	vmand vm0, vm1;
	vm1 =	vlt.f32 v55, v46  }
0x28a: {  	vm5 =	veq.f32 v59, v49;
	vm13 =	vlt.f32 v48, v25;
	vm1 =	vmand vm4, vm1  }
0x28b: {  	vm4 =	vmor vm6, vm0;
	vm6 =	vlt.f32 v8, v45;
	vm8 =	vmor vm8, vm1  }
0x28c: {  	v38 =	vsel vm4, v54, v38;
	v47 =	vsel vm8, v63, v47;
	v46 =	vsel vm8, v55, v46  }
0x28d: {  	v35 =	vsel vm4, v57, v35;
	vm0 =	veq.f32 v34, v47;
	vm1 =	vlt.f32 v37, v46  }
0x28e: {  	vm12 =	vmand vm0, vm1;
	vm0 =	vlt.f32 v59, v49;
	vm1 =	vmand vm5, vm6  }
0x28f: {  	v50 =	vsel vm8, v51, v50;
	vm15 =	vlt.f32 v34, v47;
	vm14 =	vmor vm0, vm1  }
0x290: {  	vm5 =	veq.f32 v27, v38;
	v49 =	vsel vm14, v59, v49;
	v45 =	vsel vm14, v8, v45  }
0x291: {  	s31 =	simm.s32 $0x200;
	vm6 =	vlt.f32 v29, v35;
	vm9 =	veq.f32 v40, v49;
	vm10 =	vlt.f32 v39, v45  }
.LBB2_14:
0x292: {  	s20 =	sshra.s32 s31, $0x2;
	p1 =	sne.s32 s31, $0x1E00;
	s31 =	sadd.s32 $0x200, s31;
	vm0 =	vlt.f32 v40, v49;
	vm11 =	vlt.f32 v27, v38;
	vm12 =	vmor vm15, vm12  }
0x293: {  	v26 =	vsel vm14, v11, v26;
	v28 =	vsel vm14, v31, v28;
	v12 =	vsel vm8, v36, v12;
	v51 =	vld [tilespmem:s20+$0x7040]  }
0x294: {  	vm1 =	vmand vm7, vm13;
	v30 =	vsel vm4, v32, v30;
	v8 =	vsel vm12, v16, v50;
	v31 =	vld [tilespmem:s20+$0x5040]  }
0x295: {  	v33 =	vsel vm4, v10, v33;
	v10 =	vadd.f32 v43, v44;
	vm1 =	vmor vm3, vm1;
	v16 =	vld [tilespmem:s20+$0x5070]  }
0x296: {  	v47 =	vsel vm12, v34, v47;
	v9 =	vsel vm1, v42, v9;
	v20 =	vsel vm1, v24, v20;
	v43 =	vld [tilespmem:s20+$0x7050]  }
0x297: {  	v46 =	vsel vm12, v37, v46;
	v34 =	vsub.f32 v41, v10;
	vm3 =	veq.f32 v10, v9;
	v32 =	vld [tilespmem:s20+$0x7070]  }
0x298: {  	v25 =	vsel vm1, v48, v25;
	v19 =	vsel vm1, v23, v19;
	vm1 =	vmand vm9, vm10;
	v37 =	vld [tilespmem:s20+$0x5060]  }
0x299: {  	vm0 =	vmor vm0, vm1;
	vm1 =	vlt.f32 v34, v25;
	v50 =	vld [tilespmem:s20+$0x5030]  }
0x29a: {  	v49 =	vsel vm0, v40, v49;
	vm1 =	vmand vm3, vm1;
	vm3 =	vmand vm5, vm6;
	v24 =	vld [tilespmem:s20+$0x7010]  }
0x29b: {  	vm4 =	vlt.f32 v10, v9;
	v26 =	vsel vm0, v17, v26;
	v40 =	vmul.f32 $6.999999880e-01, v31;
	v17 =	vmovc v31;
	v11 =	vld [tilespmem:s20+$0x5000]  }
0x29c: {  	v28 =	vsel vm0, v14, v28;
	vm1 =	vmor vm4, vm1;
	v14 =	vmovc v51;
	v23 =	vld [tilespmem:s20+$0x5010];
	v41 =	vmul.f32 $3.000000120e-01, v32  }
0x29d: {  	v45 =	vsel vm0, v39, v45;
	v9 =	vsel vm1, v10, v9;
	v25 =	vsel vm1, v34, v25;
	v42 =	vld [tilespmem:s20+$0x7060]  }
0x29e: {  	v12 =	vsel vm12, v18, v12;
	vm0 =	vmor vm11, vm3;
	v18 =	vmovc v32;
	v39 =	vmul.f32 $6.999999880e-01, v37;
	v31 =	vld [tilespmem:s20+$0x7000]  }
0x29f: {  	v30 =	vsel vm0, v21, v30;
	v34 =	vmul.f32 $6.999999880e-01, v16;
	v44 =	vmul.f32 $3.000000120e-01, v24;
	v32 =	vld [tilespmem:s20+$0x7020]  }
0x2a0: {  	v19 =	vsel vm1, v22, v19;
	v38 =	vsel vm0, v27, v38;
	v48 =	vadd.f32 v14, v17;
	v36 =	vld [tilespmem:s20+$0x7030]  }
0x2a1: {  	v20 =	vsel vm1, v13, v20;
	v13 =	vmovc v43;
	v51 =	vadd.f32 v18, v16;
	v27 =	vmul.f32 $6.999999880e-01, v23;
	v10 =	vld [tilespmem:s20+$0x5020]  }
0x2a2: {  	v33 =	vsel vm0, v15, v33;
	v15 =	vmovc v37;
	v52 =	vmul.f32 $6.999999880e-01, v50;
	v34 =	vadd.f32 v41, v34;
	v22 =	vld [tilespmem:s20+$0x5050];
	v21 =	vmovc v42  }
0x2a3: {  	v35 =	vsel vm0, v29, v35;
	v53 =	vmul.f32 $3.000000120e-01, v21;
	v54 =	vadd.f32 v21, v15  }
0x2a4: {  	v29 =	vmul.f32 $6.999999880e-01, v11;
	v37 =	vsub.f32 v51, v34;
	v55 =	vadd.f32 v24, v23  }
0x2a5: {  	v41 =	vmul.f32 $3.000000120e-01, v31;
	v51 =	vmul.f32 $3.000000120e-01, v32;
	v56 =	vadd.f32 v36, v50  }
0x2a6: {  	v59 =	vmul.f32 $3.000000120e-01, v36;
	v57 =	vmul.f32 $6.999999880e-01, v10;
	v58 =	vadd.f32 v32, v10  }
0x2a7: {  	v43 =	vmul.f32 $3.000000120e-01, v13;
	v60 =	vadd.f32 v41, v29;
	v41 =	vadd.f32 v13, v22  }
0x2a8: {  	v42 =	vadd.f32 v44, v27;
	v29 =	vmul.f32 $3.000000120e-01, v14;
	v27 =	vadd.f32 v53, v39  }
0x2a9: {  	v39 =	vadd.f32 v31, v11;
	v51 =	vadd.f32 v51, v57  }
0x2aa: {  	v52 =	vadd.f32 v59, v52;
	v40 =	vadd.f32 v29, v40;
	v44 =	vmul.f32 $6.999999880e-01, v22  }
0x2ab: {  	vm3 =	vlt.f32 v42, v9;
	v53 =	vsub.f32 v39, v60;
	v57 =	vsub.f32 v58, v51  }
0x2ac: {  	v29 =	vsub.f32 v54, v27;
	v56 =	vsub.f32 v56, v52;
	vm0 =	veq.f32 v51, v38  }
0x2ad: {  	vm4 =	veq.f32 v52, v47;
	v39 =	vsub.f32 v48, v40;
	vm1 =	vlt.f32 v57, v35  }
0x2ae: {  	vm5 =	veq.f32 v60, v49;
	vm0 =	vmand vm0, vm1;
	vm1 =	vlt.f32 v56, v46  }
0x2af: {  	vm8 =	vlt.f32 v52, v47;
	vm6 =	vlt.f32 v51, v38;
	vm1 =	vmand vm4, vm1  }
0x2b0: {  	vm7 =	veq.f32 v42, v9;
	vm4 =	vmor vm6, vm0;
	vm8 =	vmor vm8, vm1  }
0x2b1: {  	v38 =	vsel vm4, v51, v38;
	v47 =	vsel vm8, v52, v47;
	v46 =	vsel vm8, v56, v46  }
0x2b2: {  	v35 =	vsel vm4, v57, v35;
	vm0 =	veq.f32 v34, v47;
	vm1 =	vlt.f32 v37, v46  }
.Ltmp8:
0x2b3: {  	v48 =	vsub.f32 v55, v42;
	vm6 =	vlt.f32 v53, v45;
	vm12 =	vmand vm0, vm1;
	(pc) =	sbr.rel @p1 .LBB2_14-.Ltmp8, $4  }
0x2b4: {  	v50 =	vsel vm8, v50, v8;
	vm0 =	vlt.f32 v60, v49;
	vm1 =	vmand vm5, vm6  }
0x2b5: {  	vm13 =	vlt.f32 v48, v25;
	vm15 =	vlt.f32 v34, v47;
	vm14 =	vmor vm0, vm1  }
0x2b6: {  	vm5 =	veq.f32 v27, v38;
	v49 =	vsel vm14, v60, v49;
	v45 =	vsel vm14, v53, v45  }
0x2b7: {  	vm6 =	vlt.f32 v29, v35;
	vm9 =	veq.f32 v40, v49;
	vm10 =	vlt.f32 v39, v45  }
0x2b8: {  	_ =	swait.ge [sflag:s0], $0x800  }
0x2b9: {  	[sflag:s0] =	ssyncset.done $0x0  }
0x2ba: {  	[sflag:s0] =	ssyncadd.s32 $0xFFFFF800  }
0x2bb: {  	_ =	swait.ge [sflag:s0], $0x800  }
0x2bc: {  	[sflag:s0] =	ssyncset.done $0x0  }
0x2bd: {  	vm1 =	vlt.f32 v40, v49;
	s20 =	simm.s32 $0x0;
	[sflag:s0] =	ssyncadd.s32 $0xFFFFF800  }
0x2be: {  	vm0 =	vlt.f32 v27, v38;
	vm11 =	vmor vm15, vm12;
	v26 =	vsel vm14, v11, v26;
	v8 =	vld [tilespmem:s20+$0x7840]  }
0x2bf: {  	v28 =	vsel vm14, v31, v28;
	v36 =	vsel vm8, v36, v12;
	vm7 =	vmand vm7, vm13;
	v11 =	vld [tilespmem:s20+$0x5840]  }
0x2c0: {  	v30 =	vsel vm4, v32, v30;
	v31 =	vadd.f32 v43, v44;
	vm3 =	vmor vm3, vm7;
	v12 =	vld [tilespmem:s20+$0x5870]  }
0x2c1: {  	v54 =	vsel vm4, v10, v33;
	v50 =	vsel vm11, v16, v50;
	v55 =	vsel vm3, v42, v9;
	v9 =	vld [tilespmem:s20+$0x7850]  }
0x2c2: {  	v47 =	vsel vm11, v34, v47;
	vm7 =	vmand vm9, vm10;
	v18 =	vsel vm11, v18, v36;
	v10 =	vld [tilespmem:s20+$0x7870]  }
0x2c3: {  	v56 =	vsel vm3, v24, v20;
	v57 =	vsub.f32 v41, v31;
	v25 =	vsel vm3, v48, v25;
	v16 =	vld [tilespmem:s20+$0x5860]  }
0x2c4: {  	v41 =	vsel vm11, v37, v46;
	vm1 =	vmor vm1, vm7;
	v58 =	vsel vm3, v23, v19;
	v51 =	vld [tilespmem:s20+$0x5830]  }
0x2c5: {  	vm4 =	veq.f32 v31, v55;
	v49 =	vsel vm1, v40, v49;
	vm7 =	vlt.f32 v57, v25;
	v19 =	vld [tilespmem:s20+$0x7810]  }
0x2c6: {  	vm3 =	vmand vm4, vm7;
	vm4 =	vmand vm5, vm6;
	vm5 =	vlt.f32 v31, v55;
	v23 =	vld [tilespmem:s20+$0x5800]  }
0x2c7: {  	v24 =	vsel vm1, v17, v26;
	v20 =	vsel vm1, v14, v28;
	vm3 =	vmor vm5, vm3;
	v17 =	vld [tilespmem:s20+$0x5810]  }
0x2c8: {  	v45 =	vsel vm1, v39, v45;
	vm0 =	vmor vm0, vm4;
	v14 =	vld [tilespmem:s20+$0x7860];
	v31 =	vsel vm3, v31, v55  }
0x2c9: {  	v28 =	vsel vm3, v57, v25;
	v21 =	vsel vm0, v21, v30;
	v36 =	vsel vm0, v27, v38;
	v27 =	vld [tilespmem:s20+$0x7820]  }
0x2ca: {  	v26 =	vsel vm3, v22, v58;
	v30 =	vsel vm0, v15, v54;
	v15 =	vld [tilespmem:s20+$0x7830];
	v33 =	vmul.f32 $6.999999880e-01, v11  }
0x2cb: {  	v48 =	vsel vm0, v29, v35;
	v29 =	vld [tilespmem:s20+$0x5820];
	v59 =	vmul.f32 $3.000000120e-01, v10;
	v37 =	vmul.f32 $6.999999880e-01, v16  }
0x2cc: {  	v22 =	vsel vm3, v13, v56;
	v13 =	vld [tilespmem:s20+$0x5850];
	v38 =	vmul.f32 $3.000000120e-01, v19;
	v60 =	vmul.f32 $6.999999880e-01, v12  }
0x2cd: {  	v39 =	vadd.f32 v8, v11;
	v42 =	vmul.f32 $6.999999880e-01, v17;
	v61 =	vadd.f32 v10, v12  }
0x2ce: {  	v25 =	vld [tilespmem:s20+$0x7800];
	v44 =	vmul.f32 $6.999999880e-01, v51;
	v62 =	vmul.f32 $3.000000120e-01, v14;
	v46 =	vadd.f32 v14, v16  }
0x2cf: {  	v63 =	vmul.f32 $6.999999880e-01, v23;
	v52 =	vadd.f32 v19, v17;
	v43 =	vmul.f32 $3.000000120e-01, v9  }
0x2d0: {  	v53 =	vmul.f32 $3.000000120e-01, v27;
	v54 =	vadd.f32 v15, v51;
	v56 =	vadd.f32 v27, v29  }
0x2d1: {  	v55 =	vmul.f32 $6.999999880e-01, v29;
	v40 =	vadd.f32 v9, v13;
	v34 =	vadd.f32 v59, v60  }
0x2d2: {  	v57 =	vmul.f32 $3.000000120e-01, v15;
	v42 =	vadd.f32 v38, v42;
	v32 =	vadd.f32 v62, v37  }
0x2d3: {  	v60 =	vmul.f32 $3.000000120e-01, v25;
	v59 =	vadd.f32 v25, v23;
	v53 =	vadd.f32 v53, v55  }
0x2d4: {  	v62 =	vadd.f32 v57, v44;
	v44 =	vmul.f32 $6.999999880e-01, v13;
	v35 =	vsub.f32 v61, v34  }
0x2d5: {  	v58 =	vadd.f32 v60, v63;
	v61 =	vmul.f32 $3.000000120e-01, v8;
	vm5 =	vlt.f32 v42, v31  }
0x2d6: {  	vm8 =	veq.f32 v42, v31;
	v56 =	vsub.f32 v56, v53;
	vm0 =	veq.f32 v53, v36  }
0x2d7: {  	v54 =	vsub.f32 v54, v62;
	vm3 =	veq.f32 v62, v47;
	vm4 =	vlt.f32 v53, v36  }
0x2d8: {  	vm7 =	vlt.f32 v62, v47;
	v37 =	vadd.f32 v61, v33;
	vm1 =	vlt.f32 v56, v48  }
0x2d9: {  	v63 =	vsub.f32 v59, v58;
	vm0 =	vmand vm0, vm1;
	vm1 =	vlt.f32 v54, v41  }
0x2da: {  	v33 =	vsub.f32 v46, v32;
	vm6 =	veq.f32 v58, v49;
	vm1 =	vmand vm3, vm1  }
0x2db: {  	v38 =	vsub.f32 v39, v37;
	vm3 =	vmor vm4, vm0;
	vm4 =	vmor vm7, vm1  }
0x2dc: {  	v39 =	vsel vm3, v53, v36;
	v36 =	vsel vm3, v56, v48;
	vm7 =	vlt.f32 v63, v45  }
0x2dd: {  	v48 =	vsub.f32 v52, v42;
	v47 =	vsel vm4, v62, v47;
	v46 =	vsel vm4, v54, v41  }
0x2de: {  	v41 =	vsel vm4, v51, v50;
	vm0 =	veq.f32 v34, v47;
	vm1 =	vlt.f32 v35, v46  }
0x2df: {  	vm11 =	vmand vm0, vm1;
	vm0 =	vlt.f32 v58, v49;
	vm1 =	vmand vm6, vm7  }
0x2e0: {  	vm9 =	vlt.f32 v33, v36;
	vm15 =	vlt.f32 v34, v47;
	vm6 =	vmor vm0, vm1  }
0x2e1: {  	vm7 =	veq.f32 v32, v39;
	v49 =	vsel vm6, v58, v49;
	v45 =	vsel vm6, v63, v45  }
0x2e2: {  	s31 =	simm.s32 $0x200;
	vm0 =	vlt.f32 v48, v28;
	vm12 =	veq.f32 v37, v49;
	vm13 =	vlt.f32 v38, v45  }
.LBB2_16:
0x2e3: {  	s20 =	sshra.s32 s31, $0x2;
	p1 =	sne.s32 s31, $0x1E00;
	s31 =	sadd.s32 $0x200, s31;
	vm14 =	vlt.f32 v37, v49;
	vm10 =	vlt.f32 v32, v39;
	vm11 =	vmor vm15, vm11  }
0x2e4: {  	v24 =	vsel vm6, v23, v24;
	v20 =	vsel vm6, v25, v20;
	v15 =	vsel vm4, v15, v18;
	v50 =	vld [tilespmem:s20+$0x7840]  }
0x2e5: {  	vm0 =	vmand vm8, vm0;
	v21 =	vsel vm3, v27, v21;
	v41 =	vsel vm11, v12, v41;
	v18 =	vld [tilespmem:s20+$0x5840]  }
0x2e6: {  	v30 =	vsel vm3, v29, v30;
	v25 =	vadd.f32 v43, v44;
	vm0 =	vmor vm5, vm0;
	v12 =	vld [tilespmem:s20+$0x5870]  }
0x2e7: {  	v47 =	vsel vm11, v34, v47;
	v27 =	vsel vm0, v42, v31;
	v22 =	vsel vm0, v19, v22;
	v43 =	vld [tilespmem:s20+$0x7850]  }
0x2e8: {  	v46 =	vsel vm11, v35, v46;
	v34 =	vsub.f32 v40, v25;
	vm1 =	veq.f32 v25, v27;
	v29 =	vld [tilespmem:s20+$0x7870]  }
0x2e9: {  	v28 =	vsel vm0, v48, v28;
	v26 =	vsel vm0, v17, v26;
	vm0 =	vmand vm12, vm13;
	v35 =	vld [tilespmem:s20+$0x5860]  }
0x2ea: {  	vm0 =	vmor vm14, vm0;
	vm3 =	vlt.f32 v34, v28;
	v51 =	vld [tilespmem:s20+$0x5830]  }
0x2eb: {  	v49 =	vsel vm0, v37, v49;
	vm1 =	vmand vm1, vm3;
	vm3 =	vmand vm7, vm9;
	v19 =	vld [tilespmem:s20+$0x7810]  }
0x2ec: {  	vm4 =	vlt.f32 v25, v27;
	v24 =	vsel vm0, v11, v24;
	v37 =	vmul.f32 $6.999999880e-01, v18;
	v11 =	vmovc v18;
	v23 =	vld [tilespmem:s20+$0x5800]  }
0x2ed: {  	v20 =	vsel vm0, v8, v20;
	vm1 =	vmor vm4, vm1;
	v8 =	vmovc v50;
	v17 =	vld [tilespmem:s20+$0x5810];
	v40 =	vmul.f32 $3.000000120e-01, v29  }
0x2ee: {  	v45 =	vsel vm0, v38, v45;
	v31 =	vsel vm1, v25, v27;
	v28 =	vsel vm1, v34, v28;
	v42 =	vld [tilespmem:s20+$0x7860]  }
0x2ef: {  	vm0 =	vmor vm10, vm3;
	v18 =	vsel vm11, v10, v15;
	v10 =	vmovc v29;
	v38 =	vmul.f32 $6.999999880e-01, v35;
	v25 =	vld [tilespmem:s20+$0x7800]  }
0x2f0: {  	v21 =	vsel vm0, v14, v21;
	v34 =	vmul.f32 $6.999999880e-01, v12;
	v44 =	vmul.f32 $3.000000120e-01, v19;
	v27 =	vld [tilespmem:s20+$0x7820]  }
0x2f1: {  	v26 =	vsel vm1, v13, v26;
	v39 =	vsel vm0, v32, v39;
	v48 =	vadd.f32 v8, v11;
	v15 =	vld [tilespmem:s20+$0x7830]  }
0x2f2: {  	v22 =	vsel vm1, v9, v22;
	v9 =	vmovc v43;
	v50 =	vadd.f32 v10, v12;
	v32 =	vmul.f32 $6.999999880e-01, v17;
	v29 =	vld [tilespmem:s20+$0x5820]  }
0x2f3: {  	v30 =	vsel vm0, v16, v30;
	v16 =	vmovc v35;
	v52 =	vmul.f32 $6.999999880e-01, v51;
	v34 =	vadd.f32 v40, v34;
	v13 =	vld [tilespmem:s20+$0x5850];
	v14 =	vmovc v42  }
0x2f4: {  	v36 =	vsel vm0, v33, v36;
	v53 =	vmul.f32 $3.000000120e-01, v14;
	v54 =	vadd.f32 v14, v16  }
0x2f5: {  	v33 =	vmul.f32 $6.999999880e-01, v23;
	v35 =	vsub.f32 v50, v34;
	v55 =	vadd.f32 v19, v17  }
0x2f6: {  	v40 =	vmul.f32 $3.000000120e-01, v25;
	v50 =	vmul.f32 $3.000000120e-01, v27;
	v56 =	vadd.f32 v15, v51  }
0x2f7: {  	v59 =	vmul.f32 $3.000000120e-01, v15;
	v57 =	vmul.f32 $6.999999880e-01, v29;
	v58 =	vadd.f32 v27, v29  }
0x2f8: {  	v43 =	vmul.f32 $3.000000120e-01, v9;
	v60 =	vadd.f32 v40, v33;
	v40 =	vadd.f32 v9, v13  }
0x2f9: {  	v42 =	vadd.f32 v44, v32;
	v33 =	vmul.f32 $3.000000120e-01, v8;
	v32 =	vadd.f32 v53, v38  }
0x2fa: {  	v38 =	vadd.f32 v25, v23;
	v50 =	vadd.f32 v50, v57  }
0x2fb: {  	v52 =	vadd.f32 v59, v52;
	v37 =	vadd.f32 v33, v37;
	v44 =	vmul.f32 $6.999999880e-01, v13  }
0x2fc: {  	vm5 =	vlt.f32 v42, v31;
	v53 =	vsub.f32 v38, v60;
	v57 =	vsub.f32 v58, v50  }
0x2fd: {  	v33 =	vsub.f32 v54, v32;
	v56 =	vsub.f32 v56, v52;
	vm0 =	veq.f32 v50, v39  }
0x2fe: {  	vm3 =	veq.f32 v52, v47;
	v38 =	vsub.f32 v48, v37;
	vm1 =	vlt.f32 v57, v36  }
0x2ff: {  	vm6 =	veq.f32 v60, v49;
	vm0 =	vmand vm0, vm1;
	vm1 =	vlt.f32 v56, v46  }
0x300: {  	vm7 =	vlt.f32 v52, v47;
	vm4 =	vlt.f32 v50, v39;
	vm1 =	vmand vm3, vm1  }
0x301: {  	vm8 =	veq.f32 v42, v31;
	vm3 =	vmor vm4, vm0;
	vm4 =	vmor vm7, vm1  }
0x302: {  	v39 =	vsel vm3, v50, v39;
	v47 =	vsel vm4, v52, v47;
	v46 =	vsel vm4, v56, v46  }
0x303: {  	v36 =	vsel vm3, v57, v36;
	vm0 =	veq.f32 v34, v47;
	vm1 =	vlt.f32 v35, v46  }
.Ltmp9:
0x304: {  	v48 =	vsub.f32 v55, v42;
	vm7 =	vlt.f32 v53, v45;
	vm11 =	vmand vm0, vm1;
	(pc) =	sbr.rel @p1 .LBB2_16-.Ltmp9, $4  }
0x305: {  	v41 =	vsel vm4, v51, v41;
	vm0 =	vlt.f32 v60, v49;
	vm1 =	vmand vm6, vm7  }
0x306: {  	vm15 =	vlt.f32 v34, v47;
	vm6 =	vmor vm0, vm1;
	vm0 =	vlt.f32 v48, v28  }
0x307: {  	vm7 =	veq.f32 v32, v39;
	v49 =	vsel vm6, v60, v49;
	v45 =	vsel vm6, v53, v45  }
0x308: {  	vm9 =	vlt.f32 v33, v36;
	vm12 =	veq.f32 v37, v49;
	vm13 =	vlt.f32 v38, v45  }
0x309: {  	vm0 =	vmand vm8, vm0;
	v43 =	vadd.f32 v43, v44  }
0x30a: {  	vm1 =	vlt.f32 v37, v49;
	vm14 =	vlt.f32 v32, v39;
	vm10 =	vmand vm12, vm13  }
0x30b: {  	vm9 =	vmand vm7, vm9;
	vm8 =	vmor vm5, vm0;
	vm5 =	vmor vm15, vm11  }
0x30c: {  	vm10 =	vmor vm1, vm10;
	vm9 =	vmor vm14, vm9;
	v40 =	vsub.f32 v40, v43  }
0x30d: {  	v31 =	vsel vm8, v42, v31;
	v34 =	vsel vm5, v34, v47;
	v28 =	vsel vm8, v48, v28  }
0x30e: {  	v35 =	vsel vm5, v35, v46;
	vm0 =	veq.f32 v43, v31;
	vm12 =	vlt.f32 v40, v28  }
0x30f: {  	v62 =	vsel vm10, v37, v49;
	vm1 =	vlt.f32 v43, v31;
	vm0 =	vmand vm0, vm12  }
0x310: {  	v38 =	vsel vm10, v38, v45;
	v63 =	vsel vm9, v32, v39;
	vm7 =	vmor vm1, vm0  }
0x311: {  	v33 =	vsel vm9, v33, v36;
	v31 =	vsel vm7, v43, v31;
	v28 =	vsel vm7, v40, v28  }
0x312: {  	vm12 =	veq.f32 v34, v63;
	vm1 =	veq.f32 v31, v62;
	vm13 =	vlt.f32 v28, v38  }
0x313: {  	vm0 =	vlt.f32 v31, v62;
	vm1 =	vmand vm1, vm13;
	vm13 =	vlt.f32 v35, v33  }
0x314: {  	vm11 =	vmor vm0, vm1;
	vm0 =	vlt.f32 v34, v63;
	vm1 =	vmand vm12, vm13  }
0x315: {  	v31 =	vsel vm11, v31, v62;
	vm12 =	vmor vm0, vm1  }
0x316: {  	v28 =	vsel vm11, v28, v38;
	v32 =	vsel vm12, v34, v63;
	v33 =	vsel vm12, v35, v33  }
0x317: {  	vm0 =	veq.f32 v32, v31;
	vm1 =	vlt.f32 v33, v28  }
0x318: {  	vm13 =	vlt.f32 v32, v31;
	vm0 =	vmand vm0, vm1  }
0x319: {  	vm13 =	vmor vm13, vm0  }
0x31a: {  	v31 =	vsel vm13, v32, v31  }
0x31b: {  	[tilespmem:$0x8000] =	vst v31  }
0x31c: {  	v28 =	vsel vm13, v33, v28;
	[tilespmem:$0x8010] =	vst v31  }
0x31d: {  	[tilespmem:$0x8020] =	vst v28  }
0x31e: {  	[tilespmem:$0x8030] =	vst v28;
	v37 =	vld [tilespmem:$0x8001]  }
0x31f: {  	v38 =	vld [tilespmem:$0x8021];
	_ =	sdelay $0x1  }
0x320: {  	v23 =	vsel vm6, v23, v24;
	v17 =	vsel vm8, v17, v26  }
0x321: {  	v39 =	vsel vm3, v29, v30;
	v11 =	vsel vm10, v11, v23;
	v13 =	vsel vm7, v13, v17  }
0x322: {  	v12 =	vsel vm5, v12, v41;
	v16 =	vsel vm9, v16, v39;
	v11 =	vsel vm11, v13, v11  }
0x323: {  	v12 =	vsel vm12, v12, v16;
	vm0 =	veq.f32 v37, v31;
	vm1 =	vlt.f32 v38, v28  }
0x324: {  	v11 =	vsel vm13, v12, v11;
	vm0 =	vmand vm0, vm1;
	vm1 =	vlt.f32 v37, v31  }
0x325: {  	v41 =	vsel vm4, v15, v18;
	[tilespmem:$0x8040] =	vst v11;
	vm0 =	vmor vm1, vm0  }
0x326: {  	v42 =	vsel vm3, v27, v21;
	v44 =	vsel vm8, v19, v22;
	[tilespmem:$0x8050] =	vst v11;
	v43 =	vsel vm0, v37, v31  }
0x327: {  	v10 =	vsel vm5, v10, v41;
	v45 =	vsel vm9, v14, v42;
	v40 =	vsel vm6, v25, v20;
	[tilespmem:$0x8000] =	vst v43  }
0x328: {  	v9 =	vsel vm7, v9, v44;
	v8 =	vsel vm10, v8, v40;
	v46 =	vsel vm0, v38, v28;
	[tilespmem:$0x8010] =	vst v43  }
0x329: {  	v8 =	vsel vm11, v9, v8;
	v47 =	vsel vm12, v10, v45;
	v48 =	vld [tilespmem:$0x8041];
	[tilespmem:$0x8020] =	vst v46  }
0x32a: {  	v8 =	vsel vm13, v47, v8;
	[tilespmem:$0x8030] =	vst v46;
	v49 =	vld [tilespmem:$0x8002]  }
0x32b: {  	[tilespmem:$0x8060] =	vst v8;
	v50 =	vld [tilespmem:$0x8022]  }
0x32c: {  	[tilespmem:$0x8070] =	vst v8  }
0x32d: {  	v51 =	vld [tilespmem:$0x8061];
	_ =	sdelay $0x2  }
0x32e: {  	v10 =	vsel vm0, v48, v11;
	vm1 =	veq.f32 v49, v43;
	vm3 =	vlt.f32 v50, v46  }
0x32f: {  	[tilespmem:$0x8040] =	vst v10;
	vm14 =	vlt.f32 v49, v43;
	vm1 =	vmand vm1, vm3  }
0x330: {  	v8 =	vsel vm0, v51, v8;
	[tilespmem:$0x8050] =	vst v10;
	vm0 =	vmor vm14, vm1  }
0x331: {  	[tilespmem:$0x8060] =	vst v8;
	v9 =	vsel vm0, v49, v43  }
0x332: {  	[tilespmem:$0x8000] =	vst v9  }
0x333: {  	v52 =	vsel vm0, v50, v46;
	[tilespmem:$0x8010] =	vst v9  }
0x334: {  	v53 =	vld [tilespmem:$0x8042];
	[tilespmem:$0x8020] =	vst v52  }
0x335: {  	[tilespmem:$0x8030] =	vst v52;
	v54 =	vld [tilespmem:$0x8004]  }
0x336: {  	[tilespmem:$0x8070] =	vst v8;
	v55 =	vld [tilespmem:$0x8024]  }
0x337: {  	v56 =	vld [tilespmem:$0x8062];
	_ =	sdelay $0x2  }
0x338: {  	v10 =	vsel vm0, v53, v10  }
0x339: {  	[tilespmem:$0x8040] =	vst v10;
	vm1 =	veq.f32 v54, v9;
	vm3 =	vlt.f32 v55, v52  }
0x33a: {  	v8 =	vsel vm0, v56, v8;
	[tilespmem:$0x8050] =	vst v10;
	vm0 =	vlt.f32 v54, v9;
	vm1 =	vmand vm1, vm3  }
0x33b: {  	[tilespmem:$0x8060] =	vst v8;
	vm0 =	vmor vm0, vm1  }
0x33c: {  	[tilespmem:$0x8070] =	vst v8;
	v57 =	vld [tilespmem:$0x8044];
	v9 =	vsel vm0, v54, v9  }
0x33d: {  	[tilespmem:$0x8000] =	vst v9  }
0x33e: {  	v58 =	vld [tilespmem:$0x8064];
	v11 =	vsel vm0, v55, v52;
	[tilespmem:$0x8010] =	vst v9  }
0x33f: {  	[tilespmem:$0x8020] =	vst v11  }
0x340: {  	[tilespmem:$0x8030] =	vst v11;
	v59 =	vld [tilespmem:$0x8008]  }
0x341: {  	v10 =	vsel vm0, v57, v10;
	v60 =	vld [tilespmem:$0x8028]  }
0x342: {  	[tilespmem:$0x8040] =	vst v10  }
0x343: {  	v8 =	vsel vm0, v58, v8;
	[tilespmem:$0x8050] =	vst v10  }
0x344: {  	vm3 =	vlt.f32 v7, v4;
	vm1 =	veq.f32 v6, v2;
	[tilespmem:$0x8060] =	vst v8;
	v61 =	vld [tilespmem:$0x8048]  }
0x345: {  	vm0 =	vlt.f32 v6, v2;
	vm1 =	vmand vm1, vm3;
	[tilespmem:$0x8070] =	vst v8  }
0x346: {  	vm0 =	vmor vm0, vm1;
	v62 =	vld [tilespmem:$0x8068];
	vm3 =	veq.f32 v59, v9;
	vm15 =	vlt.f32 v60, v11  }
0x347: {  	v1 =	vsel vm0, v5, v1;
	vm1 =	vmand vm3, vm15;
	vm3 =	vlt.f32 v59, v9  }
0x348: {  	v0 =	vsel vm0, v3, v0;
	vm1 =	vmor vm3, vm1;
	vm3 =	vmmov $0x1  }
0x349: {  	vm0 =	vcmask $0x310;
	v1 =	vnsel vm3, $0x0, v1;
	v63 =	vsel vm1, v61, v10  }
0x34a: {  	v1 =	vsel vm0, v1, v63;
	vm0 =	vcmask $0x710  }
0x34b: {  	v2 =	vsel vm1, v62, v8;
	v0 =	vsel vm0, v1, v0  }
0x34c: {  	v0 =	vsel vm2, v0, v2  }
0x34d: {  	[tilespmem:$0x8080] =	vst v0  }
0x34e: {  	[spmem:s19] =	stream.linear.scatter [tilespmem:s26], [sflag:$0x5], $0x10, $0x38;
	[tilespmem:$0x8290] =	vst v63  }
.Ltmp10:
0x34f: {  	_ =	swait.ge [sflag:s28], $0x10;
	(pc) =	sbr.rel @p0 .LBB2_19-.Ltmp10, $3  }
0x350: {  	[sflag:s28] =	ssyncset.done $0x0  }
0x351: {  	[sflag:s28] =	ssyncadd.s32 $0xFFFFFFF0  }
0x352: {  	[bflag:$0x0] =	sbarrier.arrive $0xFFFF;
	_ =	sdelay $0x1  }
0x353: {  	s20 =	rddreg [dreg:$0x4];
	s31 =	simm.s32 $0x8100  }
0x354: {  	[tilespmem:s31], [sflag:$0x5] =	stream.linear.gather [spmem:s20], $0x100, $0x38;
	[tilespmem:$0x8290] =	vst v63  }
0x355: {  	_ =	swait.ge [sflag:s28], $0x100  }
0x356: {  	[sflag:s28] =	ssyncset.done $0x0  }
0x357: {  	[sflag:s28] =	ssyncadd.s32 $0xFFFFFF00  }
0x358: {  	v0 =	vld [tilespmem:$0x8100];
	_ =	sdelay $0x1  }
0x359: {  	v1 =	vld [tilespmem:$0x8110];
	_ =	sdelay $0x1  }
0x35a: {  	v3 =	vld [tilespmem:$0x8120]  }
0x35b: {  	[tilespmem:$0x8200] =	vst v0  }
0x35c: {  	v5 =	vld [tilespmem:$0x8130];
	[tilespmem:$0x8210] =	vst v0  }
0x35d: {  	v2 =	vld [tilespmem:$0x8202];
	[tilespmem:$0x8200] =	vst v1  }
0x35e: {  	v7 =	vld [tilespmem:$0x8140];
	[tilespmem:$0x8210] =	vst v1  }
0x35f: {  	v4 =	vld [tilespmem:$0x820E];
	[tilespmem:$0x8200] =	vst v3  }
0x360: {  	v9 =	vld [tilespmem:$0x8150];
	[tilespmem:$0x8210] =	vst v3  }
0x361: {  	v3 =	vld [tilespmem:$0x820C]  }
0x362: {  	v6 =	vld [tilespmem:$0x820E];
	[tilespmem:$0x8200] =	vst v5  }
0x363: {  	v11 =	vld [tilespmem:$0x8160];
	[tilespmem:$0x8210] =	vst v5  }
0x364: {  	v5 =	vld [tilespmem:$0x820A]  }
0x365: {  	v8 =	vld [tilespmem:$0x820C];
	[tilespmem:$0x8200] =	vst v7  }
0x366: {  	v13 =	vld [tilespmem:$0x8170];
	[tilespmem:$0x8210] =	vst v7  }
0x367: {  	v7 =	vld [tilespmem:$0x8208]  }
0x368: {  	v10 =	vld [tilespmem:$0x820A];
	[tilespmem:$0x8200] =	vst v9  }
0x369: {  	v15 =	vld [tilespmem:$0x8180];
	[tilespmem:$0x8210] =	vst v9  }
0x36a: {  	v9 =	vld [tilespmem:$0x8206]  }
0x36b: {  	v12 =	vld [tilespmem:$0x8208];
	[tilespmem:$0x8200] =	vst v11  }
0x36c: {  	v17 =	vld [tilespmem:$0x8190];
	[tilespmem:$0x8210] =	vst v11  }
0x36d: {  	v11 =	vld [tilespmem:$0x8204]  }
0x36e: {  	v14 =	vld [tilespmem:$0x8206];
	[tilespmem:$0x8200] =	vst v13  }
0x36f: {  	v19 =	vld [tilespmem:$0x81A0];
	[tilespmem:$0x8210] =	vst v13  }
0x370: {  	v13 =	vld [tilespmem:$0x8202]  }
0x371: {  	v16 =	vld [tilespmem:$0x8204];
	[tilespmem:$0x8200] =	vst v15  }
0x372: {  	v21 =	vld [tilespmem:$0x81B0];
	[tilespmem:$0x8210] =	vst v15  }
0x373: {  	v18 =	vld [tilespmem:$0x8202];
	[tilespmem:$0x8200] =	vst v17  }
0x374: {  	[tilespmem:$0x8210] =	vst v17  }
0x375: {  	v20 =	vld [tilespmem:$0x820E];
	[tilespmem:$0x8200] =	vst v19  }
0x376: {  	v23 =	vld [tilespmem:$0x81C0];
	[tilespmem:$0x8210] =	vst v19  }
0x377: {  	v19 =	vld [tilespmem:$0x820C]  }
0x378: {  	v22 =	vld [tilespmem:$0x820E];
	[tilespmem:$0x8200] =	vst v21  }
0x379: {  	v25 =	vld [tilespmem:$0x81D0];
	[tilespmem:$0x8210] =	vst v21  }
0x37a: {  	v21 =	vld [tilespmem:$0x820A]  }
0x37b: {  	v24 =	vld [tilespmem:$0x820C];
	[tilespmem:$0x8200] =	vst v23  }
0x37c: {  	v27 =	vld [tilespmem:$0x81E0];
	[tilespmem:$0x8210] =	vst v23  }
0x37d: {  	v23 =	vld [tilespmem:$0x8208]  }
0x37e: {  	v26 =	vld [tilespmem:$0x820A];
	[tilespmem:$0x8200] =	vst v25  }
0x37f: {  	vm0 =	vmmov $0x3;
	v29 =	vld [tilespmem:$0x81F0];
	[tilespmem:$0x8210] =	vst v25  }
0x380: {  	vm1 =	vmmov $0xf;
	v0 =	vsel vm0, v0, v4;
	v25 =	vld [tilespmem:$0x8206]  }
0x381: {  	vm3 =	vmmov $0x3f;
	v1 =	vsel vm0, v2, v1;
	v0 =	vsel vm1, v0, v3;
	v28 =	vld [tilespmem:$0x8208];
	[tilespmem:$0x8200] =	vst v27  }
0x382: {  	vm4 =	vmmov $0xff;
	v1 =	vsel vm1, v1, v6;
	v0 =	vsel vm3, v0, v5;
	[tilespmem:$0x8210] =	vst v27  }
0x383: {  	vm5 =	vmmov $0x3ff;
	v1 =	vsel vm3, v1, v8;
	v0 =	vsel vm4, v0, v7;
	v55 =	vld [tilespmem:$0x8204]  }
0x384: {  	v1 =	vsel vm4, v1, v10;
	v0 =	vsel vm5, v0, v9;
	v56 =	vld [tilespmem:$0x8206];
	[tilespmem:$0x8200] =	vst v29  }
0x385: {  	v59 =	vsel vm0, v18, v17;
	v57 =	vsel vm0, v15, v20;
	[tilespmem:$0x8210] =	vst v29;
	vm0 =	vmmov $0xfff  }
0x386: {  	v1 =	vsel vm5, v1, v12;
	v4 =	vsel vm1, v57, v19;
	v58 =	vld [tilespmem:$0x8202];
	v0 =	vsel vm0, v0, v11  }
0x387: {  	v6 =	vsel vm1, v59, v22;
	v60 =	vld [tilespmem:$0x8204];
	vm1 =	vmmov $0x3fff;
	v4 =	vsel vm3, v4, v21  }
0x388: {  	v1 =	vsel vm0, v1, v14;
	v6 =	vsel vm3, v6, v24;
	v4 =	vsel vm4, v4, v23  }
0x389: {  	v0 =	vsel vm1, v0, v13;
	v6 =	vsel vm4, v6, v26;
	v4 =	vsel vm5, v4, v25  }
0x38a: {  	v62 =	vsel vm1, v1, v16;
	[tilespmem:$0x8100] =	vst v0;
	v61 =	vsel vm5, v6, v28;
	v2 =	vsel vm0, v4, v55  }
0x38b: {  	[tilespmem:$0x8120] =	vst v62;
	v63 =	vsel vm0, v61, v56;
	v2 =	vsel vm1, v2, v58  }
0x38c: {  	v1 =	vsel vm1, v63, v60;
	[tilespmem:$0x8110] =	vst v2  }
0x38d: {  	s20 =	rddreg [dreg:$0x6];
	[tilespmem:$0x8130] =	vst v1  }
0x38e: {  	[hbm4b:s20+s2] =	stream.linear.scatter [tilespmem:s31], [sflag:$0x5], $0x20, $0x38;
	[tilespmem:$0x8290] =	vst v63  }
0x38f: {  	_ =	swait.ge [sflag:s28], $0x20  }
0x390: {  	s31 =	simm.s32 $0x8120;
	[sflag:s28] =	ssyncset.done $0x0  }
.Ltmp11:
0x391: {  	s20 =	rddreg [dreg:$0x7];
	[sflag:s28] =	ssyncadd.s32 $0xFFFFFFE0;
	(pc) =	sbr.rel .LBB2_19-.Ltmp11, $4  }
0x392: {  	[hbm4b:s20+s2] =	stream.linear.scatter [tilespmem:s31], [sflag:$0x5], $0x20, $0x38;
	[tilespmem:$0x8290] =	vst v63  }
0x393: {  	_ =	swait.ge [sflag:s28], $0x20  }
0x394: {  	[sflag:s28] =	ssyncset.done $0x0  }
0x395: {  	[sflag:s28] =	ssyncadd.s32 $0xFFFFFFE0  }
.LBB2_20:
0x396: {  	_ =	sfence.sel $0x180000  }
0x397: {  	[bflag:$0x0] =	sbarrier.arrive $0xFFFF  }
0x398: {  	_ =	strace $0x90000047  }
0x399: {  	[bflag:$0x2] =	sbarrier.arrive $0xFFFF  }
0x39a: {  	s0 =	rddreg [dreg:$0x5]  }
0x39b: {  	s0 =	sadd.s32 @!p0 $0x100000, s0  }
0x39c: {  	[sflag:s0] =	ssyncadd.tile.s32 @!p0 $0x1;
	_ =	shalt  }
.Lfunc_end2:
_tile_overlayer_lowered:
.L_overlay_start_2:
0x39d: {  	(tag) =	ssettag $0x2  }
0x39e: {  	s0 =	rddreg [dreg:$0x0];
	s2 =	stileid.u32  }
0x39f: {  	s1 =	rddreg [dreg:$0x1];
	p0 =	sne.s32 s2, $0x0  }
0x3a0: {  	s3 =	rddreg [dreg:$0x2];
	[bflag:$0x3] =	sbarrier.arrive $0xFFFF;
	s2 =	simm.s32 @!p0 $0x1C05  }
0x3a1: {  	[timem:s3], [sflag:s2] =	dma.local @!p0 [hbm:s0], s1  }
0x3a2: {  	s0 =	simm.s32 @!p0 $0x5  }
0x3a3: {  	_ =	swait.ge @!p0 [sflag:s0], s1  }
0x3a4: {  	s1 =	ssub.s32 @!p0 $0x0, s1;
	[sflag:s0] =	ssyncset.done @!p0 $0x0  }
0x3a5: {  	[sflag:s0] =	ssyncadd.s32 @!p0 s1  }
0x3a6: {  	[bflag:$0x3] =	sbarrier.arrive $0xFFFF  }
0x3a7: {  	_ =	shalt  }

</sc_bundles>
